<compile_context>
chip_gen: v7x
topology: tpu7x:2x2x1
jax: 0.10.2.dev20260603
libtpu: 0.0.44.dev20260713+nightly
codegen_flags: <defaults>
</compile_context>

<pallas_src>
import functools

import jax
import jax.numpy as jnp
from jax import lax
from jax.experimental import pallas as pl
from jax.experimental.pallas import tpu as pltpu
from jax.experimental.pallas import tpu_sc as plsc

_N = 10000
_E = 320000
_D = 128
_NPAD = 10240
_C = 80
_NCHUNK = _E // _C
_NC = 2
_NS = 16
_NW = _NC * _NS
_ROWS_PER_TILE = _NPAD // _NS
_LANES = 16
_NBUF = 2


def _sc_edge_body(x_hbm, src_hbm, dst_hbm, e_hbm, out_hbm,
                  src_v, dst_v, e_v, xs_v, agg_sh,
                  sem_i, sem_g, sem_e, sem_s):
    c = lax.axis_index("c")
    s = lax.axis_index("s")
    wid = c * _NS + s

    zero16 = jnp.zeros((_LANES,), jnp.float32)

    def _zero_row(i, carry):
        for j in range(_D // _LANES):
            xs_v[0, i, pl.ds(j * _LANES, _LANES)] = zero16
        return carry

    lax.fori_loop(0, _C, _zero_row, 0)
    row0 = s * _ROWS_PER_TILE
    for k in range(_ROWS_PER_TILE // _C):
        pltpu.sync_copy(xs_v.at[0], agg_sh.at[pl.ds(row0 + k * _C, _C)])
    _zrem = _ROWS_PER_TILE - (_ROWS_PER_TILE // _C) * _C
    if _zrem:
        pltpu.sync_copy(
            xs_v.at[0, pl.ds(0, _zrem)],
            agg_sh.at[pl.ds(row0 + (_ROWS_PER_TILE // _C) * _C, _zrem)])
    plsc.subcore_barrier()

    nfull = _NCHUNK // _NW
    rem = _NCHUNK - nfull * _NW
    nk = nfull + jnp.where(wid < rem, 1, 0)

    def issue_idx(k, j):
        base = pl.multiple_of((wid + k * _NW) * _C, _C)
        pltpu.async_copy(src_hbm.at[pl.ds(base, _C)], src_v.at[j],
                         sem_i.at[j])
        pltpu.async_copy(dst_hbm.at[pl.ds(base, _C)], dst_v.at[j],
                         sem_i.at[j])

    def wait_idx(j):
        pltpu.make_async_copy(src_hbm.at[pl.ds(0, _C)], src_v.at[j],
                              sem_i.at[j]).wait()
        pltpu.make_async_copy(dst_hbm.at[pl.ds(0, _C)], dst_v.at[j],
                              sem_i.at[j]).wait()

    def issue_gather_e(k, b, j):
        base = pl.multiple_of((wid + k * _NW) * _C, _C)
        pltpu.async_copy(x_hbm.at[src_v.at[j]], xs_v.at[b], sem_g.at[b])
        pltpu.async_copy(e_hbm.at[pl.ds(base, _C)], e_v.at[b], sem_e.at[b])

    def wait_gather_e(b, j):
        pltpu.make_async_copy(x_hbm.at[src_v.at[j]], xs_v.at[b],
                              sem_g.at[b]).wait()
        pltpu.make_async_copy(e_hbm.at[pl.ds(0, _C)], e_v.at[b],
                              sem_e.at[b]).wait()

    def issue_scatter(b, j):
        pltpu.async_copy(xs_v.at[b], agg_sh.at[dst_v.at[j]], sem_s.at[b],
                         add=True)

    def wait_scatter(b, j):
        pltpu.make_async_copy(xs_v.at[b], agg_sh.at[dst_v.at[j]],
                              sem_s.at[b]).wait()

    issue_idx(0, 0)
    wait_idx(0)
    issue_gather_e(0, 0, 0)

    def chunk_body(k, carry):
        b = lax.rem(k, _NBUF)
        nb = lax.rem(k + 1, _NBUF)

        @pl.when(k + 1 < nk)
        def _():
            @pl.when(k >= 1)
            def _():
                wait_scatter(nb, nb)

            issue_idx(k + 1, nb)
            wait_idx(nb)
            issue_gather_e(k + 1, nb, nb)

        wait_gather_e(b, b)

        @plsc.parallel_loop(0, _C, unroll=2)
        def _(i):
            for jp in range(_D // (2 * _LANES)):
                ea, eb = plsc.unpack(
                    plsc.bitcast(e_v[b, i, pl.ds(jp * _LANES, _LANES)],
                                 jnp.bfloat16),
                    format=plsc.PackFormat.INTERLEAVED)
                sa = pl.ds((2 * jp) * _LANES, _LANES)
                sb = pl.ds((2 * jp + 1) * _LANES, _LANES)
                xs_v[b, i, sa] = jnp.maximum(xs_v[b, i, sa] + ea, 0.0)
                xs_v[b, i, sb] = jnp.maximum(xs_v[b, i, sb] + eb, 0.0)
        issue_scatter(b, b)
        return carry

    lax.fori_loop(0, nk, chunk_body, 0)
    wait_scatter(lax.rem(nk - 1, _NBUF), lax.rem(nk - 1, _NBUF))

    @pl.when(nk >= 2)
    def _():
        wait_scatter(lax.rem(nk, _NBUF), lax.rem(nk, _NBUF))

    plsc.subcore_barrier()
    pltpu.sync_copy(agg_sh.at[pl.ds(row0, _ROWS_PER_TILE)],
                    out_hbm.at[c, pl.ds(row0, _ROWS_PER_TILE)])


@functools.cache
def _build_sc_edge_layer():
    return pl.kernel(
        _sc_edge_body,
        out_type=jax.ShapeDtypeStruct((_NC, _NPAD, _D), jnp.float32),
        mesh=plsc.VectorSubcoreMesh(core_axis_name="c",
                                    subcore_axis_name="s",
                                    num_cores=_NC, num_subcores=_NS),
        compiler_params=pltpu.CompilerParams(needs_layout_passes=False),
        scratch_types=[
            pltpu.VMEM((_NBUF, _C), jnp.int32),
            pltpu.VMEM((_NBUF, _C), jnp.int32),
            pltpu.VMEM((_NBUF, _C, _D // 2), jnp.int32),
            pltpu.VMEM((_NBUF, _C, _D), jnp.float32),
            pltpu.VMEM_SHARED((_NPAD, _D), jnp.float32),
            pltpu.SemaphoreType.DMA((_NBUF,)),
            pltpu.SemaphoreType.DMA((_NBUF,)),
            pltpu.SemaphoreType.DMA((_NBUF,)),
            pltpu.SemaphoreType.DMA((_NBUF,)),
        ],
    )


def _sc_edge_layer(x, src, dst, e):
    return _build_sc_edge_layer()(x, src, dst, e)


def _mlp_body(emb_ref, w1_ref, b1_ref, w2_ref, b2_ref, o_ref):
    h = jnp.maximum(
        jnp.dot(emb_ref[...], w1_ref[...],
                preferred_element_type=jnp.float32) + b1_ref[...], 0.0)
    o_ref[...] = jnp.dot(h, w2_ref[...],
                         preferred_element_type=jnp.float32) + b2_ref[...]


def _decoder_mlp(emb, W1, b1, W2, b2):
    blk = 2560
    grid = W2.shape[1] // blk
    return pl.pallas_call(
        _mlp_body,
        grid=(grid,),
        in_specs=[
            pl.BlockSpec((emb.shape[0], emb.shape[1]), lambda j: (0, 0)),
            pl.BlockSpec((W1.shape[0], W1.shape[1]), lambda j: (0, 0)),
            pl.BlockSpec((1, b1.shape[0]), lambda j: (0, 0)),
            pl.BlockSpec((W2.shape[0], blk), lambda j: (0, j)),
            pl.BlockSpec((1, blk), lambda j: (0, j)),
        ],
        out_specs=pl.BlockSpec((emb.shape[0], blk), lambda j: (0, j)),
        out_shape=jax.ShapeDtypeStruct((emb.shape[0], W2.shape[1]),
                                       jnp.float32),
    )(emb, W1, b1.reshape(1, -1), W2, b2.reshape(1, -1))


def _pack_pair(lo, hi):
    lo16 = jax.lax.bitcast_convert_type(lo.astype(jnp.bfloat16),
                                        jnp.uint16).astype(jnp.uint32)
    hi16 = jax.lax.bitcast_convert_type(hi.astype(jnp.bfloat16),
                                        jnp.uint16).astype(jnp.uint32)
    return jax.lax.bitcast_convert_type(lo16 | (hi16 << 16), jnp.int32)


def _split_groups(w, b):
    dk = w.shape[0]
    wlo = w.reshape(dk, 4, 2, _LANES)[:, :, 0, :].reshape(dk, _D // 2)
    whi = w.reshape(dk, 4, 2, _LANES)[:, :, 1, :].reshape(dk, _D // 2)
    blo = b.reshape(4, 2, _LANES)[:, 0, :].reshape(1, _D // 2)
    bhi = b.reshape(4, 2, _LANES)[:, 1, :].reshape(1, _D // 2)
    return wlo, blo, whi, bhi


def _edge_body(ea_ref, wlo_ref, blo_ref, whi_ref, bhi_ref, e_ref):
    a = ea_ref[...]
    lo = jnp.dot(a, wlo_ref[...], preferred_element_type=jnp.float32) \
        + blo_ref[...]
    hi = jnp.dot(a, whi_ref[...], preferred_element_type=jnp.float32) \
        + bhi_ref[...]
    e_ref[...] = _pack_pair(lo, hi)


def _edge_embed(edge_attr, We, be):
    eblk = 10000
    grid = _E // eblk
    de = edge_attr.shape[1]
    wspec = pl.BlockSpec((de, _D // 2), lambda j: (0, 0))
    bspec = pl.BlockSpec((1, _D // 2), lambda j: (0, 0))
    return pl.pallas_call(
        _edge_body,
        grid=(grid,),
        in_specs=[pl.BlockSpec((eblk, de), lambda j: (j, 0)),
                  wspec, bspec, wspec, bspec],
        out_specs=pl.BlockSpec((eblk, _D // 2), lambda j: (j, 0)),
        out_shape=jax.ShapeDtypeStruct((_E, _D // 2), jnp.int32),
    )(edge_attr, *_split_groups(We, be))


def _update_body(x_ref, a_ref, wg_ref, bg_ref, o_ref):
    t = x_ref[...] + a_ref[0] + a_ref[1]
    o_ref[...] = jnp.maximum(
        jnp.dot(t, wg_ref[...], preferred_element_type=jnp.float32)
        + bg_ref[...], 0.0)


def _node_update(x, aggp, Wg, bg):
    return pl.pallas_call(
        _update_body,
        grid=(1,),
        in_specs=[
            pl.BlockSpec((_N, _D), lambda i: (0, 0)),
            pl.BlockSpec((_NC, _N, _D), lambda i: (0, 0, 0)),
            pl.BlockSpec((_D, _D), lambda i: (0, 0)),
            pl.BlockSpec((1, _D), lambda i: (0, 0)),
        ],
        out_specs=pl.BlockSpec((_N, _D), lambda i: (0, 0)),
        out_shape=jax.ShapeDtypeStruct((_N, _D), jnp.float32),
    )(x, aggp, Wg, bg.reshape(1, -1))


def _final_body(x_ref, a_ref, wg_ref, bg_ref, wn1_ref, bn1_ref,
                wn2_ref, bn2_ref, o_ref):
    t = x_ref[...] + a_ref[0] + a_ref[1]
    x = jnp.maximum(
        jnp.dot(t, wg_ref[...], preferred_element_type=jnp.float32)
        + bg_ref[...], 0.0)
    h = jnp.maximum(
        jnp.dot(x, wn1_ref[...], preferred_element_type=jnp.float32)
        + bn1_ref[...], 0.0)
    o_ref[...] = jnp.dot(h, wn2_ref[...],
                         preferred_element_type=jnp.float32) + bn2_ref[...]


def _final_stage(x, aggp, Wg, bg, Wn1, bn1, Wn2, bn2):
    full = lambda *shape: pl.BlockSpec(shape, lambda i: (0,) * len(shape))
    return pl.pallas_call(
        _final_body,
        grid=(1,),
        in_specs=[
            full(_N, _D), full(_NC, _N, _D), full(_D, _D), full(1, _D),
            full(_D, _D), full(1, _D), full(_D, _D), full(1, _D),
        ],
        out_specs=full(_N, _D),
        out_shape=jax.ShapeDtypeStruct((_N, _D), jnp.float32),
    )(x, aggp, Wg, bg.reshape(1, -1), Wn1, bn1.reshape(1, -1),
      Wn2, bn2.reshape(1, -1))


def kernel(emb, edge_index, edge_attr, W1, b1, W2, b2, We1, be1, Wg1, bg1,
           We2, be2, Wg2, bg2, Wn1, bn1, Wn2, bn2):
    src = edge_index[0]
    dst = edge_index[1]
    x0 = _decoder_mlp(emb, W1, b1, W2, b2)
    x = x0.reshape(_N, _D)
    e1 = _edge_embed(edge_attr, We1, be1)
    e2 = _edge_embed(edge_attr, We2, be2)
    agg1 = _sc_edge_layer(x, src, dst, e1)
    x = _node_update(x, agg1, Wg1, bg1)
    agg2 = _sc_edge_layer(x, src, dst, e2)
    return _final_stage(x, agg2, Wg2, bg2, Wn1, bn1, Wn2, bn2)

# --- scband reference (transcript-rebuilt; emitter-appended) ---
"""Pipeline reference for scband-gnndecoder-65970697666774 (READ-ONLY COPY).

The authoritative reference and input builder live on the scoring server;
editing this copy changes nothing except your own understanding.
"""

import jax, jax.numpy as jnp
import numpy as np

N_GRAPHS = 100
MAX_SIZE = 100
N_NODES = N_GRAPHS * MAX_SIZE
N_EDGES = 320000
EMB = 256
D_EDGE = 16
D = 128


def _p(key, shape):
    return jax.random.normal(key, shape, dtype=jnp.float32) * 0.05


def setup_inputs(seed: int = 0) -> dict:
    key = jax.random.key(seed)
    ks = jax.random.split(key, 24)
    inp = {}
    inp['emb'] = jax.random.normal(ks[0], (N_GRAPHS, EMB), dtype=jnp.float32)
    inp['edge_index'] = jax.random.randint(ks[1], (2, N_EDGES), 0, N_NODES, dtype=jnp.int32)
    inp['edge_attr'] = jax.random.normal(ks[2], (N_EDGES, D_EDGE), dtype=jnp.float32)
    # inner_dec: emb_size -> gmlp_sizes = [1024, 12800]
    inp['W1'] = _p(ks[3], (EMB, 1024)); inp['b1'] = jnp.zeros((1024,), jnp.float32)
    inp['W2'] = _p(ks[4], (1024, MAX_SIZE * D)); inp['b2'] = jnp.zeros((MAX_SIZE * D,), jnp.float32)
    # gnn layer 1 (edge-conditioned / GINE-style): edge lin D_EDGE->D, node lin D->D
    inp['We1'] = _p(ks[5], (D_EDGE, D)); inp['be1'] = jnp.zeros((D,), jnp.float32)
    inp['Wg1'] = _p(ks[6], (D, D)); inp['bg1'] = jnp.zeros((D,), jnp.float32)
    # gnn layer 2
    inp['We2'] = _p(ks[7], (D_EDGE, D)); inp['be2'] = jnp.zeros((D,), jnp.float32)
    inp['Wg2'] = _p(ks[8], (D, D)); inp['bg2'] = jnp.zeros((D,), jnp.float32)
    # node_mlp: gnn_sizes[-1] -> nmlp_sizes = [128, 128]
    inp['Wn1'] = _p(ks[9], (D, 128)); inp['bn1'] = jnp.zeros((128,), jnp.float32)
    inp['Wn2'] = _p(ks[10], (128, 128)); inp['bn2'] = jnp.zeros((128,), jnp.float32)
    return inp


def reference(emb, edge_index, edge_attr, W1, b1, W2, b2, We1, be1, Wg1, bg1, We2, be2, Wg2, bg2, Wn1, bn1, Wn2, bn2):
    # inner_dec MLP
    x0 = jax.nn.relu(emb @ W1 + b1) @ W2 + b2
    # reshape: each graph embedding -> max_size node states
    x = x0.reshape(-1, x0.shape[-1] // MAX_SIZE)  # [N_NODES, D]
    src = edge_index[0]
    dst = edge_index[1]
    n = x.shape[0]
    for (We, be, Wg, bg) in ((We1, be1, Wg1, bg1), (We2, be2, Wg2, bg2)):
        e = edge_attr @ We + be                     # edge feature embedding [E, D]
        m = jax.nn.relu(x[src] + e)                 # gather + message [E, D]
        agg = jax.ops.segment_sum(m, dst, num_segments=n)  # scatter-add [N, D]
        x = jax.nn.relu((x + agg) @ Wg + bg)        # node update
    # node_mlp
    out = jax.nn.relu(x @ Wn1 + bn1) @ Wn2 + bn2
    return out

if __name__ == "__main__":
    import jax
    _d = setup_inputs()
    print(jax.jit(kernel)(*tuple(_d.values())))

</pallas_src>

<mosaic_0001>
#map = affine_map<(d0, d1) -> (0, 0)>
#map1 = affine_map<(d0, d1) -> (0)>
#map2 = affine_map<(d0, d1) -> (0, 0, 0)>
module attributes {stable_mosaic.version = 14 : i64} {
  func.func @_sc_edge_body(%arg0: i32, %arg1: i32, %arg2: memref<10000x128xf32, #tpu.memory_space<hbm>>, %arg3: memref<320000xi32, #tpu.memory_space<hbm>>, %arg4: memref<320000xi32, #tpu.memory_space<hbm>>, %arg5: memref<320000x64xi32, #tpu.memory_space<hbm>>, %arg6: memref<2x10240x128xf32, #tpu.memory_space<hbm>>, %arg7: memref<2x80xi32, #tpu.memory_space<vmem>>, %arg8: memref<2x80xi32, #tpu.memory_space<vmem>>, %arg9: memref<2x80x64xi32, #tpu.memory_space<vmem>>, %arg10: memref<2x80x128xf32, #tpu.memory_space<vmem>>, %arg11: memref<10240x128xf32, #tpu.memory_space<vmem_shared>>, %arg12: memref<2x!tpu.dma_semaphore, #tpu.memory_space<semaphore_mem>>, %arg13: memref<2x!tpu.dma_semaphore, #tpu.memory_space<semaphore_mem>>, %arg14: memref<2x!tpu.dma_semaphore, #tpu.memory_space<semaphore_mem>>, %arg15: memref<2x!tpu.dma_semaphore, #tpu.memory_space<semaphore_mem>>) attributes {dimension_semantics = [#tpu.dimension_semantics<core_parallel>, #tpu.dimension_semantics<subcore_parallel>], iteration_bounds = array<i64: 2, 16>, scalar_prefetch = 0 : i64, scratch_operands = 9 : i64, tpu.core_type = #tpu.core_type<sc_vector_subcore>, window_params = [{transform_indices = #map}, {transform_indices = #map1}, {transform_indices = #map1}, {transform_indices = #map}, {transform_indices = #map2}]} {
    %mul3A = arith.constant 16 : i32
    %mul3A_0 = arith.muli %arg0, %mul3A : i32
    %add3A = arith.addi %mul3A_0, %arg1 : i32
    %broadcast_in_dim3A = arith.constant 0.000000e+00 : f32
    %broadcast_in_dim3A_1 = vector.broadcast %broadcast_in_dim3A : f32 to vector<16xf32>
    %scan3A = arith.constant 0 : i32
    %scan3A_2 = arith.constant 0 : i32
    %scan3A_3 = arith.constant 80 : i32
    %scan3A_4 = arith.addi %scan3A_2, %scan3A_3 : i32
    %scan3A_5 = arith.constant 1 : i32
    scf.for %scan3A_156 = %scan3A_2 to %scan3A_4 step %scan3A_5  : i32 {
      %swap3A = arith.constant 0 : i32
      %swap3A_157 = arith.index_cast %swap3A : i32 to index
      %swap3A_158 = arith.index_cast %scan3A_156 : i32 to index
      %swap3A_159 = arith.constant 0 : index
      %swap3A_160 = tpu.vector_load %arg10[%swap3A_157, %swap3A_158, %swap3A_159] {strides = array<i32>} : memref<2x80x128xf32, #tpu.memory_space<vmem>>, vector<16xf32>,
      tpu.vector_store %arg10[%swap3A_157, %swap3A_158, %swap3A_159], %broadcast_in_dim3A_1 {strides = array<i32>} : memref<2x80x128xf32, #tpu.memory_space<vmem>>, vector<16xf32>,
      %swap3A_161 = arith.constant 0 : i32
      %swap3A_162 = arith.index_cast %swap3A_161 : i32 to index
      %swap3A_163 = arith.index_cast %scan3A_156 : i32 to index
      %swap3A_164 = arith.constant 16 : index
      %swap3A_165 = tpu.vector_load %arg10[%swap3A_162, %swap3A_163, %swap3A_164] {strides = array<i32>} : memref<2x80x128xf32, #tpu.memory_space<vmem>>, vector<16xf32>,
      tpu.vector_store %arg10[%swap3A_162, %swap3A_163, %swap3A_164], %broadcast_in_dim3A_1 {strides = array<i32>} : memref<2x80x128xf32, #tpu.memory_space<vmem>>, vector<16xf32>,
      %swap3A_166 = arith.constant 0 : i32
      %swap3A_167 = arith.index_cast %swap3A_166 : i32 to index
      %swap3A_168 = arith.index_cast %scan3A_156 : i32 to index
      %swap3A_169 = arith.constant 32 : index
      %swap3A_170 = tpu.vector_load %arg10[%swap3A_167, %swap3A_168, %swap3A_169] {strides = array<i32>} : memref<2x80x128xf32, #tpu.memory_space<vmem>>, vector<16xf32>,
      tpu.vector_store %arg10[%swap3A_167, %swap3A_168, %swap3A_169], %broadcast_in_dim3A_1 {strides = array<i32>} : memref<2x80x128xf32, #tpu.memory_space<vmem>>, vector<16xf32>,
      %swap3A_171 = arith.constant 0 : i32
      %swap3A_172 = arith.index_cast %swap3A_171 : i32 to index
      %swap3A_173 = arith.index_cast %scan3A_156 : i32 to index
      %swap3A_174 = arith.constant 48 : index
      %swap3A_175 = tpu.vector_load %arg10[%swap3A_172, %swap3A_173, %swap3A_174] {strides = array<i32>} : memref<2x80x128xf32, #tpu.memory_space<vmem>>, vector<16xf32>,
      tpu.vector_store %arg10[%swap3A_172, %swap3A_173, %swap3A_174], %broadcast_in_dim3A_1 {strides = array<i32>} : memref<2x80x128xf32, #tpu.memory_space<vmem>>, vector<16xf32>,
      %swap3A_176 = arith.constant 0 : i32
      %swap3A_177 = arith.index_cast %swap3A_176 : i32 to index
      %swap3A_178 = arith.index_cast %scan3A_156 : i32 to index
      %swap3A_179 = arith.constant 64 : index
      %swap3A_180 = tpu.vector_load %arg10[%swap3A_177, %swap3A_178, %swap3A_179] {strides = array<i32>} : memref<2x80x128xf32, #tpu.memory_space<vmem>>, vector<16xf32>,
      tpu.vector_store %arg10[%swap3A_177, %swap3A_178, %swap3A_179], %broadcast_in_dim3A_1 {strides = array<i32>} : memref<2x80x128xf32, #tpu.memory_space<vmem>>, vector<16xf32>,
      %swap3A_181 = arith.constant 0 : i32
      %swap3A_182 = arith.index_cast %swap3A_181 : i32 to index
      %swap3A_183 = arith.index_cast %scan3A_156 : i32 to index
      %swap3A_184 = arith.constant 80 : index
      %swap3A_185 = tpu.vector_load %arg10[%swap3A_182, %swap3A_183, %swap3A_184] {strides = array<i32>} : memref<2x80x128xf32, #tpu.memory_space<vmem>>, vector<16xf32>,
      tpu.vector_store %arg10[%swap3A_182, %swap3A_183, %swap3A_184], %broadcast_in_dim3A_1 {strides = array<i32>} : memref<2x80x128xf32, #tpu.memory_space<vmem>>, vector<16xf32>,
      %swap3A_186 = arith.constant 0 : i32
      %swap3A_187 = arith.index_cast %swap3A_186 : i32 to index
      %swap3A_188 = arith.index_cast %scan3A_156 : i32 to index
      %swap3A_189 = arith.constant 96 : index
      %swap3A_190 = tpu.vector_load %arg10[%swap3A_187, %swap3A_188, %swap3A_189] {strides = array<i32>} : memref<2x80x128xf32, #tpu.memory_space<vmem>>, vector<16xf32>,
      tpu.vector_store %arg10[%swap3A_187, %swap3A_188, %swap3A_189], %broadcast_in_dim3A_1 {strides = array<i32>} : memref<2x80x128xf32, #tpu.memory_space<vmem>>, vector<16xf32>,
      %swap3A_191 = arith.constant 0 : i32
      %swap3A_192 = arith.index_cast %swap3A_191 : i32 to index
      %swap3A_193 = arith.index_cast %scan3A_156 : i32 to index
      %swap3A_194 = arith.constant 112 : index
      %swap3A_195 = tpu.vector_load %arg10[%swap3A_192, %swap3A_193, %swap3A_194] {strides = array<i32>} : memref<2x80x128xf32, #tpu.memory_space<vmem>>, vector<16xf32>,
      tpu.vector_store %arg10[%swap3A_192, %swap3A_193, %swap3A_194], %broadcast_in_dim3A_1 {strides = array<i32>} : memref<2x80x128xf32, #tpu.memory_space<vmem>>, vector<16xf32>,
    }
    %scan3A_6 = arith.constant 80 : i32
    %mul3A_7 = arith.constant 640 : i32
    %mul3A_8 = arith.muli %arg1, %mul3A_7 : i32
    %add3A_9 = arith.constant 0 : i32
    %add3A_10 = arith.addi %mul3A_8, %add3A_9 : i32
    %run_scoped3A = arith.constant 0 : i32
    "tpu.region"() ({
      %run_scoped3A_156 = tpu.sem_alloc : memref<!tpu.dma_semaphore, #tpu.memory_space<semaphore_mem>>
      %dma_start3A_157 = arith.constant 0 : i32
      %dma_start3A_158 = arith.constant 0 : i32
      %dma_start3A_159 = tpu.memref_slice %arg10[%run_scoped3A, %dma_start3A_157, %dma_start3A_158] : memref<2x80x128xf32, #tpu.memory_space<vmem>> -> memref<1x80x128xf32, #tpu.memory_space<vmem>>
      %dma_start3A_160 = tpu.memref_squeeze %dma_start3A_159 : memref<1x80x128xf32, #tpu.memory_space<vmem>> -> memref<80x128xf32, #tpu.memory_space<vmem>>
      %dma_start3A_161 = arith.constant 0 : i32
      %dma_start3A_162 = tpu.memref_slice %arg11[%add3A_10, %dma_start3A_161] : memref<10240x128xf32, #tpu.memory_space<vmem_shared>> -> memref<80x128xf32, #tpu.memory_space<vmem_shared>>
      %dma_start3A_163 = arith.constant 0 : i32
      %dma_start3A_164 = tpu.memref_slice %arg11[%add3A_10, %dma_start3A_163] : memref<10240x128xf32, #tpu.memory_space<vmem_shared>> -> memref<80x128xf32, #tpu.memory_space<vmem_shared>>
      %dma_start3A_165 = arith.constant 0 : i32
      %dma_start3A_166 = arith.constant 0 : i32
      %dma_start3A_167 = tpu.memref_slice %arg10[%run_scoped3A, %dma_start3A_165, %dma_start3A_166] : memref<2x80x128xf32, #tpu.memory_space<vmem>> -> memref<1x80x128xf32, #tpu.memory_space<vmem>>
      %dma_start3A_168 = tpu.memref_squeeze %dma_start3A_167 : memref<1x80x128xf32, #tpu.memory_space<vmem>> -> memref<80x128xf32, #tpu.memory_space<vmem>>
      tpu.enqueue_dma source(%dma_start3A_168 : memref<80x128xf32, #tpu.memory_space<vmem>>) target(%dma_start3A_164 : memref<80x128xf32, #tpu.memory_space<vmem_shared>>) target_semaphore(%run_scoped3A_156 : memref<!tpu.dma_semaphore, #tpu.memory_space<semaphore_mem>>)
      %dma_wait3A_169 = arith.constant 0 : i32
      %dma_wait3A_170 = arith.constant 0 : i32
      %dma_wait3A_171 = tpu.memref_slice %arg10[%run_scoped3A, %dma_wait3A_169, %dma_wait3A_170] : memref<2x80x128xf32, #tpu.memory_space<vmem>> -> memref<1x80x128xf32, #tpu.memory_space<vmem>>
      %dma_wait3A_172 = tpu.memref_squeeze %dma_wait3A_171 : memref<1x80x128xf32, #tpu.memory_space<vmem>> -> memref<80x128xf32, #tpu.memory_space<vmem>>
      %dma_wait3A_173 = arith.constant 0 : i32
      %dma_wait3A_174 = tpu.memref_slice %arg11[%add3A_10, %dma_wait3A_173] : memref<10240x128xf32, #tpu.memory_space<vmem_shared>> -> memref<80x128xf32, #tpu.memory_space<vmem_shared>>
      %dma_wait3A_175 = arith.constant 0 : i32
      %dma_wait3A_176 = tpu.memref_slice %arg11[%add3A_10, %dma_wait3A_175] : memref<10240x128xf32, #tpu.memory_space<vmem_shared>> -> memref<80x128xf32, #tpu.memory_space<vmem_shared>>
      %dma_wait3A_177 = arith.constant 0 : i32
      %dma_wait3A_178 = arith.constant 0 : i32
      %dma_wait3A_179 = tpu.memref_slice %arg10[%run_scoped3A, %dma_wait3A_177, %dma_wait3A_178] : memref<2x80x128xf32, #tpu.memory_space<vmem>> -> memref<1x80x128xf32, #tpu.memory_space<vmem>>
      %dma_wait3A_180 = tpu.memref_squeeze %dma_wait3A_179 : memref<1x80x128xf32, #tpu.memory_space<vmem>> -> memref<80x128xf32, #tpu.memory_space<vmem>>
      tpu.wait_dma2 semaphore(%run_scoped3A_156 : memref<!tpu.dma_semaphore, #tpu.memory_space<semaphore_mem>>) src(%dma_wait3A_180 : memref<80x128xf32, #tpu.memory_space<vmem>>) dst(%dma_wait3A_176 : memref<80x128xf32, #tpu.memory_space<vmem_shared>>)
      tpu.yield
    }) : () -> ()
    %add3A_11 = arith.constant 80 : i32
    %add3A_12 = arith.addi %mul3A_8, %add3A_11 : i32
    %run_scoped3A_13 = arith.constant 0 : i32
    "tpu.region"() ({
      %run_scoped3A_156 = tpu.sem_alloc : memref<!tpu.dma_semaphore, #tpu.memory_space<semaphore_mem>>
      %dma_start3A_157 = arith.constant 0 : i32
      %dma_start3A_158 = arith.constant 0 : i32
      %dma_start3A_159 = tpu.memref_slice %arg10[%run_scoped3A_13, %dma_start3A_157, %dma_start3A_158] : memref<2x80x128xf32, #tpu.memory_space<vmem>> -> memref<1x80x128xf32, #tpu.memory_space<vmem>>
      %dma_start3A_160 = tpu.memref_squeeze %dma_start3A_159 : memref<1x80x128xf32, #tpu.memory_space<vmem>> -> memref<80x128xf32, #tpu.memory_space<vmem>>
      %dma_start3A_161 = arith.constant 0 : i32
      %dma_start3A_162 = tpu.memref_slice %arg11[%add3A_12, %dma_start3A_161] : memref<10240x128xf32, #tpu.memory_space<vmem_shared>> -> memref<80x128xf32, #tpu.memory_space<vmem_shared>>
      %dma_start3A_163 = arith.constant 0 : i32
      %dma_start3A_164 = tpu.memref_slice %arg11[%add3A_12, %dma_start3A_163] : memref<10240x128xf32, #tpu.memory_space<vmem_shared>> -> memref<80x128xf32, #tpu.memory_space<vmem_shared>>
      %dma_start3A_165 = arith.constant 0 : i32
      %dma_start3A_166 = arith.constant 0 : i32
      %dma_start3A_167 = tpu.memref_slice %arg10[%run_scoped3A_13, %dma_start3A_165, %dma_start3A_166] : memref<2x80x128xf32, #tpu.memory_space<vmem>> -> memref<1x80x128xf32, #tpu.memory_space<vmem>>
      %dma_start3A_168 = tpu.memref_squeeze %dma_start3A_167 : memref<1x80x128xf32, #tpu.memory_space<vmem>> -> memref<80x128xf32, #tpu.memory_space<vmem>>
      tpu.enqueue_dma source(%dma_start3A_168 : memref<80x128xf32, #tpu.memory_space<vmem>>) target(%dma_start3A_164 : memref<80x128xf32, #tpu.memory_space<vmem_shared>>) target_semaphore(%run_scoped3A_156 : memref<!tpu.dma_semaphore, #tpu.memory_space<semaphore_mem>>)
      %dma_wait3A_169 = arith.constant 0 : i32
      %dma_wait3A_170 = arith.constant 0 : i32
      %dma_wait3A_171 = tpu.memref_slice %arg10[%run_scoped3A_13, %dma_wait3A_169, %dma_wait3A_170] : memref<2x80x128xf32, #tpu.memory_space<vmem>> -> memref<1x80x128xf32, #tpu.memory_space<vmem>>
      %dma_wait3A_172 = tpu.memref_squeeze %dma_wait3A_171 : memref<1x80x128xf32, #tpu.memory_space<vmem>> -> memref<80x128xf32, #tpu.memory_space<vmem>>
      %dma_wait3A_173 = arith.constant 0 : i32
      %dma_wait3A_174 = tpu.memref_slice %arg11[%add3A_12, %dma_wait3A_173] : memref<10240x128xf32, #tpu.memory_space<vmem_shared>> -> memref<80x128xf32, #tpu.memory_space<vmem_shared>>
      %dma_wait3A_175 = arith.constant 0 : i32
      %dma_wait3A_176 = tpu.memref_slice %arg11[%add3A_12, %dma_wait3A_175] : memref<10240x128xf32, #tpu.memory_space<vmem_shared>> -> memref<80x128xf32, #tpu.memory_space<vmem_shared>>
      %dma_wait3A_177 = arith.constant 0 : i32
      %dma_wait3A_178 = arith.constant 0 : i32
      %dma_wait3A_179 = tpu.memref_slice %arg10[%run_scoped3A_13, %dma_wait3A_177, %dma_wait3A_178] : memref<2x80x128xf32, #tpu.memory_space<vmem>> -> memref<1x80x128xf32, #tpu.memory_space<vmem>>
      %dma_wait3A_180 = tpu.memref_squeeze %dma_wait3A_179 : memref<1x80x128xf32, #tpu.memory_space<vmem>> -> memref<80x128xf32, #tpu.memory_space<vmem>>
      tpu.wait_dma2 semaphore(%run_scoped3A_156 : memref<!tpu.dma_semaphore, #tpu.memory_space<semaphore_mem>>) src(%dma_wait3A_180 : memref<80x128xf32, #tpu.memory_space<vmem>>) dst(%dma_wait3A_176 : memref<80x128xf32, #tpu.memory_space<vmem_shared>>)
      tpu.yield
    }) : () -> ()
    %add3A_14 = arith.constant 160 : i32
    %add3A_15 = arith.addi %mul3A_8, %add3A_14 : i32
    %run_scoped3A_16 = arith.constant 0 : i32
    "tpu.region"() ({
      %run_scoped3A_156 = tpu.sem_alloc : memref<!tpu.dma_semaphore, #tpu.memory_space<semaphore_mem>>
      %dma_start3A_157 = arith.constant 0 : i32
      %dma_start3A_158 = arith.constant 0 : i32
      %dma_start3A_159 = tpu.memref_slice %arg10[%run_scoped3A_16, %dma_start3A_157, %dma_start3A_158] : memref<2x80x128xf32, #tpu.memory_space<vmem>> -> memref<1x80x128xf32, #tpu.memory_space<vmem>>
      %dma_start3A_160 = tpu.memref_squeeze %dma_start3A_159 : memref<1x80x128xf32, #tpu.memory_space<vmem>> -> memref<80x128xf32, #tpu.memory_space<vmem>>
      %dma_start3A_161 = arith.constant 0 : i32
      %dma_start3A_162 = tpu.memref_slice %arg11[%add3A_15, %dma_start3A_161] : memref<10240x128xf32, #tpu.memory_space<vmem_shared>> -> memref<80x128xf32, #tpu.memory_space<vmem_shared>>
      %dma_start3A_163 = arith.constant 0 : i32
      %dma_start3A_164 = tpu.memref_slice %arg11[%add3A_15, %dma_start3A_163] : memref<10240x128xf32, #tpu.memory_space<vmem_shared>> -> memref<80x128xf32, #tpu.memory_space<vmem_shared>>
      %dma_start3A_165 = arith.constant 0 : i32
      %dma_start3A_166 = arith.constant 0 : i32
      %dma_start3A_167 = tpu.memref_slice %arg10[%run_scoped3A_16, %dma_start3A_165, %dma_start3A_166] : memref<2x80x128xf32, #tpu.memory_space<vmem>> -> memref<1x80x128xf32, #tpu.memory_space<vmem>>
      %dma_start3A_168 = tpu.memref_squeeze %dma_start3A_167 : memref<1x80x128xf32, #tpu.memory_space<vmem>> -> memref<80x128xf32, #tpu.memory_space<vmem>>
      tpu.enqueue_dma source(%dma_start3A_168 : memref<80x128xf32, #tpu.memory_space<vmem>>) target(%dma_start3A_164 : memref<80x128xf32, #tpu.memory_space<vmem_shared>>) target_semaphore(%run_scoped3A_156 : memref<!tpu.dma_semaphore, #tpu.memory_space<semaphore_mem>>)
      %dma_wait3A_169 = arith.constant 0 : i32
      %dma_wait3A_170 = arith.constant 0 : i32
      %dma_wait3A_171 = tpu.memref_slice %arg10[%run_scoped3A_16, %dma_wait3A_169, %dma_wait3A_170] : memref<2x80x128xf32, #tpu.memory_space<vmem>> -> memref<1x80x128xf32, #tpu.memory_space<vmem>>
      %dma_wait3A_172 = tpu.memref_squeeze %dma_wait3A_171 : memref<1x80x128xf32, #tpu.memory_space<vmem>> -> memref<80x128xf32, #tpu.memory_space<vmem>>
      %dma_wait3A_173 = arith.constant 0 : i32
      %dma_wait3A_174 = tpu.memref_slice %arg11[%add3A_15, %dma_wait3A_173] : memref<10240x128xf32, #tpu.memory_space<vmem_shared>> -> memref<80x128xf32, #tpu.memory_space<vmem_shared>>
      %dma_wait3A_175 = arith.constant 0 : i32
      %dma_wait3A_176 = tpu.memref_slice %arg11[%add3A_15, %dma_wait3A_175] : memref<10240x128xf32, #tpu.memory_space<vmem_shared>> -> memref<80x128xf32, #tpu.memory_space<vmem_shared>>
      %dma_wait3A_177 = arith.constant 0 : i32
      %dma_wait3A_178 = arith.constant 0 : i32
      %dma_wait3A_179 = tpu.memref_slice %arg10[%run_scoped3A_16, %dma_wait3A_177, %dma_wait3A_178] : memref<2x80x128xf32, #tpu.memory_space<vmem>> -> memref<1x80x128xf32, #tpu.memory_space<vmem>>
      %dma_wait3A_180 = tpu.memref_squeeze %dma_wait3A_179 : memref<1x80x128xf32, #tpu.memory_space<vmem>> -> memref<80x128xf32, #tpu.memory_space<vmem>>
      tpu.wait_dma2 semaphore(%run_scoped3A_156 : memref<!tpu.dma_semaphore, #tpu.memory_space<semaphore_mem>>) src(%dma_wait3A_180 : memref<80x128xf32, #tpu.memory_space<vmem>>) dst(%dma_wait3A_176 : memref<80x128xf32, #tpu.memory_space<vmem_shared>>)
      tpu.yield
    }) : () -> ()
    %add3A_17 = arith.constant 240 : i32
    %add3A_18 = arith.addi %mul3A_8, %add3A_17 : i32
    %run_scoped3A_19 = arith.constant 0 : i32
    "tpu.region"() ({
      %run_scoped3A_156 = tpu.sem_alloc : memref<!tpu.dma_semaphore, #tpu.memory_space<semaphore_mem>>
      %dma_start3A_157 = arith.constant 0 : i32
      %dma_start3A_158 = arith.constant 0 : i32
      %dma_start3A_159 = tpu.memref_slice %arg10[%run_scoped3A_19, %dma_start3A_157, %dma_start3A_158] : memref<2x80x128xf32, #tpu.memory_space<vmem>> -> memref<1x80x128xf32, #tpu.memory_space<vmem>>
      %dma_start3A_160 = tpu.memref_squeeze %dma_start3A_159 : memref<1x80x128xf32, #tpu.memory_space<vmem>> -> memref<80x128xf32, #tpu.memory_space<vmem>>
      %dma_start3A_161 = arith.constant 0 : i32
      %dma_start3A_162 = tpu.memref_slice %arg11[%add3A_18, %dma_start3A_161] : memref<10240x128xf32, #tpu.memory_space<vmem_shared>> -> memref<80x128xf32, #tpu.memory_space<vmem_shared>>
      %dma_start3A_163 = arith.constant 0 : i32
      %dma_start3A_164 = tpu.memref_slice %arg11[%add3A_18, %dma_start3A_163] : memref<10240x128xf32, #tpu.memory_space<vmem_shared>> -> memref<80x128xf32, #tpu.memory_space<vmem_shared>>
      %dma_start3A_165 = arith.constant 0 : i32
      %dma_start3A_166 = arith.constant 0 : i32
      %dma_start3A_167 = tpu.memref_slice %arg10[%run_scoped3A_19, %dma_start3A_165, %dma_start3A_166] : memref<2x80x128xf32, #tpu.memory_space<vmem>> -> memref<1x80x128xf32, #tpu.memory_space<vmem>>
      %dma_start3A_168 = tpu.memref_squeeze %dma_start3A_167 : memref<1x80x128xf32, #tpu.memory_space<vmem>> -> memref<80x128xf32, #tpu.memory_space<vmem>>
      tpu.enqueue_dma source(%dma_start3A_168 : memref<80x128xf32, #tpu.memory_space<vmem>>) target(%dma_start3A_164 : memref<80x128xf32, #tpu.memory_space<vmem_shared>>) target_semaphore(%run_scoped3A_156 : memref<!tpu.dma_semaphore, #tpu.memory_space<semaphore_mem>>)
      %dma_wait3A_169 = arith.constant 0 : i32
      %dma_wait3A_170 = arith.constant 0 : i32
      %dma_wait3A_171 = tpu.memref_slice %arg10[%run_scoped3A_19, %dma_wait3A_169, %dma_wait3A_170] : memref<2x80x128xf32, #tpu.memory_space<vmem>> -> memref<1x80x128xf32, #tpu.memory_space<vmem>>
      %dma_wait3A_172 = tpu.memref_squeeze %dma_wait3A_171 : memref<1x80x128xf32, #tpu.memory_space<vmem>> -> memref<80x128xf32, #tpu.memory_space<vmem>>
      %dma_wait3A_173 = arith.constant 0 : i32
      %dma_wait3A_174 = tpu.memref_slice %arg11[%add3A_18, %dma_wait3A_173] : memref<10240x128xf32, #tpu.memory_space<vmem_shared>> -> memref<80x128xf32, #tpu.memory_space<vmem_shared>>
      %dma_wait3A_175 = arith.constant 0 : i32
      %dma_wait3A_176 = tpu.memref_slice %arg11[%add3A_18, %dma_wait3A_175] : memref<10240x128xf32, #tpu.memory_space<vmem_shared>> -> memref<80x128xf32, #tpu.memory_space<vmem_shared>>
      %dma_wait3A_177 = arith.constant 0 : i32
      %dma_wait3A_178 = arith.constant 0 : i32
      %dma_wait3A_179 = tpu.memref_slice %arg10[%run_scoped3A_19, %dma_wait3A_177, %dma_wait3A_178] : memref<2x80x128xf32, #tpu.memory_space<vmem>> -> memref<1x80x128xf32, #tpu.memory_space<vmem>>
      %dma_wait3A_180 = tpu.memref_squeeze %dma_wait3A_179 : memref<1x80x128xf32, #tpu.memory_space<vmem>> -> memref<80x128xf32, #tpu.memory_space<vmem>>
      tpu.wait_dma2 semaphore(%run_scoped3A_156 : memref<!tpu.dma_semaphore, #tpu.memory_space<semaphore_mem>>) src(%dma_wait3A_180 : memref<80x128xf32, #tpu.memory_space<vmem>>) dst(%dma_wait3A_176 : memref<80x128xf32, #tpu.memory_space<vmem_shared>>)
      tpu.yield
    }) : () -> ()
    %add3A_20 = arith.constant 320 : i32
    %add3A_21 = arith.addi %mul3A_8, %add3A_20 : i32
    %run_scoped3A_22 = arith.constant 0 : i32
    "tpu.region"() ({
      %run_scoped3A_156 = tpu.sem_alloc : memref<!tpu.dma_semaphore, #tpu.memory_space<semaphore_mem>>
      %dma_start3A_157 = arith.constant 0 : i32
      %dma_start3A_158 = arith.constant 0 : i32
      %dma_start3A_159 = tpu.memref_slice %arg10[%run_scoped3A_22, %dma_start3A_157, %dma_start3A_158] : memref<2x80x128xf32, #tpu.memory_space<vmem>> -> memref<1x80x128xf32, #tpu.memory_space<vmem>>
      %dma_start3A_160 = tpu.memref_squeeze %dma_start3A_159 : memref<1x80x128xf32, #tpu.memory_space<vmem>> -> memref<80x128xf32, #tpu.memory_space<vmem>>
      %dma_start3A_161 = arith.constant 0 : i32
      %dma_start3A_162 = tpu.memref_slice %arg11[%add3A_21, %dma_start3A_161] : memref<10240x128xf32, #tpu.memory_space<vmem_shared>> -> memref<80x128xf32, #tpu.memory_space<vmem_shared>>
      %dma_start3A_163 = arith.constant 0 : i32
      %dma_start3A_164 = tpu.memref_slice %arg11[%add3A_21, %dma_start3A_163] : memref<10240x128xf32, #tpu.memory_space<vmem_shared>> -> memref<80x128xf32, #tpu.memory_space<vmem_shared>>
      %dma_start3A_165 = arith.constant 0 : i32
      %dma_start3A_166 = arith.constant 0 : i32
      %dma_start3A_167 = tpu.memref_slice %arg10[%run_scoped3A_22, %dma_start3A_165, %dma_start3A_166] : memref<2x80x128xf32, #tpu.memory_space<vmem>> -> memref<1x80x128xf32, #tpu.memory_space<vmem>>
      %dma_start3A_168 = tpu.memref_squeeze %dma_start3A_167 : memref<1x80x128xf32, #tpu.memory_space<vmem>> -> memref<80x128xf32, #tpu.memory_space<vmem>>
      tpu.enqueue_dma source(%dma_start3A_168 : memref<80x128xf32, #tpu.memory_space<vmem>>) target(%dma_start3A_164 : memref<80x128xf32, #tpu.memory_space<vmem_shared>>) target_semaphore(%run_scoped3A_156 : memref<!tpu.dma_semaphore, #tpu.memory_space<semaphore_mem>>)
      %dma_wait3A_169 = arith.constant 0 : i32
      %dma_wait3A_170 = arith.constant 0 : i32
      %dma_wait3A_171 = tpu.memref_slice %arg10[%run_scoped3A_22, %dma_wait3A_169, %dma_wait3A_170] : memref<2x80x128xf32, #tpu.memory_space<vmem>> -> memref<1x80x128xf32, #tpu.memory_space<vmem>>
      %dma_wait3A_172 = tpu.memref_squeeze %dma_wait3A_171 : memref<1x80x128xf32, #tpu.memory_space<vmem>> -> memref<80x128xf32, #tpu.memory_space<vmem>>
      %dma_wait3A_173 = arith.constant 0 : i32
      %dma_wait3A_174 = tpu.memref_slice %arg11[%add3A_21, %dma_wait3A_173] : memref<10240x128xf32, #tpu.memory_space<vmem_shared>> -> memref<80x128xf32, #tpu.memory_space<vmem_shared>>
      %dma_wait3A_175 = arith.constant 0 : i32
      %dma_wait3A_176 = tpu.memref_slice %arg11[%add3A_21, %dma_wait3A_175] : memref<10240x128xf32, #tpu.memory_space<vmem_shared>> -> memref<80x128xf32, #tpu.memory_space<vmem_shared>>
      %dma_wait3A_177 = arith.constant 0 : i32
      %dma_wait3A_178 = arith.constant 0 : i32
      %dma_wait3A_179 = tpu.memref_slice %arg10[%run_scoped3A_22, %dma_wait3A_177, %dma_wait3A_178] : memref<2x80x128xf32, #tpu.memory_space<vmem>> -> memref<1x80x128xf32, #tpu.memory_space<vmem>>
      %dma_wait3A_180 = tpu.memref_squeeze %dma_wait3A_179 : memref<1x80x128xf32, #tpu.memory_space<vmem>> -> memref<80x128xf32, #tpu.memory_space<vmem>>
      tpu.wait_dma2 semaphore(%run_scoped3A_156 : memref<!tpu.dma_semaphore, #tpu.memory_space<semaphore_mem>>) src(%dma_wait3A_180 : memref<80x128xf32, #tpu.memory_space<vmem>>) dst(%dma_wait3A_176 : memref<80x128xf32, #tpu.memory_space<vmem_shared>>)
      tpu.yield
    }) : () -> ()
    %add3A_23 = arith.constant 400 : i32
    %add3A_24 = arith.addi %mul3A_8, %add3A_23 : i32
    %run_scoped3A_25 = arith.constant 0 : i32
    "tpu.region"() ({
      %run_scoped3A_156 = tpu.sem_alloc : memref<!tpu.dma_semaphore, #tpu.memory_space<semaphore_mem>>
      %dma_start3A_157 = arith.constant 0 : i32
      %dma_start3A_158 = arith.constant 0 : i32
      %dma_start3A_159 = tpu.memref_slice %arg10[%run_scoped3A_25, %dma_start3A_157, %dma_start3A_158] : memref<2x80x128xf32, #tpu.memory_space<vmem>> -> memref<1x80x128xf32, #tpu.memory_space<vmem>>
      %dma_start3A_160 = tpu.memref_squeeze %dma_start3A_159 : memref<1x80x128xf32, #tpu.memory_space<vmem>> -> memref<80x128xf32, #tpu.memory_space<vmem>>
      %dma_start3A_161 = arith.constant 0 : i32
      %dma_start3A_162 = tpu.memref_slice %arg11[%add3A_24, %dma_start3A_161] : memref<10240x128xf32, #tpu.memory_space<vmem_shared>> -> memref<80x128xf32, #tpu.memory_space<vmem_shared>>
      %dma_start3A_163 = arith.constant 0 : i32
      %dma_start3A_164 = tpu.memref_slice %arg11[%add3A_24, %dma_start3A_163] : memref<10240x128xf32, #tpu.memory_space<vmem_shared>> -> memref<80x128xf32, #tpu.memory_space<vmem_shared>>
      %dma_start3A_165 = arith.constant 0 : i32
      %dma_start3A_166 = arith.constant 0 : i32
      %dma_start3A_167 = tpu.memref_slice %arg10[%run_scoped3A_25, %dma_start3A_165, %dma_start3A_166] : memref<2x80x128xf32, #tpu.memory_space<vmem>> -> memref<1x80x128xf32, #tpu.memory_space<vmem>>
      %dma_start3A_168 = tpu.memref_squeeze %dma_start3A_167 : memref<1x80x128xf32, #tpu.memory_space<vmem>> -> memref<80x128xf32, #tpu.memory_space<vmem>>
      tpu.enqueue_dma source(%dma_start3A_168 : memref<80x128xf32, #tpu.memory_space<vmem>>) target(%dma_start3A_164 : memref<80x128xf32, #tpu.memory_space<vmem_shared>>) target_semaphore(%run_scoped3A_156 : memref<!tpu.dma_semaphore, #tpu.memory_space<semaphore_mem>>)
      %dma_wait3A_169 = arith.constant 0 : i32
      %dma_wait3A_170 = arith.constant 0 : i32
      %dma_wait3A_171 = tpu.memref_slice %arg10[%run_scoped3A_25, %dma_wait3A_169, %dma_wait3A_170] : memref<2x80x128xf32, #tpu.memory_space<vmem>> -> memref<1x80x128xf32, #tpu.memory_space<vmem>>
      %dma_wait3A_172 = tpu.memref_squeeze %dma_wait3A_171 : memref<1x80x128xf32, #tpu.memory_space<vmem>> -> memref<80x128xf32, #tpu.memory_space<vmem>>
      %dma_wait3A_173 = arith.constant 0 : i32
      %dma_wait3A_174 = tpu.memref_slice %arg11[%add3A_24, %dma_wait3A_173] : memref<10240x128xf32, #tpu.memory_space<vmem_shared>> -> memref<80x128xf32, #tpu.memory_space<vmem_shared>>
      %dma_wait3A_175 = arith.constant 0 : i32
      %dma_wait3A_176 = tpu.memref_slice %arg11[%add3A_24, %dma_wait3A_175] : memref<10240x128xf32, #tpu.memory_space<vmem_shared>> -> memref<80x128xf32, #tpu.memory_space<vmem_shared>>
      %dma_wait3A_177 = arith.constant 0 : i32
      %dma_wait3A_178 = arith.constant 0 : i32
      %dma_wait3A_179 = tpu.memref_slice %arg10[%run_scoped3A_25, %dma_wait3A_177, %dma_wait3A_178] : memref<2x80x128xf32, #tpu.memory_space<vmem>> -> memref<1x80x128xf32, #tpu.memory_space<vmem>>
      %dma_wait3A_180 = tpu.memref_squeeze %dma_wait3A_179 : memref<1x80x128xf32, #tpu.memory_space<vmem>> -> memref<80x128xf32, #tpu.memory_space<vmem>>
      tpu.wait_dma2 semaphore(%run_scoped3A_156 : memref<!tpu.dma_semaphore, #tpu.memory_space<semaphore_mem>>) src(%dma_wait3A_180 : memref<80x128xf32, #tpu.memory_space<vmem>>) dst(%dma_wait3A_176 : memref<80x128xf32, #tpu.memory_space<vmem_shared>>)
      tpu.yield
    }) : () -> ()
    %add3A_26 = arith.constant 480 : i32
    %add3A_27 = arith.addi %mul3A_8, %add3A_26 : i32
    %run_scoped3A_28 = arith.constant 0 : i32
    "tpu.region"() ({
      %run_scoped3A_156 = tpu.sem_alloc : memref<!tpu.dma_semaphore, #tpu.memory_space<semaphore_mem>>
      %dma_start3A_157 = arith.constant 0 : i32
      %dma_start3A_158 = arith.constant 0 : i32
      %dma_start3A_159 = tpu.memref_slice %arg10[%run_scoped3A_28, %dma_start3A_157, %dma_start3A_158] : memref<2x80x128xf32, #tpu.memory_space<vmem>> -> memref<1x80x128xf32, #tpu.memory_space<vmem>>
      %dma_start3A_160 = tpu.memref_squeeze %dma_start3A_159 : memref<1x80x128xf32, #tpu.memory_space<vmem>> -> memref<80x128xf32, #tpu.memory_space<vmem>>
      %dma_start3A_161 = arith.constant 0 : i32
      %dma_start3A_162 = tpu.memref_slice %arg11[%add3A_27, %dma_start3A_161] : memref<10240x128xf32, #tpu.memory_space<vmem_shared>> -> memref<80x128xf32, #tpu.memory_space<vmem_shared>>
      %dma_start3A_163 = arith.constant 0 : i32
      %dma_start3A_164 = tpu.memref_slice %arg11[%add3A_27, %dma_start3A_163] : memref<10240x128xf32, #tpu.memory_space<vmem_shared>> -> memref<80x128xf32, #tpu.memory_space<vmem_shared>>
      %dma_start3A_165 = arith.constant 0 : i32
      %dma_start3A_166 = arith.constant 0 : i32
      %dma_start3A_167 = tpu.memref_slice %arg10[%run_scoped3A_28, %dma_start3A_165, %dma_start3A_166] : memref<2x80x128xf32, #tpu.memory_space<vmem>> -> memref<1x80x128xf32, #tpu.memory_space<vmem>>
      %dma_start3A_168 = tpu.memref_squeeze %dma_start3A_167 : memref<1x80x128xf32, #tpu.memory_space<vmem>> -> memref<80x128xf32, #tpu.memory_space<vmem>>
      tpu.enqueue_dma source(%dma_start3A_168 : memref<80x128xf32, #tpu.memory_space<vmem>>) target(%dma_start3A_164 : memref<80x128xf32, #tpu.memory_space<vmem_shared>>) target_semaphore(%run_scoped3A_156 : memref<!tpu.dma_semaphore, #tpu.memory_space<semaphore_mem>>)
      %dma_wait3A_169 = arith.constant 0 : i32
      %dma_wait3A_170 = arith.constant 0 : i32
      %dma_wait3A_171 = tpu.memref_slice %arg10[%run_scoped3A_28, %dma_wait3A_169, %dma_wait3A_170] : memref<2x80x128xf32, #tpu.memory_space<vmem>> -> memref<1x80x128xf32, #tpu.memory_space<vmem>>
      %dma_wait3A_172 = tpu.memref_squeeze %dma_wait3A_171 : memref<1x80x128xf32, #tpu.memory_space<vmem>> -> memref<80x128xf32, #tpu.memory_space<vmem>>
      %dma_wait3A_173 = arith.constant 0 : i32
      %dma_wait3A_174 = tpu.memref_slice %arg11[%add3A_27, %dma_wait3A_173] : memref<10240x128xf32, #tpu.memory_space<vmem_shared>> -> memref<80x128xf32, #tpu.memory_space<vmem_shared>>
      %dma_wait3A_175 = arith.constant 0 : i32
      %dma_wait3A_176 = tpu.memref_slice %arg11[%add3A_27, %dma_wait3A_175] : memref<10240x128xf32, #tpu.memory_space<vmem_shared>> -> memref<80x128xf32, #tpu.memory_space<vmem_shared>>
      %dma_wait3A_177 = arith.constant 0 : i32
      %dma_wait3A_178 = arith.constant 0 : i32
      %dma_wait3A_179 = tpu.memref_slice %arg10[%run_scoped3A_28, %dma_wait3A_177, %dma_wait3A_178] : memref<2x80x128xf32, #tpu.memory_space<vmem>> -> memref<1x80x128xf32, #tpu.memory_space<vmem>>
      %dma_wait3A_180 = tpu.memref_squeeze %dma_wait3A_179 : memref<1x80x128xf32, #tpu.memory_space<vmem>> -> memref<80x128xf32, #tpu.memory_space<vmem>>
      tpu.wait_dma2 semaphore(%run_scoped3A_156 : memref<!tpu.dma_semaphore, #tpu.memory_space<semaphore_mem>>) src(%dma_wait3A_180 : memref<80x128xf32, #tpu.memory_space<vmem>>) dst(%dma_wait3A_176 : memref<80x128xf32, #tpu.memory_space<vmem_shared>>)
      tpu.yield
    }) : () -> ()
    %add3A_29 = arith.constant 560 : i32
    %add3A_30 = arith.addi %mul3A_8, %add3A_29 : i32
    %run_scoped3A_31 = arith.constant 0 : i32
    "tpu.region"() ({
      %run_scoped3A_156 = tpu.sem_alloc : memref<!tpu.dma_semaphore, #tpu.memory_space<semaphore_mem>>
      %dma_start3A_157 = arith.constant 0 : i32
      %dma_start3A_158 = arith.constant 0 : i32
      %dma_start3A_159 = tpu.memref_slice %arg10[%run_scoped3A_31, %dma_start3A_157, %dma_start3A_158] : memref<2x80x128xf32, #tpu.memory_space<vmem>> -> memref<1x80x128xf32, #tpu.memory_space<vmem>>
      %dma_start3A_160 = tpu.memref_squeeze %dma_start3A_159 : memref<1x80x128xf32, #tpu.memory_space<vmem>> -> memref<80x128xf32, #tpu.memory_space<vmem>>
      %dma_start3A_161 = arith.constant 0 : i32
      %dma_start3A_162 = tpu.memref_slice %arg11[%add3A_30, %dma_start3A_161] : memref<10240x128xf32, #tpu.memory_space<vmem_shared>> -> memref<80x128xf32, #tpu.memory_space<vmem_shared>>
      %dma_start3A_163 = arith.constant 0 : i32
      %dma_start3A_164 = tpu.memref_slice %arg11[%add3A_30, %dma_start3A_163] : memref<10240x128xf32, #tpu.memory_space<vmem_shared>> -> memref<80x128xf32, #tpu.memory_space<vmem_shared>>
      %dma_start3A_165 = arith.constant 0 : i32
      %dma_start3A_166 = arith.constant 0 : i32
      %dma_start3A_167 = tpu.memref_slice %arg10[%run_scoped3A_31, %dma_start3A_165, %dma_start3A_166] : memref<2x80x128xf32, #tpu.memory_space<vmem>> -> memref<1x80x128xf32, #tpu.memory_space<vmem>>
      %dma_start3A_168 = tpu.memref_squeeze %dma_start3A_167 : memref<1x80x128xf32, #tpu.memory_space<vmem>> -> memref<80x128xf32, #tpu.memory_space<vmem>>
      tpu.enqueue_dma source(%dma_start3A_168 : memref<80x128xf32, #tpu.memory_space<vmem>>) target(%dma_start3A_164 : memref<80x128xf32, #tpu.memory_space<vmem_shared>>) target_semaphore(%run_scoped3A_156 : memref<!tpu.dma_semaphore, #tpu.memory_space<semaphore_mem>>)
      %dma_wait3A_169 = arith.constant 0 : i32
      %dma_wait3A_170 = arith.constant 0 : i32
      %dma_wait3A_171 = tpu.memref_slice %arg10[%run_scoped3A_31, %dma_wait3A_169, %dma_wait3A_170] : memref<2x80x128xf32, #tpu.memory_space<vmem>> -> memref<1x80x128xf32, #tpu.memory_space<vmem>>
      %dma_wait3A_172 = tpu.memref_squeeze %dma_wait3A_171 : memref<1x80x128xf32, #tpu.memory_space<vmem>> -> memref<80x128xf32, #tpu.memory_space<vmem>>
      %dma_wait3A_173 = arith.constant 0 : i32
      %dma_wait3A_174 = tpu.memref_slice %arg11[%add3A_30, %dma_wait3A_173] : memref<10240x128xf32, #tpu.memory_space<vmem_shared>> -> memref<80x128xf32, #tpu.memory_space<vmem_shared>>
      %dma_wait3A_175 = arith.constant 0 : i32
      %dma_wait3A_176 = tpu.memref_slice %arg11[%add3A_30, %dma_wait3A_175] : memref<10240x128xf32, #tpu.memory_space<vmem_shared>> -> memref<80x128xf32, #tpu.memory_space<vmem_shared>>
      %dma_wait3A_177 = arith.constant 0 : i32
      %dma_wait3A_178 = arith.constant 0 : i32
      %dma_wait3A_179 = tpu.memref_slice %arg10[%run_scoped3A_31, %dma_wait3A_177, %dma_wait3A_178] : memref<2x80x128xf32, #tpu.memory_space<vmem>> -> memref<1x80x128xf32, #tpu.memory_space<vmem>>
      %dma_wait3A_180 = tpu.memref_squeeze %dma_wait3A_179 : memref<1x80x128xf32, #tpu.memory_space<vmem>> -> memref<80x128xf32, #tpu.memory_space<vmem>>
      tpu.wait_dma2 semaphore(%run_scoped3A_156 : memref<!tpu.dma_semaphore, #tpu.memory_space<semaphore_mem>>) src(%dma_wait3A_180 : memref<80x128xf32, #tpu.memory_space<vmem>>) dst(%dma_wait3A_176 : memref<80x128xf32, #tpu.memory_space<vmem_shared>>)
      tpu.yield
    }) : () -> ()
    %barrier3A = arith.constant 0 : index
    tpu.barrier barrier_id(%barrier3A)
    %lt3A = arith.constant 0 : i32
    %lt3A_32 = arith.cmpi slt, %add3A, %lt3A : i32
    %jit3A = arith.constant 1 : i32
    %jit3A_33 = arith.constant 0 : i32
    %select_n3A = arith.select %lt3A_32, %jit3A, %jit3A_33 : i32
    %add3A_34 = arith.constant 125 : i32
    %add3A_35 = arith.addi %add3A_34, %select_n3A : i32
    %add3A_36 = arith.constant 0 : i32
    %add3A_37 = arith.addi %add3A, %add3A_36 : i32
    %mul3A_38 = arith.constant 80 : i32
    %mul3A_39 = arith.muli %add3A_37, %mul3A_38 : i32
    %multiple_of3A = tpu.assume_multiple %mul3A_39, 80 : i32
    %dma_start3A = arith.constant 0 : i32
    %dma_start3A_40 = arith.constant 0 : i32
    %dma_start3A_41 = arith.constant 0 : i32
    %dma_start3A_42 = tpu.memref_slice %arg7[%dma_start3A, %dma_start3A_41] : memref<2x80xi32, #tpu.memory_space<vmem>> -> memref<1x80xi32, #tpu.memory_space<vmem>>
    %dma_start3A_43 = tpu.memref_squeeze %dma_start3A_42 : memref<1x80xi32, #tpu.memory_space<vmem>> -> memref<80xi32, #tpu.memory_space<vmem>>
    %dma_start3A_44 = tpu.memref_slice %arg3[%multiple_of3A] : memref<320000xi32, #tpu.memory_space<hbm>> -> memref<80xi32, #tpu.memory_space<hbm>>
    %dma_start3A_45 = tpu.memref_slice %arg12[%dma_start3A_40] : memref<2x!tpu.dma_semaphore, #tpu.memory_space<semaphore_mem>> -> memref<1x!tpu.dma_semaphore, #tpu.memory_space<semaphore_mem>>
    %dma_start3A_46 = tpu.memref_squeeze %dma_start3A_45 : memref<1x!tpu.dma_semaphore, #tpu.memory_space<semaphore_mem>> -> memref<!tpu.dma_semaphore, #tpu.memory_space<semaphore_mem>>
    %dma_start3A_47 = arith.constant 0 : i32
    %dma_start3A_48 = tpu.memref_slice %arg7[%dma_start3A, %dma_start3A_47] : memref<2x80xi32, #tpu.memory_space<vmem>> -> memref<1x80xi32, #tpu.memory_space<vmem>>
    %dma_start3A_49 = tpu.memref_squeeze %dma_start3A_48 : memref<1x80xi32, #tpu.memory_space<vmem>> -> memref<80xi32, #tpu.memory_space<vmem>>
    %dma_start3A_50 = tpu.memref_slice %arg3[%multiple_of3A] : memref<320000xi32, #tpu.memory_space<hbm>> -> memref<80xi32, #tpu.memory_space<hbm>>
    tpu.enqueue_dma source(%dma_start3A_50 : memref<80xi32, #tpu.memory_space<hbm>>) target(%dma_start3A_49 : memref<80xi32, #tpu.memory_space<vmem>>) target_semaphore(%dma_start3A_46 : memref<!tpu.dma_semaphore, #tpu.memory_space<semaphore_mem>>)
    %dma_start3A_51 = arith.constant 0 : i32
    %dma_start3A_52 = arith.constant 0 : i32
    %dma_start3A_53 = arith.constant 0 : i32
    %dma_start3A_54 = tpu.memref_slice %arg8[%dma_start3A_51, %dma_start3A_53] : memref<2x80xi32, #tpu.memory_space<vmem>> -> memref<1x80xi32, #tpu.memory_space<vmem>>
    %dma_start3A_55 = tpu.memref_squeeze %dma_start3A_54 : memref<1x80xi32, #tpu.memory_space<vmem>> -> memref<80xi32, #tpu.memory_space<vmem>>
    %dma_start3A_56 = tpu.memref_slice %arg4[%multiple_of3A] : memref<320000xi32, #tpu.memory_space<hbm>> -> memref<80xi32, #tpu.memory_space<hbm>>
    %dma_start3A_57 = tpu.memref_slice %arg12[%dma_start3A_52] : memref<2x!tpu.dma_semaphore, #tpu.memory_space<semaphore_mem>> -> memref<1x!tpu.dma_semaphore, #tpu.memory_space<semaphore_mem>>
    %dma_start3A_58 = tpu.memref_squeeze %dma_start3A_57 : memref<1x!tpu.dma_semaphore, #tpu.memory_space<semaphore_mem>> -> memref<!tpu.dma_semaphore, #tpu.memory_space<semaphore_mem>>
    %dma_start3A_59 = arith.constant 0 : i32
    %dma_start3A_60 = tpu.memref_slice %arg8[%dma_start3A_51, %dma_start3A_59] : memref<2x80xi32, #tpu.memory_space<vmem>> -> memref<1x80xi32, #tpu.memory_space<vmem>>
    %dma_start3A_61 = tpu.memref_squeeze %dma_start3A_60 : memref<1x80xi32, #tpu.memory_space<vmem>> -> memref<80xi32, #tpu.memory_space<vmem>>
    %dma_start3A_62 = tpu.memref_slice %arg4[%multiple_of3A] : memref<320000xi32, #tpu.memory_space<hbm>> -> memref<80xi32, #tpu.memory_space<hbm>>
    tpu.enqueue_dma source(%dma_start3A_62 : memref<80xi32, #tpu.memory_space<hbm>>) target(%dma_start3A_61 : memref<80xi32, #tpu.memory_space<vmem>>) target_semaphore(%dma_start3A_58 : memref<!tpu.dma_semaphore, #tpu.memory_space<semaphore_mem>>)
    %dma_wait3A = arith.constant 0 : i32
    %dma_wait3A_63 = arith.constant 0 : i32
    %dma_wait3A_64 = arith.constant 0 : i32
    %dma_wait3A_65 = tpu.memref_slice %arg7[%dma_wait3A, %dma_wait3A_64] : memref<2x80xi32, #tpu.memory_space<vmem>> -> memref<1x80xi32, #tpu.memory_space<vmem>>
    %dma_wait3A_66 = tpu.memref_squeeze %dma_wait3A_65 : memref<1x80xi32, #tpu.memory_space<vmem>> -> memref<80xi32, #tpu.memory_space<vmem>>
    %dma_wait3A_67 = arith.constant 0 : i32
    %dma_wait3A_68 = tpu.memref_slice %arg3[%dma_wait3A_67] : memref<320000xi32, #tpu.memory_space<hbm>> -> memref<80xi32, #tpu.memory_space<hbm>>
    %dma_wait3A_69 = tpu.memref_slice %arg12[%dma_wait3A_63] : memref<2x!tpu.dma_semaphore, #tpu.memory_space<semaphore_mem>> -> memref<1x!tpu.dma_semaphore, #tpu.memory_space<semaphore_mem>>
    %dma_wait3A_70 = tpu.memref_squeeze %dma_wait3A_69 : memref<1x!tpu.dma_semaphore, #tpu.memory_space<semaphore_mem>> -> memref<!tpu.dma_semaphore, #tpu.memory_space<semaphore_mem>>
    %dma_wait3A_71 = arith.constant 0 : i32
    %dma_wait3A_72 = tpu.memref_slice %arg7[%dma_wait3A, %dma_wait3A_71] : memref<2x80xi32, #tpu.memory_space<vmem>> -> memref<1x80xi32, #tpu.memory_space<vmem>>
    %dma_wait3A_73 = tpu.memref_squeeze %dma_wait3A_72 : memref<1x80xi32, #tpu.memory_space<vmem>> -> memref<80xi32, #tpu.memory_space<vmem>>
    %dma_wait3A_74 = arith.constant 0 : i32
    %dma_wait3A_75 = tpu.memref_slice %arg3[%dma_wait3A_74] : memref<320000xi32, #tpu.memory_space<hbm>> -> memref<80xi32, #tpu.memory_space<hbm>>
    tpu.wait_dma2 semaphore(%dma_wait3A_70 : memref<!tpu.dma_semaphore, #tpu.memory_space<semaphore_mem>>) src(%dma_wait3A_75 : memref<80xi32, #tpu.memory_space<hbm>>) dst(%dma_wait3A_73 : memref<80xi32, #tpu.memory_space<vmem>>)
    %dma_wait3A_76 = arith.constant 0 : i32
    %dma_wait3A_77 = arith.constant 0 : i32
    %dma_wait3A_78 = arith.constant 0 : i32
    %dma_wait3A_79 = tpu.memref_slice %arg8[%dma_wait3A_76, %dma_wait3A_78] : memref<2x80xi32, #tpu.memory_space<vmem>> -> memref<1x80xi32, #tpu.memory_space<vmem>>
    %dma_wait3A_80 = tpu.memref_squeeze %dma_wait3A_79 : memref<1x80xi32, #tpu.memory_space<vmem>> -> memref<80xi32, #tpu.memory_space<vmem>>
    %dma_wait3A_81 = arith.constant 0 : i32
    %dma_wait3A_82 = tpu.memref_slice %arg4[%dma_wait3A_81] : memref<320000xi32, #tpu.memory_space<hbm>> -> memref<80xi32, #tpu.memory_space<hbm>>
    %dma_wait3A_83 = tpu.memref_slice %arg12[%dma_wait3A_77] : memref<2x!tpu.dma_semaphore, #tpu.memory_space<semaphore_mem>> -> memref<1x!tpu.dma_semaphore, #tpu.memory_space<semaphore_mem>>
    %dma_wait3A_84 = tpu.memref_squeeze %dma_wait3A_83 : memref<1x!tpu.dma_semaphore, #tpu.memory_space<semaphore_mem>> -> memref<!tpu.dma_semaphore, #tpu.memory_space<semaphore_mem>>
    %dma_wait3A_85 = arith.constant 0 : i32
    %dma_wait3A_86 = tpu.memref_slice %arg8[%dma_wait3A_76, %dma_wait3A_85] : memref<2x80xi32, #tpu.memory_space<vmem>> -> memref<1x80xi32, #tpu.memory_space<vmem>>
    %dma_wait3A_87 = tpu.memref_squeeze %dma_wait3A_86 : memref<1x80xi32, #tpu.memory_space<vmem>> -> memref<80xi32, #tpu.memory_space<vmem>>
    %dma_wait3A_88 = arith.constant 0 : i32
    %dma_wait3A_89 = tpu.memref_slice %arg4[%dma_wait3A_88] : memref<320000xi32, #tpu.memory_space<hbm>> -> memref<80xi32, #tpu.memory_space<hbm>>
    tpu.wait_dma2 semaphore(%dma_wait3A_84 : memref<!tpu.dma_semaphore, #tpu.memory_space<semaphore_mem>>) src(%dma_wait3A_89 : memref<80xi32, #tpu.memory_space<hbm>>) dst(%dma_wait3A_87 : memref<80xi32, #tpu.memory_space<vmem>>)
    %add3A_90 = arith.constant 0 : i32
    %add3A_91 = arith.addi %add3A, %add3A_90 : i32
    %mul3A_92 = arith.constant 80 : i32
    %mul3A_93 = arith.muli %add3A_91, %mul3A_92 : i32
    %multiple_of3A_94 = tpu.assume_multiple %mul3A_93, 80 : i32
    %dma_start3A_95 = arith.constant 0 : i32
    %dma_start3A_96 = arith.constant 0 : i32
    %dma_start3A_97 = arith.constant 0 : i32
    %dma_start3A_98 = arith.constant 0 : i32
    %dma_start3A_99 = arith.constant 0 : i32
    %dma_start3A_100 = tpu.memref_slice %arg10[%dma_start3A_96, %dma_start3A_98, %dma_start3A_99] : memref<2x80x128xf32, #tpu.memory_space<vmem>> -> memref<1x80x128xf32, #tpu.memory_space<vmem>>
    %dma_start3A_101 = tpu.memref_squeeze %dma_start3A_100 : memref<1x80x128xf32, #tpu.memory_space<vmem>> -> memref<80x128xf32, #tpu.memory_space<vmem>>
    %dma_start3A_102 = arith.constant 0 : i32
    %dma_start3A_103 = tpu.memref_slice %arg7[%dma_start3A_95, %dma_start3A_102] : memref<2x80xi32, #tpu.memory_space<vmem>> -> memref<1x80xi32, #tpu.memory_space<vmem>>
    %dma_start3A_104 = tpu.memref_squeeze %dma_start3A_103 : memref<1x80xi32, #tpu.memory_space<vmem>> -> memref<80xi32, #tpu.memory_space<vmem>>
    %dma_start3A_105 = arith.constant 0 : i32
    %dma_start3A_106 = arith.constant 0 : i32
    %dma_start3A_107 = tpu.memref_slice %arg2[%dma_start3A_105, %dma_start3A_106] : memref<10000x128xf32, #tpu.memory_space<hbm>> -> memref<10000x128xf32, #tpu.memory_space<hbm>>
    %dma_start3A_108 = tpu.memref_slice %arg13[%dma_start3A_97] : memref<2x!tpu.dma_semaphore, #tpu.memory_space<semaphore_mem>> -> memref<1x!tpu.dma_semaphore, #tpu.memory_space<semaphore_mem>>
    %dma_start3A_109 = tpu.memref_squeeze %dma_start3A_108 : memref<1x!tpu.dma_semaphore, #tpu.memory_space<semaphore_mem>> -> memref<!tpu.dma_semaphore, #tpu.memory_space<semaphore_mem>>
    tpu.enqueue_indirect_dma source(%dma_start3A_107 : memref<10000x128xf32, #tpu.memory_space<hbm>>) target(%dma_start3A_101 : memref<80x128xf32, #tpu.memory_space<vmem>>) offsets(%dma_start3A_104 : memref<80xi32, #tpu.memory_space<vmem>>) semaphore(%dma_start3A_109 : memref<!tpu.dma_semaphore, #tpu.memory_space<semaphore_mem>>)
    %dma_start3A_110 = arith.constant 0 : i32
    %dma_start3A_111 = arith.constant 0 : i32
    %dma_start3A_112 = arith.constant 0 : i32
    %dma_start3A_113 = arith.constant 0 : i32
    %dma_start3A_114 = tpu.memref_slice %arg9[%dma_start3A_110, %dma_start3A_112, %dma_start3A_113] : memref<2x80x64xi32, #tpu.memory_space<vmem>> -> memref<1x80x64xi32, #tpu.memory_space<vmem>>
    %dma_start3A_115 = tpu.memref_squeeze %dma_start3A_114 : memref<1x80x64xi32, #tpu.memory_space<vmem>> -> memref<80x64xi32, #tpu.memory_space<vmem>>
    %dma_start3A_116 = arith.constant 0 : i32
    %dma_start3A_117 = tpu.memref_slice %arg5[%multiple_of3A_94, %dma_start3A_116] : memref<320000x64xi32, #tpu.memory_space<hbm>> -> memref<80x64xi32, #tpu.memory_space<hbm>>
    %dma_start3A_118 = tpu.memref_slice %arg14[%dma_start3A_111] : memref<2x!tpu.dma_semaphore, #tpu.memory_space<semaphore_mem>> -> memref<1x!tpu.dma_semaphore, #tpu.memory_space<semaphore_mem>>
    %dma_start3A_119 = tpu.memref_squeeze %dma_start3A_118 : memref<1x!tpu.dma_semaphore, #tpu.memory_space<semaphore_mem>> -> memref<!tpu.dma_semaphore, #tpu.memory_space<semaphore_mem>>
    %dma_start3A_120 = arith.constant 0 : i32
    %dma_start3A_121 = arith.constant 0 : i32
    %dma_start3A_122 = tpu.memref_slice %arg9[%dma_start3A_110, %dma_start3A_120, %dma_start3A_121] : memref<2x80x64xi32, #tpu.memory_space<vmem>> -> memref<1x80x64xi32, #tpu.memory_space<vmem>>
    %dma_start3A_123 = tpu.memref_squeeze %dma_start3A_122 : memref<1x80x64xi32, #tpu.memory_space<vmem>> -> memref<80x64xi32, #tpu.memory_space<vmem>>
    %dma_start3A_124 = arith.constant 0 : i32
    %dma_start3A_125 = tpu.memref_slice %arg5[%multiple_of3A_94, %dma_start3A_124] : memref<320000x64xi32, #tpu.memory_space<hbm>> -> memref<80x64xi32, #tpu.memory_space<hbm>>
    tpu.enqueue_dma source(%dma_start3A_125 : memref<80x64xi32, #tpu.memory_space<hbm>>) target(%dma_start3A_123 : memref<80x64xi32, #tpu.memory_space<vmem>>) target_semaphore(%dma_start3A_119 : memref<!tpu.dma_semaphore, #tpu.memory_space<semaphore_mem>>)
    %while3A = arith.constant 0 : i32
    %while3A_126 = arith.constant 0 : i32
    %while3A_127 = arith.subi %add3A_35, %while3A_126 : i32
    %while3A_128 = arith.addi %while3A_126, %while3A_127 : i32
    %while3A_129 = arith.constant 1 : i32
    %while3A_130 = arith.divsi %while3A_127, %while3A_129 : i32
    %while3A_131 = arith.muli %while3A_130, %while3A_129 : i32
    %while3A_132 = arith.addi %while3A_126, %while3A_131 : i32
    %while3A_133 = arith.constant 1 : i32
    scf.for %while3A_156 = %while3A_126 to %while3A_132 step %while3A_133  : i32 {
      %rem3A_157 = arith.constant 2 : i32
      %rem3A_158 = arith.remsi %while3A_156, %rem3A_157 : i32
      %add3A_159 = arith.constant 1 : i32
      %add3A_160 = arith.addi %while3A_156, %add3A_159 : i32
      %rem3A_161 = arith.constant 2 : i32
      %rem3A_162 = arith.remsi %add3A_160, %rem3A_161 : i32
      %add3A_163 = arith.constant 1 : i32
      %add3A_164 = arith.addi %while3A_156, %add3A_163 : i32
      %lt3A_165 = arith.cmpi slt, %add3A_164, %add3A_35 : i32
      %convert_element_type3A_166 = arith.extui %lt3A_165 : i1 to i32
      %cond3A_167 = arith.constant 0 : i32
      %cond3A_168 = arith.cmpi ne, %convert_element_type3A_166, %cond3A_167 : i32
      scf.if %cond3A_168 {
        %ge3A_211 = arith.constant 1 : i32
        %ge3A_212 = arith.cmpi sge, %while3A_156, %ge3A_211 : i32
        %convert_element_type3A_213 = arith.extui %ge3A_212 : i1 to i32
        %cond3A_214 = arith.constant 0 : i32
        %cond3A_215 = arith.cmpi ne, %convert_element_type3A_213, %cond3A_214 : i32
        scf.if %cond3A_215 {
          %dma_wait3A_302 = arith.constant 0 : i32
          %dma_wait3A_303 = arith.constant 0 : i32
          %dma_wait3A_304 = tpu.memref_slice %arg10[%rem3A_162, %dma_wait3A_302, %dma_wait3A_303] : memref<2x80x128xf32, #tpu.memory_space<vmem>> -> memref<1x80x128xf32, #tpu.memory_space<vmem>>
          %dma_wait3A_305 = tpu.memref_squeeze %dma_wait3A_304 : memref<1x80x128xf32, #tpu.memory_space<vmem>> -> memref<80x128xf32, #tpu.memory_space<vmem>>
          %dma_wait3A_306 = arith.constant 0 : i32
          %dma_wait3A_307 = tpu.memref_slice %arg8[%rem3A_162, %dma_wait3A_306] : memref<2x80xi32, #tpu.memory_space<vmem>> -> memref<1x80xi32, #tpu.memory_space<vmem>>
          %dma_wait3A_308 = tpu.memref_squeeze %dma_wait3A_307 : memref<1x80xi32, #tpu.memory_space<vmem>> -> memref<80xi32, #tpu.memory_space<vmem>>
          %dma_wait3A_309 = arith.constant 0 : i32
          %dma_wait3A_310 = arith.constant 0 : i32
          %dma_wait3A_311 = tpu.memref_slice %arg11[%dma_wait3A_309, %dma_wait3A_310] : memref<10240x128xf32, #tpu.memory_space<vmem_shared>> -> memref<10240x128xf32, #tpu.memory_space<vmem_shared>>
          %dma_wait3A_312 = tpu.memref_slice %arg15[%rem3A_162] : memref<2x!tpu.dma_semaphore, #tpu.memory_space<semaphore_mem>> -> memref<1x!tpu.dma_semaphore, #tpu.memory_space<semaphore_mem>>
          %dma_wait3A_313 = tpu.memref_squeeze %dma_wait3A_312 : memref<1x!tpu.dma_semaphore, #tpu.memory_space<semaphore_mem>> -> memref<!tpu.dma_semaphore, #tpu.memory_space<semaphore_mem>>
          tpu.wait_indirect_dma semaphore(%dma_wait3A_313 : memref<!tpu.dma_semaphore, #tpu.memory_space<semaphore_mem>>) src(%dma_wait3A_305 : memref<80x128xf32, #tpu.memory_space<vmem>>) dst(%dma_wait3A_311 : memref<10240x128xf32, #tpu.memory_space<vmem_shared>>)
        } else {
        }
        %add3A_216 = arith.constant 1 : i32
        %add3A_217 = arith.addi %while3A_156, %add3A_216 : i32
        %mul3A_218 = arith.constant 32 : i32
        %mul3A_219 = arith.muli %add3A_217, %mul3A_218 : i32
        %add3A_220 = arith.addi %add3A, %mul3A_219 : i32
        %mul3A_221 = arith.constant 80 : i32
        %mul3A_222 = arith.muli %add3A_220, %mul3A_221 : i32
        %multiple_of3A_223 = tpu.assume_multiple %mul3A_222, 80 : i32
        %dma_start3A_224 = arith.constant 0 : i32
        %dma_start3A_225 = tpu.memref_slice %arg7[%rem3A_162, %dma_start3A_224] : memref<2x80xi32, #tpu.memory_space<vmem>> -> memref<1x80xi32, #tpu.memory_space<vmem>>
        %dma_start3A_226 = tpu.memref_squeeze %dma_start3A_225 : memref<1x80xi32, #tpu.memory_space<vmem>> -> memref<80xi32, #tpu.memory_space<vmem>>
        %dma_start3A_227 = tpu.memref_slice %arg3[%multiple_of3A_223] : memref<320000xi32, #tpu.memory_space<hbm>> -> memref<80xi32, #tpu.memory_space<hbm>>
        %dma_start3A_228 = tpu.memref_slice %arg12[%rem3A_162] : memref<2x!tpu.dma_semaphore, #tpu.memory_space<semaphore_mem>> -> memref<1x!tpu.dma_semaphore, #tpu.memory_space<semaphore_mem>>
        %dma_start3A_229 = tpu.memref_squeeze %dma_start3A_228 : memref<1x!tpu.dma_semaphore, #tpu.memory_space<semaphore_mem>> -> memref<!tpu.dma_semaphore, #tpu.memory_space<semaphore_mem>>
        %dma_start3A_230 = arith.constant 0 : i32
        %dma_start3A_231 = tpu.memref_slice %arg7[%rem3A_162, %dma_start3A_230] : memref<2x80xi32, #tpu.memory_space<vmem>> -> memref<1x80xi32, #tpu.memory_space<vmem>>
        %dma_start3A_232 = tpu.memref_squeeze %dma_start3A_231 : memref<1x80xi32, #tpu.memory_space<vmem>> -> memref<80xi32, #tpu.memory_space<vmem>>
        %dma_start3A_233 = tpu.memref_slice %arg3[%multiple_of3A_223] : memref<320000xi32, #tpu.memory_space<hbm>> -> memref<80xi32, #tpu.memory_space<hbm>>
        tpu.enqueue_dma source(%dma_start3A_233 : memref<80xi32, #tpu.memory_space<hbm>>) target(%dma_start3A_232 : memref<80xi32, #tpu.memory_space<vmem>>) target_semaphore(%dma_start3A_229 : memref<!tpu.dma_semaphore, #tpu.memory_space<semaphore_mem>>)
        %dma_start3A_234 = arith.constant 0 : i32
        %dma_start3A_235 = tpu.memref_slice %arg8[%rem3A_162, %dma_start3A_234] : memref<2x80xi32, #tpu.memory_space<vmem>> -> memref<1x80xi32, #tpu.memory_space<vmem>>
        %dma_start3A_236 = tpu.memref_squeeze %dma_start3A_235 : memref<1x80xi32, #tpu.memory_space<vmem>> -> memref<80xi32, #tpu.memory_space<vmem>>
        %dma_start3A_237 = tpu.memref_slice %arg4[%multiple_of3A_223] : memref<320000xi32, #tpu.memory_space<hbm>> -> memref<80xi32, #tpu.memory_space<hbm>>
        %dma_start3A_238 = tpu.memref_slice %arg12[%rem3A_162] : memref<2x!tpu.dma_semaphore, #tpu.memory_space<semaphore_mem>> -> memref<1x!tpu.dma_semaphore, #tpu.memory_space<semaphore_mem>>
        %dma_start3A_239 = tpu.memref_squeeze %dma_start3A_238 : memref<1x!tpu.dma_semaphore, #tpu.memory_space<semaphore_mem>> -> memref<!tpu.dma_semaphore, #tpu.memory_space<semaphore_mem>>
        %dma_start3A_240 = arith.constant 0 : i32
        %dma_start3A_241 = tpu.memref_slice %arg8[%rem3A_162, %dma_start3A_240] : memref<2x80xi32, #tpu.memory_space<vmem>> -> memref<1x80xi32, #tpu.memory_space<vmem>>
        %dma_start3A_242 = tpu.memref_squeeze %dma_start3A_241 : memref<1x80xi32, #tpu.memory_space<vmem>> -> memref<80xi32, #tpu.memory_space<vmem>>
        %dma_start3A_243 = tpu.memref_slice %arg4[%multiple_of3A_223] : memref<320000xi32, #tpu.memory_space<hbm>> -> memref<80xi32, #tpu.memory_space<hbm>>
        tpu.enqueue_dma source(%dma_start3A_243 : memref<80xi32, #tpu.memory_space<hbm>>) target(%dma_start3A_242 : memref<80xi32, #tpu.memory_space<vmem>>) target_semaphore(%dma_start3A_239 : memref<!tpu.dma_semaphore, #tpu.memory_space<semaphore_mem>>)
        %dma_wait3A_244 = arith.constant 0 : i32
        %dma_wait3A_245 = tpu.memref_slice %arg7[%rem3A_162, %dma_wait3A_244] : memref<2x80xi32, #tpu.memory_space<vmem>> -> memref<1x80xi32, #tpu.memory_space<vmem>>
        %dma_wait3A_246 = tpu.memref_squeeze %dma_wait3A_245 : memref<1x80xi32, #tpu.memory_space<vmem>> -> memref<80xi32, #tpu.memory_space<vmem>>
        %dma_wait3A_247 = arith.constant 0 : i32
        %dma_wait3A_248 = tpu.memref_slice %arg3[%dma_wait3A_247] : memref<320000xi32, #tpu.memory_space<hbm>> -> memref<80xi32, #tpu.memory_space<hbm>>
        %dma_wait3A_249 = tpu.memref_slice %arg12[%rem3A_162] : memref<2x!tpu.dma_semaphore, #tpu.memory_space<semaphore_mem>> -> memref<1x!tpu.dma_semaphore, #tpu.memory_space<semaphore_mem>>
        %dma_wait3A_250 = tpu.memref_squeeze %dma_wait3A_249 : memref<1x!tpu.dma_semaphore, #tpu.memory_space<semaphore_mem>> -> memref<!tpu.dma_semaphore, #tpu.memory_space<semaphore_mem>>
        %dma_wait3A_251 = arith.constant 0 : i32
        %dma_wait3A_252 = tpu.memref_slice %arg7[%rem3A_162, %dma_wait3A_251] : memref<2x80xi32, #tpu.memory_space<vmem>> -> memref<1x80xi32, #tpu.memory_space<vmem>>
        %dma_wait3A_253 = tpu.memref_squeeze %dma_wait3A_252 : memref<1x80xi32, #tpu.memory_space<vmem>> -> memref<80xi32, #tpu.memory_space<vmem>>
        %dma_wait3A_254 = arith.constant 0 : i32
        %dma_wait3A_255 = tpu.memref_slice %arg3[%dma_wait3A_254] : memref<320000xi32, #tpu.memory_space<hbm>> -> memref<80xi32, #tpu.memory_space<hbm>>
        tpu.wait_dma2 semaphore(%dma_wait3A_250 : memref<!tpu.dma_semaphore, #tpu.memory_space<semaphore_mem>>) src(%dma_wait3A_255 : memref<80xi32, #tpu.memory_space<hbm>>) dst(%dma_wait3A_253 : memref<80xi32, #tpu.memory_space<vmem>>)
        %dma_wait3A_256 = arith.constant 0 : i32
        %dma_wait3A_257 = tpu.memref_slice %arg8[%rem3A_162, %dma_wait3A_256] : memref<2x80xi32, #tpu.memory_space<vmem>> -> memref<1x80xi32, #tpu.memory_space<vmem>>
        %dma_wait3A_258 = tpu.memref_squeeze %dma_wait3A_257 : memref<1x80xi32, #tpu.memory_space<vmem>> -> memref<80xi32, #tpu.memory_space<vmem>>
        %dma_wait3A_259 = arith.constant 0 : i32
        %dma_wait3A_260 = tpu.memref_slice %arg4[%dma_wait3A_259] : memref<320000xi32, #tpu.memory_space<hbm>> -> memref<80xi32, #tpu.memory_space<hbm>>
        %dma_wait3A_261 = tpu.memref_slice %arg12[%rem3A_162] : memref<2x!tpu.dma_semaphore, #tpu.memory_space<semaphore_mem>> -> memref<1x!tpu.dma_semaphore, #tpu.memory_space<semaphore_mem>>
        %dma_wait3A_262 = tpu.memref_squeeze %dma_wait3A_261 : memref<1x!tpu.dma_semaphore, #tpu.memory_space<semaphore_mem>> -> memref<!tpu.dma_semaphore, #tpu.memory_space<semaphore_mem>>
        %dma_wait3A_263 = arith.constant 0 : i32
        %dma_wait3A_264 = tpu.memref_slice %arg8[%rem3A_162, %dma_wait3A_263] : memref<2x80xi32, #tpu.memory_space<vmem>> -> memref<1x80xi32, #tpu.memory_space<vmem>>
        %dma_wait3A_265 = tpu.memref_squeeze %dma_wait3A_264 : memref<1x80xi32, #tpu.memory_space<vmem>> -> memref<80xi32, #tpu.memory_space<vmem>>
        %dma_wait3A_266 = arith.constant 0 : i32
        %dma_wait3A_267 = tpu.memref_slice %arg4[%dma_wait3A_266] : memref<320000xi32, #tpu.memory_space<hbm>> -> memref<80xi32, #tpu.memory_space<hbm>>
        tpu.wait_dma2 semaphore(%dma_wait3A_262 : memref<!tpu.dma_semaphore, #tpu.memory_space<semaphore_mem>>) src(%dma_wait3A_267 : memref<80xi32, #tpu.memory_space<hbm>>) dst(%dma_wait3A_265 : memref<80xi32, #tpu.memory_space<vmem>>)
        %add3A_268 = arith.constant 1 : i32
        %add3A_269 = arith.addi %while3A_156, %add3A_268 : i32
        %mul3A_270 = arith.constant 32 : i32
        %mul3A_271 = arith.muli %add3A_269, %mul3A_270 : i32
        %add3A_272 = arith.addi %add3A, %mul3A_271 : i32
        %mul3A_273 = arith.constant 80 : i32
        %mul3A_274 = arith.muli %add3A_272, %mul3A_273 : i32
        %multiple_of3A_275 = tpu.assume_multiple %mul3A_274, 80 : i32
        %dma_start3A_276 = arith.constant 0 : i32
        %dma_start3A_277 = arith.constant 0 : i32
        %dma_start3A_278 = tpu.memref_slice %arg10[%rem3A_162, %dma_start3A_276, %dma_start3A_277] : memref<2x80x128xf32, #tpu.memory_space<vmem>> -> memref<1x80x128xf32, #tpu.memory_space<vmem>>
        %dma_start3A_279 = tpu.memref_squeeze %dma_start3A_278 : memref<1x80x128xf32, #tpu.memory_space<vmem>> -> memref<80x128xf32, #tpu.memory_space<vmem>>
        %dma_start3A_280 = arith.constant 0 : i32
        %dma_start3A_281 = tpu.memref_slice %arg7[%rem3A_162, %dma_start3A_280] : memref<2x80xi32, #tpu.memory_space<vmem>> -> memref<1x80xi32, #tpu.memory_space<vmem>>
        %dma_start3A_282 = tpu.memref_squeeze %dma_start3A_281 : memref<1x80xi32, #tpu.memory_space<vmem>> -> memref<80xi32, #tpu.memory_space<vmem>>
        %dma_start3A_283 = arith.constant 0 : i32
        %dma_start3A_284 = arith.constant 0 : i32
        %dma_start3A_285 = tpu.memref_slice %arg2[%dma_start3A_283, %dma_start3A_284] : memref<10000x128xf32, #tpu.memory_space<hbm>> -> memref<10000x128xf32, #tpu.memory_space<hbm>>
        %dma_start3A_286 = tpu.memref_slice %arg13[%rem3A_162] : memref<2x!tpu.dma_semaphore, #tpu.memory_space<semaphore_mem>> -> memref<1x!tpu.dma_semaphore, #tpu.memory_space<semaphore_mem>>
        %dma_start3A_287 = tpu.memref_squeeze %dma_start3A_286 : memref<1x!tpu.dma_semaphore, #tpu.memory_space<semaphore_mem>> -> memref<!tpu.dma_semaphore, #tpu.memory_space<semaphore_mem>>
        tpu.enqueue_indirect_dma source(%dma_start3A_285 : memref<10000x128xf32, #tpu.memory_space<hbm>>) target(%dma_start3A_279 : memref<80x128xf32, #tpu.memory_space<vmem>>) offsets(%dma_start3A_282 : memref<80xi32, #tpu.memory_space<vmem>>) semaphore(%dma_start3A_287 : memref<!tpu.dma_semaphore, #tpu.memory_space<semaphore_mem>>)
        %dma_start3A_288 = arith.constant 0 : i32
        %dma_start3A_289 = arith.constant 0 : i32
        %dma_start3A_290 = tpu.memref_slice %arg9[%rem3A_162, %dma_start3A_288, %dma_start3A_289] : memref<2x80x64xi32, #tpu.memory_space<vmem>> -> memref<1x80x64xi32, #tpu.memory_space<vmem>>
        %dma_start3A_291 = tpu.memref_squeeze %dma_start3A_290 : memref<1x80x64xi32, #tpu.memory_space<vmem>> -> memref<80x64xi32, #tpu.memory_space<vmem>>
        %dma_start3A_292 = arith.constant 0 : i32
        %dma_start3A_293 = tpu.memref_slice %arg5[%multiple_of3A_275, %dma_start3A_292] : memref<320000x64xi32, #tpu.memory_space<hbm>> -> memref<80x64xi32, #tpu.memory_space<hbm>>
        %dma_start3A_294 = tpu.memref_slice %arg14[%rem3A_162] : memref<2x!tpu.dma_semaphore, #tpu.memory_space<semaphore_mem>> -> memref<1x!tpu.dma_semaphore, #tpu.memory_space<semaphore_mem>>
        %dma_start3A_295 = tpu.memref_squeeze %dma_start3A_294 : memref<1x!tpu.dma_semaphore, #tpu.memory_space<semaphore_mem>> -> memref<!tpu.dma_semaphore, #tpu.memory_space<semaphore_mem>>
        %dma_start3A_296 = arith.constant 0 : i32
        %dma_start3A_297 = arith.constant 0 : i32
        %dma_start3A_298 = tpu.memref_slice %arg9[%rem3A_162, %dma_start3A_296, %dma_start3A_297] : memref<2x80x64xi32, #tpu.memory_space<vmem>> -> memref<1x80x64xi32, #tpu.memory_space<vmem>>
        %dma_start3A_299 = tpu.memref_squeeze %dma_start3A_298 : memref<1x80x64xi32, #tpu.memory_space<vmem>> -> memref<80x64xi32, #tpu.memory_space<vmem>>
        %dma_start3A_300 = arith.constant 0 : i32
        %dma_start3A_301 = tpu.memref_slice %arg5[%multiple_of3A_275, %dma_start3A_300] : memref<320000x64xi32, #tpu.memory_space<hbm>> -> memref<80x64xi32, #tpu.memory_space<hbm>>
        tpu.enqueue_dma source(%dma_start3A_301 : memref<80x64xi32, #tpu.memory_space<hbm>>) target(%dma_start3A_299 : memref<80x64xi32, #tpu.memory_space<vmem>>) target_semaphore(%dma_start3A_295 : memref<!tpu.dma_semaphore, #tpu.memory_space<semaphore_mem>>)
      } else {
      }
      %dma_wait3A_169 = arith.constant 0 : i32
      %dma_wait3A_170 = arith.constant 0 : i32
      %dma_wait3A_171 = tpu.memref_slice %arg10[%rem3A_158, %dma_wait3A_169, %dma_wait3A_170] : memref<2x80x128xf32, #tpu.memory_space<vmem>> -> memref<1x80x128xf32, #tpu.memory_space<vmem>>
      %dma_wait3A_172 = tpu.memref_squeeze %dma_wait3A_171 : memref<1x80x128xf32, #tpu.memory_space<vmem>> -> memref<80x128xf32, #tpu.memory_space<vmem>>
      %dma_wait3A_173 = arith.constant 0 : i32
      %dma_wait3A_174 = tpu.memref_slice %arg7[%rem3A_158, %dma_wait3A_173] : memref<2x80xi32, #tpu.memory_space<vmem>> -> memref<1x80xi32, #tpu.memory_space<vmem>>
      %dma_wait3A_175 = tpu.memref_squeeze %dma_wait3A_174 : memref<1x80xi32, #tpu.memory_space<vmem>> -> memref<80xi32, #tpu.memory_space<vmem>>
      %dma_wait3A_176 = arith.constant 0 : i32
      %dma_wait3A_177 = arith.constant 0 : i32
      %dma_wait3A_178 = tpu.memref_slice %arg2[%dma_wait3A_176, %dma_wait3A_177] : memref<10000x128xf32, #tpu.memory_space<hbm>> -> memref<10000x128xf32, #tpu.memory_space<hbm>>
      %dma_wait3A_179 = tpu.memref_slice %arg13[%rem3A_158] : memref<2x!tpu.dma_semaphore, #tpu.memory_space<semaphore_mem>> -> memref<1x!tpu.dma_semaphore, #tpu.memory_space<semaphore_mem>>
      %dma_wait3A_180 = tpu.memref_squeeze %dma_wait3A_179 : memref<1x!tpu.dma_semaphore, #tpu.memory_space<semaphore_mem>> -> memref<!tpu.dma_semaphore, #tpu.memory_space<semaphore_mem>>
      tpu.wait_indirect_dma semaphore(%dma_wait3A_180 : memref<!tpu.dma_semaphore, #tpu.memory_space<semaphore_mem>>) src(%dma_wait3A_178 : memref<10000x128xf32, #tpu.memory_space<hbm>>) dst(%dma_wait3A_172 : memref<80x128xf32, #tpu.memory_space<vmem>>)
      %dma_wait3A_181 = arith.constant 0 : i32
      %dma_wait3A_182 = arith.constant 0 : i32
      %dma_wait3A_183 = tpu.memref_slice %arg9[%rem3A_158, %dma_wait3A_181, %dma_wait3A_182] : memref<2x80x64xi32, #tpu.memory_space<vmem>> -> memref<1x80x64xi32, #tpu.memory_space<vmem>>
      %dma_wait3A_184 = tpu.memref_squeeze %dma_wait3A_183 : memref<1x80x64xi32, #tpu.memory_space<vmem>> -> memref<80x64xi32, #tpu.memory_space<vmem>>
      %dma_wait3A_185 = arith.constant 0 : i32
      %dma_wait3A_186 = arith.constant 0 : i32
      %dma_wait3A_187 = tpu.memref_slice %arg5[%dma_wait3A_185, %dma_wait3A_186] : memref<320000x64xi32, #tpu.memory_space<hbm>> -> memref<80x64xi32, #tpu.memory_space<hbm>>
      %dma_wait3A_188 = tpu.memref_slice %arg14[%rem3A_158] : memref<2x!tpu.dma_semaphore, #tpu.memory_space<semaphore_mem>> -> memref<1x!tpu.dma_semaphore, #tpu.memory_space<semaphore_mem>>
      %dma_wait3A_189 = tpu.memref_squeeze %dma_wait3A_188 : memref<1x!tpu.dma_semaphore, #tpu.memory_space<semaphore_mem>> -> memref<!tpu.dma_semaphore, #tpu.memory_space<semaphore_mem>>
      %dma_wait3A_190 = arith.constant 0 : i32
      %dma_wait3A_191 = arith.constant 0 : i32
      %dma_wait3A_192 = tpu.memref_slice %arg9[%rem3A_158, %dma_wait3A_190, %dma_wait3A_191] : memref<2x80x64xi32, #tpu.memory_space<vmem>> -> memref<1x80x64xi32, #tpu.memory_space<vmem>>
      %dma_wait3A_193 = tpu.memref_squeeze %dma_wait3A_192 : memref<1x80x64xi32, #tpu.memory_space<vmem>> -> memref<80x64xi32, #tpu.memory_space<vmem>>
      %dma_wait3A_194 = arith.constant 0 : i32
      %dma_wait3A_195 = arith.constant 0 : i32
      %dma_wait3A_196 = tpu.memref_slice %arg5[%dma_wait3A_194, %dma_wait3A_195] : memref<320000x64xi32, #tpu.memory_space<hbm>> -> memref<80x64xi32, #tpu.memory_space<hbm>>
      tpu.wait_dma2 semaphore(%dma_wait3A_189 : memref<!tpu.dma_semaphore, #tpu.memory_space<semaphore_mem>>) src(%dma_wait3A_196 : memref<80x64xi32, #tpu.memory_space<hbm>>) dst(%dma_wait3A_193 : memref<80x64xi32, #tpu.memory_space<vmem>>)
      %parallel_loop3A = arith.constant 0 : i32
      %parallel_loop3A_197 = arith.constant 80 : i32
      %parallel_loop3A_198 = arith.constant 1 : i32
      scf.for %parallel_loop3A_211 = %parallel_loop3A to %parallel_loop3A_197 step %parallel_loop3A_198  : i32 {
        %parallel_loop3A_212 = arith.index_cast %rem3A_158 : i32 to index
        %parallel_loop3A_213 = arith.index_cast %parallel_loop3A_211 : i32 to index
        %parallel_loop3A_214 = arith.constant 0 : index
        %parallel_loop3A_215 = tpu.vector_load %arg9[%parallel_loop3A_212, %parallel_loop3A_213, %parallel_loop3A_214] {strides = array<i32>} : memref<2x80x64xi32, #tpu.memory_space<vmem>>, vector<16xi32>,
        %parallel_loop3A_216 = vector.bitcast %parallel_loop3A_215 : vector<16xi32> to vector<32xbf16>
        %parallel_loop3A_217 = tpu.unpack_subelements %parallel_loop3A_216, 0 {pack_format = #tpu.pack_format<interleaved>} : vector<32xbf16> -> vector<16xf32>
        %parallel_loop3A_218 = tpu.unpack_subelements %parallel_loop3A_216, 1 {pack_format = #tpu.pack_format<interleaved>} : vector<32xbf16> -> vector<16xf32>
        %parallel_loop3A_219 = arith.index_cast %rem3A_158 : i32 to index
        %parallel_loop3A_220 = arith.index_cast %parallel_loop3A_211 : i32 to index
        %parallel_loop3A_221 = arith.constant 0 : index
        %parallel_loop3A_222 = tpu.vector_load %arg10[%parallel_loop3A_219, %parallel_loop3A_220, %parallel_loop3A_221] {strides = array<i32>} : memref<2x80x128xf32, #tpu.memory_space<vmem>>, vector<16xf32>,
        %parallel_loop3A_223 = arith.addf %parallel_loop3A_222, %parallel_loop3A_217 : vector<16xf32>
        %parallel_loop3A_224 = arith.constant 0.000000e+00 : f32
        %parallel_loop3A_225 = vector.broadcast %parallel_loop3A_224 : f32 to vector<16xf32>
        %parallel_loop3A_226 = arith.maximumf %parallel_loop3A_223, %parallel_loop3A_225 : vector<16xf32>
        %parallel_loop3A_227 = arith.index_cast %rem3A_158 : i32 to index
        %parallel_loop3A_228 = arith.index_cast %parallel_loop3A_211 : i32 to index
        %parallel_loop3A_229 = arith.constant 0 : index
        %parallel_loop3A_230 = tpu.vector_load %arg10[%parallel_loop3A_227, %parallel_loop3A_228, %parallel_loop3A_229] {strides = array<i32>} : memref<2x80x128xf32, #tpu.memory_space<vmem>>, vector<16xf32>,
        tpu.vector_store %arg10[%parallel_loop3A_227, %parallel_loop3A_228, %parallel_loop3A_229], %parallel_loop3A_226 {strides = array<i32>} : memref<2x80x128xf32, #tpu.memory_space<vmem>>, vector<16xf32>,
        %parallel_loop3A_231 = arith.index_cast %rem3A_158 : i32 to index
        %parallel_loop3A_232 = arith.index_cast %parallel_loop3A_211 : i32 to index
        %parallel_loop3A_233 = arith.constant 16 : index
        %parallel_loop3A_234 = tpu.vector_load %arg10[%parallel_loop3A_231, %parallel_loop3A_232, %parallel_loop3A_233] {strides = array<i32>} : memref<2x80x128xf32, #tpu.memory_space<vmem>>, vector<16xf32>,
        %parallel_loop3A_235 = arith.addf %parallel_loop3A_234, %parallel_loop3A_218 : vector<16xf32>
        %parallel_loop3A_236 = arith.constant 0.000000e+00 : f32
        %parallel_loop3A_237 = vector.broadcast %parallel_loop3A_236 : f32 to vector<16xf32>
        %parallel_loop3A_238 = arith.maximumf %parallel_loop3A_235, %parallel_loop3A_237 : vector<16xf32>
        %parallel_loop3A_239 = arith.index_cast %rem3A_158 : i32 to index
        %parallel_loop3A_240 = arith.index_cast %parallel_loop3A_211 : i32 to index
        %parallel_loop3A_241 = arith.constant 16 : index
        %parallel_loop3A_242 = tpu.vector_load %arg10[%parallel_loop3A_239, %parallel_loop3A_240, %parallel_loop3A_241] {strides = array<i32>} : memref<2x80x128xf32, #tpu.memory_space<vmem>>, vector<16xf32>,
        tpu.vector_store %arg10[%parallel_loop3A_239, %parallel_loop3A_240, %parallel_loop3A_241], %parallel_loop3A_238 {strides = array<i32>} : memref<2x80x128xf32, #tpu.memory_space<vmem>>, vector<16xf32>,
        %parallel_loop3A_243 = arith.index_cast %rem3A_158 : i32 to index
        %parallel_loop3A_244 = arith.index_cast %parallel_loop3A_211 : i32 to index
        %parallel_loop3A_245 = arith.constant 16 : index
        %parallel_loop3A_246 = tpu.vector_load %arg9[%parallel_loop3A_243, %parallel_loop3A_244, %parallel_loop3A_245] {strides = array<i32>} : memref<2x80x64xi32, #tpu.memory_space<vmem>>, vector<16xi32>,
        %parallel_loop3A_247 = vector.bitcast %parallel_loop3A_246 : vector<16xi32> to vector<32xbf16>
        %parallel_loop3A_248 = tpu.unpack_subelements %parallel_loop3A_247, 0 {pack_format = #tpu.pack_format<interleaved>} : vector<32xbf16> -> vector<16xf32>
        %parallel_loop3A_249 = tpu.unpack_subelements %parallel_loop3A_247, 1 {pack_format = #tpu.pack_format<interleaved>} : vector<32xbf16> -> vector<16xf32>
        %parallel_loop3A_250 = arith.index_cast %rem3A_158 : i32 to index
        %parallel_loop3A_251 = arith.index_cast %parallel_loop3A_211 : i32 to index
        %parallel_loop3A_252 = arith.constant 32 : index
        %parallel_loop3A_253 = tpu.vector_load %arg10[%parallel_loop3A_250, %parallel_loop3A_251, %parallel_loop3A_252] {strides = array<i32>} : memref<2x80x128xf32, #tpu.memory_space<vmem>>, vector<16xf32>,
        %parallel_loop3A_254 = arith.addf %parallel_loop3A_253, %parallel_loop3A_248 : vector<16xf32>
        %parallel_loop3A_255 = arith.constant 0.000000e+00 : f32
        %parallel_loop3A_256 = vector.broadcast %parallel_loop3A_255 : f32 to vector<16xf32>
        %parallel_loop3A_257 = arith.maximumf %parallel_loop3A_254, %parallel_loop3A_256 : vector<16xf32>
        %parallel_loop3A_258 = arith.index_cast %rem3A_158 : i32 to index
        %parallel_loop3A_259 = arith.index_cast %parallel_loop3A_211 : i32 to index
        %parallel_loop3A_260 = arith.constant 32 : index
        %parallel_loop3A_261 = tpu.vector_load %arg10[%parallel_loop3A_258, %parallel_loop3A_259, %parallel_loop3A_260] {strides = array<i32>} : memref<2x80x128xf32, #tpu.memory_space<vmem>>, vector<16xf32>,
        tpu.vector_store %arg10[%parallel_loop3A_258, %parallel_loop3A_259, %parallel_loop3A_260], %parallel_loop3A_257 {strides = array<i32>} : memref<2x80x128xf32, #tpu.memory_space<vmem>>, vector<16xf32>,
        %parallel_loop3A_262 = arith.index_cast %rem3A_158 : i32 to index
        %parallel_loop3A_263 = arith.index_cast %parallel_loop3A_211 : i32 to index
        %parallel_loop3A_264 = arith.constant 48 : index
        %parallel_loop3A_265 = tpu.vector_load %arg10[%parallel_loop3A_262, %parallel_loop3A_263, %parallel_loop3A_264] {strides = array<i32>} : memref<2x80x128xf32, #tpu.memory_space<vmem>>, vector<16xf32>,
        %parallel_loop3A_266 = arith.addf %parallel_loop3A_265, %parallel_loop3A_249 : vector<16xf32>
        %parallel_loop3A_267 = arith.constant 0.000000e+00 : f32
        %parallel_loop3A_268 = vector.broadcast %parallel_loop3A_267 : f32 to vector<16xf32>
        %parallel_loop3A_269 = arith.maximumf %parallel_loop3A_266, %parallel_loop3A_268 : vector<16xf32>
        %parallel_loop3A_270 = arith.index_cast %rem3A_158 : i32 to index
        %parallel_loop3A_271 = arith.index_cast %parallel_loop3A_211 : i32 to index
        %parallel_loop3A_272 = arith.constant 48 : index
        %parallel_loop3A_273 = tpu.vector_load %arg10[%parallel_loop3A_270, %parallel_loop3A_271, %parallel_loop3A_272] {strides = array<i32>} : memref<2x80x128xf32, #tpu.memory_space<vmem>>, vector<16xf32>,
        tpu.vector_store %arg10[%parallel_loop3A_270, %parallel_loop3A_271, %parallel_loop3A_272], %parallel_loop3A_269 {strides = array<i32>} : memref<2x80x128xf32, #tpu.memory_space<vmem>>, vector<16xf32>,
        %parallel_loop3A_274 = arith.index_cast %rem3A_158 : i32 to index
        %parallel_loop3A_275 = arith.index_cast %parallel_loop3A_211 : i32 to index
        %parallel_loop3A_276 = arith.constant 32 : index
        %parallel_loop3A_277 = tpu.vector_load %arg9[%parallel_loop3A_274, %parallel_loop3A_275, %parallel_loop3A_276] {strides = array<i32>} : memref<2x80x64xi32, #tpu.memory_space<vmem>>, vector<16xi32>,
        %parallel_loop3A_278 = vector.bitcast %parallel_loop3A_277 : vector<16xi32> to vector<32xbf16>
        %parallel_loop3A_279 = tpu.unpack_subelements %parallel_loop3A_278, 0 {pack_format = #tpu.pack_format<interleaved>} : vector<32xbf16> -> vector<16xf32>
        %parallel_loop3A_280 = tpu.unpack_subelements %parallel_loop3A_278, 1 {pack_format = #tpu.pack_format<interleaved>} : vector<32xbf16> -> vector<16xf32>
        %parallel_loop3A_281 = arith.index_cast %rem3A_158 : i32 to index
        %parallel_loop3A_282 = arith.index_cast %parallel_loop3A_211 : i32 to index
        %parallel_loop3A_283 = arith.constant 64 : index
        %parallel_loop3A_284 = tpu.vector_load %arg10[%parallel_loop3A_281, %parallel_loop3A_282, %parallel_loop3A_283] {strides = array<i32>} : memref<2x80x128xf32, #tpu.memory_space<vmem>>, vector<16xf32>,
        %parallel_loop3A_285 = arith.addf %parallel_loop3A_284, %parallel_loop3A_279 : vector<16xf32>
        %parallel_loop3A_286 = arith.constant 0.000000e+00 : f32
        %parallel_loop3A_287 = vector.broadcast %parallel_loop3A_286 : f32 to vector<16xf32>
        %parallel_loop3A_288 = arith.maximumf %parallel_loop3A_285, %parallel_loop3A_287 : vector<16xf32>
        %parallel_loop3A_289 = arith.index_cast %rem3A_158 : i32 to index
        %parallel_loop3A_290 = arith.index_cast %parallel_loop3A_211 : i32 to index
        %parallel_loop3A_291 = arith.constant 64 : index
        %parallel_loop3A_292 = tpu.vector_load %arg10[%parallel_loop3A_289, %parallel_loop3A_290, %parallel_loop3A_291] {strides = array<i32>} : memref<2x80x128xf32, #tpu.memory_space<vmem>>, vector<16xf32>,
        tpu.vector_store %arg10[%parallel_loop3A_289, %parallel_loop3A_290, %parallel_loop3A_291], %parallel_loop3A_288 {strides = array<i32>} : memref<2x80x128xf32, #tpu.memory_space<vmem>>, vector<16xf32>,
        %parallel_loop3A_293 = arith.index_cast %rem3A_158 : i32 to index
        %parallel_loop3A_294 = arith.index_cast %parallel_loop3A_211 : i32 to index
        %parallel_loop3A_295 = arith.constant 80 : index
        %parallel_loop3A_296 = tpu.vector_load %arg10[%parallel_loop3A_293, %parallel_loop3A_294, %parallel_loop3A_295] {strides = array<i32>} : memref<2x80x128xf32, #tpu.memory_space<vmem>>, vector<16xf32>,
        %parallel_loop3A_297 = arith.addf %parallel_loop3A_296, %parallel_loop3A_280 : vector<16xf32>
        %parallel_loop3A_298 = arith.constant 0.000000e+00 : f32
        %parallel_loop3A_299 = vector.broadcast %parallel_loop3A_298 : f32 to vector<16xf32>
        %parallel_loop3A_300 = arith.maximumf %parallel_loop3A_297, %parallel_loop3A_299 : vector<16xf32>
        %parallel_loop3A_301 = arith.index_cast %rem3A_158 : i32 to index
        %parallel_loop3A_302 = arith.index_cast %parallel_loop3A_211 : i32 to index
        %parallel_loop3A_303 = arith.constant 80 : index
        %parallel_loop3A_304 = tpu.vector_load %arg10[%parallel_loop3A_301, %parallel_loop3A_302, %parallel_loop3A_303] {strides = array<i32>} : memref<2x80x128xf32, #tpu.memory_space<vmem>>, vector<16xf32>,
        tpu.vector_store %arg10[%parallel_loop3A_301, %parallel_loop3A_302, %parallel_loop3A_303], %parallel_loop3A_300 {strides = array<i32>} : memref<2x80x128xf32, #tpu.memory_space<vmem>>, vector<16xf32>,
        %parallel_loop3A_305 = arith.index_cast %rem3A_158 : i32 to index
        %parallel_loop3A_306 = arith.index_cast %parallel_loop3A_211 : i32 to index
        %parallel_loop3A_307 = arith.constant 48 : index
        %parallel_loop3A_308 = tpu.vector_load %arg9[%parallel_loop3A_305, %parallel_loop3A_306, %parallel_loop3A_307] {strides = array<i32>} : memref<2x80x64xi32, #tpu.memory_space<vmem>>, vector<16xi32>,
        %parallel_loop3A_309 = vector.bitcast %parallel_loop3A_308 : vector<16xi32> to vector<32xbf16>
        %parallel_loop3A_310 = tpu.unpack_subelements %parallel_loop3A_309, 0 {pack_format = #tpu.pack_format<interleaved>} : vector<32xbf16> -> vector<16xf32>
        %parallel_loop3A_311 = tpu.unpack_subelements %parallel_loop3A_309, 1 {pack_format = #tpu.pack_format<interleaved>} : vector<32xbf16> -> vector<16xf32>
        %parallel_loop3A_312 = arith.index_cast %rem3A_158 : i32 to index
        %parallel_loop3A_313 = arith.index_cast %parallel_loop3A_211 : i32 to index
        %parallel_loop3A_314 = arith.constant 96 : index
        %parallel_loop3A_315 = tpu.vector_load %arg10[%parallel_loop3A_312, %parallel_loop3A_313, %parallel_loop3A_314] {strides = array<i32>} : memref<2x80x128xf32, #tpu.memory_space<vmem>>, vector<16xf32>,
        %parallel_loop3A_316 = arith.addf %parallel_loop3A_315, %parallel_loop3A_310 : vector<16xf32>
        %parallel_loop3A_317 = arith.constant 0.000000e+00 : f32
        %parallel_loop3A_318 = vector.broadcast %parallel_loop3A_317 : f32 to vector<16xf32>
        %parallel_loop3A_319 = arith.maximumf %parallel_loop3A_316, %parallel_loop3A_318 : vector<16xf32>
        %parallel_loop3A_320 = arith.index_cast %rem3A_158 : i32 to index
        %parallel_loop3A_321 = arith.index_cast %parallel_loop3A_211 : i32 to index
        %parallel_loop3A_322 = arith.constant 96 : index
        %parallel_loop3A_323 = tpu.vector_load %arg10[%parallel_loop3A_320, %parallel_loop3A_321, %parallel_loop3A_322] {strides = array<i32>} : memref<2x80x128xf32, #tpu.memory_space<vmem>>, vector<16xf32>,
        tpu.vector_store %arg10[%parallel_loop3A_320, %parallel_loop3A_321, %parallel_loop3A_322], %parallel_loop3A_319 {strides = array<i32>} : memref<2x80x128xf32, #tpu.memory_space<vmem>>, vector<16xf32>,
        %parallel_loop3A_324 = arith.index_cast %rem3A_158 : i32 to index
        %parallel_loop3A_325 = arith.index_cast %parallel_loop3A_211 : i32 to index
        %parallel_loop3A_326 = arith.constant 112 : index
        %parallel_loop3A_327 = tpu.vector_load %arg10[%parallel_loop3A_324, %parallel_loop3A_325, %parallel_loop3A_326] {strides = array<i32>} : memref<2x80x128xf32, #tpu.memory_space<vmem>>, vector<16xf32>,
        %parallel_loop3A_328 = arith.addf %parallel_loop3A_327, %parallel_loop3A_311 : vector<16xf32>
        %parallel_loop3A_329 = arith.constant 0.000000e+00 : f32
        %parallel_loop3A_330 = vector.broadcast %parallel_loop3A_329 : f32 to vector<16xf32>
        %parallel_loop3A_331 = arith.maximumf %parallel_loop3A_328, %parallel_loop3A_330 : vector<16xf32>
        %parallel_loop3A_332 = arith.index_cast %rem3A_158 : i32 to index
        %parallel_loop3A_333 = arith.index_cast %parallel_loop3A_211 : i32 to index
        %parallel_loop3A_334 = arith.constant 112 : index
        %parallel_loop3A_335 = tpu.vector_load %arg10[%parallel_loop3A_332, %parallel_loop3A_333, %parallel_loop3A_334] {strides = array<i32>} : memref<2x80x128xf32, #tpu.memory_space<vmem>>, vector<16xf32>,
        tpu.vector_store %arg10[%parallel_loop3A_332, %parallel_loop3A_333, %parallel_loop3A_334], %parallel_loop3A_331 {strides = array<i32>} : memref<2x80x128xf32, #tpu.memory_space<vmem>>, vector<16xf32>,
      } {sc.loop_unroll_factor = 2 : i64, sc.parallel_access}
      %dma_start3A_199 = arith.constant 0 : i32
      %dma_start3A_200 = arith.constant 0 : i32
      %dma_start3A_201 = tpu.memref_slice %arg10[%rem3A_158, %dma_start3A_199, %dma_start3A_200] : memref<2x80x128xf32, #tpu.memory_space<vmem>> -> memref<1x80x128xf32, #tpu.memory_space<vmem>>
      %dma_start3A_202 = tpu.memref_squeeze %dma_start3A_201 : memref<1x80x128xf32, #tpu.memory_space<vmem>> -> memref<80x128xf32, #tpu.memory_space<vmem>>
      %dma_start3A_203 = arith.constant 0 : i32
      %dma_start3A_204 = tpu.memref_slice %arg8[%rem3A_158, %dma_start3A_203] : memref<2x80xi32, #tpu.memory_space<vmem>> -> memref<1x80xi32, #tpu.memory_space<vmem>>
      %dma_start3A_205 = tpu.memref_squeeze %dma_start3A_204 : memref<1x80xi32, #tpu.memory_space<vmem>> -> memref<80xi32, #tpu.memory_space<vmem>>
      %dma_start3A_206 = arith.constant 0 : i32
      %dma_start3A_207 = arith.constant 0 : i32
      %dma_start3A_208 = tpu.memref_slice %arg11[%dma_start3A_206, %dma_start3A_207] : memref<10240x128xf32, #tpu.memory_space<vmem_shared>> -> memref<10240x128xf32, #tpu.memory_space<vmem_shared>>
      %dma_start3A_209 = tpu.memref_slice %arg15[%rem3A_158] : memref<2x!tpu.dma_semaphore, #tpu.memory_space<semaphore_mem>> -> memref<1x!tpu.dma_semaphore, #tpu.memory_space<semaphore_mem>>
      %dma_start3A_210 = tpu.memref_squeeze %dma_start3A_209 : memref<1x!tpu.dma_semaphore, #tpu.memory_space<semaphore_mem>> -> memref<!tpu.dma_semaphore, #tpu.memory_space<semaphore_mem>>
      tpu.enqueue_indirect_dma source(%dma_start3A_202 : memref<80x128xf32, #tpu.memory_space<vmem>>) target(%dma_start3A_208 : memref<10240x128xf32, #tpu.memory_space<vmem_shared>>) offsets(%dma_start3A_205 : memref<80xi32, #tpu.memory_space<vmem>>) semaphore(%dma_start3A_210 : memref<!tpu.dma_semaphore, #tpu.memory_space<semaphore_mem>>) {add = true}
    }
    %while3A_134 = arith.constant 1 : i32
    scf.for %while3A_156 = %while3A_132 to %while3A_128 step %while3A_134  : i32 {
      %rem3A_157 = arith.constant 2 : i32
      %rem3A_158 = arith.remsi %while3A_156, %rem3A_157 : i32
      %add3A_159 = arith.constant 1 : i32
      %add3A_160 = arith.addi %while3A_156, %add3A_159 : i32
      %rem3A_161 = arith.constant 2 : i32
      %rem3A_162 = arith.remsi %add3A_160, %rem3A_161 : i32
      %add3A_163 = arith.constant 1 : i32
      %add3A_164 = arith.addi %while3A_156, %add3A_163 : i32
      %lt3A_165 = arith.cmpi slt, %add3A_164, %add3A_35 : i32
      %convert_element_type3A_166 = arith.extui %lt3A_165 : i1 to i32
      %cond3A_167 = arith.constant 0 : i32
      %cond3A_168 = arith.cmpi ne, %convert_element_type3A_166, %cond3A_167 : i32
      scf.if %cond3A_168 {
        %ge3A_211 = arith.constant 1 : i32
        %ge3A_212 = arith.cmpi sge, %while3A_156, %ge3A_211 : i32
        %convert_element_type3A_213 = arith.extui %ge3A_212 : i1 to i32
        %cond3A_214 = arith.constant 0 : i32
        %cond3A_215 = arith.cmpi ne, %convert_element_type3A_213, %cond3A_214 : i32
        scf.if %cond3A_215 {
          %dma_wait3A_302 = arith.constant 0 : i32
          %dma_wait3A_303 = arith.constant 0 : i32
          %dma_wait3A_304 = tpu.memref_slice %arg10[%rem3A_162, %dma_wait3A_302, %dma_wait3A_303] : memref<2x80x128xf32, #tpu.memory_space<vmem>> -> memref<1x80x128xf32, #tpu.memory_space<vmem>>
          %dma_wait3A_305 = tpu.memref_squeeze %dma_wait3A_304 : memref<1x80x128xf32, #tpu.memory_space<vmem>> -> memref<80x128xf32, #tpu.memory_space<vmem>>
          %dma_wait3A_306 = arith.constant 0 : i32
          %dma_wait3A_307 = tpu.memref_slice %arg8[%rem3A_162, %dma_wait3A_306] : memref<2x80xi32, #tpu.memory_space<vmem>> -> memref<1x80xi32, #tpu.memory_space<vmem>>
          %dma_wait3A_308 = tpu.memref_squeeze %dma_wait3A_307 : memref<1x80xi32, #tpu.memory_space<vmem>> -> memref<80xi32, #tpu.memory_space<vmem>>
          %dma_wait3A_309 = arith.constant 0 : i32
          %dma_wait3A_310 = arith.constant 0 : i32
          %dma_wait3A_311 = tpu.memref_slice %arg11[%dma_wait3A_309, %dma_wait3A_310] : memref<10240x128xf32, #tpu.memory_space<vmem_shared>> -> memref<10240x128xf32, #tpu.memory_space<vmem_shared>>
          %dma_wait3A_312 = tpu.memref_slice %arg15[%rem3A_162] : memref<2x!tpu.dma_semaphore, #tpu.memory_space<semaphore_mem>> -> memref<1x!tpu.dma_semaphore, #tpu.memory_space<semaphore_mem>>
          %dma_wait3A_313 = tpu.memref_squeeze %dma_wait3A_312 : memref<1x!tpu.dma_semaphore, #tpu.memory_space<semaphore_mem>> -> memref<!tpu.dma_semaphore, #tpu.memory_space<semaphore_mem>>
          tpu.wait_indirect_dma semaphore(%dma_wait3A_313 : memref<!tpu.dma_semaphore, #tpu.memory_space<semaphore_mem>>) src(%dma_wait3A_305 : memref<80x128xf32, #tpu.memory_space<vmem>>) dst(%dma_wait3A_311 : memref<10240x128xf32, #tpu.memory_space<vmem_shared>>)
        } else {
        }
        %add3A_216 = arith.constant 1 : i32
        %add3A_217 = arith.addi %while3A_156, %add3A_216 : i32
        %mul3A_218 = arith.constant 32 : i32
        %mul3A_219 = arith.muli %add3A_217, %mul3A_218 : i32
        %add3A_220 = arith.addi %add3A, %mul3A_219 : i32
        %mul3A_221 = arith.constant 80 : i32
        %mul3A_222 = arith.muli %add3A_220, %mul3A_221 : i32
        %multiple_of3A_223 = tpu.assume_multiple %mul3A_222, 80 : i32
        %dma_start3A_224 = arith.constant 0 : i32
        %dma_start3A_225 = tpu.memref_slice %arg7[%rem3A_162, %dma_start3A_224] : memref<2x80xi32, #tpu.memory_space<vmem>> -> memref<1x80xi32, #tpu.memory_space<vmem>>
        %dma_start3A_226 = tpu.memref_squeeze %dma_start3A_225 : memref<1x80xi32, #tpu.memory_space<vmem>> -> memref<80xi32, #tpu.memory_space<vmem>>
        %dma_start3A_227 = tpu.memref_slice %arg3[%multiple_of3A_223] : memref<320000xi32, #tpu.memory_space<hbm>> -> memref<80xi32, #tpu.memory_space<hbm>>
        %dma_start3A_228 = tpu.memref_slice %arg12[%rem3A_162] : memref<2x!tpu.dma_semaphore, #tpu.memory_space<semaphore_mem>> -> memref<1x!tpu.dma_semaphore, #tpu.memory_space<semaphore_mem>>
        %dma_start3A_229 = tpu.memref_squeeze %dma_start3A_228 : memref<1x!tpu.dma_semaphore, #tpu.memory_space<semaphore_mem>> -> memref<!tpu.dma_semaphore, #tpu.memory_space<semaphore_mem>>
        %dma_start3A_230 = arith.constant 0 : i32
        %dma_start3A_231 = tpu.memref_slice %arg7[%rem3A_162, %dma_start3A_230] : memref<2x80xi32, #tpu.memory_space<vmem>> -> memref<1x80xi32, #tpu.memory_space<vmem>>
        %dma_start3A_232 = tpu.memref_squeeze %dma_start3A_231 : memref<1x80xi32, #tpu.memory_space<vmem>> -> memref<80xi32, #tpu.memory_space<vmem>>
        %dma_start3A_233 = tpu.memref_slice %arg3[%multiple_of3A_223] : memref<320000xi32, #tpu.memory_space<hbm>> -> memref<80xi32, #tpu.memory_space<hbm>>
        tpu.enqueue_dma source(%dma_start3A_233 : memref<80xi32, #tpu.memory_space<hbm>>) target(%dma_start3A_232 : memref<80xi32, #tpu.memory_space<vmem>>) target_semaphore(%dma_start3A_229 : memref<!tpu.dma_semaphore, #tpu.memory_space<semaphore_mem>>)
        %dma_start3A_234 = arith.constant 0 : i32
        %dma_start3A_235 = tpu.memref_slice %arg8[%rem3A_162, %dma_start3A_234] : memref<2x80xi32, #tpu.memory_space<vmem>> -> memref<1x80xi32, #tpu.memory_space<vmem>>
        %dma_start3A_236 = tpu.memref_squeeze %dma_start3A_235 : memref<1x80xi32, #tpu.memory_space<vmem>> -> memref<80xi32, #tpu.memory_space<vmem>>
        %dma_start3A_237 = tpu.memref_slice %arg4[%multiple_of3A_223] : memref<320000xi32, #tpu.memory_space<hbm>> -> memref<80xi32, #tpu.memory_space<hbm>>
        %dma_start3A_238 = tpu.memref_slice %arg12[%rem3A_162] : memref<2x!tpu.dma_semaphore, #tpu.memory_space<semaphore_mem>> -> memref<1x!tpu.dma_semaphore, #tpu.memory_space<semaphore_mem>>
        %dma_start3A_239 = tpu.memref_squeeze %dma_start3A_238 : memref<1x!tpu.dma_semaphore, #tpu.memory_space<semaphore_mem>> -> memref<!tpu.dma_semaphore, #tpu.memory_space<semaphore_mem>>
        %dma_start3A_240 = arith.constant 0 : i32
        %dma_start3A_241 = tpu.memref_slice %arg8[%rem3A_162, %dma_start3A_240] : memref<2x80xi32, #tpu.memory_space<vmem>> -> memref<1x80xi32, #tpu.memory_space<vmem>>
        %dma_start3A_242 = tpu.memref_squeeze %dma_start3A_241 : memref<1x80xi32, #tpu.memory_space<vmem>> -> memref<80xi32, #tpu.memory_space<vmem>>
        %dma_start3A_243 = tpu.memref_slice %arg4[%multiple_of3A_223] : memref<320000xi32, #tpu.memory_space<hbm>> -> memref<80xi32, #tpu.memory_space<hbm>>
        tpu.enqueue_dma source(%dma_start3A_243 : memref<80xi32, #tpu.memory_space<hbm>>) target(%dma_start3A_242 : memref<80xi32, #tpu.memory_space<vmem>>) target_semaphore(%dma_start3A_239 : memref<!tpu.dma_semaphore, #tpu.memory_space<semaphore_mem>>)
        %dma_wait3A_244 = arith.constant 0 : i32
        %dma_wait3A_245 = tpu.memref_slice %arg7[%rem3A_162, %dma_wait3A_244] : memref<2x80xi32, #tpu.memory_space<vmem>> -> memref<1x80xi32, #tpu.memory_space<vmem>>
        %dma_wait3A_246 = tpu.memref_squeeze %dma_wait3A_245 : memref<1x80xi32, #tpu.memory_space<vmem>> -> memref<80xi32, #tpu.memory_space<vmem>>
        %dma_wait3A_247 = arith.constant 0 : i32
        %dma_wait3A_248 = tpu.memref_slice %arg3[%dma_wait3A_247] : memref<320000xi32, #tpu.memory_space<hbm>> -> memref<80xi32, #tpu.memory_space<hbm>>
        %dma_wait3A_249 = tpu.memref_slice %arg12[%rem3A_162] : memref<2x!tpu.dma_semaphore, #tpu.memory_space<semaphore_mem>> -> memref<1x!tpu.dma_semaphore, #tpu.memory_space<semaphore_mem>>
        %dma_wait3A_250 = tpu.memref_squeeze %dma_wait3A_249 : memref<1x!tpu.dma_semaphore, #tpu.memory_space<semaphore_mem>> -> memref<!tpu.dma_semaphore, #tpu.memory_space<semaphore_mem>>
        %dma_wait3A_251 = arith.constant 0 : i32
        %dma_wait3A_252 = tpu.memref_slice %arg7[%rem3A_162, %dma_wait3A_251] : memref<2x80xi32, #tpu.memory_space<vmem>> -> memref<1x80xi32, #tpu.memory_space<vmem>>
        %dma_wait3A_253 = tpu.memref_squeeze %dma_wait3A_252 : memref<1x80xi32, #tpu.memory_space<vmem>> -> memref<80xi32, #tpu.memory_space<vmem>>
        %dma_wait3A_254 = arith.constant 0 : i32
        %dma_wait3A_255 = tpu.memref_slice %arg3[%dma_wait3A_254] : memref<320000xi32, #tpu.memory_space<hbm>> -> memref<80xi32, #tpu.memory_space<hbm>>
        tpu.wait_dma2 semaphore(%dma_wait3A_250 : memref<!tpu.dma_semaphore, #tpu.memory_space<semaphore_mem>>) src(%dma_wait3A_255 : memref<80xi32, #tpu.memory_space<hbm>>) dst(%dma_wait3A_253 : memref<80xi32, #tpu.memory_space<vmem>>)
        %dma_wait3A_256 = arith.constant 0 : i32
        %dma_wait3A_257 = tpu.memref_slice %arg8[%rem3A_162, %dma_wait3A_256] : memref<2x80xi32, #tpu.memory_space<vmem>> -> memref<1x80xi32, #tpu.memory_space<vmem>>
        %dma_wait3A_258 = tpu.memref_squeeze %dma_wait3A_257 : memref<1x80xi32, #tpu.memory_space<vmem>> -> memref<80xi32, #tpu.memory_space<vmem>>
        %dma_wait3A_259 = arith.constant 0 : i32
        %dma_wait3A_260 = tpu.memref_slice %arg4[%dma_wait3A_259] : memref<320000xi32, #tpu.memory_space<hbm>> -> memref<80xi32, #tpu.memory_space<hbm>>
        %dma_wait3A_261 = tpu.memref_slice %arg12[%rem3A_162] : memref<2x!tpu.dma_semaphore, #tpu.memory_space<semaphore_mem>> -> memref<1x!tpu.dma_semaphore, #tpu.memory_space<semaphore_mem>>
        %dma_wait3A_262 = tpu.memref_squeeze %dma_wait3A_261 : memref<1x!tpu.dma_semaphore, #tpu.memory_space<semaphore_mem>> -> memref<!tpu.dma_semaphore, #tpu.memory_space<semaphore_mem>>
        %dma_wait3A_263 = arith.constant 0 : i32
        %dma_wait3A_264 = tpu.memref_slice %arg8[%rem3A_162, %dma_wait3A_263] : memref<2x80xi32, #tpu.memory_space<vmem>> -> memref<1x80xi32, #tpu.memory_space<vmem>>
        %dma_wait3A_265 = tpu.memref_squeeze %dma_wait3A_264 : memref<1x80xi32, #tpu.memory_space<vmem>> -> memref<80xi32, #tpu.memory_space<vmem>>
        %dma_wait3A_266 = arith.constant 0 : i32
        %dma_wait3A_267 = tpu.memref_slice %arg4[%dma_wait3A_266] : memref<320000xi32, #tpu.memory_space<hbm>> -> memref<80xi32, #tpu.memory_space<hbm>>
        tpu.wait_dma2 semaphore(%dma_wait3A_262 : memref<!tpu.dma_semaphore, #tpu.memory_space<semaphore_mem>>) src(%dma_wait3A_267 : memref<80xi32, #tpu.memory_space<hbm>>) dst(%dma_wait3A_265 : memref<80xi32, #tpu.memory_space<vmem>>)
        %add3A_268 = arith.constant 1 : i32
        %add3A_269 = arith.addi %while3A_156, %add3A_268 : i32
        %mul3A_270 = arith.constant 32 : i32
        %mul3A_271 = arith.muli %add3A_269, %mul3A_270 : i32
        %add3A_272 = arith.addi %add3A, %mul3A_271 : i32
        %mul3A_273 = arith.constant 80 : i32
        %mul3A_274 = arith.muli %add3A_272, %mul3A_273 : i32
        %multiple_of3A_275 = tpu.assume_multiple %mul3A_274, 80 : i32
        %dma_start3A_276 = arith.constant 0 : i32
        %dma_start3A_277 = arith.constant 0 : i32
        %dma_start3A_278 = tpu.memref_slice %arg10[%rem3A_162, %dma_start3A_276, %dma_start3A_277] : memref<2x80x128xf32, #tpu.memory_space<vmem>> -> memref<1x80x128xf32, #tpu.memory_space<vmem>>
        %dma_start3A_279 = tpu.memref_squeeze %dma_start3A_278 : memref<1x80x128xf32, #tpu.memory_space<vmem>> -> memref<80x128xf32, #tpu.memory_space<vmem>>
        %dma_start3A_280 = arith.constant 0 : i32
        %dma_start3A_281 = tpu.memref_slice %arg7[%rem3A_162, %dma_start3A_280] : memref<2x80xi32, #tpu.memory_space<vmem>> -> memref<1x80xi32, #tpu.memory_space<vmem>>
        %dma_start3A_282 = tpu.memref_squeeze %dma_start3A_281 : memref<1x80xi32, #tpu.memory_space<vmem>> -> memref<80xi32, #tpu.memory_space<vmem>>
        %dma_start3A_283 = arith.constant 0 : i32
        %dma_start3A_284 = arith.constant 0 : i32
        %dma_start3A_285 = tpu.memref_slice %arg2[%dma_start3A_283, %dma_start3A_284] : memref<10000x128xf32, #tpu.memory_space<hbm>> -> memref<10000x128xf32, #tpu.memory_space<hbm>>
        %dma_start3A_286 = tpu.memref_slice %arg13[%rem3A_162] : memref<2x!tpu.dma_semaphore, #tpu.memory_space<semaphore_mem>> -> memref<1x!tpu.dma_semaphore, #tpu.memory_space<semaphore_mem>>
        %dma_start3A_287 = tpu.memref_squeeze %dma_start3A_286 : memref<1x!tpu.dma_semaphore, #tpu.memory_space<semaphore_mem>> -> memref<!tpu.dma_semaphore, #tpu.memory_space<semaphore_mem>>
        tpu.enqueue_indirect_dma source(%dma_start3A_285 : memref<10000x128xf32, #tpu.memory_space<hbm>>) target(%dma_start3A_279 : memref<80x128xf32, #tpu.memory_space<vmem>>) offsets(%dma_start3A_282 : memref<80xi32, #tpu.memory_space<vmem>>) semaphore(%dma_start3A_287 : memref<!tpu.dma_semaphore, #tpu.memory_space<semaphore_mem>>)
        %dma_start3A_288 = arith.constant 0 : i32
        %dma_start3A_289 = arith.constant 0 : i32
        %dma_start3A_290 = tpu.memref_slice %arg9[%rem3A_162, %dma_start3A_288, %dma_start3A_289] : memref<2x80x64xi32, #tpu.memory_space<vmem>> -> memref<1x80x64xi32, #tpu.memory_space<vmem>>
        %dma_start3A_291 = tpu.memref_squeeze %dma_start3A_290 : memref<1x80x64xi32, #tpu.memory_space<vmem>> -> memref<80x64xi32, #tpu.memory_space<vmem>>
        %dma_start3A_292 = arith.constant 0 : i32
        %dma_start3A_293 = tpu.memref_slice %arg5[%multiple_of3A_275, %dma_start3A_292] : memref<320000x64xi32, #tpu.memory_space<hbm>> -> memref<80x64xi32, #tpu.memory_space<hbm>>
        %dma_start3A_294 = tpu.memref_slice %arg14[%rem3A_162] : memref<2x!tpu.dma_semaphore, #tpu.memory_space<semaphore_mem>> -> memref<1x!tpu.dma_semaphore, #tpu.memory_space<semaphore_mem>>
        %dma_start3A_295 = tpu.memref_squeeze %dma_start3A_294 : memref<1x!tpu.dma_semaphore, #tpu.memory_space<semaphore_mem>> -> memref<!tpu.dma_semaphore, #tpu.memory_space<semaphore_mem>>
        %dma_start3A_296 = arith.constant 0 : i32
        %dma_start3A_297 = arith.constant 0 : i32
        %dma_start3A_298 = tpu.memref_slice %arg9[%rem3A_162, %dma_start3A_296, %dma_start3A_297] : memref<2x80x64xi32, #tpu.memory_space<vmem>> -> memref<1x80x64xi32, #tpu.memory_space<vmem>>
        %dma_start3A_299 = tpu.memref_squeeze %dma_start3A_298 : memref<1x80x64xi32, #tpu.memory_space<vmem>> -> memref<80x64xi32, #tpu.memory_space<vmem>>
        %dma_start3A_300 = arith.constant 0 : i32
        %dma_start3A_301 = tpu.memref_slice %arg5[%multiple_of3A_275, %dma_start3A_300] : memref<320000x64xi32, #tpu.memory_space<hbm>> -> memref<80x64xi32, #tpu.memory_space<hbm>>
        tpu.enqueue_dma source(%dma_start3A_301 : memref<80x64xi32, #tpu.memory_space<hbm>>) target(%dma_start3A_299 : memref<80x64xi32, #tpu.memory_space<vmem>>) target_semaphore(%dma_start3A_295 : memref<!tpu.dma_semaphore, #tpu.memory_space<semaphore_mem>>)
      } else {
      }
      %dma_wait3A_169 = arith.constant 0 : i32
      %dma_wait3A_170 = arith.constant 0 : i32
      %dma_wait3A_171 = tpu.memref_slice %arg10[%rem3A_158, %dma_wait3A_169, %dma_wait3A_170] : memref<2x80x128xf32, #tpu.memory_space<vmem>> -> memref<1x80x128xf32, #tpu.memory_space<vmem>>
      %dma_wait3A_172 = tpu.memref_squeeze %dma_wait3A_171 : memref<1x80x128xf32, #tpu.memory_space<vmem>> -> memref<80x128xf32, #tpu.memory_space<vmem>>
      %dma_wait3A_173 = arith.constant 0 : i32
      %dma_wait3A_174 = tpu.memref_slice %arg7[%rem3A_158, %dma_wait3A_173] : memref<2x80xi32, #tpu.memory_space<vmem>> -> memref<1x80xi32, #tpu.memory_space<vmem>>
      %dma_wait3A_175 = tpu.memref_squeeze %dma_wait3A_174 : memref<1x80xi32, #tpu.memory_space<vmem>> -> memref<80xi32, #tpu.memory_space<vmem>>
      %dma_wait3A_176 = arith.constant 0 : i32
      %dma_wait3A_177 = arith.constant 0 : i32
      %dma_wait3A_178 = tpu.memref_slice %arg2[%dma_wait3A_176, %dma_wait3A_177] : memref<10000x128xf32, #tpu.memory_space<hbm>> -> memref<10000x128xf32, #tpu.memory_space<hbm>>
      %dma_wait3A_179 = tpu.memref_slice %arg13[%rem3A_158] : memref<2x!tpu.dma_semaphore, #tpu.memory_space<semaphore_mem>> -> memref<1x!tpu.dma_semaphore, #tpu.memory_space<semaphore_mem>>
      %dma_wait3A_180 = tpu.memref_squeeze %dma_wait3A_179 : memref<1x!tpu.dma_semaphore, #tpu.memory_space<semaphore_mem>> -> memref<!tpu.dma_semaphore, #tpu.memory_space<semaphore_mem>>
      tpu.wait_indirect_dma semaphore(%dma_wait3A_180 : memref<!tpu.dma_semaphore, #tpu.memory_space<semaphore_mem>>) src(%dma_wait3A_178 : memref<10000x128xf32, #tpu.memory_space<hbm>>) dst(%dma_wait3A_172 : memref<80x128xf32, #tpu.memory_space<vmem>>)
      %dma_wait3A_181 = arith.constant 0 : i32
      %dma_wait3A_182 = arith.constant 0 : i32
      %dma_wait3A_183 = tpu.memref_slice %arg9[%rem3A_158, %dma_wait3A_181, %dma_wait3A_182] : memref<2x80x64xi32, #tpu.memory_space<vmem>> -> memref<1x80x64xi32, #tpu.memory_space<vmem>>
      %dma_wait3A_184 = tpu.memref_squeeze %dma_wait3A_183 : memref<1x80x64xi32, #tpu.memory_space<vmem>> -> memref<80x64xi32, #tpu.memory_space<vmem>>
      %dma_wait3A_185 = arith.constant 0 : i32
      %dma_wait3A_186 = arith.constant 0 : i32
      %dma_wait3A_187 = tpu.memref_slice %arg5[%dma_wait3A_185, %dma_wait3A_186] : memref<320000x64xi32, #tpu.memory_space<hbm>> -> memref<80x64xi32, #tpu.memory_space<hbm>>
      %dma_wait3A_188 = tpu.memref_slice %arg14[%rem3A_158] : memref<2x!tpu.dma_semaphore, #tpu.memory_space<semaphore_mem>> -> memref<1x!tpu.dma_semaphore, #tpu.memory_space<semaphore_mem>>
      %dma_wait3A_189 = tpu.memref_squeeze %dma_wait3A_188 : memref<1x!tpu.dma_semaphore, #tpu.memory_space<semaphore_mem>> -> memref<!tpu.dma_semaphore, #tpu.memory_space<semaphore_mem>>
      %dma_wait3A_190 = arith.constant 0 : i32
      %dma_wait3A_191 = arith.constant 0 : i32
      %dma_wait3A_192 = tpu.memref_slice %arg9[%rem3A_158, %dma_wait3A_190, %dma_wait3A_191] : memref<2x80x64xi32, #tpu.memory_space<vmem>> -> memref<1x80x64xi32, #tpu.memory_space<vmem>>
      %dma_wait3A_193 = tpu.memref_squeeze %dma_wait3A_192 : memref<1x80x64xi32, #tpu.memory_space<vmem>> -> memref<80x64xi32, #tpu.memory_space<vmem>>
      %dma_wait3A_194 = arith.constant 0 : i32
      %dma_wait3A_195 = arith.constant 0 : i32
      %dma_wait3A_196 = tpu.memref_slice %arg5[%dma_wait3A_194, %dma_wait3A_195] : memref<320000x64xi32, #tpu.memory_space<hbm>> -> memref<80x64xi32, #tpu.memory_space<hbm>>
      tpu.wait_dma2 semaphore(%dma_wait3A_189 : memref<!tpu.dma_semaphore, #tpu.memory_space<semaphore_mem>>) src(%dma_wait3A_196 : memref<80x64xi32, #tpu.memory_space<hbm>>) dst(%dma_wait3A_193 : memref<80x64xi32, #tpu.memory_space<vmem>>)
      %parallel_loop3A = arith.constant 0 : i32
      %parallel_loop3A_197 = arith.constant 80 : i32
      %parallel_loop3A_198 = arith.constant 1 : i32
      scf.for %parallel_loop3A_211 = %parallel_loop3A to %parallel_loop3A_197 step %parallel_loop3A_198  : i32 {
        %parallel_loop3A_212 = arith.index_cast %rem3A_158 : i32 to index
        %parallel_loop3A_213 = arith.index_cast %parallel_loop3A_211 : i32 to index
        %parallel_loop3A_214 = arith.constant 0 : index
        %parallel_loop3A_215 = tpu.vector_load %arg9[%parallel_loop3A_212, %parallel_loop3A_213, %parallel_loop3A_214] {strides = array<i32>} : memref<2x80x64xi32, #tpu.memory_space<vmem>>, vector<16xi32>,
        %parallel_loop3A_216 = vector.bitcast %parallel_loop3A_215 : vector<16xi32> to vector<32xbf16>
        %parallel_loop3A_217 = tpu.unpack_subelements %parallel_loop3A_216, 0 {pack_format = #tpu.pack_format<interleaved>} : vector<32xbf16> -> vector<16xf32>
        %parallel_loop3A_218 = tpu.unpack_subelements %parallel_loop3A_216, 1 {pack_format = #tpu.pack_format<interleaved>} : vector<32xbf16> -> vector<16xf32>
        %parallel_loop3A_219 = arith.index_cast %rem3A_158 : i32 to index
        %parallel_loop3A_220 = arith.index_cast %parallel_loop3A_211 : i32 to index
        %parallel_loop3A_221 = arith.constant 0 : index
        %parallel_loop3A_222 = tpu.vector_load %arg10[%parallel_loop3A_219, %parallel_loop3A_220, %parallel_loop3A_221] {strides = array<i32>} : memref<2x80x128xf32, #tpu.memory_space<vmem>>, vector<16xf32>,
        %parallel_loop3A_223 = arith.addf %parallel_loop3A_222, %parallel_loop3A_217 : vector<16xf32>
        %parallel_loop3A_224 = arith.constant 0.000000e+00 : f32
        %parallel_loop3A_225 = vector.broadcast %parallel_loop3A_224 : f32 to vector<16xf32>
        %parallel_loop3A_226 = arith.maximumf %parallel_loop3A_223, %parallel_loop3A_225 : vector<16xf32>
        %parallel_loop3A_227 = arith.index_cast %rem3A_158 : i32 to index
        %parallel_loop3A_228 = arith.index_cast %parallel_loop3A_211 : i32 to index
        %parallel_loop3A_229 = arith.constant 0 : index
        %parallel_loop3A_230 = tpu.vector_load %arg10[%parallel_loop3A_227, %parallel_loop3A_228, %parallel_loop3A_229] {strides = array<i32>} : memref<2x80x128xf32, #tpu.memory_space<vmem>>, vector<16xf32>,
        tpu.vector_store %arg10[%parallel_loop3A_227, %parallel_loop3A_228, %parallel_loop3A_229], %parallel_loop3A_226 {strides = array<i32>} : memref<2x80x128xf32, #tpu.memory_space<vmem>>, vector<16xf32>,
        %parallel_loop3A_231 = arith.index_cast %rem3A_158 : i32 to index
        %parallel_loop3A_232 = arith.index_cast %parallel_loop3A_211 : i32 to index
        %parallel_loop3A_233 = arith.constant 16 : index
        %parallel_loop3A_234 = tpu.vector_load %arg10[%parallel_loop3A_231, %parallel_loop3A_232, %parallel_loop3A_233] {strides = array<i32>} : memref<2x80x128xf32, #tpu.memory_space<vmem>>, vector<16xf32>,
        %parallel_loop3A_235 = arith.addf %parallel_loop3A_234, %parallel_loop3A_218 : vector<16xf32>
        %parallel_loop3A_236 = arith.constant 0.000000e+00 : f32
        %parallel_loop3A_237 = vector.broadcast %parallel_loop3A_236 : f32 to vector<16xf32>
        %parallel_loop3A_238 = arith.maximumf %parallel_loop3A_235, %parallel_loop3A_237 : vector<16xf32>
        %parallel_loop3A_239 = arith.index_cast %rem3A_158 : i32 to index
        %parallel_loop3A_240 = arith.index_cast %parallel_loop3A_211 : i32 to index
        %parallel_loop3A_241 = arith.constant 16 : index
        %parallel_loop3A_242 = tpu.vector_load %arg10[%parallel_loop3A_239, %parallel_loop3A_240, %parallel_loop3A_241] {strides = array<i32>} : memref<2x80x128xf32, #tpu.memory_space<vmem>>, vector<16xf32>,
        tpu.vector_store %arg10[%parallel_loop3A_239, %parallel_loop3A_240, %parallel_loop3A_241], %parallel_loop3A_238 {strides = array<i32>} : memref<2x80x128xf32, #tpu.memory_space<vmem>>, vector<16xf32>,
        %parallel_loop3A_243 = arith.index_cast %rem3A_158 : i32 to index
        %parallel_loop3A_244 = arith.index_cast %parallel_loop3A_211 : i32 to index
        %parallel_loop3A_245 = arith.constant 16 : index
        %parallel_loop3A_246 = tpu.vector_load %arg9[%parallel_loop3A_243, %parallel_loop3A_244, %parallel_loop3A_245] {strides = array<i32>} : memref<2x80x64xi32, #tpu.memory_space<vmem>>, vector<16xi32>,
        %parallel_loop3A_247 = vector.bitcast %parallel_loop3A_246 : vector<16xi32> to vector<32xbf16>
        %parallel_loop3A_248 = tpu.unpack_subelements %parallel_loop3A_247, 0 {pack_format = #tpu.pack_format<interleaved>} : vector<32xbf16> -> vector<16xf32>
        %parallel_loop3A_249 = tpu.unpack_subelements %parallel_loop3A_247, 1 {pack_format = #tpu.pack_format<interleaved>} : vector<32xbf16> -> vector<16xf32>
        %parallel_loop3A_250 = arith.index_cast %rem3A_158 : i32 to index
        %parallel_loop3A_251 = arith.index_cast %parallel_loop3A_211 : i32 to index
        %parallel_loop3A_252 = arith.constant 32 : index
        %parallel_loop3A_253 = tpu.vector_load %arg10[%parallel_loop3A_250, %parallel_loop3A_251, %parallel_loop3A_252] {strides = array<i32>} : memref<2x80x128xf32, #tpu.memory_space<vmem>>, vector<16xf32>,
        %parallel_loop3A_254 = arith.addf %parallel_loop3A_253, %parallel_loop3A_248 : vector<16xf32>
        %parallel_loop3A_255 = arith.constant 0.000000e+00 : f32
        %parallel_loop3A_256 = vector.broadcast %parallel_loop3A_255 : f32 to vector<16xf32>
        %parallel_loop3A_257 = arith.maximumf %parallel_loop3A_254, %parallel_loop3A_256 : vector<16xf32>
        %parallel_loop3A_258 = arith.index_cast %rem3A_158 : i32 to index
        %parallel_loop3A_259 = arith.index_cast %parallel_loop3A_211 : i32 to index
        %parallel_loop3A_260 = arith.constant 32 : index
        %parallel_loop3A_261 = tpu.vector_load %arg10[%parallel_loop3A_258, %parallel_loop3A_259, %parallel_loop3A_260] {strides = array<i32>} : memref<2x80x128xf32, #tpu.memory_space<vmem>>, vector<16xf32>,
        tpu.vector_store %arg10[%parallel_loop3A_258, %parallel_loop3A_259, %parallel_loop3A_260], %parallel_loop3A_257 {strides = array<i32>} : memref<2x80x128xf32, #tpu.memory_space<vmem>>, vector<16xf32>,
        %parallel_loop3A_262 = arith.index_cast %rem3A_158 : i32 to index
        %parallel_loop3A_263 = arith.index_cast %parallel_loop3A_211 : i32 to index
        %parallel_loop3A_264 = arith.constant 48 : index
        %parallel_loop3A_265 = tpu.vector_load %arg10[%parallel_loop3A_262, %parallel_loop3A_263, %parallel_loop3A_264] {strides = array<i32>} : memref<2x80x128xf32, #tpu.memory_space<vmem>>, vector<16xf32>,
        %parallel_loop3A_266 = arith.addf %parallel_loop3A_265, %parallel_loop3A_249 : vector<16xf32>
        %parallel_loop3A_267 = arith.constant 0.000000e+00 : f32
        %parallel_loop3A_268 = vector.broadcast %parallel_loop3A_267 : f32 to vector<16xf32>
        %parallel_loop3A_269 = arith.maximumf %parallel_loop3A_266, %parallel_loop3A_268 : vector<16xf32>
        %parallel_loop3A_270 = arith.index_cast %rem3A_158 : i32 to index
        %parallel_loop3A_271 = arith.index_cast %parallel_loop3A_211 : i32 to index
        %parallel_loop3A_272 = arith.constant 48 : index
        %parallel_loop3A_273 = tpu.vector_load %arg10[%parallel_loop3A_270, %parallel_loop3A_271, %parallel_loop3A_272] {strides = array<i32>} : memref<2x80x128xf32, #tpu.memory_space<vmem>>, vector<16xf32>,
        tpu.vector_store %arg10[%parallel_loop3A_270, %parallel_loop3A_271, %parallel_loop3A_272], %parallel_loop3A_269 {strides = array<i32>} : memref<2x80x128xf32, #tpu.memory_space<vmem>>, vector<16xf32>,
        %parallel_loop3A_274 = arith.index_cast %rem3A_158 : i32 to index
        %parallel_loop3A_275 = arith.index_cast %parallel_loop3A_211 : i32 to index
        %parallel_loop3A_276 = arith.constant 32 : index
        %parallel_loop3A_277 = tpu.vector_load %arg9[%parallel_loop3A_274, %parallel_loop3A_275, %parallel_loop3A_276] {strides = array<i32>} : memref<2x80x64xi32, #tpu.memory_space<vmem>>, vector<16xi32>,
        %parallel_loop3A_278 = vector.bitcast %parallel_loop3A_277 : vector<16xi32> to vector<32xbf16>
        %parallel_loop3A_279 = tpu.unpack_subelements %parallel_loop3A_278, 0 {pack_format = #tpu.pack_format<interleaved>} : vector<32xbf16> -> vector<16xf32>
        %parallel_loop3A_280 = tpu.unpack_subelements %parallel_loop3A_278, 1 {pack_format = #tpu.pack_format<interleaved>} : vector<32xbf16> -> vector<16xf32>
        %parallel_loop3A_281 = arith.index_cast %rem3A_158 : i32 to index
        %parallel_loop3A_282 = arith.index_cast %parallel_loop3A_211 : i32 to index
        %parallel_loop3A_283 = arith.constant 64 : index
        %parallel_loop3A_284 = tpu.vector_load %arg10[%parallel_loop3A_281, %parallel_loop3A_282, %parallel_loop3A_283] {strides = array<i32>} : memref<2x80x128xf32, #tpu.memory_space<vmem>>, vector<16xf32>,
        %parallel_loop3A_285 = arith.addf %parallel_loop3A_284, %parallel_loop3A_279 : vector<16xf32>
        %parallel_loop3A_286 = arith.constant 0.000000e+00 : f32
        %parallel_loop3A_287 = vector.broadcast %parallel_loop3A_286 : f32 to vector<16xf32>
        %parallel_loop3A_288 = arith.maximumf %parallel_loop3A_285, %parallel_loop3A_287 : vector<16xf32>
        %parallel_loop3A_289 = arith.index_cast %rem3A_158 : i32 to index
        %parallel_loop3A_290 = arith.index_cast %parallel_loop3A_211 : i32 to index
        %parallel_loop3A_291 = arith.constant 64 : index
        %parallel_loop3A_292 = tpu.vector_load %arg10[%parallel_loop3A_289, %parallel_loop3A_290, %parallel_loop3A_291] {strides = array<i32>} : memref<2x80x128xf32, #tpu.memory_space<vmem>>, vector<16xf32>,
        tpu.vector_store %arg10[%parallel_loop3A_289, %parallel_loop3A_290, %parallel_loop3A_291], %parallel_loop3A_288 {strides = array<i32>} : memref<2x80x128xf32, #tpu.memory_space<vmem>>, vector<16xf32>,
        %parallel_loop3A_293 = arith.index_cast %rem3A_158 : i32 to index
        %parallel_loop3A_294 = arith.index_cast %parallel_loop3A_211 : i32 to index
        %parallel_loop3A_295 = arith.constant 80 : index
        %parallel_loop3A_296 = tpu.vector_load %arg10[%parallel_loop3A_293, %parallel_loop3A_294, %parallel_loop3A_295] {strides = array<i32>} : memref<2x80x128xf32, #tpu.memory_space<vmem>>, vector<16xf32>,
        %parallel_loop3A_297 = arith.addf %parallel_loop3A_296, %parallel_loop3A_280 : vector<16xf32>
        %parallel_loop3A_298 = arith.constant 0.000000e+00 : f32
        %parallel_loop3A_299 = vector.broadcast %parallel_loop3A_298 : f32 to vector<16xf32>
        %parallel_loop3A_300 = arith.maximumf %parallel_loop3A_297, %parallel_loop3A_299 : vector<16xf32>
        %parallel_loop3A_301 = arith.index_cast %rem3A_158 : i32 to index
        %parallel_loop3A_302 = arith.index_cast %parallel_loop3A_211 : i32 to index
        %parallel_loop3A_303 = arith.constant 80 : index
        %parallel_loop3A_304 = tpu.vector_load %arg10[%parallel_loop3A_301, %parallel_loop3A_302, %parallel_loop3A_303] {strides = array<i32>} : memref<2x80x128xf32, #tpu.memory_space<vmem>>, vector<16xf32>,
        tpu.vector_store %arg10[%parallel_loop3A_301, %parallel_loop3A_302, %parallel_loop3A_303], %parallel_loop3A_300 {strides = array<i32>} : memref<2x80x128xf32, #tpu.memory_space<vmem>>, vector<16xf32>,
        %parallel_loop3A_305 = arith.index_cast %rem3A_158 : i32 to index
        %parallel_loop3A_306 = arith.index_cast %parallel_loop3A_211 : i32 to index
        %parallel_loop3A_307 = arith.constant 48 : index
        %parallel_loop3A_308 = tpu.vector_load %arg9[%parallel_loop3A_305, %parallel_loop3A_306, %parallel_loop3A_307] {strides = array<i32>} : memref<2x80x64xi32, #tpu.memory_space<vmem>>, vector<16xi32>,
        %parallel_loop3A_309 = vector.bitcast %parallel_loop3A_308 : vector<16xi32> to vector<32xbf16>
        %parallel_loop3A_310 = tpu.unpack_subelements %parallel_loop3A_309, 0 {pack_format = #tpu.pack_format<interleaved>} : vector<32xbf16> -> vector<16xf32>
        %parallel_loop3A_311 = tpu.unpack_subelements %parallel_loop3A_309, 1 {pack_format = #tpu.pack_format<interleaved>} : vector<32xbf16> -> vector<16xf32>
        %parallel_loop3A_312 = arith.index_cast %rem3A_158 : i32 to index
        %parallel_loop3A_313 = arith.index_cast %parallel_loop3A_211 : i32 to index
        %parallel_loop3A_314 = arith.constant 96 : index
        %parallel_loop3A_315 = tpu.vector_load %arg10[%parallel_loop3A_312, %parallel_loop3A_313, %parallel_loop3A_314] {strides = array<i32>} : memref<2x80x128xf32, #tpu.memory_space<vmem>>, vector<16xf32>,
        %parallel_loop3A_316 = arith.addf %parallel_loop3A_315, %parallel_loop3A_310 : vector<16xf32>
        %parallel_loop3A_317 = arith.constant 0.000000e+00 : f32
        %parallel_loop3A_318 = vector.broadcast %parallel_loop3A_317 : f32 to vector<16xf32>
        %parallel_loop3A_319 = arith.maximumf %parallel_loop3A_316, %parallel_loop3A_318 : vector<16xf32>
        %parallel_loop3A_320 = arith.index_cast %rem3A_158 : i32 to index
        %parallel_loop3A_321 = arith.index_cast %parallel_loop3A_211 : i32 to index
        %parallel_loop3A_322 = arith.constant 96 : index
        %parallel_loop3A_323 = tpu.vector_load %arg10[%parallel_loop3A_320, %parallel_loop3A_321, %parallel_loop3A_322] {strides = array<i32>} : memref<2x80x128xf32, #tpu.memory_space<vmem>>, vector<16xf32>,
        tpu.vector_store %arg10[%parallel_loop3A_320, %parallel_loop3A_321, %parallel_loop3A_322], %parallel_loop3A_319 {strides = array<i32>} : memref<2x80x128xf32, #tpu.memory_space<vmem>>, vector<16xf32>,
        %parallel_loop3A_324 = arith.index_cast %rem3A_158 : i32 to index
        %parallel_loop3A_325 = arith.index_cast %parallel_loop3A_211 : i32 to index
        %parallel_loop3A_326 = arith.constant 112 : index
        %parallel_loop3A_327 = tpu.vector_load %arg10[%parallel_loop3A_324, %parallel_loop3A_325, %parallel_loop3A_326] {strides = array<i32>} : memref<2x80x128xf32, #tpu.memory_space<vmem>>, vector<16xf32>,
        %parallel_loop3A_328 = arith.addf %parallel_loop3A_327, %parallel_loop3A_311 : vector<16xf32>
        %parallel_loop3A_329 = arith.constant 0.000000e+00 : f32
        %parallel_loop3A_330 = vector.broadcast %parallel_loop3A_329 : f32 to vector<16xf32>
        %parallel_loop3A_331 = arith.maximumf %parallel_loop3A_328, %parallel_loop3A_330 : vector<16xf32>
        %parallel_loop3A_332 = arith.index_cast %rem3A_158 : i32 to index
        %parallel_loop3A_333 = arith.index_cast %parallel_loop3A_211 : i32 to index
        %parallel_loop3A_334 = arith.constant 112 : index
        %parallel_loop3A_335 = tpu.vector_load %arg10[%parallel_loop3A_332, %parallel_loop3A_333, %parallel_loop3A_334] {strides = array<i32>} : memref<2x80x128xf32, #tpu.memory_space<vmem>>, vector<16xf32>,
        tpu.vector_store %arg10[%parallel_loop3A_332, %parallel_loop3A_333, %parallel_loop3A_334], %parallel_loop3A_331 {strides = array<i32>} : memref<2x80x128xf32, #tpu.memory_space<vmem>>, vector<16xf32>,
      } {sc.loop_unroll_factor = 2 : i64, sc.parallel_access}
      %dma_start3A_199 = arith.constant 0 : i32
      %dma_start3A_200 = arith.constant 0 : i32
      %dma_start3A_201 = tpu.memref_slice %arg10[%rem3A_158, %dma_start3A_199, %dma_start3A_200] : memref<2x80x128xf32, #tpu.memory_space<vmem>> -> memref<1x80x128xf32, #tpu.memory_space<vmem>>
      %dma_start3A_202 = tpu.memref_squeeze %dma_start3A_201 : memref<1x80x128xf32, #tpu.memory_space<vmem>> -> memref<80x128xf32, #tpu.memory_space<vmem>>
      %dma_start3A_203 = arith.constant 0 : i32
      %dma_start3A_204 = tpu.memref_slice %arg8[%rem3A_158, %dma_start3A_203] : memref<2x80xi32, #tpu.memory_space<vmem>> -> memref<1x80xi32, #tpu.memory_space<vmem>>
      %dma_start3A_205 = tpu.memref_squeeze %dma_start3A_204 : memref<1x80xi32, #tpu.memory_space<vmem>> -> memref<80xi32, #tpu.memory_space<vmem>>
      %dma_start3A_206 = arith.constant 0 : i32
      %dma_start3A_207 = arith.constant 0 : i32
      %dma_start3A_208 = tpu.memref_slice %arg11[%dma_start3A_206, %dma_start3A_207] : memref<10240x128xf32, #tpu.memory_space<vmem_shared>> -> memref<10240x128xf32, #tpu.memory_space<vmem_shared>>
      %dma_start3A_209 = tpu.memref_slice %arg15[%rem3A_158] : memref<2x!tpu.dma_semaphore, #tpu.memory_space<semaphore_mem>> -> memref<1x!tpu.dma_semaphore, #tpu.memory_space<semaphore_mem>>
      %dma_start3A_210 = tpu.memref_squeeze %dma_start3A_209 : memref<1x!tpu.dma_semaphore, #tpu.memory_space<semaphore_mem>> -> memref<!tpu.dma_semaphore, #tpu.memory_space<semaphore_mem>>
      tpu.enqueue_indirect_dma source(%dma_start3A_202 : memref<80x128xf32, #tpu.memory_space<vmem>>) target(%dma_start3A_208 : memref<10240x128xf32, #tpu.memory_space<vmem_shared>>) offsets(%dma_start3A_205 : memref<80xi32, #tpu.memory_space<vmem>>) semaphore(%dma_start3A_210 : memref<!tpu.dma_semaphore, #tpu.memory_space<semaphore_mem>>) {add = true}
    }
    %sub3A = arith.constant 1 : i32
    %sub3A_135 = arith.subi %add3A_35, %sub3A : i32
    %rem3A = arith.constant 2 : i32
    %rem3A_136 = arith.remsi %sub3A_135, %rem3A : i32
    %sub3A_137 = arith.constant 1 : i32
    %sub3A_138 = arith.subi %add3A_35, %sub3A_137 : i32
    %rem3A_139 = arith.constant 2 : i32
    %rem3A_140 = arith.remsi %sub3A_138, %rem3A_139 : i32
    %dma_wait3A_141 = arith.constant 0 : i32
    %dma_wait3A_142 = arith.constant 0 : i32
    %dma_wait3A_143 = tpu.memref_slice %arg10[%rem3A_136, %dma_wait3A_141, %dma_wait3A_142] : memref<2x80x128xf32, #tpu.memory_space<vmem>> -> memref<1x80x128xf32, #tpu.memory_space<vmem>>
    %dma_wait3A_144 = tpu.memref_squeeze %dma_wait3A_143 : memref<1x80x128xf32, #tpu.memory_space<vmem>> -> memref<80x128xf32, #tpu.memory_space<vmem>>
    %dma_wait3A_145 = arith.constant 0 : i32
    %dma_wait3A_146 = tpu.memref_slice %arg8[%rem3A_140, %dma_wait3A_145] : memref<2x80xi32, #tpu.memory_space<vmem>> -> memref<1x80xi32, #tpu.memory_space<vmem>>
    %dma_wait3A_147 = tpu.memref_squeeze %dma_wait3A_146 : memref<1x80xi32, #tpu.memory_space<vmem>> -> memref<80xi32, #tpu.memory_space<vmem>>
    %dma_wait3A_148 = arith.constant 0 : i32
    %dma_wait3A_149 = arith.constant 0 : i32
    %dma_wait3A_150 = tpu.memref_slice %arg11[%dma_wait3A_148, %dma_wait3A_149] : memref<10240x128xf32, #tpu.memory_space<vmem_shared>> -> memref<10240x128xf32, #tpu.memory_space<vmem_shared>>
    %dma_wait3A_151 = tpu.memref_slice %arg15[%rem3A_136] : memref<2x!tpu.dma_semaphore, #tpu.memory_space<semaphore_mem>> -> memref<1x!tpu.dma_semaphore, #tpu.memory_space<semaphore_mem>>
    %dma_wait3A_152 = tpu.memref_squeeze %dma_wait3A_151 : memref<1x!tpu.dma_semaphore, #tpu.memory_space<semaphore_mem>> -> memref<!tpu.dma_semaphore, #tpu.memory_space<semaphore_mem>>
    tpu.wait_indirect_dma semaphore(%dma_wait3A_152 : memref<!tpu.dma_semaphore, #tpu.memory_space<semaphore_mem>>) src(%dma_wait3A_144 : memref<80x128xf32, #tpu.memory_space<vmem>>) dst(%dma_wait3A_150 : memref<10240x128xf32, #tpu.memory_space<vmem_shared>>)
    %ge3A = arith.constant 2 : i32
    %ge3A_153 = arith.cmpi sge, %add3A_35, %ge3A : i32
    %convert_element_type3A = arith.extui %ge3A_153 : i1 to i32
    %cond3A = arith.constant 0 : i32
    %cond3A_154 = arith.cmpi ne, %convert_element_type3A, %cond3A : i32
    scf.if %cond3A_154 {
      %rem3A_156 = arith.constant 2 : i32
      %rem3A_157 = arith.remsi %add3A_35, %rem3A_156 : i32
      %rem3A_158 = arith.constant 2 : i32
      %rem3A_159 = arith.remsi %add3A_35, %rem3A_158 : i32
      %dma_wait3A_160 = arith.constant 0 : i32
      %dma_wait3A_161 = arith.constant 0 : i32
      %dma_wait3A_162 = tpu.memref_slice %arg10[%rem3A_157, %dma_wait3A_160, %dma_wait3A_161] : memref<2x80x128xf32, #tpu.memory_space<vmem>> -> memref<1x80x128xf32, #tpu.memory_space<vmem>>
      %dma_wait3A_163 = tpu.memref_squeeze %dma_wait3A_162 : memref<1x80x128xf32, #tpu.memory_space<vmem>> -> memref<80x128xf32, #tpu.memory_space<vmem>>
      %dma_wait3A_164 = arith.constant 0 : i32
      %dma_wait3A_165 = tpu.memref_slice %arg8[%rem3A_159, %dma_wait3A_164] : memref<2x80xi32, #tpu.memory_space<vmem>> -> memref<1x80xi32, #tpu.memory_space<vmem>>
      %dma_wait3A_166 = tpu.memref_squeeze %dma_wait3A_165 : memref<1x80xi32, #tpu.memory_space<vmem>> -> memref<80xi32, #tpu.memory_space<vmem>>
      %dma_wait3A_167 = arith.constant 0 : i32
      %dma_wait3A_168 = arith.constant 0 : i32
      %dma_wait3A_169 = tpu.memref_slice %arg11[%dma_wait3A_167, %dma_wait3A_168] : memref<10240x128xf32, #tpu.memory_space<vmem_shared>> -> memref<10240x128xf32, #tpu.memory_space<vmem_shared>>
      %dma_wait3A_170 = tpu.memref_slice %arg15[%rem3A_157] : memref<2x!tpu.dma_semaphore, #tpu.memory_space<semaphore_mem>> -> memref<1x!tpu.dma_semaphore, #tpu.memory_space<semaphore_mem>>
      %dma_wait3A_171 = tpu.memref_squeeze %dma_wait3A_170 : memref<1x!tpu.dma_semaphore, #tpu.memory_space<semaphore_mem>> -> memref<!tpu.dma_semaphore, #tpu.memory_space<semaphore_mem>>
      tpu.wait_indirect_dma semaphore(%dma_wait3A_171 : memref<!tpu.dma_semaphore, #tpu.memory_space<semaphore_mem>>) src(%dma_wait3A_163 : memref<80x128xf32, #tpu.memory_space<vmem>>) dst(%dma_wait3A_169 : memref<10240x128xf32, #tpu.memory_space<vmem_shared>>)
    } else {
    }
    %barrier3A_155 = arith.constant 0 : index
    tpu.barrier barrier_id(%barrier3A_155)
    "tpu.region"() ({
      %run_scoped3A_156 = tpu.sem_alloc : memref<!tpu.dma_semaphore, #tpu.memory_space<semaphore_mem>>
      %dma_start3A_157 = arith.constant 0 : i32
      %dma_start3A_158 = tpu.memref_slice %arg6[%arg0, %mul3A_8, %dma_start3A_157] : memref<2x10240x128xf32, #tpu.memory_space<hbm>> -> memref<1x640x128xf32, #tpu.memory_space<hbm>>
      %dma_start3A_159 = tpu.memref_squeeze %dma_start3A_158 : memref<1x640x128xf32, #tpu.memory_space<hbm>> -> memref<640x128xf32, #tpu.memory_space<hbm>>
      %dma_start3A_160 = arith.constant 0 : i32
      %dma_start3A_161 = tpu.memref_slice %arg11[%mul3A_8, %dma_start3A_160] : memref<10240x128xf32, #tpu.memory_space<vmem_shared>> -> memref<640x128xf32, #tpu.memory_space<vmem_shared>>
      tpu.enqueue_dma source(%dma_start3A_161 : memref<640x128xf32, #tpu.memory_space<vmem_shared>>) target(%dma_start3A_159 : memref<640x128xf32, #tpu.memory_space<hbm>>) target_semaphore(%run_scoped3A_156 : memref<!tpu.dma_semaphore, #tpu.memory_space<semaphore_mem>>)
      %dma_wait3A_162 = arith.constant 0 : i32
      %dma_wait3A_163 = tpu.memref_slice %arg6[%arg0, %mul3A_8, %dma_wait3A_162] : memref<2x10240x128xf32, #tpu.memory_space<hbm>> -> memref<1x640x128xf32, #tpu.memory_space<hbm>>
      %dma_wait3A_164 = tpu.memref_squeeze %dma_wait3A_163 : memref<1x640x128xf32, #tpu.memory_space<hbm>> -> memref<640x128xf32, #tpu.memory_space<hbm>>
      %dma_wait3A_165 = arith.constant 0 : i32
      %dma_wait3A_166 = tpu.memref_slice %arg11[%mul3A_8, %dma_wait3A_165] : memref<10240x128xf32, #tpu.memory_space<vmem_shared>> -> memref<640x128xf32, #tpu.memory_space<vmem_shared>>
      tpu.wait_dma2 semaphore(%run_scoped3A_156 : memref<!tpu.dma_semaphore, #tpu.memory_space<semaphore_mem>>) src(%dma_wait3A_166 : memref<640x128xf32, #tpu.memory_space<vmem_shared>>) dst(%dma_wait3A_164 : memref<640x128xf32, #tpu.memory_space<hbm>>)
      tpu.yield
    }) : () -> ()
    return
  }
}

#map = affine_map<(d0, d1) -> (0, 0)>
#map1 = affine_map<(d0, d1) -> (0)>
#map2 = affine_map<(d0, d1) -> (0, 0, 0)>
module attributes {stable_mosaic.version = 14 : i64} {
  func.func @_sc_edge_body(%arg0: i32, %arg1: i32, %arg2: memref<10000x128xf32, #tpu.memory_space<hbm>>, %arg3: memref<320000xi32, #tpu.memory_space<hbm>>, %arg4: memref<320000xi32, #tpu.memory_space<hbm>>, %arg5: memref<320000x64xi32, #tpu.memory_space<hbm>>, %arg6: memref<2x10240x128xf32, #tpu.memory_space<hbm>>, %arg7: memref<2x80xi32, #tpu.memory_space<vmem>>, %arg8: memref<2x80xi32, #tpu.memory_space<vmem>>, %arg9: memref<2x80x64xi32, #tpu.memory_space<vmem>>, %arg10: memref<2x80x128xf32, #tpu.memory_space<vmem>>, %arg11: memref<10240x128xf32, #tpu.memory_space<vmem_shared>>, %arg12: memref<2x!tpu.dma_semaphore, #tpu.memory_space<semaphore_mem>>, %arg13: memref<2x!tpu.dma_semaphore, #tpu.memory_space<semaphore_mem>>, %arg14: memref<2x!tpu.dma_semaphore, #tpu.memory_space<semaphore_mem>>, %arg15: memref<2x!tpu.dma_semaphore, #tpu.memory_space<semaphore_mem>>) attributes {dimension_semantics = [#tpu.dimension_semantics<core_parallel>, #tpu.dimension_semantics<subcore_parallel>], iteration_bounds = array<i64: 2, 16>, scalar_prefetch = 0 : i64, scratch_operands = 9 : i64, tpu.core_type = #tpu.core_type<sc_vector_subcore>, window_params = [{transform_indices = #map}, {transform_indices = #map1}, {transform_indices = #map1}, {transform_indices = #map}, {transform_indices = #map2}]} {
    %mul3A = arith.constant 16 : i32
    %mul3A_0 = arith.muli %arg0, %mul3A : i32
    %add3A = arith.addi %mul3A_0, %arg1 : i32
    %broadcast_in_dim3A = arith.constant 0.000000e+00 : f32
    %broadcast_in_dim3A_1 = vector.broadcast %broadcast_in_dim3A : f32 to vector<16xf32>
    %scan3A = arith.constant 0 : i32
    %scan3A_2 = arith.constant 0 : i32
    %scan3A_3 = arith.constant 80 : i32
    %scan3A_4 = arith.addi %scan3A_2, %scan3A_3 : i32
    %scan3A_5 = arith.constant 1 : i32
    scf.for %scan3A_156 = %scan3A_2 to %scan3A_4 step %scan3A_5  : i32 {
      %swap3A = arith.constant 0 : i32
      %swap3A_157 = arith.index_cast %swap3A : i32 to index
      %swap3A_158 = arith.index_cast %scan3A_156 : i32 to index
      %swap3A_159 = arith.constant 0 : index
      %swap3A_160 = tpu.vector_load %arg10[%swap3A_157, %swap3A_158, %swap3A_159] {strides = array<i32>} : memref<2x80x128xf32, #tpu.memory_space<vmem>>, vector<16xf32>,
      tpu.vector_store %arg10[%swap3A_157, %swap3A_158, %swap3A_159], %broadcast_in_dim3A_1 {strides = array<i32>} : memref<2x80x128xf32, #tpu.memory_space<vmem>>, vector<16xf32>,
      %swap3A_161 = arith.constant 0 : i32
      %swap3A_162 = arith.index_cast %swap3A_161 : i32 to index
      %swap3A_163 = arith.index_cast %scan3A_156 : i32 to index
      %swap3A_164 = arith.constant 16 : index
      %swap3A_165 = tpu.vector_load %arg10[%swap3A_162, %swap3A_163, %swap3A_164] {strides = array<i32>} : memref<2x80x128xf32, #tpu.memory_space<vmem>>, vector<16xf32>,
      tpu.vector_store %arg10[%swap3A_162, %swap3A_163, %swap3A_164], %broadcast_in_dim3A_1 {strides = array<i32>} : memref<2x80x128xf32, #tpu.memory_space<vmem>>, vector<16xf32>,
      %swap3A_166 = arith.constant 0 : i32
      %swap3A_167 = arith.index_cast %swap3A_166 : i32 to index
      %swap3A_168 = arith.index_cast %scan3A_156 : i32 to index
      %swap3A_169 = arith.constant 32 : index
      %swap3A_170 = tpu.vector_load %arg10[%swap3A_167, %swap3A_168, %swap3A_169] {strides = array<i32>} : memref<2x80x128xf32, #tpu.memory_space<vmem>>, vector<16xf32>,
      tpu.vector_store %arg10[%swap3A_167, %swap3A_168, %swap3A_169], %broadcast_in_dim3A_1 {strides = array<i32>} : memref<2x80x128xf32, #tpu.memory_space<vmem>>, vector<16xf32>,
      %swap3A_171 = arith.constant 0 : i32
      %swap3A_172 = arith.index_cast %swap3A_171 : i32 to index
      %swap3A_173 = arith.index_cast %scan3A_156 : i32 to index
      %swap3A_174 = arith.constant 48 : index
      %swap3A_175 = tpu.vector_load %arg10[%swap3A_172, %swap3A_173, %swap3A_174] {strides = array<i32>} : memref<2x80x128xf32, #tpu.memory_space<vmem>>, vector<16xf32>,
      tpu.vector_store %arg10[%swap3A_172, %swap3A_173, %swap3A_174], %broadcast_in_dim3A_1 {strides = array<i32>} : memref<2x80x128xf32, #tpu.memory_space<vmem>>, vector<16xf32>,
      %swap3A_176 = arith.constant 0 : i32
      %swap3A_177 = arith.index_cast %swap3A_176 : i32 to index
      %swap3A_178 = arith.index_cast %scan3A_156 : i32 to index
      %swap3A_179 = arith.constant 64 : index
      %swap3A_180 = tpu.vector_load %arg10[%swap3A_177, %swap3A_178, %swap3A_179] {strides = array<i32>} : memref<2x80x128xf32, #tpu.memory_space<vmem>>, vector<16xf32>,
      tpu.vector_store %arg10[%swap3A_177, %swap3A_178, %swap3A_179], %broadcast_in_dim3A_1 {strides = array<i32>} : memref<2x80x128xf32, #tpu.memory_space<vmem>>, vector<16xf32>,
      %swap3A_181 = arith.constant 0 : i32
      %swap3A_182 = arith.index_cast %swap3A_181 : i32 to index
      %swap3A_183 = arith.index_cast %scan3A_156 : i32 to index
      %swap3A_184 = arith.constant 80 : index
      %swap3A_185 = tpu.vector_load %arg10[%swap3A_182, %swap3A_183, %swap3A_184] {strides = array<i32>} : memref<2x80x128xf32, #tpu.memory_space<vmem>>, vector<16xf32>,
      tpu.vector_store %arg10[%swap3A_182, %swap3A_183, %swap3A_184], %broadcast_in_dim3A_1 {strides = array<i32>} : memref<2x80x128xf32, #tpu.memory_space<vmem>>, vector<16xf32>,
      %swap3A_186 = arith.constant 0 : i32
      %swap3A_187 = arith.index_cast %swap3A_186 : i32 to index
      %swap3A_188 = arith.index_cast %scan3A_156 : i32 to index
      %swap3A_189 = arith.constant 96 : index
      %swap3A_190 = tpu.vector_load %arg10[%swap3A_187, %swap3A_188, %swap3A_189] {strides = array<i32>} : memref<2x80x128xf32, #tpu.memory_space<vmem>>, vector<16xf32>,
      tpu.vector_store %arg10[%swap3A_187, %swap3A_188, %swap3A_189], %broadcast_in_dim3A_1 {strides = array<i32>} : memref<2x80x128xf32, #tpu.memory_space<vmem>>, vector<16xf32>,
      %swap3A_191 = arith.constant 0 : i32
      %swap3A_192 = arith.index_cast %swap3A_191 : i32 to index
      %swap3A_193 = arith.index_cast %scan3A_156 : i32 to index
      %swap3A_194 = arith.constant 112 : index
      %swap3A_195 = tpu.vector_load %arg10[%swap3A_192, %swap3A_193, %swap3A_194] {strides = array<i32>} : memref<2x80x128xf32, #tpu.memory_space<vmem>>, vector<16xf32>,
      tpu.vector_store %arg10[%swap3A_192, %swap3A_193, %swap3A_194], %broadcast_in_dim3A_1 {strides = array<i32>} : memref<2x80x128xf32, #tpu.memory_space<vmem>>, vector<16xf32>,
    }
    %scan3A_6 = arith.constant 80 : i32
    %mul3A_7 = arith.constant 640 : i32
    %mul3A_8 = arith.muli %arg1, %mul3A_7 : i32
    %add3A_9 = arith.constant 0 : i32
    %add3A_10 = arith.addi %mul3A_8, %add3A_9 : i32
    %run_scoped3A = arith.constant 0 : i32
    "tpu.region"() ({
      %run_scoped3A_156 = tpu.sem_alloc : memref<!tpu.dma_semaphore, #tpu.memory_space<semaphore_mem>>
      %dma_start3A_157 = arith.constant 0 : i32
      %dma_start3A_158 = arith.constant 0 : i32
      %dma_start3A_159 = tpu.memref_slice %arg10[%run_scoped3A, %dma_start3A_157, %dma_start3A_158] : memref<2x80x128xf32, #tpu.memory_space<vmem>> -> memref<1x80x128xf32, #tpu.memory_space<vmem>>
      %dma_start3A_160 = tpu.memref_squeeze %dma_start3A_159 : memref<1x80x128xf32, #tpu.memory_space<vmem>> -> memref<80x128xf32, #tpu.memory_space<vmem>>
      %dma_start3A_161 = arith.constant 0 : i32
      %dma_start3A_162 = tpu.memref_slice %arg11[%add3A_10, %dma_start3A_161] : memref<10240x128xf32, #tpu.memory_space<vmem_shared>> -> memref<80x128xf32, #tpu.memory_space<vmem_shared>>
      %dma_start3A_163 = arith.constant 0 : i32
      %dma_start3A_164 = tpu.memref_slice %arg11[%add3A_10, %dma_start3A_163] : memref<10240x128xf32, #tpu.memory_space<vmem_shared>> -> memref<80x128xf32, #tpu.memory_space<vmem_shared>>
      %dma_start3A_165 = arith.constant 0 : i32
      %dma_start3A_166 = arith.constant 0 : i32
      %dma_start3A_167 = tpu.memref_slice %arg10[%run_scoped3A, %dma_start3A_165, %dma_start3A_166] : memref<2x80x128xf32, #tpu.memory_space<vmem>> -> memref<1x80x128xf32, #tpu.memory_space<vmem>>
      %dma_start3A_168 = tpu.memref_squeeze %dma_start3A_167 : memref<1x80x128xf32, #tpu.memory_space<vmem>> -> memref<80x128xf32, #tpu.memory_space<vmem>>
      tpu.enqueue_dma source(%dma_start3A_168 : memref<80x128xf32, #tpu.memory_space<vmem>>) target(%dma_start3A_164 : memref<80x128xf32, #tpu.memory_space<vmem_shared>>) target_semaphore(%run_scoped3A_156 : memref<!tpu.dma_semaphore, #tpu.memory_space<semaphore_mem>>)
      %dma_wait3A_169 = arith.constant 0 : i32
      %dma_wait3A_170 = arith.constant 0 : i32
      %dma_wait3A_171 = tpu.memref_slice %arg10[%run_scoped3A, %dma_wait3A_169, %dma_wait3A_170] : memref<2x80x128xf32, #tpu.memory_space<vmem>> -> memref<1x80x128xf32, #tpu.memory_space<vmem>>
      %dma_wait3A_172 = tpu.memref_squeeze %dma_wait3A_171 : memref<1x80x128xf32, #tpu.memory_space<vmem>> -> memref<80x128xf32, #tpu.memory_space<vmem>>
      %dma_wait3A_173 = arith.constant 0 : i32
      %dma_wait3A_174 = tpu.memref_slice %arg11[%add3A_10, %dma_wait3A_173] : memref<10240x128xf32, #tpu.memory_space<vmem_shared>> -> memref<80x128xf32, #tpu.memory_space<vmem_shared>>
      %dma_wait3A_175 = arith.constant 0 : i32
      %dma_wait3A_176 = tpu.memref_slice %arg11[%add3A_10, %dma_wait3A_175] : memref<10240x128xf32, #tpu.memory_space<vmem_shared>> -> memref<80x128xf32, #tpu.memory_space<vmem_shared>>
      %dma_wait3A_177 = arith.constant 0 : i32
      %dma_wait3A_178 = arith.constant 0 : i32
      %dma_wait3A_179 = tpu.memref_slice %arg10[%run_scoped3A, %dma_wait3A_177, %dma_wait3A_178] : memref<2x80x128xf32, #tpu.memory_space<vmem>> -> memref<1x80x128xf32, #tpu.memory_space<vmem>>
      %dma_wait3A_180 = tpu.memref_squeeze %dma_wait3A_179 : memref<1x80x128xf32, #tpu.memory_space<vmem>> -> memref<80x128xf32, #tpu.memory_space<vmem>>
      tpu.wait_dma2 semaphore(%run_scoped3A_156 : memref<!tpu.dma_semaphore, #tpu.memory_space<semaphore_mem>>) src(%dma_wait3A_180 : memref<80x128xf32, #tpu.memory_space<vmem>>) dst(%dma_wait3A_176 : memref<80x128xf32, #tpu.memory_space<vmem_shared>>)
      tpu.yield
    }) : () -> ()
    %add3A_11 = arith.constant 80 : i32
    %add3A_12 = arith.addi %mul3A_8, %add3A_11 : i32
    %run_scoped3A_13 = arith.constant 0 : i32
    "tpu.region"() ({
      %run_scoped3A_156 = tpu.sem_alloc : memref<!tpu.dma_semaphore, #tpu.memory_space<semaphore_mem>>
      %dma_start3A_157 = arith.constant 0 : i32
      %dma_start3A_158 = arith.constant 0 : i32
      %dma_start3A_159 = tpu.memref_slice %arg10[%run_scoped3A_13, %dma_start3A_157, %dma_start3A_158] : memref<2x80x128xf32, #tpu.memory_space<vmem>> -> memref<1x80x128xf32, #tpu.memory_space<vmem>>
      %dma_start3A_160 = tpu.memref_squeeze %dma_start3A_159 : memref<1x80x128xf32, #tpu.memory_space<vmem>> -> memref<80x128xf32, #tpu.memory_space<vmem>>
      %dma_start3A_161 = arith.constant 0 : i32
      %dma_start3A_162 = tpu.memref_slice %arg11[%add3A_12, %dma_start3A_161] : memref<10240x128xf32, #tpu.memory_space<vmem_shared>> -> memref<80x128xf32, #tpu.memory_space<vmem_shared>>
      %dma_start3A_163 = arith.constant 0 : i32
      %dma_start3A_164 = tpu.memref_slice %arg11[%add3A_12, %dma_start3A_163] : memref<10240x128xf32, #tpu.memory_space<vmem_shared>> -> memref<80x128xf32, #tpu.memory_space<vmem_shared>>
      %dma_start3A_165 = arith.constant 0 : i32
      %dma_start3A_166 = arith.constant 0 : i32
      %dma_start3A_167 = tpu.memref_slice %arg10[%run_scoped3A_13, %dma_start3A_165, %dma_start3A_166] : memref<2x80x128xf32, #tpu.memory_space<vmem>> -> memref<1x80x128xf32, #tpu.memory_space<vmem>>
      %dma_start3A_168 = tpu.memref_squeeze %dma_start3A_167 : memref<1x80x128xf32, #tpu.memory_space<vmem>> -> memref<80x128xf32, #tpu.memory_space<vmem>>
      tpu.enqueue_dma source(%dma_start3A_168 : memref<80x128xf32, #tpu.memory_space<vmem>>) target(%dma_start3A_164 : memref<80x128xf32, #tpu.memory_space<vmem_shared>>) target_semaphore(%run_scoped3A_156 : memref<!tpu.dma_semaphore, #tpu.memory_space<semaphore_mem>>)
      %dma_wait3A_169 = arith.constant 0 : i32
      %dma_wait3A_170 = arith.constant 0 : i32
      %dma_wait3A_171 = tpu.memref_slice %arg10[%run_scoped3A_13, %dma_wait3A_169, %dma_wait3A_170] : memref<2x80x128xf32, #tpu.memory_space<vmem>> -> memref<1x80x128xf32, #tpu.memory_space<vmem>>
      %dma_wait3A_172 = tpu.memref_squeeze %dma_wait3A_171 : memref<1x80x128xf32, #tpu.memory_space<vmem>> -> memref<80x128xf32, #tpu.memory_space<vmem>>
      %dma_wait3A_173 = arith.constant 0 : i32
      %dma_wait3A_174 = tpu.memref_slice %arg11[%add3A_12, %dma_wait3A_173] : memref<10240x128xf32, #tpu.memory_space<vmem_shared>> -> memref<80x128xf32, #tpu.memory_space<vmem_shared>>
      %dma_wait3A_175 = arith.constant 0 : i32
      %dma_wait3A_176 = tpu.memref_slice %arg11[%add3A_12, %dma_wait3A_175] : memref<10240x128xf32, #tpu.memory_space<vmem_shared>> -> memref<80x128xf32, #tpu.memory_space<vmem_shared>>
      %dma_wait3A_177 = arith.constant 0 : i32
      %dma_wait3A_178 = arith.constant 0 : i32
      %dma_wait3A_179 = tpu.memref_slice %arg10[%run_scoped3A_13, %dma_wait3A_177, %dma_wait3A_178] : memref<2x80x128xf32, #tpu.memory_space<vmem>> -> memref<1x80x128xf32, #tpu.memory_space<vmem>>
      %dma_wait3A_180 = tpu.memref_squeeze %dma_wait3A_179 : memref<1x80x128xf32, #tpu.memory_space<vmem>> -> memref<80x128xf32, #tpu.memory_space<vmem>>
      tpu.wait_dma2 semaphore(%run_scoped3A_156 : memref<!tpu.dma_semaphore, #tpu.memory_space<semaphore_mem>>) src(%dma_wait3A_180 : memref<80x128xf32, #tpu.memory_space<vmem>>) dst(%dma_wait3A_176 : memref<80x128xf32, #tpu.memory_space<vmem_shared>>)
      tpu.yield
    }) : () -> ()
    %add3A_14 = arith.constant 160 : i32
    %add3A_15 = arith.addi %mul3A_8, %add3A_14 : i32
    %run_scoped3A_16 = arith.constant 0 : i32
    "tpu.region"() ({
      %run_scoped3A_156 = tpu.sem_alloc : memref<!tpu.dma_semaphore, #tpu.memory_space<semaphore_mem>>
      %dma_start3A_157 = arith.constant 0 : i32
      %dma_start3A_158 = arith.constant 0 : i32
      %dma_start3A_159 = tpu.memref_slice %arg10[%run_scoped3A_16, %dma_start3A_157, %dma_start3A_158] : memref<2x80x128xf32, #tpu.memory_space<vmem>> -> memref<1x80x128xf32, #tpu.memory_space<vmem>>
      %dma_start3A_160 = tpu.memref_squeeze %dma_start3A_159 : memref<1x80x128xf32, #tpu.memory_space<vmem>> -> memref<80x128xf32, #tpu.memory_space<vmem>>
      %dma_start3A_161 = arith.constant 0 : i32
      %dma_start3A_162 = tpu.memref_slice %arg11[%add3A_15, %dma_start3A_161] : memref<10240x128xf32, #tpu.memory_space<vmem_shared>> -> memref<80x128xf32, #tpu.memory_space<vmem_shared>>
      %dma_start3A_163 = arith.constant 0 : i32
      %dma_start3A_164 = tpu.memref_slice %arg11[%add3A_15, %dma_start3A_163] : memref<10240x128xf32, #tpu.memory_space<vmem_shared>> -> memref<80x128xf32, #tpu.memory_space<vmem_shared>>
      %dma_start3A_165 = arith.constant 0 : i32
      %dma_start3A_166 = arith.constant 0 : i32
      %dma_start3A_167 = tpu.memref_slice %arg10[%run_scoped3A_16, %dma_start3A_165, %dma_start3A_166] : memref<2x80x128xf32, #tpu.memory_space<vmem>> -> memref<1x80x128xf32, #tpu.memory_space<vmem>>
      %dma_start3A_168 = tpu.memref_squeeze %dma_start3A_167 : memref<1x80x128xf32, #tpu.memory_space<vmem>> -> memref<80x128xf32, #tpu.memory_space<vmem>>
      tpu.enqueue_dma source(%dma_start3A_168 : memref<80x128xf32, #tpu.memory_space<vmem>>) target(%dma_start3A_164 : memref<80x128xf32, #tpu.memory_space<vmem_shared>>) target_semaphore(%run_scoped3A_156 : memref<!tpu.dma_semaphore, #tpu.memory_space<semaphore_mem>>)
      %dma_wait3A_169 = arith.constant 0 : i32
      %dma_wait3A_170 = arith.constant 0 : i32
      %dma_wait3A_171 = tpu.memref_slice %arg10[%run_scoped3A_16, %dma_wait3A_169, %dma_wait3A_170] : memref<2x80x128xf32, #tpu.memory_space<vmem>> -> memref<1x80x128xf32, #tpu.memory_space<vmem>>
      %dma_wait3A_172 = tpu.memref_squeeze %dma_wait3A_171 : memref<1x80x128xf32, #tpu.memory_space<vmem>> -> memref<80x128xf32, #tpu.memory_space<vmem>>
      %dma_wait3A_173 = arith.constant 0 : i32
      %dma_wait3A_174 = tpu.memref_slice %arg11[%add3A_15, %dma_wait3A_173] : memref<10240x128xf32, #tpu.memory_space<vmem_shared>> -> memref<80x128xf32, #tpu.memory_space<vmem_shared>>
      %dma_wait3A_175 = arith.constant 0 : i32
      %dma_wait3A_176 = tpu.memref_slice %arg11[%add3A_15, %dma_wait3A_175] : memref<10240x128xf32, #tpu.memory_space<vmem_shared>> -> memref<80x128xf32, #tpu.memory_space<vmem_shared>>
      %dma_wait3A_177 = arith.constant 0 : i32
      %dma_wait3A_178 = arith.constant 0 : i32
      %dma_wait3A_179 = tpu.memref_slice %arg10[%run_scoped3A_16, %dma_wait3A_177, %dma_wait3A_178] : memref<2x80x128xf32, #tpu.memory_space<vmem>> -> memref<1x80x128xf32, #tpu.memory_space<vmem>>
      %dma_wait3A_180 = tpu.memref_squeeze %dma_wait3A_179 : memref<1x80x128xf32, #tpu.memory_space<vmem>> -> memref<80x128xf32, #tpu.memory_space<vmem>>
      tpu.wait_dma2 semaphore(%run_scoped3A_156 : memref<!tpu.dma_semaphore, #tpu.memory_space<semaphore_mem>>) src(%dma_wait3A_180 : memref<80x128xf32, #tpu.memory_space<vmem>>) dst(%dma_wait3A_176 : memref<80x128xf32, #tpu.memory_space<vmem_shared>>)
      tpu.yield
    }) : () -> ()
    %add3A_17 = arith.constant 240 : i32
    %add3A_18 = arith.addi %mul3A_8, %add3A_17 : i32
    %run_scoped3A_19 = arith.constant 0 : i32
    "tpu.region"() ({
      %run_scoped3A_156 = tpu.sem_alloc : memref<!tpu.dma_semaphore, #tpu.memory_space<semaphore_mem>>
      %dma_start3A_157 = arith.constant 0 : i32
      %dma_start3A_158 = arith.constant 0 : i32
      %dma_start3A_159 = tpu.memref_slice %arg10[%run_scoped3A_19, %dma_start3A_157, %dma_start3A_158] : memref<2x80x128xf32, #tpu.memory_space<vmem>> -> memref<1x80x128xf32, #tpu.memory_space<vmem>>
      %dma_start3A_160 = tpu.memref_squeeze %dma_start3A_159 : memref<1x80x128xf32, #tpu.memory_space<vmem>> -> memref<80x128xf32, #tpu.memory_space<vmem>>
      %dma_start3A_161 = arith.constant 0 : i32
      %dma_start3A_162 = tpu.memref_slice %arg11[%add3A_18, %dma_start3A_161] : memref<10240x128xf32, #tpu.memory_space<vmem_shared>> -> memref<80x128xf32, #tpu.memory_space<vmem_shared>>
      %dma_start3A_163 = arith.constant 0 : i32
      %dma_start3A_164 = tpu.memref_slice %arg11[%add3A_18, %dma_start3A_163] : memref<10240x128xf32, #tpu.memory_space<vmem_shared>> -> memref<80x128xf32, #tpu.memory_space<vmem_shared>>
      %dma_start3A_165 = arith.constant 0 : i32
      %dma_start3A_166 = arith.constant 0 : i32
      %dma_start3A_167 = tpu.memref_slice %arg10[%run_scoped3A_19, %dma_start3A_165, %dma_start3A_166] : memref<2x80x128xf32, #tpu.memory_space<vmem>> -> memref<1x80x128xf32, #tpu.memory_space<vmem>>
      %dma_start3A_168 = tpu.memref_squeeze %dma_start3A_167 : memref<1x80x128xf32, #tpu.memory_space<vmem>> -> memref<80x128xf32, #tpu.memory_space<vmem>>
      tpu.enqueue_dma source(%dma_start3A_168 : memref<80x128xf32, #tpu.memory_space<vmem>>) target(%dma_start3A_164 : memref<80x128xf32, #tpu.memory_space<vmem_shared>>) target_semaphore(%run_scoped3A_156 : memref<!tpu.dma_semaphore, #tpu.memory_space<semaphore_mem>>)
      %dma_wait3A_169 = arith.constant 0 : i32
      %dma_wait3A_170 = arith.constant 0 : i32
      %dma_wait3A_171 = tpu.memref_slice %arg10[%run_scoped3A_19, %dma_wait3A_169, %dma_wait3A_170] : memref<2x80x128xf32, #tpu.memory_space<vmem>> -> memref<1x80x128xf32, #tpu.memory_space<vmem>>
      %dma_wait3A_172 = tpu.memref_squeeze %dma_wait3A_171 : memref<1x80x128xf32, #tpu.memory_space<vmem>> -> memref<80x128xf32, #tpu.memory_space<vmem>>
      %dma_wait3A_173 = arith.constant 0 : i32
      %dma_wait3A_174 = tpu.memref_slice %arg11[%add3A_18, %dma_wait3A_173] : memref<10240x128xf32, #tpu.memory_space<vmem_shared>> -> memref<80x128xf32, #tpu.memory_space<vmem_shared>>
      %dma_wait3A_175 = arith.constant 0 : i32
      %dma_wait3A_176 = tpu.memref_slice %arg11[%add3A_18, %dma_wait3A_175] : memref<10240x128xf32, #tpu.memory_space<vmem_shared>> -> memref<80x128xf32, #tpu.memory_space<vmem_shared>>
      %dma_wait3A_177 = arith.constant 0 : i32
      %dma_wait3A_178 = arith.constant 0 : i32
      %dma_wait3A_179 = tpu.memref_slice %arg10[%run_scoped3A_19, %dma_wait3A_177, %dma_wait3A_178] : memref<2x80x128xf32, #tpu.memory_space<vmem>> -> memref<1x80x128xf32, #tpu.memory_space<vmem>>
      %dma_wait3A_180 = tpu.memref_squeeze %dma_wait3A_179 : memref<1x80x128xf32, #tpu.memory_space<vmem>> -> memref<80x128xf32, #tpu.memory_space<vmem>>
      tpu.wait_dma2 semaphore(%run_scoped3A_156 : memref<!tpu.dma_semaphore, #tpu.memory_space<semaphore_mem>>) src(%dma_wait3A_180 : memref<80x128xf32, #tpu.memory_space<vmem>>) dst(%dma_wait3A_176 : memref<80x128xf32, #tpu.memory_space<vmem_shared>>)
      tpu.yield
    }) : () -> ()
    %add3A_20 = arith.constant 320 : i32
    %add3A_21 = arith.addi %mul3A_8, %add3A_20 : i32
    %run_scoped3A_22 = arith.constant 0 : i32
    "tpu.region"() ({
      %run_scoped3A_156 = tpu.sem_alloc : memref<!tpu.dma_semaphore, #tpu.memory_space<semaphore_mem>>
      %dma_start3A_157 = arith.constant 0 : i32
      %dma_start3A_158 = arith.constant 0 : i32
      %dma_start3A_159 = tpu.memref_slice %arg10[%run_scoped3A_22, %dma_start3A_157, %dma_start3A_158] : memref<2x80x128xf32, #tpu.memory_space<vmem>> -> memref<1x80x128xf32, #tpu.memory_space<vmem>>
      %dma_start3A_160 = tpu.memref_squeeze %dma_start3A_159 : memref<1x80x128xf32, #tpu.memory_space<vmem>> -> memref<80x128xf32, #tpu.memory_space<vmem>>
      %dma_start3A_161 = arith.constant 0 : i32
      %dma_start3A_162 = tpu.memref_slice %arg11[%add3A_21, %dma_start3A_161] : memref<10240x128xf32, #tpu.memory_space<vmem_shared>> -> memref<80x128xf32, #tpu.memory_space<vmem_shared>>
      %dma_start3A_163 = arith.constant 0 : i32
      %dma_start3A_164 = tpu.memref_slice %arg11[%add3A_21, %dma_start3A_163] : memref<10240x128xf32, #tpu.memory_space<vmem_shared>> -> memref<80x128xf32, #tpu.memory_space<vmem_shared>>
      %dma_start3A_165 = arith.constant 0 : i32
      %dma_start3A_166 = arith.constant 0 : i32
      %dma_start3A_167 = tpu.memref_slice %arg10[%run_scoped3A_22, %dma_start3A_165, %dma_start3A_166] : memref<2x80x128xf32, #tpu.memory_space<vmem>> -> memref<1x80x128xf32, #tpu.memory_space<vmem>>
      %dma_start3A_168 = tpu.memref_squeeze %dma_start3A_167 : memref<1x80x128xf32, #tpu.memory_space<vmem>> -> memref<80x128xf32, #tpu.memory_space<vmem>>
      tpu.enqueue_dma source(%dma_start3A_168 : memref<80x128xf32, #tpu.memory_space<vmem>>) target(%dma_start3A_164 : memref<80x128xf32, #tpu.memory_space<vmem_shared>>) target_semaphore(%run_scoped3A_156 : memref<!tpu.dma_semaphore, #tpu.memory_space<semaphore_mem>>)
      %dma_wait3A_169 = arith.constant 0 : i32
      %dma_wait3A_170 = arith.constant 0 : i32
      %dma_wait3A_171 = tpu.memref_slice %arg10[%run_scoped3A_22, %dma_wait3A_169, %dma_wait3A_170] : memref<2x80x128xf32, #tpu.memory_space<vmem>> -> memref<1x80x128xf32, #tpu.memory_space<vmem>>
      %dma_wait3A_172 = tpu.memref_squeeze %dma_wait3A_171 : memref<1x80x128xf32, #tpu.memory_space<vmem>> -> memref<80x128xf32, #tpu.memory_space<vmem>>
      %dma_wait3A_173 = arith.constant 0 : i32
      %dma_wait3A_174 = tpu.memref_slice %arg11[%add3A_21, %dma_wait3A_173] : memref<10240x128xf32, #tpu.memory_space<vmem_shared>> -> memref<80x128xf32, #tpu.memory_space<vmem_shared>>
      %dma_wait3A_175 = arith.constant 0 : i32
      %dma_wait3A_176 = tpu.memref_slice %arg11[%add3A_21, %dma_wait3A_175] : memref<10240x128xf32, #tpu.memory_space<vmem_shared>> -> memref<80x128xf32, #tpu.memory_space<vmem_shared>>
      %dma_wait3A_177 = arith.constant 0 : i32
      %dma_wait3A_178 = arith.constant 0 : i32
      %dma_wait3A_179 = tpu.memref_slice %arg10[%run_scoped3A_22, %dma_wait3A_177, %dma_wait3A_178] : memref<2x80x128xf32, #tpu.memory_space<vmem>> -> memref<1x80x128xf32, #tpu.memory_space<vmem>>
      %dma_wait3A_180 = tpu.memref_squeeze %dma_wait3A_179 : memref<1x80x128xf32, #tpu.memory_space<vmem>> -> memref<80x128xf32, #tpu.memory_space<vmem>>
      tpu.wait_dma2 semaphore(%run_scoped3A_156 : memref<!tpu.dma_semaphore, #tpu.memory_space<semaphore_mem>>) src(%dma_wait3A_180 : memref<80x128xf32, #tpu.memory_space<vmem>>) dst(%dma_wait3A_176 : memref<80x128xf32, #tpu.memory_space<vmem_shared>>)
      tpu.yield
    }) : () -> ()
    %add3A_23 = arith.constant 400 : i32
    %add3A_24 = arith.addi %mul3A_8, %add3A_23 : i32
    %run_scoped3A_25 = arith.constant 0 : i32
    "tpu.region"() ({
      %run_scoped3A_156 = tpu.sem_alloc : memref<!tpu.dma_semaphore, #tpu.memory_space<semaphore_mem>>
      %dma_start3A_157 = arith.constant 0 : i32
      %dma_start3A_158 = arith.constant 0 : i32
      %dma_start3A_159 = tpu.memref_slice %arg10[%run_scoped3A_25, %dma_start3A_157, %dma_start3A_158] : memref<2x80x128xf32, #tpu.memory_space<vmem>> -> memref<1x80x128xf32, #tpu.memory_space<vmem>>
      %dma_start3A_160 = tpu.memref_squeeze %dma_start3A_159 : memref<1x80x128xf32, #tpu.memory_space<vmem>> -> memref<80x128xf32, #tpu.memory_space<vmem>>
      %dma_start3A_161 = arith.constant 0 : i32
      %dma_start3A_162 = tpu.memref_slice %arg11[%add3A_24, %dma_start3A_161] : memref<10240x128xf32, #tpu.memory_space<vmem_shared>> -> memref<80x128xf32, #tpu.memory_space<vmem_shared>>
      %dma_start3A_163 = arith.constant 0 : i32
      %dma_start3A_164 = tpu.memref_slice %arg11[%add3A_24, %dma_start3A_163] : memref<10240x128xf32, #tpu.memory_space<vmem_shared>> -> memref<80x128xf32, #tpu.memory_space<vmem_shared>>
      %dma_start3A_165 = arith.constant 0 : i32
      %dma_start3A_166 = arith.constant 0 : i32
      %dma_start3A_167 = tpu.memref_slice %arg10[%run_scoped3A_25, %dma_start3A_165, %dma_start3A_166] : memref<2x80x128xf32, #tpu.memory_space<vmem>> -> memref<1x80x128xf32, #tpu.memory_space<vmem>>
      %dma_start3A_168 = tpu.memref_squeeze %dma_start3A_167 : memref<1x80x128xf32, #tpu.memory_space<vmem>> -> memref<80x128xf32, #tpu.memory_space<vmem>>
      tpu.enqueue_dma source(%dma_start3A_168 : memref<80x128xf32, #tpu.memory_space<vmem>>) target(%dma_start3A_164 : memref<80x128xf32, #tpu.memory_space<vmem_shared>>) target_semaphore(%run_scoped3A_156 : memref<!tpu.dma_semaphore, #tpu.memory_space<semaphore_mem>>)
      %dma_wait3A_169 = arith.constant 0 : i32
      %dma_wait3A_170 = arith.constant 0 : i32
      %dma_wait3A_171 = tpu.memref_slice %arg10[%run_scoped3A_25, %dma_wait3A_169, %dma_wait3A_170] : memref<2x80x128xf32, #tpu.memory_space<vmem>> -> memref<1x80x128xf32, #tpu.memory_space<vmem>>
      %dma_wait3A_172 = tpu.memref_squeeze %dma_wait3A_171 : memref<1x80x128xf32, #tpu.memory_space<vmem>> -> memref<80x128xf32, #tpu.memory_space<vmem>>
      %dma_wait3A_173 = arith.constant 0 : i32
      %dma_wait3A_174 = tpu.memref_slice %arg11[%add3A_24, %dma_wait3A_173] : memref<10240x128xf32, #tpu.memory_space<vmem_shared>> -> memref<80x128xf32, #tpu.memory_space<vmem_shared>>
      %dma_wait3A_175 = arith.constant 0 : i32
      %dma_wait3A_176 = tpu.memref_slice %arg11[%add3A_24, %dma_wait3A_175] : memref<10240x128xf32, #tpu.memory_space<vmem_shared>> -> memref<80x128xf32, #tpu.memory_space<vmem_shared>>
      %dma_wait3A_177 = arith.constant 0 : i32
      %dma_wait3A_178 = arith.constant 0 : i32
      %dma_wait3A_179 = tpu.memref_slice %arg10[%run_scoped3A_25, %dma_wait3A_177, %dma_wait3A_178] : memref<2x80x128xf32, #tpu.memory_space<vmem>> -> memref<1x80x128xf32, #tpu.memory_space<vmem>>
      %dma_wait3A_180 = tpu.memref_squeeze %dma_wait3A_179 : memref<1x80x128xf32, #tpu.memory_space<vmem>> -> memref<80x128xf32, #tpu.memory_space<vmem>>
      tpu.wait_dma2 semaphore(%run_scoped3A_156 : memref<!tpu.dma_semaphore, #tpu.memory_space<semaphore_mem>>) src(%dma_wait3A_180 : memref<80x128xf32, #tpu.memory_space<vmem>>) dst(%dma_wait3A_176 : memref<80x128xf32, #tpu.memory_space<vmem_shared>>)
      tpu.yield
    }) : () -> ()
    %add3A_26 = arith.constant 480 : i32
    %add3A_27 = arith.addi %mul3A_8, %add3A_26 : i32
    %run_scoped3A_28 = arith.constant 0 : i32
    "tpu.region"() ({
      %run_scoped3A_156 = tpu.sem_alloc : memref<!tpu.dma_semaphore, #tpu.memory_space<semaphore_mem>>
      %dma_start3A_157 = arith.constant 0 : i32
      %dma_start3A_158 = arith.constant 0 : i32
      %dma_start3A_159 = tpu.memref_slice %arg10[%run_scoped3A_28, %dma_start3A_157, %dma_start3A_158] : memref<2x80x128xf32, #tpu.memory_space<vmem>> -> memref<1x80x128xf32, #tpu.memory_space<vmem>>
      %dma_start3A_160 = tpu.memref_squeeze %dma_start3A_159 : memref<1x80x128xf32, #tpu.memory_space<vmem>> -> memref<80x128xf32, #tpu.memory_space<vmem>>
      %dma_start3A_161 = arith.constant 0 : i32
      %dma_start3A_162 = tpu.memref_slice %arg11[%add3A_27, %dma_start3A_161] : memref<10240x128xf32, #tpu.memory_space<vmem_shared>> -> memref<80x128xf32, #tpu.memory_space<vmem_shared>>
      %dma_start3A_163 = arith.constant 0 : i32
      %dma_start3A_164 = tpu.memref_slice %arg11[%add3A_27, %dma_start3A_163] : memref<10240x128xf32, #tpu.memory_space<vmem_shared>> -> memref<80x128xf32, #tpu.memory_space<vmem_shared>>
      %dma_start3A_165 = arith.constant 0 : i32
      %dma_start3A_166 = arith.constant 0 : i32
      %dma_start3A_167 = tpu.memref_slice %arg10[%run_scoped3A_28, %dma_start3A_165, %dma_start3A_166] : memref<2x80x128xf32, #tpu.memory_space<vmem>> -> memref<1x80x128xf32, #tpu.memory_space<vmem>>
      %dma_start3A_168 = tpu.memref_squeeze %dma_start3A_167 : memref<1x80x128xf32, #tpu.memory_space<vmem>> -> memref<80x128xf32, #tpu.memory_space<vmem>>
      tpu.enqueue_dma source(%dma_start3A_168 : memref<80x128xf32, #tpu.memory_space<vmem>>) target(%dma_start3A_164 : memref<80x128xf32, #tpu.memory_space<vmem_shared>>) target_semaphore(%run_scoped3A_156 : memref<!tpu.dma_semaphore, #tpu.memory_space<semaphore_mem>>)
      %dma_wait3A_169 = arith.constant 0 : i32
      %dma_wait3A_170 = arith.constant 0 : i32
      %dma_wait3A_171 = tpu.memref_slice %arg10[%run_scoped3A_28, %dma_wait3A_169, %dma_wait3A_170] : memref<2x80x128xf32, #tpu.memory_space<vmem>> -> memref<1x80x128xf32, #tpu.memory_space<vmem>>
      %dma_wait3A_172 = tpu.memref_squeeze %dma_wait3A_171 : memref<1x80x128xf32, #tpu.memory_space<vmem>> -> memref<80x128xf32, #tpu.memory_space<vmem>>
      %dma_wait3A_173 = arith.constant 0 : i32
      %dma_wait3A_174 = tpu.memref_slice %arg11[%add3A_27, %dma_wait3A_173] : memref<10240x128xf32, #tpu.memory_space<vmem_shared>> -> memref<80x128xf32, #tpu.memory_space<vmem_shared>>
      %dma_wait3A_175 = arith.constant 0 : i32
      %dma_wait3A_176 = tpu.memref_slice %arg11[%add3A_27, %dma_wait3A_175] : memref<10240x128xf32, #tpu.memory_space<vmem_shared>> -> memref<80x128xf32, #tpu.memory_space<vmem_shared>>
      %dma_wait3A_177 = arith.constant 0 : i32
      %dma_wait3A_178 = arith.constant 0 : i32
      %dma_wait3A_179 = tpu.memref_slice %arg10[%run_scoped3A_28, %dma_wait3A_177, %dma_wait3A_178] : memref<2x80x128xf32, #tpu.memory_space<vmem>> -> memref<1x80x128xf32, #tpu.memory_space<vmem>>
      %dma_wait3A_180 = tpu.memref_squeeze %dma_wait3A_179 : memref<1x80x128xf32, #tpu.memory_space<vmem>> -> memref<80x128xf32, #tpu.memory_space<vmem>>
      tpu.wait_dma2 semaphore(%run_scoped3A_156 : memref<!tpu.dma_semaphore, #tpu.memory_space<semaphore_mem>>) src(%dma_wait3A_180 : memref<80x128xf32, #tpu.memory_space<vmem>>) dst(%dma_wait3A_176 : memref<80x128xf32, #tpu.memory_space<vmem_shared>>)
      tpu.yield
    }) : () -> ()
    %add3A_29 = arith.constant 560 : i32
    %add3A_30 = arith.addi %mul3A_8, %add3A_29 : i32
    %run_scoped3A_31 = arith.constant 0 : i32
    "tpu.region"() ({
      %run_scoped3A_156 = tpu.sem_alloc : memref<!tpu.dma_semaphore, #tpu.memory_space<semaphore_mem>>
      %dma_start3A_157 = arith.constant 0 : i32
      %dma_start3A_158 = arith.constant 0 : i32
      %dma_start3A_159 = tpu.memref_slice %arg10[%run_scoped3A_31, %dma_start3A_157, %dma_start3A_158] : memref<2x80x128xf32, #tpu.memory_space<vmem>> -> memref<1x80x128xf32, #tpu.memory_space<vmem>>
      %dma_start3A_160 = tpu.memref_squeeze %dma_start3A_159 : memref<1x80x128xf32, #tpu.memory_space<vmem>> -> memref<80x128xf32, #tpu.memory_space<vmem>>
      %dma_start3A_161 = arith.constant 0 : i32
      %dma_start3A_162 = tpu.memref_slice %arg11[%add3A_30, %dma_start3A_161] : memref<10240x128xf32, #tpu.memory_space<vmem_shared>> -> memref<80x128xf32, #tpu.memory_space<vmem_shared>>
      %dma_start3A_163 = arith.constant 0 : i32
      %dma_start3A_164 = tpu.memref_slice %arg11[%add3A_30, %dma_start3A_163] : memref<10240x128xf32, #tpu.memory_space<vmem_shared>> -> memref<80x128xf32, #tpu.memory_space<vmem_shared>>
      %dma_start3A_165 = arith.constant 0 : i32
      %dma_start3A_166 = arith.constant 0 : i32
      %dma_start3A_167 = tpu.memref_slice %arg10[%run_scoped3A_31, %dma_start3A_165, %dma_start3A_166] : memref<2x80x128xf32, #tpu.memory_space<vmem>> -> memref<1x80x128xf32, #tpu.memory_space<vmem>>
      %dma_start3A_168 = tpu.memref_squeeze %dma_start3A_167 : memref<1x80x128xf32, #tpu.memory_space<vmem>> -> memref<80x128xf32, #tpu.memory_space<vmem>>
      tpu.enqueue_dma source(%dma_start3A_168 : memref<80x128xf32, #tpu.memory_space<vmem>>) target(%dma_start3A_164 : memref<80x128xf32, #tpu.memory_space<vmem_shared>>) target_semaphore(%run_scoped3A_156 : memref<!tpu.dma_semaphore, #tpu.memory_space<semaphore_mem>>)
      %dma_wait3A_169 = arith.constant 0 : i32
      %dma_wait3A_170 = arith.constant 0 : i32
      %dma_wait3A_171 = tpu.memref_slice %arg10[%run_scoped3A_31, %dma_wait3A_169, %dma_wait3A_170] : memref<2x80x128xf32, #tpu.memory_space<vmem>> -> memref<1x80x128xf32, #tpu.memory_space<vmem>>
      %dma_wait3A_172 = tpu.memref_squeeze %dma_wait3A_171 : memref<1x80x128xf32, #tpu.memory_space<vmem>> -> memref<80x128xf32, #tpu.memory_space<vmem>>
      %dma_wait3A_173 = arith.constant 0 : i32
      %dma_wait3A_174 = tpu.memref_slice %arg11[%add3A_30, %dma_wait3A_173] : memref<10240x128xf32, #tpu.memory_space<vmem_shared>> -> memref<80x128xf32, #tpu.memory_space<vmem_shared>>
      %dma_wait3A_175 = arith.constant 0 : i32
      %dma_wait3A_176 = tpu.memref_slice %arg11[%add3A_30, %dma_wait3A_175] : memref<10240x128xf32, #tpu.memory_space<vmem_shared>> -> memref<80x128xf32, #tpu.memory_space<vmem_shared>>
      %dma_wait3A_177 = arith.constant 0 : i32
      %dma_wait3A_178 = arith.constant 0 : i32
      %dma_wait3A_179 = tpu.memref_slice %arg10[%run_scoped3A_31, %dma_wait3A_177, %dma_wait3A_178] : memref<2x80x128xf32, #tpu.memory_space<vmem>> -> memref<1x80x128xf32, #tpu.memory_space<vmem>>
      %dma_wait3A_180 = tpu.memref_squeeze %dma_wait3A_179 : memref<1x80x128xf32, #tpu.memory_space<vmem>> -> memref<80x128xf32, #tpu.memory_space<vmem>>
      tpu.wait_dma2 semaphore(%run_scoped3A_156 : memref<!tpu.dma_semaphore, #tpu.memory_space<semaphore_mem>>) src(%dma_wait3A_180 : memref<80x128xf32, #tpu.memory_space<vmem>>) dst(%dma_wait3A_176 : memref<80x128xf32, #tpu.memory_space<vmem_shared>>)
      tpu.yield
    }) : () -> ()
    %barrier3A = arith.constant 0 : index
    tpu.barrier barrier_id(%barrier3A)
    %lt3A = arith.constant 0 : i32
    %lt3A_32 = arith.cmpi slt, %add3A, %lt3A : i32
    %jit3A = arith.constant 1 : i32
    %jit3A_33 = arith.constant 0 : i32
    %select_n3A = arith.select %lt3A_32, %jit3A, %jit3A_33 : i32
    %add3A_34 = arith.constant 125 : i32
    %add3A_35 = arith.addi %add3A_34, %select_n3A : i32
    %add3A_36 = arith.constant 0 : i32
    %add3A_37 = arith.addi %add3A, %add3A_36 : i32
    %mul3A_38 = arith.constant 80 : i32
    %mul3A_39 = arith.muli %add3A_37, %mul3A_38 : i32
    %multiple_of3A = tpu.assume_multiple %mul3A_39, 80 : i32
    %dma_start3A = arith.constant 0 : i32
    %dma_start3A_40 = arith.constant 0 : i32
    %dma_start3A_41 = arith.constant 0 : i32
    %dma_start3A_42 = tpu.memref_slice %arg7[%dma_start3A, %dma_start3A_41] : memref<2x80xi32, #tpu.memory_space<vmem>> -> memref<1x80xi32, #tpu.memory_space<vmem>>
    %dma_start3A_43 = tpu.memref_squeeze %dma_start3A_42 : memref<1x80xi32, #tpu.memory_space<vmem>> -> memref<80xi32, #tpu.memory_space<vmem>>
    %dma_start3A_44 = tpu.memref_slice %arg3[%multiple_of3A] : memref<320000xi32, #tpu.memory_space<hbm>> -> memref<80xi32, #tpu.memory_space<hbm>>
    %dma_start3A_45 = tpu.memref_slice %arg12[%dma_start3A_40] : memref<2x!tpu.dma_semaphore, #tpu.memory_space<semaphore_mem>> -> memref<1x!tpu.dma_semaphore, #tpu.memory_space<semaphore_mem>>
    %dma_start3A_46 = tpu.memref_squeeze %dma_start3A_45 : memref<1x!tpu.dma_semaphore, #tpu.memory_space<semaphore_mem>> -> memref<!tpu.dma_semaphore, #tpu.memory_space<semaphore_mem>>
    %dma_start3A_47 = arith.constant 0 : i32
    %dma_start3A_48 = tpu.memref_slice %arg7[%dma_start3A, %dma_start3A_47] : memref<2x80xi32, #tpu.memory_space<vmem>> -> memref<1x80xi32, #tpu.memory_space<vmem>>
    %dma_start3A_49 = tpu.memref_squeeze %dma_start3A_48 : memref<1x80xi32, #tpu.memory_space<vmem>> -> memref<80xi32, #tpu.memory_space<vmem>>
    %dma_start3A_50 = tpu.memref_slice %arg3[%multiple_of3A] : memref<320000xi32, #tpu.memory_space<hbm>> -> memref<80xi32, #tpu.memory_space<hbm>>
    tpu.enqueue_dma source(%dma_start3A_50 : memref<80xi32, #tpu.memory_space<hbm>>) target(%dma_start3A_49 : memref<80xi32, #tpu.memory_space<vmem>>) target_semaphore(%dma_start3A_46 : memref<!tpu.dma_semaphore, #tpu.memory_space<semaphore_mem>>)
    %dma_start3A_51 = arith.constant 0 : i32
    %dma_start3A_52 = arith.constant 0 : i32
    %dma_start3A_53 = arith.constant 0 : i32
    %dma_start3A_54 = tpu.memref_slice %arg8[%dma_start3A_51, %dma_start3A_53] : memref<2x80xi32, #tpu.memory_space<vmem>> -> memref<1x80xi32, #tpu.memory_space<vmem>>
    %dma_start3A_55 = tpu.memref_squeeze %dma_start3A_54 : memref<1x80xi32, #tpu.memory_space<vmem>> -> memref<80xi32, #tpu.memory_space<vmem>>
    %dma_start3A_56 = tpu.memref_slice %arg4[%multiple_of3A] : memref<320000xi32, #tpu.memory_space<hbm>> -> memref<80xi32, #tpu.memory_space<hbm>>
    %dma_start3A_57 = tpu.memref_slice %arg12[%dma_start3A_52] : memref<2x!tpu.dma_semaphore, #tpu.memory_space<semaphore_mem>> -> memref<1x!tpu.dma_semaphore, #tpu.memory_space<semaphore_mem>>
    %dma_start3A_58 = tpu.memref_squeeze %dma_start3A_57 : memref<1x!tpu.dma_semaphore, #tpu.memory_space<semaphore_mem>> -> memref<!tpu.dma_semaphore, #tpu.memory_space<semaphore_mem>>
    %dma_start3A_59 = arith.constant 0 : i32
    %dma_start3A_60 = tpu.memref_slice %arg8[%dma_start3A_51, %dma_start3A_59] : memref<2x80xi32, #tpu.memory_space<vmem>> -> memref<1x80xi32, #tpu.memory_space<vmem>>
    %dma_start3A_61 = tpu.memref_squeeze %dma_start3A_60 : memref<1x80xi32, #tpu.memory_space<vmem>> -> memref<80xi32, #tpu.memory_space<vmem>>
    %dma_start3A_62 = tpu.memref_slice %arg4[%multiple_of3A] : memref<320000xi32, #tpu.memory_space<hbm>> -> memref<80xi32, #tpu.memory_space<hbm>>
    tpu.enqueue_dma source(%dma_start3A_62 : memref<80xi32, #tpu.memory_space<hbm>>) target(%dma_start3A_61 : memref<80xi32, #tpu.memory_space<vmem>>) target_semaphore(%dma_start3A_58 : memref<!tpu.dma_semaphore, #tpu.memory_space<semaphore_mem>>)
    %dma_wait3A = arith.constant 0 : i32
    %dma_wait3A_63 = arith.constant 0 : i32
    %dma_wait3A_64 = arith.constant 0 : i32
    %dma_wait3A_65 = tpu.memref_slice %arg7[%dma_wait3A, %dma_wait3A_64] : memref<2x80xi32, #tpu.memory_space<vmem>> -> memref<1x80xi32, #tpu.memory_space<vmem>>
    %dma_wait3A_66 = tpu.memref_squeeze %dma_wait3A_65 : memref<1x80xi32, #tpu.memory_space<vmem>> -> memref<80xi32, #tpu.memory_space<vmem>>
    %dma_wait3A_67 = arith.constant 0 : i32
    %dma_wait3A_68 = tpu.memref_slice %arg3[%dma_wait3A_67] : memref<320000xi32, #tpu.memory_space<hbm>> -> memref<80xi32, #tpu.memory_space<hbm>>
    %dma_wait3A_69 = tpu.memref_slice %arg12[%dma_wait3A_63] : memref<2x!tpu.dma_semaphore, #tpu.memory_space<semaphore_mem>> -> memref<1x!tpu.dma_semaphore, #tpu.memory_space<semaphore_mem>>
    %dma_wait3A_70 = tpu.memref_squeeze %dma_wait3A_69 : memref<1x!tpu.dma_semaphore, #tpu.memory_space<semaphore_mem>> -> memref<!tpu.dma_semaphore, #tpu.memory_space<semaphore_mem>>
    %dma_wait3A_71 = arith.constant 0 : i32
    %dma_wait3A_72 = tpu.memref_slice %arg7[%dma_wait3A, %dma_wait3A_71] : memref<2x80xi32, #tpu.memory_space<vmem>> -> memref<1x80xi32, #tpu.memory_space<vmem>>
    %dma_wait3A_73 = tpu.memref_squeeze %dma_wait3A_72 : memref<1x80xi32, #tpu.memory_space<vmem>> -> memref<80xi32, #tpu.memory_space<vmem>>
    %dma_wait3A_74 = arith.constant 0 : i32
    %dma_wait3A_75 = tpu.memref_slice %arg3[%dma_wait3A_74] : memref<320000xi32, #tpu.memory_space<hbm>> -> memref<80xi32, #tpu.memory_space<hbm>>
    tpu.wait_dma2 semaphore(%dma_wait3A_70 : memref<!tpu.dma_semaphore, #tpu.memory_space<semaphore_mem>>) src(%dma_wait3A_75 : memref<80xi32, #tpu.memory_space<hbm>>) dst(%dma_wait3A_73 : memref<80xi32, #tpu.memory_space<vmem>>)
    %dma_wait3A_76 = arith.constant 0 : i32
    %dma_wait3A_77 = arith.constant 0 : i32
    %dma_wait3A_78 = arith.constant 0 : i32
    %dma_wait3A_79 = tpu.memref_slice %arg8[%dma_wait3A_76, %dma_wait3A_78] : memref<2x80xi32, #tpu.memory_space<vmem>> -> memref<1x80xi32, #tpu.memory_space<vmem>>
    %dma_wait3A_80 = tpu.memref_squeeze %dma_wait3A_79 : memref<1x80xi32, #tpu.memory_space<vmem>> -> memref<80xi32, #tpu.memory_space<vmem>>
    %dma_wait3A_81 = arith.constant 0 : i32
    %dma_wait3A_82 = tpu.memref_slice %arg4[%dma_wait3A_81] : memref<320000xi32, #tpu.memory_space<hbm>> -> memref<80xi32, #tpu.memory_space<hbm>>
    %dma_wait3A_83 = tpu.memref_slice %arg12[%dma_wait3A_77] : memref<2x!tpu.dma_semaphore, #tpu.memory_space<semaphore_mem>> -> memref<1x!tpu.dma_semaphore, #tpu.memory_space<semaphore_mem>>
    %dma_wait3A_84 = tpu.memref_squeeze %dma_wait3A_83 : memref<1x!tpu.dma_semaphore, #tpu.memory_space<semaphore_mem>> -> memref<!tpu.dma_semaphore, #tpu.memory_space<semaphore_mem>>
    %dma_wait3A_85 = arith.constant 0 : i32
    %dma_wait3A_86 = tpu.memref_slice %arg8[%dma_wait3A_76, %dma_wait3A_85] : memref<2x80xi32, #tpu.memory_space<vmem>> -> memref<1x80xi32, #tpu.memory_space<vmem>>
    %dma_wait3A_87 = tpu.memref_squeeze %dma_wait3A_86 : memref<1x80xi32, #tpu.memory_space<vmem>> -> memref<80xi32, #tpu.memory_space<vmem>>
    %dma_wait3A_88 = arith.constant 0 : i32
    %dma_wait3A_89 = tpu.memref_slice %arg4[%dma_wait3A_88] : memref<320000xi32, #tpu.memory_space<hbm>> -> memref<80xi32, #tpu.memory_space<hbm>>
    tpu.wait_dma2 semaphore(%dma_wait3A_84 : memref<!tpu.dma_semaphore, #tpu.memory_space<semaphore_mem>>) src(%dma_wait3A_89 : memref<80xi32, #tpu.memory_space<hbm>>) dst(%dma_wait3A_87 : memref<80xi32, #tpu.memory_space<vmem>>)
    %add3A_90 = arith.constant 0 : i32
    %add3A_91 = arith.addi %add3A, %add3A_90 : i32
    %mul3A_92 = arith.constant 80 : i32
    %mul3A_93 = arith.muli %add3A_91, %mul3A_92 : i32
    %multiple_of3A_94 = tpu.assume_multiple %mul3A_93, 80 : i32
    %dma_start3A_95 = arith.constant 0 : i32
    %dma_start3A_96 = arith.constant 0 : i32
    %dma_start3A_97 = arith.constant 0 : i32
    %dma_start3A_98 = arith.constant 0 : i32
    %dma_start3A_99 = arith.constant 0 : i32
    %dma_start3A_100 = tpu.memref_slice %arg10[%dma_start3A_96, %dma_start3A_98, %dma_start3A_99] : memref<2x80x128xf32, #tpu.memory_space<vmem>> -> memref<1x80x128xf32, #tpu.memory_space<vmem>>
    %dma_start3A_101 = tpu.memref_squeeze %dma_start3A_100 : memref<1x80x128xf32, #tpu.memory_space<vmem>> -> memref<80x128xf32, #tpu.memory_space<vmem>>
    %dma_start3A_102 = arith.constant 0 : i32
    %dma_start3A_103 = tpu.memref_slice %arg7[%dma_start3A_95, %dma_start3A_102] : memref<2x80xi32, #tpu.memory_space<vmem>> -> memref<1x80xi32, #tpu.memory_space<vmem>>
    %dma_start3A_104 = tpu.memref_squeeze %dma_start3A_103 : memref<1x80xi32, #tpu.memory_space<vmem>> -> memref<80xi32, #tpu.memory_space<vmem>>
    %dma_start3A_105 = arith.constant 0 : i32
    %dma_start3A_106 = arith.constant 0 : i32
    %dma_start3A_107 = tpu.memref_slice %arg2[%dma_start3A_105, %dma_start3A_106] : memref<10000x128xf32, #tpu.memory_space<hbm>> -> memref<10000x128xf32, #tpu.memory_space<hbm>>
    %dma_start3A_108 = tpu.memref_slice %arg13[%dma_start3A_97] : memref<2x!tpu.dma_semaphore, #tpu.memory_space<semaphore_mem>> -> memref<1x!tpu.dma_semaphore, #tpu.memory_space<semaphore_mem>>
    %dma_start3A_109 = tpu.memref_squeeze %dma_start3A_108 : memref<1x!tpu.dma_semaphore, #tpu.memory_space<semaphore_mem>> -> memref<!tpu.dma_semaphore, #tpu.memory_space<semaphore_mem>>
    tpu.enqueue_indirect_dma source(%dma_start3A_107 : memref<10000x128xf32, #tpu.memory_space<hbm>>) target(%dma_start3A_101 : memref<80x128xf32, #tpu.memory_space<vmem>>) offsets(%dma_start3A_104 : memref<80xi32, #tpu.memory_space<vmem>>) semaphore(%dma_start3A_109 : memref<!tpu.dma_semaphore, #tpu.memory_space<semaphore_mem>>)
    %dma_start3A_110 = arith.constant 0 : i32
    %dma_start3A_111 = arith.constant 0 : i32
    %dma_start3A_112 = arith.constant 0 : i32
    %dma_start3A_113 = arith.constant 0 : i32
    %dma_start3A_114 = tpu.memref_slice %arg9[%dma_start3A_110, %dma_start3A_112, %dma_start3A_113] : memref<2x80x64xi32, #tpu.memory_space<vmem>> -> memref<1x80x64xi32, #tpu.memory_space<vmem>>
    %dma_start3A_115 = tpu.memref_squeeze %dma_start3A_114 : memref<1x80x64xi32, #tpu.memory_space<vmem>> -> memref<80x64xi32, #tpu.memory_space<vmem>>
    %dma_start3A_116 = arith.constant 0 : i32
    %dma_start3A_117 = tpu.memref_slice %arg5[%multiple_of3A_94, %dma_start3A_116] : memref<320000x64xi32, #tpu.memory_space<hbm>> -> memref<80x64xi32, #tpu.memory_space<hbm>>
    %dma_start3A_118 = tpu.memref_slice %arg14[%dma_start3A_111] : memref<2x!tpu.dma_semaphore, #tpu.memory_space<semaphore_mem>> -> memref<1x!tpu.dma_semaphore, #tpu.memory_space<semaphore_mem>>
    %dma_start3A_119 = tpu.memref_squeeze %dma_start3A_118 : memref<1x!tpu.dma_semaphore, #tpu.memory_space<semaphore_mem>> -> memref<!tpu.dma_semaphore, #tpu.memory_space<semaphore_mem>>
    %dma_start3A_120 = arith.constant 0 : i32
    %dma_start3A_121 = arith.constant 0 : i32
    %dma_start3A_122 = tpu.memref_slice %arg9[%dma_start3A_110, %dma_start3A_120, %dma_start3A_121] : memref<2x80x64xi32, #tpu.memory_space<vmem>> -> memref<1x80x64xi32, #tpu.memory_space<vmem>>
    %dma_start3A_123 = tpu.memref_squeeze %dma_start3A_122 : memref<1x80x64xi32, #tpu.memory_space<vmem>> -> memref<80x64xi32, #tpu.memory_space<vmem>>
    %dma_start3A_124 = arith.constant 0 : i32
    %dma_start3A_125 = tpu.memref_slice %arg5[%multiple_of3A_94, %dma_start3A_124] : memref<320000x64xi32, #tpu.memory_space<hbm>> -> memref<80x64xi32, #tpu.memory_space<hbm>>
    tpu.enqueue_dma source(%dma_start3A_125 : memref<80x64xi32, #tpu.memory_space<hbm>>) target(%dma_start3A_123 : memref<80x64xi32, #tpu.memory_space<vmem>>) target_semaphore(%dma_start3A_119 : memref<!tpu.dma_semaphore, #tpu.memory_space<semaphore_mem>>)
    %while3A = arith.constant 0 : i32
    %while3A_126 = arith.constant 0 : i32
    %while3A_127 = arith.subi %add3A_35, %while3A_126 : i32
    %while3A_128 = arith.addi %while3A_126, %while3A_127 : i32
    %while3A_129 = arith.constant 1 : i32
    %while3A_130 = arith.divsi %while3A_127, %while3A_129 : i32
    %while3A_131 = arith.muli %while3A_130, %while3A_129 : i32
    %while3A_132 = arith.addi %while3A_126, %while3A_131 : i32
    %while3A_133 = arith.constant 1 : i32
    scf.for %while3A_156 = %while3A_126 to %while3A_132 step %while3A_133  : i32 {
      %rem3A_157 = arith.constant 2 : i32
      %rem3A_158 = arith.remsi %while3A_156, %rem3A_157 : i32
      %add3A_159 = arith.constant 1 : i32
      %add3A_160 = arith.addi %while3A_156, %add3A_159 : i32
      %rem3A_161 = arith.constant 2 : i32
      %rem3A_162 = arith.remsi %add3A_160, %rem3A_161 : i32
      %add3A_163 = arith.constant 1 : i32
      %add3A_164 = arith.addi %while3A_156, %add3A_163 : i32
      %lt3A_165 = arith.cmpi slt, %add3A_164, %add3A_35 : i32
      %convert_element_type3A_166 = arith.extui %lt3A_165 : i1 to i32
      %cond3A_167 = arith.constant 0 : i32
      %cond3A_168 = arith.cmpi ne, %convert_element_type3A_166, %cond3A_167 : i32
      scf.if %cond3A_168 {
        %ge3A_211 = arith.constant 1 : i32
        %ge3A_212 = arith.cmpi sge, %while3A_156, %ge3A_211 : i32
        %convert_element_type3A_213 = arith.extui %ge3A_212 : i1 to i32
        %cond3A_214 = arith.constant 0 : i32
        %cond3A_215 = arith.cmpi ne, %convert_element_type3A_213, %cond3A_214 : i32
        scf.if %cond3A_215 {
          %dma_wait3A_302 = arith.constant 0 : i32
          %dma_wait3A_303 = arith.constant 0 : i32
          %dma_wait3A_304 = tpu.memref_slice %arg10[%rem3A_162, %dma_wait3A_302, %dma_wait3A_303] : memref<2x80x128xf32, #tpu.memory_space<vmem>> -> memref<1x80x128xf32, #tpu.memory_space<vmem>>
          %dma_wait3A_305 = tpu.memref_squeeze %dma_wait3A_304 : memref<1x80x128xf32, #tpu.memory_space<vmem>> -> memref<80x128xf32, #tpu.memory_space<vmem>>
          %dma_wait3A_306 = arith.constant 0 : i32
          %dma_wait3A_307 = tpu.memref_slice %arg8[%rem3A_162, %dma_wait3A_306] : memref<2x80xi32, #tpu.memory_space<vmem>> -> memref<1x80xi32, #tpu.memory_space<vmem>>
          %dma_wait3A_308 = tpu.memref_squeeze %dma_wait3A_307 : memref<1x80xi32, #tpu.memory_space<vmem>> -> memref<80xi32, #tpu.memory_space<vmem>>
          %dma_wait3A_309 = arith.constant 0 : i32
          %dma_wait3A_310 = arith.constant 0 : i32
          %dma_wait3A_311 = tpu.memref_slice %arg11[%dma_wait3A_309, %dma_wait3A_310] : memref<10240x128xf32, #tpu.memory_space<vmem_shared>> -> memref<10240x128xf32, #tpu.memory_space<vmem_shared>>
          %dma_wait3A_312 = tpu.memref_slice %arg15[%rem3A_162] : memref<2x!tpu.dma_semaphore, #tpu.memory_space<semaphore_mem>> -> memref<1x!tpu.dma_semaphore, #tpu.memory_space<semaphore_mem>>
          %dma_wait3A_313 = tpu.memref_squeeze %dma_wait3A_312 : memref<1x!tpu.dma_semaphore, #tpu.memory_space<semaphore_mem>> -> memref<!tpu.dma_semaphore, #tpu.memory_space<semaphore_mem>>
          tpu.wait_indirect_dma semaphore(%dma_wait3A_313 : memref<!tpu.dma_semaphore, #tpu.memory_space<semaphore_mem>>) src(%dma_wait3A_305 : memref<80x128xf32, #tpu.memory_space<vmem>>) dst(%dma_wait3A_311 : memref<10240x128xf32, #tpu.memory_space<vmem_shared>>)
        } else {
        }
        %add3A_216 = arith.constant 1 : i32
        %add3A_217 = arith.addi %while3A_156, %add3A_216 : i32
        %mul3A_218 = arith.constant 32 : i32
        %mul3A_219 = arith.muli %add3A_217, %mul3A_218 : i32
        %add3A_220 = arith.addi %add3A, %mul3A_219 : i32
        %mul3A_221 = arith.constant 80 : i32
        %mul3A_222 = arith.muli %add3A_220, %mul3A_221 : i32
        %multiple_of3A_223 = tpu.assume_multiple %mul3A_222, 80 : i32
        %dma_start3A_224 = arith.constant 0 : i32
        %dma_start3A_225 = tpu.memref_slice %arg7[%rem3A_162, %dma_start3A_224] : memref<2x80xi32, #tpu.memory_space<vmem>> -> memref<1x80xi32, #tpu.memory_space<vmem>>
        %dma_start3A_226 = tpu.memref_squeeze %dma_start3A_225 : memref<1x80xi32, #tpu.memory_space<vmem>> -> memref<80xi32, #tpu.memory_space<vmem>>
        %dma_start3A_227 = tpu.memref_slice %arg3[%multiple_of3A_223] : memref<320000xi32, #tpu.memory_space<hbm>> -> memref<80xi32, #tpu.memory_space<hbm>>
        %dma_start3A_228 = tpu.memref_slice %arg12[%rem3A_162] : memref<2x!tpu.dma_semaphore, #tpu.memory_space<semaphore_mem>> -> memref<1x!tpu.dma_semaphore, #tpu.memory_space<semaphore_mem>>
        %dma_start3A_229 = tpu.memref_squeeze %dma_start3A_228 : memref<1x!tpu.dma_semaphore, #tpu.memory_space<semaphore_mem>> -> memref<!tpu.dma_semaphore, #tpu.memory_space<semaphore_mem>>
        %dma_start3A_230 = arith.constant 0 : i32
        %dma_start3A_231 = tpu.memref_slice %arg7[%rem3A_162, %dma_start3A_230] : memref<2x80xi32, #tpu.memory_space<vmem>> -> memref<1x80xi32, #tpu.memory_space<vmem>>
        %dma_start3A_232 = tpu.memref_squeeze %dma_start3A_231 : memref<1x80xi32, #tpu.memory_space<vmem>> -> memref<80xi32, #tpu.memory_space<vmem>>
        %dma_start3A_233 = tpu.memref_slice %arg3[%multiple_of3A_223] : memref<320000xi32, #tpu.memory_space<hbm>> -> memref<80xi32, #tpu.memory_space<hbm>>
        tpu.enqueue_dma source(%dma_start3A_233 : memref<80xi32, #tpu.memory_space<hbm>>) target(%dma_start3A_232 : memref<80xi32, #tpu.memory_space<vmem>>) target_semaphore(%dma_start3A_229 : memref<!tpu.dma_semaphore, #tpu.memory_space<semaphore_mem>>)
        %dma_start3A_234 = arith.constant 0 : i32
        %dma_start3A_235 = tpu.memref_slice %arg8[%rem3A_162, %dma_start3A_234] : memref<2x80xi32, #tpu.memory_space<vmem>> -> memref<1x80xi32, #tpu.memory_space<vmem>>
        %dma_start3A_236 = tpu.memref_squeeze %dma_start3A_235 : memref<1x80xi32, #tpu.memory_space<vmem>> -> memref<80xi32, #tpu.memory_space<vmem>>
        %dma_start3A_237 = tpu.memref_slice %arg4[%multiple_of3A_223] : memref<320000xi32, #tpu.memory_space<hbm>> -> memref<80xi32, #tpu.memory_space<hbm>>
        %dma_start3A_238 = tpu.memref_slice %arg12[%rem3A_162] : memref<2x!tpu.dma_semaphore, #tpu.memory_space<semaphore_mem>> -> memref<1x!tpu.dma_semaphore, #tpu.memory_space<semaphore_mem>>
        %dma_start3A_239 = tpu.memref_squeeze %dma_start3A_238 : memref<1x!tpu.dma_semaphore, #tpu.memory_space<semaphore_mem>> -> memref<!tpu.dma_semaphore, #tpu.memory_space<semaphore_mem>>
        %dma_start3A_240 = arith.constant 0 : i32
        %dma_start3A_241 = tpu.memref_slice %arg8[%rem3A_162, %dma_start3A_240] : memref<2x80xi32, #tpu.memory_space<vmem>> -> memref<1x80xi32, #tpu.memory_space<vmem>>
        %dma_start3A_242 = tpu.memref_squeeze %dma_start3A_241 : memref<1x80xi32, #tpu.memory_space<vmem>> -> memref<80xi32, #tpu.memory_space<vmem>>
        %dma_start3A_243 = tpu.memref_slice %arg4[%multiple_of3A_223] : memref<320000xi32, #tpu.memory_space<hbm>> -> memref<80xi32, #tpu.memory_space<hbm>>
        tpu.enqueue_dma source(%dma_start3A_243 : memref<80xi32, #tpu.memory_space<hbm>>) target(%dma_start3A_242 : memref<80xi32, #tpu.memory_space<vmem>>) target_semaphore(%dma_start3A_239 : memref<!tpu.dma_semaphore, #tpu.memory_space<semaphore_mem>>)
        %dma_wait3A_244 = arith.constant 0 : i32
        %dma_wait3A_245 = tpu.memref_slice %arg7[%rem3A_162, %dma_wait3A_244] : memref<2x80xi32, #tpu.memory_space<vmem>> -> memref<1x80xi32, #tpu.memory_space<vmem>>
        %dma_wait3A_246 = tpu.memref_squeeze %dma_wait3A_245 : memref<1x80xi32, #tpu.memory_space<vmem>> -> memref<80xi32, #tpu.memory_space<vmem>>
        %dma_wait3A_247 = arith.constant 0 : i32
        %dma_wait3A_248 = tpu.memref_slice %arg3[%dma_wait3A_247] : memref<320000xi32, #tpu.memory_space<hbm>> -> memref<80xi32, #tpu.memory_space<hbm>>
        %dma_wait3A_249 = tpu.memref_slice %arg12[%rem3A_162] : memref<2x!tpu.dma_semaphore, #tpu.memory_space<semaphore_mem>> -> memref<1x!tpu.dma_semaphore, #tpu.memory_space<semaphore_mem>>
        %dma_wait3A_250 = tpu.memref_squeeze %dma_wait3A_249 : memref<1x!tpu.dma_semaphore, #tpu.memory_space<semaphore_mem>> -> memref<!tpu.dma_semaphore, #tpu.memory_space<semaphore_mem>>
        %dma_wait3A_251 = arith.constant 0 : i32
        %dma_wait3A_252 = tpu.memref_slice %arg7[%rem3A_162, %dma_wait3A_251] : memref<2x80xi32, #tpu.memory_space<vmem>> -> memref<1x80xi32, #tpu.memory_space<vmem>>
        %dma_wait3A_253 = tpu.memref_squeeze %dma_wait3A_252 : memref<1x80xi32, #tpu.memory_space<vmem>> -> memref<80xi32, #tpu.memory_space<vmem>>
        %dma_wait3A_254 = arith.constant 0 : i32
        %dma_wait3A_255 = tpu.memref_slice %arg3[%dma_wait3A_254] : memref<320000xi32, #tpu.memory_space<hbm>> -> memref<80xi32, #tpu.memory_space<hbm>>
        tpu.wait_dma2 semaphore(%dma_wait3A_250 : memref<!tpu.dma_semaphore, #tpu.memory_space<semaphore_mem>>) src(%dma_wait3A_255 : memref<80xi32, #tpu.memory_space<hbm>>) dst(%dma_wait3A_253 : memref<80xi32, #tpu.memory_space<vmem>>)
        %dma_wait3A_256 = arith.constant 0 : i32
        %dma_wait3A_257 = tpu.memref_slice %arg8[%rem3A_162, %dma_wait3A_256] : memref<2x80xi32, #tpu.memory_space<vmem>> -> memref<1x80xi32, #tpu.memory_space<vmem>>
        %dma_wait3A_258 = tpu.memref_squeeze %dma_wait3A_257 : memref<1x80xi32, #tpu.memory_space<vmem>> -> memref<80xi32, #tpu.memory_space<vmem>>
        %dma_wait3A_259 = arith.constant 0 : i32
        %dma_wait3A_260 = tpu.memref_slice %arg4[%dma_wait3A_259] : memref<320000xi32, #tpu.memory_space<hbm>> -> memref<80xi32, #tpu.memory_space<hbm>>
        %dma_wait3A_261 = tpu.memref_slice %arg12[%rem3A_162] : memref<2x!tpu.dma_semaphore, #tpu.memory_space<semaphore_mem>> -> memref<1x!tpu.dma_semaphore, #tpu.memory_space<semaphore_mem>>
        %dma_wait3A_262 = tpu.memref_squeeze %dma_wait3A_261 : memref<1x!tpu.dma_semaphore, #tpu.memory_space<semaphore_mem>> -> memref<!tpu.dma_semaphore, #tpu.memory_space<semaphore_mem>>
        %dma_wait3A_263 = arith.constant 0 : i32
        %dma_wait3A_264 = tpu.memref_slice %arg8[%rem3A_162, %dma_wait3A_263] : memref<2x80xi32, #tpu.memory_space<vmem>> -> memref<1x80xi32, #tpu.memory_space<vmem>>
        %dma_wait3A_265 = tpu.memref_squeeze %dma_wait3A_264 : memref<1x80xi32, #tpu.memory_space<vmem>> -> memref<80xi32, #tpu.memory_space<vmem>>
        %dma_wait3A_266 = arith.constant 0 : i32
        %dma_wait3A_267 = tpu.memref_slice %arg4[%dma_wait3A_266] : memref<320000xi32, #tpu.memory_space<hbm>> -> memref<80xi32, #tpu.memory_space<hbm>>
        tpu.wait_dma2 semaphore(%dma_wait3A_262 : memref<!tpu.dma_semaphore, #tpu.memory_space<semaphore_mem>>) src(%dma_wait3A_267 : memref<80xi32, #tpu.memory_space<hbm>>) dst(%dma_wait3A_265 : memref<80xi32, #tpu.memory_space<vmem>>)
        %add3A_268 = arith.constant 1 : i32
        %add3A_269 = arith.addi %while3A_156, %add3A_268 : i32
        %mul3A_270 = arith.constant 32 : i32
        %mul3A_271 = arith.muli %add3A_269, %mul3A_270 : i32
        %add3A_272 = arith.addi %add3A, %mul3A_271 : i32
        %mul3A_273 = arith.constant 80 : i32
        %mul3A_274 = arith.muli %add3A_272, %mul3A_273 : i32
        %multiple_of3A_275 = tpu.assume_multiple %mul3A_274, 80 : i32
        %dma_start3A_276 = arith.constant 0 : i32
        %dma_start3A_277 = arith.constant 0 : i32
        %dma_start3A_278 = tpu.memref_slice %arg10[%rem3A_162, %dma_start3A_276, %dma_start3A_277] : memref<2x80x128xf32, #tpu.memory_space<vmem>> -> memref<1x80x128xf32, #tpu.memory_space<vmem>>
        %dma_start3A_279 = tpu.memref_squeeze %dma_start3A_278 : memref<1x80x128xf32, #tpu.memory_space<vmem>> -> memref<80x128xf32, #tpu.memory_space<vmem>>
        %dma_start3A_280 = arith.constant 0 : i32
        %dma_start3A_281 = tpu.memref_slice %arg7[%rem3A_162, %dma_start3A_280] : memref<2x80xi32, #tpu.memory_space<vmem>> -> memref<1x80xi32, #tpu.memory_space<vmem>>
        %dma_start3A_282 = tpu.memref_squeeze %dma_start3A_281 : memref<1x80xi32, #tpu.memory_space<vmem>> -> memref<80xi32, #tpu.memory_space<vmem>>
        %dma_start3A_283 = arith.constant 0 : i32
        %dma_start3A_284 = arith.constant 0 : i32
        %dma_start3A_285 = tpu.memref_slice %arg2[%dma_start3A_283, %dma_start3A_284] : memref<10000x128xf32, #tpu.memory_space<hbm>> -> memref<10000x128xf32, #tpu.memory_space<hbm>>
        %dma_start3A_286 = tpu.memref_slice %arg13[%rem3A_162] : memref<2x!tpu.dma_semaphore, #tpu.memory_space<semaphore_mem>> -> memref<1x!tpu.dma_semaphore, #tpu.memory_space<semaphore_mem>>
        %dma_start3A_287 = tpu.memref_squeeze %dma_start3A_286 : memref<1x!tpu.dma_semaphore, #tpu.memory_space<semaphore_mem>> -> memref<!tpu.dma_semaphore, #tpu.memory_space<semaphore_mem>>
        tpu.enqueue_indirect_dma source(%dma_start3A_285 : memref<10000x128xf32, #tpu.memory_space<hbm>>) target(%dma_start3A_279 : memref<80x128xf32, #tpu.memory_space<vmem>>) offsets(%dma_start3A_282 : memref<80xi32, #tpu.memory_space<vmem>>) semaphore(%dma_start3A_287 : memref<!tpu.dma_semaphore, #tpu.memory_space<semaphore_mem>>)
        %dma_start3A_288 = arith.constant 0 : i32
        %dma_start3A_289 = arith.constant 0 : i32
        %dma_start3A_290 = tpu.memref_slice %arg9[%rem3A_162, %dma_start3A_288, %dma_start3A_289] : memref<2x80x64xi32, #tpu.memory_space<vmem>> -> memref<1x80x64xi32, #tpu.memory_space<vmem>>
        %dma_start3A_291 = tpu.memref_squeeze %dma_start3A_290 : memref<1x80x64xi32, #tpu.memory_space<vmem>> -> memref<80x64xi32, #tpu.memory_space<vmem>>
        %dma_start3A_292 = arith.constant 0 : i32
        %dma_start3A_293 = tpu.memref_slice %arg5[%multiple_of3A_275, %dma_start3A_292] : memref<320000x64xi32, #tpu.memory_space<hbm>> -> memref<80x64xi32, #tpu.memory_space<hbm>>
        %dma_start3A_294 = tpu.memref_slice %arg14[%rem3A_162] : memref<2x!tpu.dma_semaphore, #tpu.memory_space<semaphore_mem>> -> memref<1x!tpu.dma_semaphore, #tpu.memory_space<semaphore_mem>>
        %dma_start3A_295 = tpu.memref_squeeze %dma_start3A_294 : memref<1x!tpu.dma_semaphore, #tpu.memory_space<semaphore_mem>> -> memref<!tpu.dma_semaphore, #tpu.memory_space<semaphore_mem>>
        %dma_start3A_296 = arith.constant 0 : i32
        %dma_start3A_297 = arith.constant 0 : i32
        %dma_start3A_298 = tpu.memref_slice %arg9[%rem3A_162, %dma_start3A_296, %dma_start3A_297] : memref<2x80x64xi32, #tpu.memory_space<vmem>> -> memref<1x80x64xi32, #tpu.memory_space<vmem>>
        %dma_start3A_299 = tpu.memref_squeeze %dma_start3A_298 : memref<1x80x64xi32, #tpu.memory_space<vmem>> -> memref<80x64xi32, #tpu.memory_space<vmem>>
        %dma_start3A_300 = arith.constant 0 : i32
        %dma_start3A_301 = tpu.memref_slice %arg5[%multiple_of3A_275, %dma_start3A_300] : memref<320000x64xi32, #tpu.memory_space<hbm>> -> memref<80x64xi32, #tpu.memory_space<hbm>>
        tpu.enqueue_dma source(%dma_start3A_301 : memref<80x64xi32, #tpu.memory_space<hbm>>) target(%dma_start3A_299 : memref<80x64xi32, #tpu.memory_space<vmem>>) target_semaphore(%dma_start3A_295 : memref<!tpu.dma_semaphore, #tpu.memory_space<semaphore_mem>>)
      } else {
      }
      %dma_wait3A_169 = arith.constant 0 : i32
      %dma_wait3A_170 = arith.constant 0 : i32
      %dma_wait3A_171 = tpu.memref_slice %arg10[%rem3A_158, %dma_wait3A_169, %dma_wait3A_170] : memref<2x80x128xf32, #tpu.memory_space<vmem>> -> memref<1x80x128xf32, #tpu.memory_space<vmem>>
      %dma_wait3A_172 = tpu.memref_squeeze %dma_wait3A_171 : memref<1x80x128xf32, #tpu.memory_space<vmem>> -> memref<80x128xf32, #tpu.memory_space<vmem>>
      %dma_wait3A_173 = arith.constant 0 : i32
      %dma_wait3A_174 = tpu.memref_slice %arg7[%rem3A_158, %dma_wait3A_173] : memref<2x80xi32, #tpu.memory_space<vmem>> -> memref<1x80xi32, #tpu.memory_space<vmem>>
      %dma_wait3A_175 = tpu.memref_squeeze %dma_wait3A_174 : memref<1x80xi32, #tpu.memory_space<vmem>> -> memref<80xi32, #tpu.memory_space<vmem>>
      %dma_wait3A_176 = arith.constant 0 : i32
      %dma_wait3A_177 = arith.constant 0 : i32
      %dma_wait3A_178 = tpu.memref_slice %arg2[%dma_wait3A_176, %dma_wait3A_177] : memref<10000x128xf32, #tpu.memory_space<hbm>> -> memref<10000x128xf32, #tpu.memory_space<hbm>>
      %dma_wait3A_179 = tpu.memref_slice %arg13[%rem3A_158] : memref<2x!tpu.dma_semaphore, #tpu.memory_space<semaphore_mem>> -> memref<1x!tpu.dma_semaphore, #tpu.memory_space<semaphore_mem>>
      %dma_wait3A_180 = tpu.memref_squeeze %dma_wait3A_179 : memref<1x!tpu.dma_semaphore, #tpu.memory_space<semaphore_mem>> -> memref<!tpu.dma_semaphore, #tpu.memory_space<semaphore_mem>>
      tpu.wait_indirect_dma semaphore(%dma_wait3A_180 : memref<!tpu.dma_semaphore, #tpu.memory_space<semaphore_mem>>) src(%dma_wait3A_178 : memref<10000x128xf32, #tpu.memory_space<hbm>>) dst(%dma_wait3A_172 : memref<80x128xf32, #tpu.memory_space<vmem>>)
      %dma_wait3A_181 = arith.constant 0 : i32
      %dma_wait3A_182 = arith.constant 0 : i32
      %dma_wait3A_183 = tpu.memref_slice %arg9[%rem3A_158, %dma_wait3A_181, %dma_wait3A_182] : memref<2x80x64xi32, #tpu.memory_space<vmem>> -> memref<1x80x64xi32, #tpu.memory_space<vmem>>
      %dma_wait3A_184 = tpu.memref_squeeze %dma_wait3A_183 : memref<1x80x64xi32, #tpu.memory_space<vmem>> -> memref<80x64xi32, #tpu.memory_space<vmem>>
      %dma_wait3A_185 = arith.constant 0 : i32
      %dma_wait3A_186 = arith.constant 0 : i32
      %dma_wait3A_187 = tpu.memref_slice %arg5[%dma_wait3A_185, %dma_wait3A_186] : memref<320000x64xi32, #tpu.memory_space<hbm>> -> memref<80x64xi32, #tpu.memory_space<hbm>>
      %dma_wait3A_188 = tpu.memref_slice %arg14[%rem3A_158] : memref<2x!tpu.dma_semaphore, #tpu.memory_space<semaphore_mem>> -> memref<1x!tpu.dma_semaphore, #tpu.memory_space<semaphore_mem>>
      %dma_wait3A_189 = tpu.memref_squeeze %dma_wait3A_188 : memref<1x!tpu.dma_semaphore, #tpu.memory_space<semaphore_mem>> -> memref<!tpu.dma_semaphore, #tpu.memory_space<semaphore_mem>>
      %dma_wait3A_190 = arith.constant 0 : i32
      %dma_wait3A_191 = arith.constant 0 : i32
      %dma_wait3A_192 = tpu.memref_slice %arg9[%rem3A_158, %dma_wait3A_190, %dma_wait3A_191] : memref<2x80x64xi32, #tpu.memory_space<vmem>> -> memref<1x80x64xi32, #tpu.memory_space<vmem>>
      %dma_wait3A_193 = tpu.memref_squeeze %dma_wait3A_192 : memref<1x80x64xi32, #tpu.memory_space<vmem>> -> memref<80x64xi32, #tpu.memory_space<vmem>>
      %dma_wait3A_194 = arith.constant 0 : i32
      %dma_wait3A_195 = arith.constant 0 : i32
      %dma_wait3A_196 = tpu.memref_slice %arg5[%dma_wait3A_194, %dma_wait3A_195] : memref<320000x64xi32, #tpu.memory_space<hbm>> -> memref<80x64xi32, #tpu.memory_space<hbm>>
      tpu.wait_dma2 semaphore(%dma_wait3A_189 : memref<!tpu.dma_semaphore, #tpu.memory_space<semaphore_mem>>) src(%dma_wait3A_196 : memref<80x64xi32, #tpu.memory_space<hbm>>) dst(%dma_wait3A_193 : memref<80x64xi32, #tpu.memory_space<vmem>>)
      %parallel_loop3A = arith.constant 0 : i32
      %parallel_loop3A_197 = arith.constant 80 : i32
      %parallel_loop3A_198 = arith.constant 1 : i32
      scf.for %parallel_loop3A_211 = %parallel_loop3A to %parallel_loop3A_197 step %parallel_loop3A_198  : i32 {
        %parallel_loop3A_212 = arith.index_cast %rem3A_158 : i32 to index
        %parallel_loop3A_213 = arith.index_cast %parallel_loop3A_211 : i32 to index
        %parallel_loop3A_214 = arith.constant 0 : index
        %parallel_loop3A_215 = tpu.vector_load %arg9[%parallel_loop3A_212, %parallel_loop3A_213, %parallel_loop3A_214] {strides = array<i32>} : memref<2x80x64xi32, #tpu.memory_space<vmem>>, vector<16xi32>,
        %parallel_loop3A_216 = vector.bitcast %parallel_loop3A_215 : vector<16xi32> to vector<32xbf16>
        %parallel_loop3A_217 = tpu.unpack_subelements %parallel_loop3A_216, 0 {pack_format = #tpu.pack_format<interleaved>} : vector<32xbf16> -> vector<16xf32>
        %parallel_loop3A_218 = tpu.unpack_subelements %parallel_loop3A_216, 1 {pack_format = #tpu.pack_format<interleaved>} : vector<32xbf16> -> vector<16xf32>
        %parallel_loop3A_219 = arith.index_cast %rem3A_158 : i32 to index
        %parallel_loop3A_220 = arith.index_cast %parallel_loop3A_211 : i32 to index
        %parallel_loop3A_221 = arith.constant 0 : index
        %parallel_loop3A_222 = tpu.vector_load %arg10[%parallel_loop3A_219, %parallel_loop3A_220, %parallel_loop3A_221] {strides = array<i32>} : memref<2x80x128xf32, #tpu.memory_space<vmem>>, vector<16xf32>,
        %parallel_loop3A_223 = arith.addf %parallel_loop3A_222, %parallel_loop3A_217 : vector<16xf32>
        %parallel_loop3A_224 = arith.constant 0.000000e+00 : f32
        %parallel_loop3A_225 = vector.broadcast %parallel_loop3A_224 : f32 to vector<16xf32>
        %parallel_loop3A_226 = arith.maximumf %parallel_loop3A_223, %parallel_loop3A_225 : vector<16xf32>
        %parallel_loop3A_227 = arith.index_cast %rem3A_158 : i32 to index
        %parallel_loop3A_228 = arith.index_cast %parallel_loop3A_211 : i32 to index
        %parallel_loop3A_229 = arith.constant 0 : index
        %parallel_loop3A_230 = tpu.vector_load %arg10[%parallel_loop3A_227, %parallel_loop3A_228, %parallel_loop3A_229] {strides = array<i32>} : memref<2x80x128xf32, #tpu.memory_space<vmem>>, vector<16xf32>,
        tpu.vector_store %arg10[%parallel_loop3A_227, %parallel_loop3A_228, %parallel_loop3A_229], %parallel_loop3A_226 {strides = array<i32>} : memref<2x80x128xf32, #tpu.memory_space<vmem>>, vector<16xf32>,
        %parallel_loop3A_231 = arith.index_cast %rem3A_158 : i32 to index
        %parallel_loop3A_232 = arith.index_cast %parallel_loop3A_211 : i32 to index
        %parallel_loop3A_233 = arith.constant 16 : index
        %parallel_loop3A_234 = tpu.vector_load %arg10[%parallel_loop3A_231, %parallel_loop3A_232, %parallel_loop3A_233] {strides = array<i32>} : memref<2x80x128xf32, #tpu.memory_space<vmem>>, vector<16xf32>,
        %parallel_loop3A_235 = arith.addf %parallel_loop3A_234, %parallel_loop3A_218 : vector<16xf32>
        %parallel_loop3A_236 = arith.constant 0.000000e+00 : f32
        %parallel_loop3A_237 = vector.broadcast %parallel_loop3A_236 : f32 to vector<16xf32>
        %parallel_loop3A_238 = arith.maximumf %parallel_loop3A_235, %parallel_loop3A_237 : vector<16xf32>
        %parallel_loop3A_239 = arith.index_cast %rem3A_158 : i32 to index
        %parallel_loop3A_240 = arith.index_cast %parallel_loop3A_211 : i32 to index
        %parallel_loop3A_241 = arith.constant 16 : index
        %parallel_loop3A_242 = tpu.vector_load %arg10[%parallel_loop3A_239, %parallel_loop3A_240, %parallel_loop3A_241] {strides = array<i32>} : memref<2x80x128xf32, #tpu.memory_space<vmem>>, vector<16xf32>,
        tpu.vector_store %arg10[%parallel_loop3A_239, %parallel_loop3A_240, %parallel_loop3A_241], %parallel_loop3A_238 {strides = array<i32>} : memref<2x80x128xf32, #tpu.memory_space<vmem>>, vector<16xf32>,
        %parallel_loop3A_243 = arith.index_cast %rem3A_158 : i32 to index
        %parallel_loop3A_244 = arith.index_cast %parallel_loop3A_211 : i32 to index
        %parallel_loop3A_245 = arith.constant 16 : index
        %parallel_loop3A_246 = tpu.vector_load %arg9[%parallel_loop3A_243, %parallel_loop3A_244, %parallel_loop3A_245] {strides = array<i32>} : memref<2x80x64xi32, #tpu.memory_space<vmem>>, vector<16xi32>,
        %parallel_loop3A_247 = vector.bitcast %parallel_loop3A_246 : vector<16xi32> to vector<32xbf16>
        %parallel_loop3A_248 = tpu.unpack_subelements %parallel_loop3A_247, 0 {pack_format = #tpu.pack_format<interleaved>} : vector<32xbf16> -> vector<16xf32>
        %parallel_loop3A_249 = tpu.unpack_subelements %parallel_loop3A_247, 1 {pack_format = #tpu.pack_format<interleaved>} : vector<32xbf16> -> vector<16xf32>
        %parallel_loop3A_250 = arith.index_cast %rem3A_158 : i32 to index
        %parallel_loop3A_251 = arith.index_cast %parallel_loop3A_211 : i32 to index
        %parallel_loop3A_252 = arith.constant 32 : index
        %parallel_loop3A_253 = tpu.vector_load %arg10[%parallel_loop3A_250, %parallel_loop3A_251, %parallel_loop3A_252] {strides = array<i32>} : memref<2x80x128xf32, #tpu.memory_space<vmem>>, vector<16xf32>,
        %parallel_loop3A_254 = arith.addf %parallel_loop3A_253, %parallel_loop3A_248 : vector<16xf32>
        %parallel_loop3A_255 = arith.constant 0.000000e+00 : f32
        %parallel_loop3A_256 = vector.broadcast %parallel_loop3A_255 : f32 to vector<16xf32>
        %parallel_loop3A_257 = arith.maximumf %parallel_loop3A_254, %parallel_loop3A_256 : vector<16xf32>
        %parallel_loop3A_258 = arith.index_cast %rem3A_158 : i32 to index
        %parallel_loop3A_259 = arith.index_cast %parallel_loop3A_211 : i32 to index
        %parallel_loop3A_260 = arith.constant 32 : index
        %parallel_loop3A_261 = tpu.vector_load %arg10[%parallel_loop3A_258, %parallel_loop3A_259, %parallel_loop3A_260] {strides = array<i32>} : memref<2x80x128xf32, #tpu.memory_space<vmem>>, vector<16xf32>,
        tpu.vector_store %arg10[%parallel_loop3A_258, %parallel_loop3A_259, %parallel_loop3A_260], %parallel_loop3A_257 {strides = array<i32>} : memref<2x80x128xf32, #tpu.memory_space<vmem>>, vector<16xf32>,
        %parallel_loop3A_262 = arith.index_cast %rem3A_158 : i32 to index
        %parallel_loop3A_263 = arith.index_cast %parallel_loop3A_211 : i32 to index
        %parallel_loop3A_264 = arith.constant 48 : index
        %parallel_loop3A_265 = tpu.vector_load %arg10[%parallel_loop3A_262, %parallel_loop3A_263, %parallel_loop3A_264] {strides = array<i32>} : memref<2x80x128xf32, #tpu.memory_space<vmem>>, vector<16xf32>,
        %parallel_loop3A_266 = arith.addf %parallel_loop3A_265, %parallel_loop3A_249 : vector<16xf32>
        %parallel_loop3A_267 = arith.constant 0.000000e+00 : f32
        %parallel_loop3A_268 = vector.broadcast %parallel_loop3A_267 : f32 to vector<16xf32>
        %parallel_loop3A_269 = arith.maximumf %parallel_loop3A_266, %parallel_loop3A_268 : vector<16xf32>
        %parallel_loop3A_270 = arith.index_cast %rem3A_158 : i32 to index
        %parallel_loop3A_271 = arith.index_cast %parallel_loop3A_211 : i32 to index
        %parallel_loop3A_272 = arith.constant 48 : index
        %parallel_loop3A_273 = tpu.vector_load %arg10[%parallel_loop3A_270, %parallel_loop3A_271, %parallel_loop3A_272] {strides = array<i32>} : memref<2x80x128xf32, #tpu.memory_space<vmem>>, vector<16xf32>,
        tpu.vector_store %arg10[%parallel_loop3A_270, %parallel_loop3A_271, %parallel_loop3A_272], %parallel_loop3A_269 {strides = array<i32>} : memref<2x80x128xf32, #tpu.memory_space<vmem>>, vector<16xf32>,
        %parallel_loop3A_274 = arith.index_cast %rem3A_158 : i32 to index
        %parallel_loop3A_275 = arith.index_cast %parallel_loop3A_211 : i32 to index
        %parallel_loop3A_276 = arith.constant 32 : index
        %parallel_loop3A_277 = tpu.vector_load %arg9[%parallel_loop3A_274, %parallel_loop3A_275, %parallel_loop3A_276] {strides = array<i32>} : memref<2x80x64xi32, #tpu.memory_space<vmem>>, vector<16xi32>,
        %parallel_loop3A_278 = vector.bitcast %parallel_loop3A_277 : vector<16xi32> to vector<32xbf16>
        %parallel_loop3A_279 = tpu.unpack_subelements %parallel_loop3A_278, 0 {pack_format = #tpu.pack_format<interleaved>} : vector<32xbf16> -> vector<16xf32>
        %parallel_loop3A_280 = tpu.unpack_subelements %parallel_loop3A_278, 1 {pack_format = #tpu.pack_format<interleaved>} : vector<32xbf16> -> vector<16xf32>
        %parallel_loop3A_281 = arith.index_cast %rem3A_158 : i32 to index
        %parallel_loop3A_282 = arith.index_cast %parallel_loop3A_211 : i32 to index
        %parallel_loop3A_283 = arith.constant 64 : index
        %parallel_loop3A_284 = tpu.vector_load %arg10[%parallel_loop3A_281, %parallel_loop3A_282, %parallel_loop3A_283] {strides = array<i32>} : memref<2x80x128xf32, #tpu.memory_space<vmem>>, vector<16xf32>,
        %parallel_loop3A_285 = arith.addf %parallel_loop3A_284, %parallel_loop3A_279 : vector<16xf32>
        %parallel_loop3A_286 = arith.constant 0.000000e+00 : f32
        %parallel_loop3A_287 = vector.broadcast %parallel_loop3A_286 : f32 to vector<16xf32>
        %parallel_loop3A_288 = arith.maximumf %parallel_loop3A_285, %parallel_loop3A_287 : vector<16xf32>
        %parallel_loop3A_289 = arith.index_cast %rem3A_158 : i32 to index
        %parallel_loop3A_290 = arith.index_cast %parallel_loop3A_211 : i32 to index
        %parallel_loop3A_291 = arith.constant 64 : index
        %parallel_loop3A_292 = tpu.vector_load %arg10[%parallel_loop3A_289, %parallel_loop3A_290, %parallel_loop3A_291] {strides = array<i32>} : memref<2x80x128xf32, #tpu.memory_space<vmem>>, vector<16xf32>,
        tpu.vector_store %arg10[%parallel_loop3A_289, %parallel_loop3A_290, %parallel_loop3A_291], %parallel_loop3A_288 {strides = array<i32>} : memref<2x80x128xf32, #tpu.memory_space<vmem>>, vector<16xf32>,
        %parallel_loop3A_293 = arith.index_cast %rem3A_158 : i32 to index
        %parallel_loop3A_294 = arith.index_cast %parallel_loop3A_211 : i32 to index
        %parallel_loop3A_295 = arith.constant 80 : index
        %parallel_loop3A_296 = tpu.vector_load %arg10[%parallel_loop3A_293, %parallel_loop3A_294, %parallel_loop3A_295] {strides = array<i32>} : memref<2x80x128xf32, #tpu.memory_space<vmem>>, vector<16xf32>,
        %parallel_loop3A_297 = arith.addf %parallel_loop3A_296, %parallel_loop3A_280 : vector<16xf32>
        %parallel_loop3A_298 = arith.constant 0.000000e+00 : f32
        %parallel_loop3A_299 = vector.broadcast %parallel_loop3A_298 : f32 to vector<16xf32>
        %parallel_loop3A_300 = arith.maximumf %parallel_loop3A_297, %parallel_loop3A_299 : vector<16xf32>
        %parallel_loop3A_301 = arith.index_cast %rem3A_158 : i32 to index
        %parallel_loop3A_302 = arith.index_cast %parallel_loop3A_211 : i32 to index
        %parallel_loop3A_303 = arith.constant 80 : index
        %parallel_loop3A_304 = tpu.vector_load %arg10[%parallel_loop3A_301, %parallel_loop3A_302, %parallel_loop3A_303] {strides = array<i32>} : memref<2x80x128xf32, #tpu.memory_space<vmem>>, vector<16xf32>,
        tpu.vector_store %arg10[%parallel_loop3A_301, %parallel_loop3A_302, %parallel_loop3A_303], %parallel_loop3A_300 {strides = array<i32>} : memref<2x80x128xf32, #tpu.memory_space<vmem>>, vector<16xf32>,
        %parallel_loop3A_305 = arith.index_cast %rem3A_158 : i32 to index
        %parallel_loop3A_306 = arith.index_cast %parallel_loop3A_211 : i32 to index
        %parallel_loop3A_307 = arith.constant 48 : index
        %parallel_loop3A_308 = tpu.vector_load %arg9[%parallel_loop3A_305, %parallel_loop3A_306, %parallel_loop3A_307] {strides = array<i32>} : memref<2x80x64xi32, #tpu.memory_space<vmem>>, vector<16xi32>,
        %parallel_loop3A_309 = vector.bitcast %parallel_loop3A_308 : vector<16xi32> to vector<32xbf16>
        %parallel_loop3A_310 = tpu.unpack_subelements %parallel_loop3A_309, 0 {pack_format = #tpu.pack_format<interleaved>} : vector<32xbf16> -> vector<16xf32>
        %parallel_loop3A_311 = tpu.unpack_subelements %parallel_loop3A_309, 1 {pack_format = #tpu.pack_format<interleaved>} : vector<32xbf16> -> vector<16xf32>
        %parallel_loop3A_312 = arith.index_cast %rem3A_158 : i32 to index
        %parallel_loop3A_313 = arith.index_cast %parallel_loop3A_211 : i32 to index
        %parallel_loop3A_314 = arith.constant 96 : index
        %parallel_loop3A_315 = tpu.vector_load %arg10[%parallel_loop3A_312, %parallel_loop3A_313, %parallel_loop3A_314] {strides = array<i32>} : memref<2x80x128xf32, #tpu.memory_space<vmem>>, vector<16xf32>,
        %parallel_loop3A_316 = arith.addf %parallel_loop3A_315, %parallel_loop3A_310 : vector<16xf32>
        %parallel_loop3A_317 = arith.constant 0.000000e+00 : f32
        %parallel_loop3A_318 = vector.broadcast %parallel_loop3A_317 : f32 to vector<16xf32>
        %parallel_loop3A_319 = arith.maximumf %parallel_loop3A_316, %parallel_loop3A_318 : vector<16xf32>
        %parallel_loop3A_320 = arith.index_cast %rem3A_158 : i32 to index
        %parallel_loop3A_321 = arith.index_cast %parallel_loop3A_211 : i32 to index
        %parallel_loop3A_322 = arith.constant 96 : index
        %parallel_loop3A_323 = tpu.vector_load %arg10[%parallel_loop3A_320, %parallel_loop3A_321, %parallel_loop3A_322] {strides = array<i32>} : memref<2x80x128xf32, #tpu.memory_space<vmem>>, vector<16xf32>,
        tpu.vector_store %arg10[%parallel_loop3A_320, %parallel_loop3A_321, %parallel_loop3A_322], %parallel_loop3A_319 {strides = array<i32>} : memref<2x80x128xf32, #tpu.memory_space<vmem>>, vector<16xf32>,
        %parallel_loop3A_324 = arith.index_cast %rem3A_158 : i32 to index
        %parallel_loop3A_325 = arith.index_cast %parallel_loop3A_211 : i32 to index
        %parallel_loop3A_326 = arith.constant 112 : index
        %parallel_loop3A_327 = tpu.vector_load %arg10[%parallel_loop3A_324, %parallel_loop3A_325, %parallel_loop3A_326] {strides = array<i32>} : memref<2x80x128xf32, #tpu.memory_space<vmem>>, vector<16xf32>,
        %parallel_loop3A_328 = arith.addf %parallel_loop3A_327, %parallel_loop3A_311 : vector<16xf32>
        %parallel_loop3A_329 = arith.constant 0.000000e+00 : f32
        %parallel_loop3A_330 = vector.broadcast %parallel_loop3A_329 : f32 to vector<16xf32>
        %parallel_loop3A_331 = arith.maximumf %parallel_loop3A_328, %parallel_loop3A_330 : vector<16xf32>
        %parallel_loop3A_332 = arith.index_cast %rem3A_158 : i32 to index
        %parallel_loop3A_333 = arith.index_cast %parallel_loop3A_211 : i32 to index
        %parallel_loop3A_334 = arith.constant 112 : index
        %parallel_loop3A_335 = tpu.vector_load %arg10[%parallel_loop3A_332, %parallel_loop3A_333, %parallel_loop3A_334] {strides = array<i32>} : memref<2x80x128xf32, #tpu.memory_space<vmem>>, vector<16xf32>,
        tpu.vector_store %arg10[%parallel_loop3A_332, %parallel_loop3A_333, %parallel_loop3A_334], %parallel_loop3A_331 {strides = array<i32>} : memref<2x80x128xf32, #tpu.memory_space<vmem>>, vector<16xf32>,
      } {sc.loop_unroll_factor = 2 : i64, sc.parallel_access}
      %dma_start3A_199 = arith.constant 0 : i32
      %dma_start3A_200 = arith.constant 0 : i32
      %dma_start3A_201 = tpu.memref_slice %arg10[%rem3A_158, %dma_start3A_199, %dma_start3A_200] : memref<2x80x128xf32, #tpu.memory_space<vmem>> -> memref<1x80x128xf32, #tpu.memory_space<vmem>>
      %dma_start3A_202 = tpu.memref_squeeze %dma_start3A_201 : memref<1x80x128xf32, #tpu.memory_space<vmem>> -> memref<80x128xf32, #tpu.memory_space<vmem>>
      %dma_start3A_203 = arith.constant 0 : i32
      %dma_start3A_204 = tpu.memref_slice %arg8[%rem3A_158, %dma_start3A_203] : memref<2x80xi32, #tpu.memory_space<vmem>> -> memref<1x80xi32, #tpu.memory_space<vmem>>
      %dma_start3A_205 = tpu.memref_squeeze %dma_start3A_204 : memref<1x80xi32, #tpu.memory_space<vmem>> -> memref<80xi32, #tpu.memory_space<vmem>>
      %dma_start3A_206 = arith.constant 0 : i32
      %dma_start3A_207 = arith.constant 0 : i32
      %dma_start3A_208 = tpu.memref_slice %arg11[%dma_start3A_206, %dma_start3A_207] : memref<10240x128xf32, #tpu.memory_space<vmem_shared>> -> memref<10240x128xf32, #tpu.memory_space<vmem_shared>>
      %dma_start3A_209 = tpu.memref_slice %arg15[%rem3A_158] : memref<2x!tpu.dma_semaphore, #tpu.memory_space<semaphore_mem>> -> memref<1x!tpu.dma_semaphore, #tpu.memory_space<semaphore_mem>>
      %dma_start3A_210 = tpu.memref_squeeze %dma_start3A_209 : memref<1x!tpu.dma_semaphore, #tpu.memory_space<semaphore_mem>> -> memref<!tpu.dma_semaphore, #tpu.memory_space<semaphore_mem>>
      tpu.enqueue_indirect_dma source(%dma_start3A_202 : memref<80x128xf32, #tpu.memory_space<vmem>>) target(%dma_start3A_208 : memref<10240x128xf32, #tpu.memory_space<vmem_shared>>) offsets(%dma_start3A_205 : memref<80xi32, #tpu.memory_space<vmem>>) semaphore(%dma_start3A_210 : memref<!tpu.dma_semaphore, #tpu.memory_space<semaphore_mem>>) {add = true}
    }
    %while3A_134 = arith.constant 1 : i32
    scf.for %while3A_156 = %while3A_132 to %while3A_128 step %while3A_134  : i32 {
      %rem3A_157 = arith.constant 2 : i32
      %rem3A_158 = arith.remsi %while3A_156, %rem3A_157 : i32
      %add3A_159 = arith.constant 1 : i32
      %add3A_160 = arith.addi %while3A_156, %add3A_159 : i32
      %rem3A_161 = arith.constant 2 : i32
      %rem3A_162 = arith.remsi %add3A_160, %rem3A_161 : i32
      %add3A_163 = arith.constant 1 : i32
      %add3A_164 = arith.addi %while3A_156, %add3A_163 : i32
      %lt3A_165 = arith.cmpi slt, %add3A_164, %add3A_35 : i32
      %convert_element_type3A_166 = arith.extui %lt3A_165 : i1 to i32
      %cond3A_167 = arith.constant 0 : i32
      %cond3A_168 = arith.cmpi ne, %convert_element_type3A_166, %cond3A_167 : i32
      scf.if %cond3A_168 {
        %ge3A_211 = arith.constant 1 : i32
        %ge3A_212 = arith.cmpi sge, %while3A_156, %ge3A_211 : i32
        %convert_element_type3A_213 = arith.extui %ge3A_212 : i1 to i32
        %cond3A_214 = arith.constant 0 : i32
        %cond3A_215 = arith.cmpi ne, %convert_element_type3A_213, %cond3A_214 : i32
        scf.if %cond3A_215 {
          %dma_wait3A_302 = arith.constant 0 : i32
          %dma_wait3A_303 = arith.constant 0 : i32
          %dma_wait3A_304 = tpu.memref_slice %arg10[%rem3A_162, %dma_wait3A_302, %dma_wait3A_303] : memref<2x80x128xf32, #tpu.memory_space<vmem>> -> memref<1x80x128xf32, #tpu.memory_space<vmem>>
          %dma_wait3A_305 = tpu.memref_squeeze %dma_wait3A_304 : memref<1x80x128xf32, #tpu.memory_space<vmem>> -> memref<80x128xf32, #tpu.memory_space<vmem>>
          %dma_wait3A_306 = arith.constant 0 : i32
          %dma_wait3A_307 = tpu.memref_slice %arg8[%rem3A_162, %dma_wait3A_306] : memref<2x80xi32, #tpu.memory_space<vmem>> -> memref<1x80xi32, #tpu.memory_space<vmem>>
          %dma_wait3A_308 = tpu.memref_squeeze %dma_wait3A_307 : memref<1x80xi32, #tpu.memory_space<vmem>> -> memref<80xi32, #tpu.memory_space<vmem>>
          %dma_wait3A_309 = arith.constant 0 : i32
          %dma_wait3A_310 = arith.constant 0 : i32
          %dma_wait3A_311 = tpu.memref_slice %arg11[%dma_wait3A_309, %dma_wait3A_310] : memref<10240x128xf32, #tpu.memory_space<vmem_shared>> -> memref<10240x128xf32, #tpu.memory_space<vmem_shared>>
          %dma_wait3A_312 = tpu.memref_slice %arg15[%rem3A_162] : memref<2x!tpu.dma_semaphore, #tpu.memory_space<semaphore_mem>> -> memref<1x!tpu.dma_semaphore, #tpu.memory_space<semaphore_mem>>
          %dma_wait3A_313 = tpu.memref_squeeze %dma_wait3A_312 : memref<1x!tpu.dma_semaphore, #tpu.memory_space<semaphore_mem>> -> memref<!tpu.dma_semaphore, #tpu.memory_space<semaphore_mem>>
          tpu.wait_indirect_dma semaphore(%dma_wait3A_313 : memref<!tpu.dma_semaphore, #tpu.memory_space<semaphore_mem>>) src(%dma_wait3A_305 : memref<80x128xf32, #tpu.memory_space<vmem>>) dst(%dma_wait3A_311 : memref<10240x128xf32, #tpu.memory_space<vmem_shared>>)
        } else {
        }
        %add3A_216 = arith.constant 1 : i32
        %add3A_217 = arith.addi %while3A_156, %add3A_216 : i32
        %mul3A_218 = arith.constant 32 : i32
        %mul3A_219 = arith.muli %add3A_217, %mul3A_218 : i32
        %add3A_220 = arith.addi %add3A, %mul3A_219 : i32
        %mul3A_221 = arith.constant 80 : i32
        %mul3A_222 = arith.muli %add3A_220, %mul3A_221 : i32
        %multiple_of3A_223 = tpu.assume_multiple %mul3A_222, 80 : i32
        %dma_start3A_224 = arith.constant 0 : i32
        %dma_start3A_225 = tpu.memref_slice %arg7[%rem3A_162, %dma_start3A_224] : memref<2x80xi32, #tpu.memory_space<vmem>> -> memref<1x80xi32, #tpu.memory_space<vmem>>
        %dma_start3A_226 = tpu.memref_squeeze %dma_start3A_225 : memref<1x80xi32, #tpu.memory_space<vmem>> -> memref<80xi32, #tpu.memory_space<vmem>>
        %dma_start3A_227 = tpu.memref_slice %arg3[%multiple_of3A_223] : memref<320000xi32, #tpu.memory_space<hbm>> -> memref<80xi32, #tpu.memory_space<hbm>>
        %dma_start3A_228 = tpu.memref_slice %arg12[%rem3A_162] : memref<2x!tpu.dma_semaphore, #tpu.memory_space<semaphore_mem>> -> memref<1x!tpu.dma_semaphore, #tpu.memory_space<semaphore_mem>>
        %dma_start3A_229 = tpu.memref_squeeze %dma_start3A_228 : memref<1x!tpu.dma_semaphore, #tpu.memory_space<semaphore_mem>> -> memref<!tpu.dma_semaphore, #tpu.memory_space<semaphore_mem>>
        %dma_start3A_230 = arith.constant 0 : i32
        %dma_start3A_231 = tpu.memref_slice %arg7[%rem3A_162, %dma_start3A_230] : memref<2x80xi32, #tpu.memory_space<vmem>> -> memref<1x80xi32, #tpu.memory_space<vmem>>
        %dma_start3A_232 = tpu.memref_squeeze %dma_start3A_231 : memref<1x80xi32, #tpu.memory_space<vmem>> -> memref<80xi32, #tpu.memory_space<vmem>>
        %dma_start3A_233 = tpu.memref_slice %arg3[%multiple_of3A_223] : memref<320000xi32, #tpu.memory_space<hbm>> -> memref<80xi32, #tpu.memory_space<hbm>>
        tpu.enqueue_dma source(%dma_start3A_233 : memref<80xi32, #tpu.memory_space<hbm>>) target(%dma_start3A_232 : memref<80xi32, #tpu.memory_space<vmem>>) target_semaphore(%dma_start3A_229 : memref<!tpu.dma_semaphore, #tpu.memory_space<semaphore_mem>>)
        %dma_start3A_234 = arith.constant 0 : i32
        %dma_start3A_235 = tpu.memref_slice %arg8[%rem3A_162, %dma_start3A_234] : memref<2x80xi32, #tpu.memory_space<vmem>> -> memref<1x80xi32, #tpu.memory_space<vmem>>
        %dma_start3A_236 = tpu.memref_squeeze %dma_start3A_235 : memref<1x80xi32, #tpu.memory_space<vmem>> -> memref<80xi32, #tpu.memory_space<vmem>>
        %dma_start3A_237 = tpu.memref_slice %arg4[%multiple_of3A_223] : memref<320000xi32, #tpu.memory_space<hbm>> -> memref<80xi32, #tpu.memory_space<hbm>>
        %dma_start3A_238 = tpu.memref_slice %arg12[%rem3A_162] : memref<2x!tpu.dma_semaphore, #tpu.memory_space<semaphore_mem>> -> memref<1x!tpu.dma_semaphore, #tpu.memory_space<semaphore_mem>>
        %dma_start3A_239 = tpu.memref_squeeze %dma_start3A_238 : memref<1x!tpu.dma_semaphore, #tpu.memory_space<semaphore_mem>> -> memref<!tpu.dma_semaphore, #tpu.memory_space<semaphore_mem>>
        %dma_start3A_240 = arith.constant 0 : i32
        %dma_start3A_241 = tpu.memref_slice %arg8[%rem3A_162, %dma_start3A_240] : memref<2x80xi32, #tpu.memory_space<vmem>> -> memref<1x80xi32, #tpu.memory_space<vmem>>
        %dma_start3A_242 = tpu.memref_squeeze %dma_start3A_241 : memref<1x80xi32, #tpu.memory_space<vmem>> -> memref<80xi32, #tpu.memory_space<vmem>>
        %dma_start3A_243 = tpu.memref_slice %arg4[%multiple_of3A_223] : memref<320000xi32, #tpu.memory_space<hbm>> -> memref<80xi32, #tpu.memory_space<hbm>>
        tpu.enqueue_dma source(%dma_start3A_243 : memref<80xi32, #tpu.memory_space<hbm>>) target(%dma_start3A_242 : memref<80xi32, #tpu.memory_space<vmem>>) target_semaphore(%dma_start3A_239 : memref<!tpu.dma_semaphore, #tpu.memory_space<semaphore_mem>>)
        %dma_wait3A_244 = arith.constant 0 : i32
        %dma_wait3A_245 = tpu.memref_slice %arg7[%rem3A_162, %dma_wait3A_244] : memref<2x80xi32, #tpu.memory_space<vmem>> -> memref<1x80xi32, #tpu.memory_space<vmem>>
        %dma_wait3A_246 = tpu.memref_squeeze %dma_wait3A_245 : memref<1x80xi32, #tpu.memory_space<vmem>> -> memref<80xi32, #tpu.memory_space<vmem>>
        %dma_wait3A_247 = arith.constant 0 : i32
        %dma_wait3A_248 = tpu.memref_slice %arg3[%dma_wait3A_247] : memref<320000xi32, #tpu.memory_space<hbm>> -> memref<80xi32, #tpu.memory_space<hbm>>
        %dma_wait3A_249 = tpu.memref_slice %arg12[%rem3A_162] : memref<2x!tpu.dma_semaphore, #tpu.memory_space<semaphore_mem>> -> memref<1x!tpu.dma_semaphore, #tpu.memory_space<semaphore_mem>>
        %dma_wait3A_250 = tpu.memref_squeeze %dma_wait3A_249 : memref<1x!tpu.dma_semaphore, #tpu.memory_space<semaphore_mem>> -> memref<!tpu.dma_semaphore, #tpu.memory_space<semaphore_mem>>
        %dma_wait3A_251 = arith.constant 0 : i32
        %dma_wait3A_252 = tpu.memref_slice %arg7[%rem3A_162, %dma_wait3A_251] : memref<2x80xi32, #tpu.memory_space<vmem>> -> memref<1x80xi32, #tpu.memory_space<vmem>>
        %dma_wait3A_253 = tpu.memref_squeeze %dma_wait3A_252 : memref<1x80xi32, #tpu.memory_space<vmem>> -> memref<80xi32, #tpu.memory_space<vmem>>
        %dma_wait3A_254 = arith.constant 0 : i32
        %dma_wait3A_255 = tpu.memref_slice %arg3[%dma_wait3A_254] : memref<320000xi32, #tpu.memory_space<hbm>> -> memref<80xi32, #tpu.memory_space<hbm>>
        tpu.wait_dma2 semaphore(%dma_wait3A_250 : memref<!tpu.dma_semaphore, #tpu.memory_space<semaphore_mem>>) src(%dma_wait3A_255 : memref<80xi32, #tpu.memory_space<hbm>>) dst(%dma_wait3A_253 : memref<80xi32, #tpu.memory_space<vmem>>)
        %dma_wait3A_256 = arith.constant 0 : i32
        %dma_wait3A_257 = tpu.memref_slice %arg8[%rem3A_162, %dma_wait3A_256] : memref<2x80xi32, #tpu.memory_space<vmem>> -> memref<1x80xi32, #tpu.memory_space<vmem>>
        %dma_wait3A_258 = tpu.memref_squeeze %dma_wait3A_257 : memref<1x80xi32, #tpu.memory_space<vmem>> -> memref<80xi32, #tpu.memory_space<vmem>>
        %dma_wait3A_259 = arith.constant 0 : i32
        %dma_wait3A_260 = tpu.memref_slice %arg4[%dma_wait3A_259] : memref<320000xi32, #tpu.memory_space<hbm>> -> memref<80xi32, #tpu.memory_space<hbm>>
        %dma_wait3A_261 = tpu.memref_slice %arg12[%rem3A_162] : memref<2x!tpu.dma_semaphore, #tpu.memory_space<semaphore_mem>> -> memref<1x!tpu.dma_semaphore, #tpu.memory_space<semaphore_mem>>
        %dma_wait3A_262 = tpu.memref_squeeze %dma_wait3A_261 : memref<1x!tpu.dma_semaphore, #tpu.memory_space<semaphore_mem>> -> memref<!tpu.dma_semaphore, #tpu.memory_space<semaphore_mem>>
        %dma_wait3A_263 = arith.constant 0 : i32
        %dma_wait3A_264 = tpu.memref_slice %arg8[%rem3A_162, %dma_wait3A_263] : memref<2x80xi32, #tpu.memory_space<vmem>> -> memref<1x80xi32, #tpu.memory_space<vmem>>
        %dma_wait3A_265 = tpu.memref_squeeze %dma_wait3A_264 : memref<1x80xi32, #tpu.memory_space<vmem>> -> memref<80xi32, #tpu.memory_space<vmem>>
        %dma_wait3A_266 = arith.constant 0 : i32
        %dma_wait3A_267 = tpu.memref_slice %arg4[%dma_wait3A_266] : memref<320000xi32, #tpu.memory_space<hbm>> -> memref<80xi32, #tpu.memory_space<hbm>>
        tpu.wait_dma2 semaphore(%dma_wait3A_262 : memref<!tpu.dma_semaphore, #tpu.memory_space<semaphore_mem>>) src(%dma_wait3A_267 : memref<80xi32, #tpu.memory_space<hbm>>) dst(%dma_wait3A_265 : memref<80xi32, #tpu.memory_space<vmem>>)
        %add3A_268 = arith.constant 1 : i32
        %add3A_269 = arith.addi %while3A_156, %add3A_268 : i32
        %mul3A_270 = arith.constant 32 : i32
        %mul3A_271 = arith.muli %add3A_269, %mul3A_270 : i32
        %add3A_272 = arith.addi %add3A, %mul3A_271 : i32
        %mul3A_273 = arith.constant 80 : i32
        %mul3A_274 = arith.muli %add3A_272, %mul3A_273 : i32
        %multiple_of3A_275 = tpu.assume_multiple %mul3A_274, 80 : i32
        %dma_start3A_276 = arith.constant 0 : i32
        %dma_start3A_277 = arith.constant 0 : i32
        %dma_start3A_278 = tpu.memref_slice %arg10[%rem3A_162, %dma_start3A_276, %dma_start3A_277] : memref<2x80x128xf32, #tpu.memory_space<vmem>> -> memref<1x80x128xf32, #tpu.memory_space<vmem>>
        %dma_start3A_279 = tpu.memref_squeeze %dma_start3A_278 : memref<1x80x128xf32, #tpu.memory_space<vmem>> -> memref<80x128xf32, #tpu.memory_space<vmem>>
        %dma_start3A_280 = arith.constant 0 : i32
        %dma_start3A_281 = tpu.memref_slice %arg7[%rem3A_162, %dma_start3A_280] : memref<2x80xi32, #tpu.memory_space<vmem>> -> memref<1x80xi32, #tpu.memory_space<vmem>>
        %dma_start3A_282 = tpu.memref_squeeze %dma_start3A_281 : memref<1x80xi32, #tpu.memory_space<vmem>> -> memref<80xi32, #tpu.memory_space<vmem>>
        %dma_start3A_283 = arith.constant 0 : i32
        %dma_start3A_284 = arith.constant 0 : i32
        %dma_start3A_285 = tpu.memref_slice %arg2[%dma_start3A_283, %dma_start3A_284] : memref<10000x128xf32, #tpu.memory_space<hbm>> -> memref<10000x128xf32, #tpu.memory_space<hbm>>
        %dma_start3A_286 = tpu.memref_slice %arg13[%rem3A_162] : memref<2x!tpu.dma_semaphore, #tpu.memory_space<semaphore_mem>> -> memref<1x!tpu.dma_semaphore, #tpu.memory_space<semaphore_mem>>
        %dma_start3A_287 = tpu.memref_squeeze %dma_start3A_286 : memref<1x!tpu.dma_semaphore, #tpu.memory_space<semaphore_mem>> -> memref<!tpu.dma_semaphore, #tpu.memory_space<semaphore_mem>>
        tpu.enqueue_indirect_dma source(%dma_start3A_285 : memref<10000x128xf32, #tpu.memory_space<hbm>>) target(%dma_start3A_279 : memref<80x128xf32, #tpu.memory_space<vmem>>) offsets(%dma_start3A_282 : memref<80xi32, #tpu.memory_space<vmem>>) semaphore(%dma_start3A_287 : memref<!tpu.dma_semaphore, #tpu.memory_space<semaphore_mem>>)
        %dma_start3A_288 = arith.constant 0 : i32
        %dma_start3A_289 = arith.constant 0 : i32
        %dma_start3A_290 = tpu.memref_slice %arg9[%rem3A_162, %dma_start3A_288, %dma_start3A_289] : memref<2x80x64xi32, #tpu.memory_space<vmem>> -> memref<1x80x64xi32, #tpu.memory_space<vmem>>
        %dma_start3A_291 = tpu.memref_squeeze %dma_start3A_290 : memref<1x80x64xi32, #tpu.memory_space<vmem>> -> memref<80x64xi32, #tpu.memory_space<vmem>>
        %dma_start3A_292 = arith.constant 0 : i32
        %dma_start3A_293 = tpu.memref_slice %arg5[%multiple_of3A_275, %dma_start3A_292] : memref<320000x64xi32, #tpu.memory_space<hbm>> -> memref<80x64xi32, #tpu.memory_space<hbm>>
        %dma_start3A_294 = tpu.memref_slice %arg14[%rem3A_162] : memref<2x!tpu.dma_semaphore, #tpu.memory_space<semaphore_mem>> -> memref<1x!tpu.dma_semaphore, #tpu.memory_space<semaphore_mem>>
        %dma_start3A_295 = tpu.memref_squeeze %dma_start3A_294 : memref<1x!tpu.dma_semaphore, #tpu.memory_space<semaphore_mem>> -> memref<!tpu.dma_semaphore, #tpu.memory_space<semaphore_mem>>
        %dma_start3A_296 = arith.constant 0 : i32
        %dma_start3A_297 = arith.constant 0 : i32
        %dma_start3A_298 = tpu.memref_slice %arg9[%rem3A_162, %dma_start3A_296, %dma_start3A_297] : memref<2x80x64xi32, #tpu.memory_space<vmem>> -> memref<1x80x64xi32, #tpu.memory_space<vmem>>
        %dma_start3A_299 = tpu.memref_squeeze %dma_start3A_298 : memref<1x80x64xi32, #tpu.memory_space<vmem>> -> memref<80x64xi32, #tpu.memory_space<vmem>>
        %dma_start3A_300 = arith.constant 0 : i32
        %dma_start3A_301 = tpu.memref_slice %arg5[%multiple_of3A_275, %dma_start3A_300] : memref<320000x64xi32, #tpu.memory_space<hbm>> -> memref<80x64xi32, #tpu.memory_space<hbm>>
        tpu.enqueue_dma source(%dma_start3A_301 : memref<80x64xi32, #tpu.memory_space<hbm>>) target(%dma_start3A_299 : memref<80x64xi32, #tpu.memory_space<vmem>>) target_semaphore(%dma_start3A_295 : memref<!tpu.dma_semaphore, #tpu.memory_space<semaphore_mem>>)
      } else {
      }
      %dma_wait3A_169 = arith.constant 0 : i32
      %dma_wait3A_170 = arith.constant 0 : i32
      %dma_wait3A_171 = tpu.memref_slice %arg10[%rem3A_158, %dma_wait3A_169, %dma_wait3A_170] : memref<2x80x128xf32, #tpu.memory_space<vmem>> -> memref<1x80x128xf32, #tpu.memory_space<vmem>>
      %dma_wait3A_172 = tpu.memref_squeeze %dma_wait3A_171 : memref<1x80x128xf32, #tpu.memory_space<vmem>> -> memref<80x128xf32, #tpu.memory_space<vmem>>
      %dma_wait3A_173 = arith.constant 0 : i32
      %dma_wait3A_174 = tpu.memref_slice %arg7[%rem3A_158, %dma_wait3A_173] : memref<2x80xi32, #tpu.memory_space<vmem>> -> memref<1x80xi32, #tpu.memory_space<vmem>>
      %dma_wait3A_175 = tpu.memref_squeeze %dma_wait3A_174 : memref<1x80xi32, #tpu.memory_space<vmem>> -> memref<80xi32, #tpu.memory_space<vmem>>
      %dma_wait3A_176 = arith.constant 0 : i32
      %dma_wait3A_177 = arith.constant 0 : i32
      %dma_wait3A_178 = tpu.memref_slice %arg2[%dma_wait3A_176, %dma_wait3A_177] : memref<10000x128xf32, #tpu.memory_space<hbm>> -> memref<10000x128xf32, #tpu.memory_space<hbm>>
      %dma_wait3A_179 = tpu.memref_slice %arg13[%rem3A_158] : memref<2x!tpu.dma_semaphore, #tpu.memory_space<semaphore_mem>> -> memref<1x!tpu.dma_semaphore, #tpu.memory_space<semaphore_mem>>
      %dma_wait3A_180 = tpu.memref_squeeze %dma_wait3A_179 : memref<1x!tpu.dma_semaphore, #tpu.memory_space<semaphore_mem>> -> memref<!tpu.dma_semaphore, #tpu.memory_space<semaphore_mem>>
      tpu.wait_indirect_dma semaphore(%dma_wait3A_180 : memref<!tpu.dma_semaphore, #tpu.memory_space<semaphore_mem>>) src(%dma_wait3A_178 : memref<10000x128xf32, #tpu.memory_space<hbm>>) dst(%dma_wait3A_172 : memref<80x128xf32, #tpu.memory_space<vmem>>)
      %dma_wait3A_181 = arith.constant 0 : i32
      %dma_wait3A_182 = arith.constant 0 : i32
      %dma_wait3A_183 = tpu.memref_slice %arg9[%rem3A_158, %dma_wait3A_181, %dma_wait3A_182] : memref<2x80x64xi32, #tpu.memory_space<vmem>> -> memref<1x80x64xi32, #tpu.memory_space<vmem>>
      %dma_wait3A_184 = tpu.memref_squeeze %dma_wait3A_183 : memref<1x80x64xi32, #tpu.memory_space<vmem>> -> memref<80x64xi32, #tpu.memory_space<vmem>>
      %dma_wait3A_185 = arith.constant 0 : i32
      %dma_wait3A_186 = arith.constant 0 : i32
      %dma_wait3A_187 = tpu.memref_slice %arg5[%dma_wait3A_185, %dma_wait3A_186] : memref<320000x64xi32, #tpu.memory_space<hbm>> -> memref<80x64xi32, #tpu.memory_space<hbm>>
      %dma_wait3A_188 = tpu.memref_slice %arg14[%rem3A_158] : memref<2x!tpu.dma_semaphore, #tpu.memory_space<semaphore_mem>> -> memref<1x!tpu.dma_semaphore, #tpu.memory_space<semaphore_mem>>
      %dma_wait3A_189 = tpu.memref_squeeze %dma_wait3A_188 : memref<1x!tpu.dma_semaphore, #tpu.memory_space<semaphore_mem>> -> memref<!tpu.dma_semaphore, #tpu.memory_space<semaphore_mem>>
      %dma_wait3A_190 = arith.constant 0 : i32
      %dma_wait3A_191 = arith.constant 0 : i32
      %dma_wait3A_192 = tpu.memref_slice %arg9[%rem3A_158, %dma_wait3A_190, %dma_wait3A_191] : memref<2x80x64xi32, #tpu.memory_space<vmem>> -> memref<1x80x64xi32, #tpu.memory_space<vmem>>
      %dma_wait3A_193 = tpu.memref_squeeze %dma_wait3A_192 : memref<1x80x64xi32, #tpu.memory_space<vmem>> -> memref<80x64xi32, #tpu.memory_space<vmem>>
      %dma_wait3A_194 = arith.constant 0 : i32
      %dma_wait3A_195 = arith.constant 0 : i32
      %dma_wait3A_196 = tpu.memref_slice %arg5[%dma_wait3A_194, %dma_wait3A_195] : memref<320000x64xi32, #tpu.memory_space<hbm>> -> memref<80x64xi32, #tpu.memory_space<hbm>>
      tpu.wait_dma2 semaphore(%dma_wait3A_189 : memref<!tpu.dma_semaphore, #tpu.memory_space<semaphore_mem>>) src(%dma_wait3A_196 : memref<80x64xi32, #tpu.memory_space<hbm>>) dst(%dma_wait3A_193 : memref<80x64xi32, #tpu.memory_space<vmem>>)
      %parallel_loop3A = arith.constant 0 : i32
      %parallel_loop3A_197 = arith.constant 80 : i32
      %parallel_loop3A_198 = arith.constant 1 : i32
      scf.for %parallel_loop3A_211 = %parallel_loop3A to %parallel_loop3A_197 step %parallel_loop3A_198  : i32 {
        %parallel_loop3A_212 = arith.index_cast %rem3A_158 : i32 to index
        %parallel_loop3A_213 = arith.index_cast %parallel_loop3A_211 : i32 to index
        %parallel_loop3A_214 = arith.constant 0 : index
        %parallel_loop3A_215 = tpu.vector_load %arg9[%parallel_loop3A_212, %parallel_loop3A_213, %parallel_loop3A_214] {strides = array<i32>} : memref<2x80x64xi32, #tpu.memory_space<vmem>>, vector<16xi32>,
        %parallel_loop3A_216 = vector.bitcast %parallel_loop3A_215 : vector<16xi32> to vector<32xbf16>
        %parallel_loop3A_217 = tpu.unpack_subelements %parallel_loop3A_216, 0 {pack_format = #tpu.pack_format<interleaved>} : vector<32xbf16> -> vector<16xf32>
        %parallel_loop3A_218 = tpu.unpack_subelements %parallel_loop3A_216, 1 {pack_format = #tpu.pack_format<interleaved>} : vector<32xbf16> -> vector<16xf32>
        %parallel_loop3A_219 = arith.index_cast %rem3A_158 : i32 to index
        %parallel_loop3A_220 = arith.index_cast %parallel_loop3A_211 : i32 to index
        %parallel_loop3A_221 = arith.constant 0 : index
        %parallel_loop3A_222 = tpu.vector_load %arg10[%parallel_loop3A_219, %parallel_loop3A_220, %parallel_loop3A_221] {strides = array<i32>} : memref<2x80x128xf32, #tpu.memory_space<vmem>>, vector<16xf32>,
        %parallel_loop3A_223 = arith.addf %parallel_loop3A_222, %parallel_loop3A_217 : vector<16xf32>
        %parallel_loop3A_224 = arith.constant 0.000000e+00 : f32
        %parallel_loop3A_225 = vector.broadcast %parallel_loop3A_224 : f32 to vector<16xf32>
        %parallel_loop3A_226 = arith.maximumf %parallel_loop3A_223, %parallel_loop3A_225 : vector<16xf32>
        %parallel_loop3A_227 = arith.index_cast %rem3A_158 : i32 to index
        %parallel_loop3A_228 = arith.index_cast %parallel_loop3A_211 : i32 to index
        %parallel_loop3A_229 = arith.constant 0 : index
        %parallel_loop3A_230 = tpu.vector_load %arg10[%parallel_loop3A_227, %parallel_loop3A_228, %parallel_loop3A_229] {strides = array<i32>} : memref<2x80x128xf32, #tpu.memory_space<vmem>>, vector<16xf32>,
        tpu.vector_store %arg10[%parallel_loop3A_227, %parallel_loop3A_228, %parallel_loop3A_229], %parallel_loop3A_226 {strides = array<i32>} : memref<2x80x128xf32, #tpu.memory_space<vmem>>, vector<16xf32>,
        %parallel_loop3A_231 = arith.index_cast %rem3A_158 : i32 to index
        %parallel_loop3A_232 = arith.index_cast %parallel_loop3A_211 : i32 to index
        %parallel_loop3A_233 = arith.constant 16 : index
        %parallel_loop3A_234 = tpu.vector_load %arg10[%parallel_loop3A_231, %parallel_loop3A_232, %parallel_loop3A_233] {strides = array<i32>} : memref<2x80x128xf32, #tpu.memory_space<vmem>>, vector<16xf32>,
        %parallel_loop3A_235 = arith.addf %parallel_loop3A_234, %parallel_loop3A_218 : vector<16xf32>
        %parallel_loop3A_236 = arith.constant 0.000000e+00 : f32
        %parallel_loop3A_237 = vector.broadcast %parallel_loop3A_236 : f32 to vector<16xf32>
        %parallel_loop3A_238 = arith.maximumf %parallel_loop3A_235, %parallel_loop3A_237 : vector<16xf32>
        %parallel_loop3A_239 = arith.index_cast %rem3A_158 : i32 to index
        %parallel_loop3A_240 = arith.index_cast %parallel_loop3A_211 : i32 to index
        %parallel_loop3A_241 = arith.constant 16 : index
        %parallel_loop3A_242 = tpu.vector_load %arg10[%parallel_loop3A_239, %parallel_loop3A_240, %parallel_loop3A_241] {strides = array<i32>} : memref<2x80x128xf32, #tpu.memory_space<vmem>>, vector<16xf32>,
        tpu.vector_store %arg10[%parallel_loop3A_239, %parallel_loop3A_240, %parallel_loop3A_241], %parallel_loop3A_238 {strides = array<i32>} : memref<2x80x128xf32, #tpu.memory_space<vmem>>, vector<16xf32>,
        %parallel_loop3A_243 = arith.index_cast %rem3A_158 : i32 to index
        %parallel_loop3A_244 = arith.index_cast %parallel_loop3A_211 : i32 to index
        %parallel_loop3A_245 = arith.constant 16 : index
        %parallel_loop3A_246 = tpu.vector_load %arg9[%parallel_loop3A_243, %parallel_loop3A_244, %parallel_loop3A_245] {strides = array<i32>} : memref<2x80x64xi32, #tpu.memory_space<vmem>>, vector<16xi32>,
        %parallel_loop3A_247 = vector.bitcast %parallel_loop3A_246 : vector<16xi32> to vector<32xbf16>
        %parallel_loop3A_248 = tpu.unpack_subelements %parallel_loop3A_247, 0 {pack_format = #tpu.pack_format<interleaved>} : vector<32xbf16> -> vector<16xf32>
        %parallel_loop3A_249 = tpu.unpack_subelements %parallel_loop3A_247, 1 {pack_format = #tpu.pack_format<interleaved>} : vector<32xbf16> -> vector<16xf32>
        %parallel_loop3A_250 = arith.index_cast %rem3A_158 : i32 to index
        %parallel_loop3A_251 = arith.index_cast %parallel_loop3A_211 : i32 to index
        %parallel_loop3A_252 = arith.constant 32 : index
        %parallel_loop3A_253 = tpu.vector_load %arg10[%parallel_loop3A_250, %parallel_loop3A_251, %parallel_loop3A_252] {strides = array<i32>} : memref<2x80x128xf32, #tpu.memory_space<vmem>>, vector<16xf32>,
        %parallel_loop3A_254 = arith.addf %parallel_loop3A_253, %parallel_loop3A_248 : vector<16xf32>
        %parallel_loop3A_255 = arith.constant 0.000000e+00 : f32
        %parallel_loop3A_256 = vector.broadcast %parallel_loop3A_255 : f32 to vector<16xf32>
        %parallel_loop3A_257 = arith.maximumf %parallel_loop3A_254, %parallel_loop3A_256 : vector<16xf32>
        %parallel_loop3A_258 = arith.index_cast %rem3A_158 : i32 to index
        %parallel_loop3A_259 = arith.index_cast %parallel_loop3A_211 : i32 to index
        %parallel_loop3A_260 = arith.constant 32 : index
        %parallel_loop3A_261 = tpu.vector_load %arg10[%parallel_loop3A_258, %parallel_loop3A_259, %parallel_loop3A_260] {strides = array<i32>} : memref<2x80x128xf32, #tpu.memory_space<vmem>>, vector<16xf32>,
        tpu.vector_store %arg10[%parallel_loop3A_258, %parallel_loop3A_259, %parallel_loop3A_260], %parallel_loop3A_257 {strides = array<i32>} : memref<2x80x128xf32, #tpu.memory_space<vmem>>, vector<16xf32>,
        %parallel_loop3A_262 = arith.index_cast %rem3A_158 : i32 to index
        %parallel_loop3A_263 = arith.index_cast %parallel_loop3A_211 : i32 to index
        %parallel_loop3A_264 = arith.constant 48 : index
        %parallel_loop3A_265 = tpu.vector_load %arg10[%parallel_loop3A_262, %parallel_loop3A_263, %parallel_loop3A_264] {strides = array<i32>} : memref<2x80x128xf32, #tpu.memory_space<vmem>>, vector<16xf32>,
        %parallel_loop3A_266 = arith.addf %parallel_loop3A_265, %parallel_loop3A_249 : vector<16xf32>
        %parallel_loop3A_267 = arith.constant 0.000000e+00 : f32
        %parallel_loop3A_268 = vector.broadcast %parallel_loop3A_267 : f32 to vector<16xf32>
        %parallel_loop3A_269 = arith.maximumf %parallel_loop3A_266, %parallel_loop3A_268 : vector<16xf32>
        %parallel_loop3A_270 = arith.index_cast %rem3A_158 : i32 to index
        %parallel_loop3A_271 = arith.index_cast %parallel_loop3A_211 : i32 to index
        %parallel_loop3A_272 = arith.constant 48 : index
        %parallel_loop3A_273 = tpu.vector_load %arg10[%parallel_loop3A_270, %parallel_loop3A_271, %parallel_loop3A_272] {strides = array<i32>} : memref<2x80x128xf32, #tpu.memory_space<vmem>>, vector<16xf32>,
        tpu.vector_store %arg10[%parallel_loop3A_270, %parallel_loop3A_271, %parallel_loop3A_272], %parallel_loop3A_269 {strides = array<i32>} : memref<2x80x128xf32, #tpu.memory_space<vmem>>, vector<16xf32>,
        %parallel_loop3A_274 = arith.index_cast %rem3A_158 : i32 to index
        %parallel_loop3A_275 = arith.index_cast %parallel_loop3A_211 : i32 to index
        %parallel_loop3A_276 = arith.constant 32 : index
        %parallel_loop3A_277 = tpu.vector_load %arg9[%parallel_loop3A_274, %parallel_loop3A_275, %parallel_loop3A_276] {strides = array<i32>} : memref<2x80x64xi32, #tpu.memory_space<vmem>>, vector<16xi32>,
        %parallel_loop3A_278 = vector.bitcast %parallel_loop3A_277 : vector<16xi32> to vector<32xbf16>
        %parallel_loop3A_279 = tpu.unpack_subelements %parallel_loop3A_278, 0 {pack_format = #tpu.pack_format<interleaved>} : vector<32xbf16> -> vector<16xf32>
        %parallel_loop3A_280 = tpu.unpack_subelements %parallel_loop3A_278, 1 {pack_format = #tpu.pack_format<interleaved>} : vector<32xbf16> -> vector<16xf32>
        %parallel_loop3A_281 = arith.index_cast %rem3A_158 : i32 to index
        %parallel_loop3A_282 = arith.index_cast %parallel_loop3A_211 : i32 to index
        %parallel_loop3A_283 = arith.constant 64 : index
        %parallel_loop3A_284 = tpu.vector_load %arg10[%parallel_loop3A_281, %parallel_loop3A_282, %parallel_loop3A_283] {strides = array<i32>} : memref<2x80x128xf32, #tpu.memory_space<vmem>>, vector<16xf32>,
        %parallel_loop3A_285 = arith.addf %parallel_loop3A_284, %parallel_loop3A_279 : vector<16xf32>
        %parallel_loop3A_286 = arith.constant 0.000000e+00 : f32
        %parallel_loop3A_287 = vector.broadcast %parallel_loop3A_286 : f32 to vector<16xf32>
        %parallel_loop3A_288 = arith.maximumf %parallel_loop3A_285, %parallel_loop3A_287 : vector<16xf32>
        %parallel_loop3A_289 = arith.index_cast %rem3A_158 : i32 to index
        %parallel_loop3A_290 = arith.index_cast %parallel_loop3A_211 : i32 to index
        %parallel_loop3A_291 = arith.constant 64 : index
        %parallel_loop3A_292 = tpu.vector_load %arg10[%parallel_loop3A_289, %parallel_loop3A_290, %parallel_loop3A_291] {strides = array<i32>} : memref<2x80x128xf32, #tpu.memory_space<vmem>>, vector<16xf32>,
        tpu.vector_store %arg10[%parallel_loop3A_289, %parallel_loop3A_290, %parallel_loop3A_291], %parallel_loop3A_288 {strides = array<i32>} : memref<2x80x128xf32, #tpu.memory_space<vmem>>, vector<16xf32>,
        %parallel_loop3A_293 = arith.index_cast %rem3A_158 : i32 to index
        %parallel_loop3A_294 = arith.index_cast %parallel_loop3A_211 : i32 to index
        %parallel_loop3A_295 = arith.constant 80 : index
        %parallel_loop3A_296 = tpu.vector_load %arg10[%parallel_loop3A_293, %parallel_loop3A_294, %parallel_loop3A_295] {strides = array<i32>} : memref<2x80x128xf32, #tpu.memory_space<vmem>>, vector<16xf32>,
        %parallel_loop3A_297 = arith.addf %parallel_loop3A_296, %parallel_loop3A_280 : vector<16xf32>
        %parallel_loop3A_298 = arith.constant 0.000000e+00 : f32
        %parallel_loop3A_299 = vector.broadcast %parallel_loop3A_298 : f32 to vector<16xf32>
        %parallel_loop3A_300 = arith.maximumf %parallel_loop3A_297, %parallel_loop3A_299 : vector<16xf32>
        %parallel_loop3A_301 = arith.index_cast %rem3A_158 : i32 to index
        %parallel_loop3A_302 = arith.index_cast %parallel_loop3A_211 : i32 to index
        %parallel_loop3A_303 = arith.constant 80 : index
        %parallel_loop3A_304 = tpu.vector_load %arg10[%parallel_loop3A_301, %parallel_loop3A_302, %parallel_loop3A_303] {strides = array<i32>} : memref<2x80x128xf32, #tpu.memory_space<vmem>>, vector<16xf32>,
        tpu.vector_store %arg10[%parallel_loop3A_301, %parallel_loop3A_302, %parallel_loop3A_303], %parallel_loop3A_300 {strides = array<i32>} : memref<2x80x128xf32, #tpu.memory_space<vmem>>, vector<16xf32>,
        %parallel_loop3A_305 = arith.index_cast %rem3A_158 : i32 to index
        %parallel_loop3A_306 = arith.index_cast %parallel_loop3A_211 : i32 to index
        %parallel_loop3A_307 = arith.constant 48 : index
        %parallel_loop3A_308 = tpu.vector_load %arg9[%parallel_loop3A_305, %parallel_loop3A_306, %parallel_loop3A_307] {strides = array<i32>} : memref<2x80x64xi32, #tpu.memory_space<vmem>>, vector<16xi32>,
        %parallel_loop3A_309 = vector.bitcast %parallel_loop3A_308 : vector<16xi32> to vector<32xbf16>
        %parallel_loop3A_310 = tpu.unpack_subelements %parallel_loop3A_309, 0 {pack_format = #tpu.pack_format<interleaved>} : vector<32xbf16> -> vector<16xf32>
        %parallel_loop3A_311 = tpu.unpack_subelements %parallel_loop3A_309, 1 {pack_format = #tpu.pack_format<interleaved>} : vector<32xbf16> -> vector<16xf32>
        %parallel_loop3A_312 = arith.index_cast %rem3A_158 : i32 to index
        %parallel_loop3A_313 = arith.index_cast %parallel_loop3A_211 : i32 to index
        %parallel_loop3A_314 = arith.constant 96 : index
        %parallel_loop3A_315 = tpu.vector_load %arg10[%parallel_loop3A_312, %parallel_loop3A_313, %parallel_loop3A_314] {strides = array<i32>} : memref<2x80x128xf32, #tpu.memory_space<vmem>>, vector<16xf32>,
        %parallel_loop3A_316 = arith.addf %parallel_loop3A_315, %parallel_loop3A_310 : vector<16xf32>
        %parallel_loop3A_317 = arith.constant 0.000000e+00 : f32
        %parallel_loop3A_318 = vector.broadcast %parallel_loop3A_317 : f32 to vector<16xf32>
        %parallel_loop3A_319 = arith.maximumf %parallel_loop3A_316, %parallel_loop3A_318 : vector<16xf32>
        %parallel_loop3A_320 = arith.index_cast %rem3A_158 : i32 to index
        %parallel_loop3A_321 = arith.index_cast %parallel_loop3A_211 : i32 to index
        %parallel_loop3A_322 = arith.constant 96 : index
        %parallel_loop3A_323 = tpu.vector_load %arg10[%parallel_loop3A_320, %parallel_loop3A_321, %parallel_loop3A_322] {strides = array<i32>} : memref<2x80x128xf32, #tpu.memory_space<vmem>>, vector<16xf32>,
        tpu.vector_store %arg10[%parallel_loop3A_320, %parallel_loop3A_321, %parallel_loop3A_322], %parallel_loop3A_319 {strides = array<i32>} : memref<2x80x128xf32, #tpu.memory_space<vmem>>, vector<16xf32>,
        %parallel_loop3A_324 = arith.index_cast %rem3A_158 : i32 to index
        %parallel_loop3A_325 = arith.index_cast %parallel_loop3A_211 : i32 to index
        %parallel_loop3A_326 = arith.constant 112 : index
        %parallel_loop3A_327 = tpu.vector_load %arg10[%parallel_loop3A_324, %parallel_loop3A_325, %parallel_loop3A_326] {strides = array<i32>} : memref<2x80x128xf32, #tpu.memory_space<vmem>>, vector<16xf32>,
        %parallel_loop3A_328 = arith.addf %parallel_loop3A_327, %parallel_loop3A_311 : vector<16xf32>
        %parallel_loop3A_329 = arith.constant 0.000000e+00 : f32
        %parallel_loop3A_330 = vector.broadcast %parallel_loop3A_329 : f32 to vector<16xf32>
        %parallel_loop3A_331 = arith.maximumf %parallel_loop3A_328, %parallel_loop3A_330 : vector<16xf32>
        %parallel_loop3A_332 = arith.index_cast %rem3A_158 : i32 to index
        %parallel_loop3A_333 = arith.index_cast %parallel_loop3A_211 : i32 to index
        %parallel_loop3A_334 = arith.constant 112 : index
        %parallel_loop3A_335 = tpu.vector_load %arg10[%parallel_loop3A_332, %parallel_loop3A_333, %parallel_loop3A_334] {strides = array<i32>} : memref<2x80x128xf32, #tpu.memory_space<vmem>>, vector<16xf32>,
        tpu.vector_store %arg10[%parallel_loop3A_332, %parallel_loop3A_333, %parallel_loop3A_334], %parallel_loop3A_331 {strides = array<i32>} : memref<2x80x128xf32, #tpu.memory_space<vmem>>, vector<16xf32>,
      } {sc.loop_unroll_factor = 2 : i64, sc.parallel_access}
      %dma_start3A_199 = arith.constant 0 : i32
      %dma_start3A_200 = arith.constant 0 : i32
      %dma_start3A_201 = tpu.memref_slice %arg10[%rem3A_158, %dma_start3A_199, %dma_start3A_200] : memref<2x80x128xf32, #tpu.memory_space<vmem>> -> memref<1x80x128xf32, #tpu.memory_space<vmem>>
      %dma_start3A_202 = tpu.memref_squeeze %dma_start3A_201 : memref<1x80x128xf32, #tpu.memory_space<vmem>> -> memref<80x128xf32, #tpu.memory_space<vmem>>
      %dma_start3A_203 = arith.constant 0 : i32
      %dma_start3A_204 = tpu.memref_slice %arg8[%rem3A_158, %dma_start3A_203] : memref<2x80xi32, #tpu.memory_space<vmem>> -> memref<1x80xi32, #tpu.memory_space<vmem>>
      %dma_start3A_205 = tpu.memref_squeeze %dma_start3A_204 : memref<1x80xi32, #tpu.memory_space<vmem>> -> memref<80xi32, #tpu.memory_space<vmem>>
      %dma_start3A_206 = arith.constant 0 : i32
      %dma_start3A_207 = arith.constant 0 : i32
      %dma_start3A_208 = tpu.memref_slice %arg11[%dma_start3A_206, %dma_start3A_207] : memref<10240x128xf32, #tpu.memory_space<vmem_shared>> -> memref<10240x128xf32, #tpu.memory_space<vmem_shared>>
      %dma_start3A_209 = tpu.memref_slice %arg15[%rem3A_158] : memref<2x!tpu.dma_semaphore, #tpu.memory_space<semaphore_mem>> -> memref<1x!tpu.dma_semaphore, #tpu.memory_space<semaphore_mem>>
      %dma_start3A_210 = tpu.memref_squeeze %dma_start3A_209 : memref<1x!tpu.dma_semaphore, #tpu.memory_space<semaphore_mem>> -> memref<!tpu.dma_semaphore, #tpu.memory_space<semaphore_mem>>
      tpu.enqueue_indirect_dma source(%dma_start3A_202 : memref<80x128xf32, #tpu.memory_space<vmem>>) target(%dma_start3A_208 : memref<10240x128xf32, #tpu.memory_space<vmem_shared>>) offsets(%dma_start3A_205 : memref<80xi32, #tpu.memory_space<vmem>>) semaphore(%dma_start3A_210 : memref<!tpu.dma_semaphore, #tpu.memory_space<semaphore_mem>>) {add = true}
    }
    %sub3A = arith.constant 1 : i32
    %sub3A_135 = arith.subi %add3A_35, %sub3A : i32
    %rem3A = arith.constant 2 : i32
    %rem3A_136 = arith.remsi %sub3A_135, %rem3A : i32
    %sub3A_137 = arith.constant 1 : i32
    %sub3A_138 = arith.subi %add3A_35, %sub3A_137 : i32
    %rem3A_139 = arith.constant 2 : i32
    %rem3A_140 = arith.remsi %sub3A_138, %rem3A_139 : i32
    %dma_wait3A_141 = arith.constant 0 : i32
    %dma_wait3A_142 = arith.constant 0 : i32
    %dma_wait3A_143 = tpu.memref_slice %arg10[%rem3A_136, %dma_wait3A_141, %dma_wait3A_142] : memref<2x80x128xf32, #tpu.memory_space<vmem>> -> memref<1x80x128xf32, #tpu.memory_space<vmem>>
    %dma_wait3A_144 = tpu.memref_squeeze %dma_wait3A_143 : memref<1x80x128xf32, #tpu.memory_space<vmem>> -> memref<80x128xf32, #tpu.memory_space<vmem>>
    %dma_wait3A_145 = arith.constant 0 : i32
    %dma_wait3A_146 = tpu.memref_slice %arg8[%rem3A_140, %dma_wait3A_145] : memref<2x80xi32, #tpu.memory_space<vmem>> -> memref<1x80xi32, #tpu.memory_space<vmem>>
    %dma_wait3A_147 = tpu.memref_squeeze %dma_wait3A_146 : memref<1x80xi32, #tpu.memory_space<vmem>> -> memref<80xi32, #tpu.memory_space<vmem>>
    %dma_wait3A_148 = arith.constant 0 : i32
    %dma_wait3A_149 = arith.constant 0 : i32
    %dma_wait3A_150 = tpu.memref_slice %arg11[%dma_wait3A_148, %dma_wait3A_149] : memref<10240x128xf32, #tpu.memory_space<vmem_shared>> -> memref<10240x128xf32, #tpu.memory_space<vmem_shared>>
    %dma_wait3A_151 = tpu.memref_slice %arg15[%rem3A_136] : memref<2x!tpu.dma_semaphore, #tpu.memory_space<semaphore_mem>> -> memref<1x!tpu.dma_semaphore, #tpu.memory_space<semaphore_mem>>
    %dma_wait3A_152 = tpu.memref_squeeze %dma_wait3A_151 : memref<1x!tpu.dma_semaphore, #tpu.memory_space<semaphore_mem>> -> memref<!tpu.dma_semaphore, #tpu.memory_space<semaphore_mem>>
    tpu.wait_indirect_dma semaphore(%dma_wait3A_152 : memref<!tpu.dma_semaphore, #tpu.memory_space<semaphore_mem>>) src(%dma_wait3A_144 : memref<80x128xf32, #tpu.memory_space<vmem>>) dst(%dma_wait3A_150 : memref<10240x128xf32, #tpu.memory_space<vmem_shared>>)
    %ge3A = arith.constant 2 : i32
    %ge3A_153 = arith.cmpi sge, %add3A_35, %ge3A : i32
    %convert_element_type3A = arith.extui %ge3A_153 : i1 to i32
    %cond3A = arith.constant 0 : i32
    %cond3A_154 = arith.cmpi ne, %convert_element_type3A, %cond3A : i32
    scf.if %cond3A_154 {
      %rem3A_156 = arith.constant 2 : i32
      %rem3A_157 = arith.remsi %add3A_35, %rem3A_156 : i32
      %rem3A_158 = arith.constant 2 : i32
      %rem3A_159 = arith.remsi %add3A_35, %rem3A_158 : i32
      %dma_wait3A_160 = arith.constant 0 : i32
      %dma_wait3A_161 = arith.constant 0 : i32
      %dma_wait3A_162 = tpu.memref_slice %arg10[%rem3A_157, %dma_wait3A_160, %dma_wait3A_161] : memref<2x80x128xf32, #tpu.memory_space<vmem>> -> memref<1x80x128xf32, #tpu.memory_space<vmem>>
      %dma_wait3A_163 = tpu.memref_squeeze %dma_wait3A_162 : memref<1x80x128xf32, #tpu.memory_space<vmem>> -> memref<80x128xf32, #tpu.memory_space<vmem>>
      %dma_wait3A_164 = arith.constant 0 : i32
      %dma_wait3A_165 = tpu.memref_slice %arg8[%rem3A_159, %dma_wait3A_164] : memref<2x80xi32, #tpu.memory_space<vmem>> -> memref<1x80xi32, #tpu.memory_space<vmem>>
      %dma_wait3A_166 = tpu.memref_squeeze %dma_wait3A_165 : memref<1x80xi32, #tpu.memory_space<vmem>> -> memref<80xi32, #tpu.memory_space<vmem>>
      %dma_wait3A_167 = arith.constant 0 : i32
      %dma_wait3A_168 = arith.constant 0 : i32
      %dma_wait3A_169 = tpu.memref_slice %arg11[%dma_wait3A_167, %dma_wait3A_168] : memref<10240x128xf32, #tpu.memory_space<vmem_shared>> -> memref<10240x128xf32, #tpu.memory_space<vmem_shared>>
      %dma_wait3A_170 = tpu.memref_slice %arg15[%rem3A_157] : memref<2x!tpu.dma_semaphore, #tpu.memory_space<semaphore_mem>> -> memref<1x!tpu.dma_semaphore, #tpu.memory_space<semaphore_mem>>
      %dma_wait3A_171 = tpu.memref_squeeze %dma_wait3A_170 : memref<1x!tpu.dma_semaphore, #tpu.memory_space<semaphore_mem>> -> memref<!tpu.dma_semaphore, #tpu.memory_space<semaphore_mem>>
      tpu.wait_indirect_dma semaphore(%dma_wait3A_171 : memref<!tpu.dma_semaphore, #tpu.memory_space<semaphore_mem>>) src(%dma_wait3A_163 : memref<80x128xf32, #tpu.memory_space<vmem>>) dst(%dma_wait3A_169 : memref<10240x128xf32, #tpu.memory_space<vmem_shared>>)
    } else {
    }
    %barrier3A_155 = arith.constant 0 : index
    tpu.barrier barrier_id(%barrier3A_155)
    "tpu.region"() ({
      %run_scoped3A_156 = tpu.sem_alloc : memref<!tpu.dma_semaphore, #tpu.memory_space<semaphore_mem>>
      %dma_start3A_157 = arith.constant 0 : i32
      %dma_start3A_158 = tpu.memref_slice %arg6[%arg0, %mul3A_8, %dma_start3A_157] : memref<2x10240x128xf32, #tpu.memory_space<hbm>> -> memref<1x640x128xf32, #tpu.memory_space<hbm>>
      %dma_start3A_159 = tpu.memref_squeeze %dma_start3A_158 : memref<1x640x128xf32, #tpu.memory_space<hbm>> -> memref<640x128xf32, #tpu.memory_space<hbm>>
      %dma_start3A_160 = arith.constant 0 : i32
      %dma_start3A_161 = tpu.memref_slice %arg11[%mul3A_8, %dma_start3A_160] : memref<10240x128xf32, #tpu.memory_space<vmem_shared>> -> memref<640x128xf32, #tpu.memory_space<vmem_shared>>
      tpu.enqueue_dma source(%dma_start3A_161 : memref<640x128xf32, #tpu.memory_space<vmem_shared>>) target(%dma_start3A_159 : memref<640x128xf32, #tpu.memory_space<hbm>>) target_semaphore(%run_scoped3A_156 : memref<!tpu.dma_semaphore, #tpu.memory_space<semaphore_mem>>)
      %dma_wait3A_162 = arith.constant 0 : i32
      %dma_wait3A_163 = tpu.memref_slice %arg6[%arg0, %mul3A_8, %dma_wait3A_162] : memref<2x10240x128xf32, #tpu.memory_space<hbm>> -> memref<1x640x128xf32, #tpu.memory_space<hbm>>
      %dma_wait3A_164 = tpu.memref_squeeze %dma_wait3A_163 : memref<1x640x128xf32, #tpu.memory_space<hbm>> -> memref<640x128xf32, #tpu.memory_space<hbm>>
      %dma_wait3A_165 = arith.constant 0 : i32
      %dma_wait3A_166 = tpu.memref_slice %arg11[%mul3A_8, %dma_wait3A_165] : memref<10240x128xf32, #tpu.memory_space<vmem_shared>> -> memref<640x128xf32, #tpu.memory_space<vmem_shared>>
      tpu.wait_dma2 semaphore(%run_scoped3A_156 : memref<!tpu.dma_semaphore, #tpu.memory_space<semaphore_mem>>) src(%dma_wait3A_166 : memref<640x128xf32, #tpu.memory_space<vmem_shared>>) dst(%dma_wait3A_164 : memref<640x128xf32, #tpu.memory_space<hbm>>)
      tpu.yield
    }) : () -> ()
    return
  }
}

module attributes {stable_mosaic.version = 14 : i64} {
  func.func @_mlp_body(%arg0: i32, %arg1: memref<100x256xf32, #tpu.memory_space<vmem>>, %arg2: memref<256x1024xf32, #tpu.memory_space<vmem>>, %arg3: memref<1x1024xf32, #tpu.memory_space<vmem>>, %arg4: memref<1024x2560xf32, #tpu.memory_space<vmem>>, %arg5: memref<1x2560xf32, #tpu.memory_space<vmem>>, %arg6: memref<100x2560xf32, #tpu.memory_space<vmem>>) attributes {dimension_semantics = [#tpu.dimension_semantics<arbitrary>], iteration_bounds = array<i64: 5>, scalar_prefetch = 0 : i64, scratch_operands = 0 : i64, tpu.core_type = #tpu.core_type<tc>, window_params = [{pipeline_mode = #tpu.pipeline_mode<synchronous>, transform_indices = @transform_0, window_bounds = array<i64: 100, 256>}, {pipeline_mode = #tpu.pipeline_mode<synchronous>, transform_indices = @transform_1, window_bounds = array<i64: 256, 1024>}, {pipeline_mode = #tpu.pipeline_mode<synchronous>, transform_indices = @transform_2, window_bounds = array<i64: 1, 1024>}, {transform_indices = @transform_3, window_bounds = array<i64: 1024, 2560>}, {transform_indices = @transform_4, window_bounds = array<i64: 1, 2560>}, {transform_indices = @transform_5, window_bounds = array<i64: 100, 2560>}]} {
    %get3A = arith.constant 0 : index
    %get3A_0 = arith.constant 0 : index
    %get3A_1 = vector.load %arg1[%get3A, %get3A_0] : memref<100x256xf32, #tpu.memory_space<vmem>>, vector<100x256xf32>
    %get3A_2 = arith.constant 0 : index
    %get3A_3 = arith.constant 0 : index
    %get3A_4 = vector.load %arg2[%get3A_2, %get3A_3] : memref<256x1024xf32, #tpu.memory_space<vmem>>, vector<256x1024xf32>
    %dot_general3A = arith.constant dense<0.000000e+00> : vector<100x1024xf32>
    %dot_general3A_5 = tpu.matmul %get3A_1, %get3A_4, %dot_general3A {dimension_numbers = #tpu.dot_dimension_numbers<[1], [0], [0], [1], [0, 0, 1, 1], [], []>, transpose_lhs_hint = false} : vector<100x256xf32>, vector<256x1024xf32>, vector<100x1024xf32> -> vector<100x1024xf32>
    %get3A_6 = arith.constant 0 : index
    %get3A_7 = arith.constant 0 : index
    %get3A_8 = vector.load %arg3[%get3A_6, %get3A_7] : memref<1x1024xf32, #tpu.memory_space<vmem>>, vector<1x1024xf32>
    %add3A = vector.broadcast %get3A_8 : vector<1x1024xf32> to vector<100x1024xf32>
    %add3A_9 = arith.addf %dot_general3A_5, %add3A : vector<100x1024xf32>
    %max3A = arith.constant 0.000000e+00 : f32
    %max3A_10 = vector.broadcast %max3A : f32 to vector<100x1024xf32>
    %max3A_11 = arith.maximumf %add3A_9, %max3A_10 : vector<100x1024xf32>
    %get3A_12 = arith.constant 0 : index
    %get3A_13 = arith.constant 0 : index
    %get3A_14 = vector.load %arg4[%get3A_12, %get3A_13] : memref<1024x2560xf32, #tpu.memory_space<vmem>>, vector<1024x2560xf32>
    %dot_general3A_15 = arith.constant dense<0.000000e+00> : vector<100x2560xf32>
    %dot_general3A_16 = tpu.matmul %max3A_11, %get3A_14, %dot_general3A_15 {dimension_numbers = #tpu.dot_dimension_numbers<[1], [0], [0], [1], [0, 0, 1, 1], [], []>, transpose_lhs_hint = false} : vector<100x1024xf32>, vector<1024x2560xf32>, vector<100x2560xf32> -> vector<100x2560xf32>
    %get3A_17 = arith.constant 0 : index
    %get3A_18 = arith.constant 0 : index
    %get3A_19 = vector.load %arg5[%get3A_17, %get3A_18] : memref<1x2560xf32, #tpu.memory_space<vmem>>, vector<1x2560xf32>
    %add3A_20 = vector.broadcast %get3A_19 : vector<1x2560xf32> to vector<100x2560xf32>
    %add3A_21 = arith.addf %dot_general3A_16, %add3A_20 : vector<100x2560xf32>
    %swap3A = arith.constant 0 : index
    %swap3A_22 = arith.constant 0 : index
    %swap3A_23 = vector.load %arg6[%swap3A, %swap3A_22] : memref<100x2560xf32, #tpu.memory_space<vmem>>, vector<100x2560xf32>
    tpu.vector_store %arg6[%swap3A, %swap3A_22], %add3A_21 {strides = array<i32>} : memref<100x2560xf32, #tpu.memory_space<vmem>>, vector<100x2560xf32>,
    return
  }
  func.func @transform_0(%arg0: i32) -> (i32, i32) {
    %c0_i32 = arith.constant 0 : i32
    %c0_i32_0 = arith.constant 0 : i32
    %c0_i32_1 = arith.constant 0 : i32
    return %c0_i32, %c0_i32_0 : i32, i32
  }
  func.func @transform_1(%arg0: i32) -> (i32, i32) {
    %c0_i32 = arith.constant 0 : i32
    %c0_i32_0 = arith.constant 0 : i32
    %c0_i32_1 = arith.constant 0 : i32
    return %c0_i32, %c0_i32_0 : i32, i32
  }
  func.func @transform_2(%arg0: i32) -> (i32, i32) {
    %c0_i32 = arith.constant 0 : i32
    %c0_i32_0 = arith.constant 0 : i32
    %c0_i32_1 = arith.constant 0 : i32
    return %c0_i32, %c0_i32_0 : i32, i32
  }
  func.func @transform_3(%arg0: i32) -> (i32, i32) {
    %c0_i32 = arith.constant 0 : i32
    %c0_i32_0 = arith.constant 0 : i32
    return %c0_i32, %arg0 : i32, i32
  }
  func.func @transform_4(%arg0: i32) -> (i32, i32) {
    %c0_i32 = arith.constant 0 : i32
    %c0_i32_0 = arith.constant 0 : i32
    return %c0_i32, %arg0 : i32, i32
  }
  func.func @transform_5(%arg0: i32) -> (i32, i32) {
    %c0_i32 = arith.constant 0 : i32
    %c0_i32_0 = arith.constant 0 : i32
    return %c0_i32, %arg0 : i32, i32
  }
}

module attributes {stable_mosaic.version = 14 : i64} {
  func.func @_edge_body(%arg0: i32, %arg1: memref<10000x16xf32, #tpu.memory_space<vmem>>, %arg2: memref<16x64xf32, #tpu.memory_space<vmem>>, %arg3: memref<1x64xf32, #tpu.memory_space<vmem>>, %arg4: memref<16x64xf32, #tpu.memory_space<vmem>>, %arg5: memref<1x64xf32, #tpu.memory_space<vmem>>, %arg6: memref<10000x64xi32, #tpu.memory_space<vmem>>) attributes {dimension_semantics = [#tpu.dimension_semantics<arbitrary>], iteration_bounds = array<i64: 32>, scalar_prefetch = 0 : i64, scratch_operands = 0 : i64, tpu.core_type = #tpu.core_type<tc>, window_params = [{transform_indices = @transform_0, window_bounds = array<i64: 10000, 16>}, {pipeline_mode = #tpu.pipeline_mode<synchronous>, transform_indices = @transform_1, window_bounds = array<i64: 16, 64>}, {pipeline_mode = #tpu.pipeline_mode<synchronous>, transform_indices = @transform_2, window_bounds = array<i64: 1, 64>}, {pipeline_mode = #tpu.pipeline_mode<synchronous>, transform_indices = @transform_3, window_bounds = array<i64: 16, 64>}, {pipeline_mode = #tpu.pipeline_mode<synchronous>, transform_indices = @transform_4, window_bounds = array<i64: 1, 64>}, {transform_indices = @transform_5, window_bounds = array<i64: 10000, 64>}]} {
    %get3A = arith.constant 0 : index
    %get3A_0 = arith.constant 0 : index
    %get3A_1 = vector.load %arg1[%get3A, %get3A_0] : memref<10000x16xf32, #tpu.memory_space<vmem>>, vector<10000x16xf32>
    %get3A_2 = arith.constant 0 : index
    %get3A_3 = arith.constant 0 : index
    %get3A_4 = vector.load %arg2[%get3A_2, %get3A_3] : memref<16x64xf32, #tpu.memory_space<vmem>>, vector<16x64xf32>
    %dot_general3A = arith.constant dense<0.000000e+00> : vector<10000x64xf32>
    %dot_general3A_5 = tpu.matmul %get3A_1, %get3A_4, %dot_general3A {dimension_numbers = #tpu.dot_dimension_numbers<[1], [0], [0], [1], [0, 0, 1, 1], [], []>, transpose_lhs_hint = false} : vector<10000x16xf32>, vector<16x64xf32>, vector<10000x64xf32> -> vector<10000x64xf32>
    %get3A_6 = arith.constant 0 : index
    %get3A_7 = arith.constant 0 : index
    %get3A_8 = vector.load %arg3[%get3A_6, %get3A_7] : memref<1x64xf32, #tpu.memory_space<vmem>>, vector<1x64xf32>
    %add3A = vector.broadcast %get3A_8 : vector<1x64xf32> to vector<10000x64xf32>
    %add3A_9 = arith.addf %dot_general3A_5, %add3A : vector<10000x64xf32>
    %get3A_10 = arith.constant 0 : index
    %get3A_11 = arith.constant 0 : index
    %get3A_12 = vector.load %arg4[%get3A_10, %get3A_11] : memref<16x64xf32, #tpu.memory_space<vmem>>, vector<16x64xf32>
    %dot_general3A_13 = arith.constant dense<0.000000e+00> : vector<10000x64xf32>
    %dot_general3A_14 = tpu.matmul %get3A_1, %get3A_12, %dot_general3A_13 {dimension_numbers = #tpu.dot_dimension_numbers<[1], [0], [0], [1], [0, 0, 1, 1], [], []>, transpose_lhs_hint = false} : vector<10000x16xf32>, vector<16x64xf32>, vector<10000x64xf32> -> vector<10000x64xf32>
    %get3A_15 = arith.constant 0 : index
    %get3A_16 = arith.constant 0 : index
    %get3A_17 = vector.load %arg5[%get3A_15, %get3A_16] : memref<1x64xf32, #tpu.memory_space<vmem>>, vector<1x64xf32>
    %add3A_18 = vector.broadcast %get3A_17 : vector<1x64xf32> to vector<10000x64xf32>
    %add3A_19 = arith.addf %dot_general3A_14, %add3A_18 : vector<10000x64xf32>
    %convert_element_type3A = arith.truncf %add3A_9 : vector<10000x64xf32> to vector<10000x64xbf16>
    %bitcast_convert_type3A = tpu.bitcast %convert_element_type3A : vector<10000x64xbf16> -> vector<10000x64xi16>
    %convert_element_type3A_20 = arith.extui %bitcast_convert_type3A : vector<10000x64xi16> to vector<10000x64xi32>
    %convert_element_type3A_21 = arith.truncf %add3A_19 : vector<10000x64xf32> to vector<10000x64xbf16>
    %bitcast_convert_type3A_22 = tpu.bitcast %convert_element_type3A_21 : vector<10000x64xbf16> -> vector<10000x64xi16>
    %convert_element_type3A_23 = arith.extui %bitcast_convert_type3A_22 : vector<10000x64xi16> to vector<10000x64xi32>
    %shift_left3A = arith.constant 16 : i32
    %shift_left3A_24 = vector.broadcast %shift_left3A : i32 to vector<10000x64xi32>
    %shift_left3A_25 = arith.shli %convert_element_type3A_23, %shift_left3A_24 : vector<10000x64xi32>
    %or3A = arith.ori %convert_element_type3A_20, %shift_left3A_25 : vector<10000x64xi32>
    %bitcast_convert_type3A_26 = tpu.bitcast %or3A : vector<10000x64xi32> -> vector<10000x64xi32>
    %swap3A = arith.constant 0 : index
    %swap3A_27 = arith.constant 0 : index
    %swap3A_28 = vector.load %arg6[%swap3A, %swap3A_27] : memref<10000x64xi32, #tpu.memory_space<vmem>>, vector<10000x64xi32>
    tpu.vector_store %arg6[%swap3A, %swap3A_27], %bitcast_convert_type3A_26 {strides = array<i32>} : memref<10000x64xi32, #tpu.memory_space<vmem>>, vector<10000x64xi32>,
    return
  }
  func.func @transform_0(%arg0: i32) -> (i32, i32) {
    %c0_i32 = arith.constant 0 : i32
    %c0_i32_0 = arith.constant 0 : i32
    return %arg0, %c0_i32 : i32, i32
  }
  func.func @transform_1(%arg0: i32) -> (i32, i32) {
    %c0_i32 = arith.constant 0 : i32
    %c0_i32_0 = arith.constant 0 : i32
    %c0_i32_1 = arith.constant 0 : i32
    return %c0_i32, %c0_i32_0 : i32, i32
  }
  func.func @transform_2(%arg0: i32) -> (i32, i32) {
    %c0_i32 = arith.constant 0 : i32
    %c0_i32_0 = arith.constant 0 : i32
    %c0_i32_1 = arith.constant 0 : i32
    return %c0_i32, %c0_i32_0 : i32, i32
  }
  func.func @transform_3(%arg0: i32) -> (i32, i32) {
    %c0_i32 = arith.constant 0 : i32
    %c0_i32_0 = arith.constant 0 : i32
    %c0_i32_1 = arith.constant 0 : i32
    return %c0_i32, %c0_i32_0 : i32, i32
  }
  func.func @transform_4(%arg0: i32) -> (i32, i32) {
    %c0_i32 = arith.constant 0 : i32
    %c0_i32_0 = arith.constant 0 : i32
    %c0_i32_1 = arith.constant 0 : i32
    return %c0_i32, %c0_i32_0 : i32, i32
  }
  func.func @transform_5(%arg0: i32) -> (i32, i32) {
    %c0_i32 = arith.constant 0 : i32
    %c0_i32_0 = arith.constant 0 : i32
    return %arg0, %c0_i32 : i32, i32
  }
}

module attributes {stable_mosaic.version = 14 : i64} {
  func.func @_update_body(%arg0: i32, %arg1: memref<10000x128xf32, #tpu.memory_space<vmem>>, %arg2: memref<2x10000x128xf32, #tpu.memory_space<vmem>>, %arg3: memref<128x128xf32, #tpu.memory_space<vmem>>, %arg4: memref<1x128xf32, #tpu.memory_space<vmem>>, %arg5: memref<10000x128xf32, #tpu.memory_space<vmem>>) attributes {dimension_semantics = [#tpu.dimension_semantics<arbitrary>], iteration_bounds = array<i64: 1>, scalar_prefetch = 0 : i64, scratch_operands = 0 : i64, tpu.core_type = #tpu.core_type<tc>, window_params = [{pipeline_mode = #tpu.pipeline_mode<synchronous>, transform_indices = @transform_0, window_bounds = array<i64: 10000, 128>}, {transform_indices = @transform_1, window_bounds = array<i64: 2, 10000, 128>}, {pipeline_mode = #tpu.pipeline_mode<synchronous>, transform_indices = @transform_2, window_bounds = array<i64: 128, 128>}, {pipeline_mode = #tpu.pipeline_mode<synchronous>, transform_indices = @transform_3, window_bounds = array<i64: 1, 128>}, {pipeline_mode = #tpu.pipeline_mode<synchronous>, transform_indices = @transform_4, window_bounds = array<i64: 10000, 128>}]} {
    %get3A = arith.constant 0 : index
    %get3A_0 = arith.constant 0 : index
    %get3A_1 = vector.load %arg1[%get3A, %get3A_0] : memref<10000x128xf32, #tpu.memory_space<vmem>>, vector<10000x128xf32>
    %get3A_2 = arith.constant 0 : index
    %get3A_3 = arith.constant 0 : index
    %get3A_4 = arith.constant 0 : index
    %get3A_5 = vector.load %arg2[%get3A_2, %get3A_3, %get3A_4] : memref<2x10000x128xf32, #tpu.memory_space<vmem>>, vector<1x10000x128xf32>
    %get3A_6 = vector.shape_cast %get3A_5 : vector<1x10000x128xf32> to vector<10000x128xf32>
    %add3A = arith.addf %get3A_1, %get3A_6 : vector<10000x128xf32>
    %get3A_7 = arith.constant 1 : index
    %get3A_8 = arith.constant 0 : index
    %get3A_9 = arith.constant 0 : index
    %get3A_10 = vector.load %arg2[%get3A_7, %get3A_8, %get3A_9] : memref<2x10000x128xf32, #tpu.memory_space<vmem>>, vector<1x10000x128xf32>
    %get3A_11 = vector.shape_cast %get3A_10 : vector<1x10000x128xf32> to vector<10000x128xf32>
    %add3A_12 = arith.addf %add3A, %get3A_11 : vector<10000x128xf32>
    %get3A_13 = arith.constant 0 : index
    %get3A_14 = arith.constant 0 : index
    %get3A_15 = vector.load %arg3[%get3A_13, %get3A_14] : memref<128x128xf32, #tpu.memory_space<vmem>>, vector<128x128xf32>
    %dot_general3A = arith.constant dense<0.000000e+00> : vector<10000x128xf32>
    %dot_general3A_16 = tpu.matmul %add3A_12, %get3A_15, %dot_general3A {dimension_numbers = #tpu.dot_dimension_numbers<[1], [0], [0], [1], [0, 0, 1, 1], [], []>, transpose_lhs_hint = false} : vector<10000x128xf32>, vector<128x128xf32>, vector<10000x128xf32> -> vector<10000x128xf32>
    %get3A_17 = arith.constant 0 : index
    %get3A_18 = arith.constant 0 : index
    %get3A_19 = vector.load %arg4[%get3A_17, %get3A_18] : memref<1x128xf32, #tpu.memory_space<vmem>>, vector<1x128xf32>
    %add3A_20 = vector.broadcast %get3A_19 : vector<1x128xf32> to vector<10000x128xf32>
    %add3A_21 = arith.addf %dot_general3A_16, %add3A_20 : vector<10000x128xf32>
    %max3A = arith.constant 0.000000e+00 : f32
    %max3A_22 = vector.broadcast %max3A : f32 to vector<10000x128xf32>
    %max3A_23 = arith.maximumf %add3A_21, %max3A_22 : vector<10000x128xf32>
    %swap3A = arith.constant 0 : index
    %swap3A_24 = arith.constant 0 : index
    %swap3A_25 = vector.load %arg5[%swap3A, %swap3A_24] : memref<10000x128xf32, #tpu.memory_space<vmem>>, vector<10000x128xf32>
    tpu.vector_store %arg5[%swap3A, %swap3A_24], %max3A_23 {strides = array<i32>} : memref<10000x128xf32, #tpu.memory_space<vmem>>, vector<10000x128xf32>,
    return
  }
  func.func @transform_0(%arg0: i32) -> (i32, i32) {
    %c0_i32 = arith.constant 0 : i32
    %c0_i32_0 = arith.constant 0 : i32
    %c0_i32_1 = arith.constant 0 : i32
    return %c0_i32, %c0_i32_0 : i32, i32
  }
  func.func @transform_1(%arg0: i32) -> (i32, i32, i32) {
    %c0_i32 = arith.constant 0 : i32
    %c0_i32_0 = arith.constant 0 : i32
    %c0_i32_1 = arith.constant 0 : i32
    %c0_i32_2 = arith.constant 0 : i32
    return %c0_i32, %c0_i32_0, %c0_i32_1 : i32, i32, i32
  }
  func.func @transform_2(%arg0: i32) -> (i32, i32) {
    %c0_i32 = arith.constant 0 : i32
    %c0_i32_0 = arith.constant 0 : i32
    %c0_i32_1 = arith.constant 0 : i32
    return %c0_i32, %c0_i32_0 : i32, i32
  }
  func.func @transform_3(%arg0: i32) -> (i32, i32) {
    %c0_i32 = arith.constant 0 : i32
    %c0_i32_0 = arith.constant 0 : i32
    %c0_i32_1 = arith.constant 0 : i32
    return %c0_i32, %c0_i32_0 : i32, i32
  }
  func.func @transform_4(%arg0: i32) -> (i32, i32) {
    %c0_i32 = arith.constant 0 : i32
    %c0_i32_0 = arith.constant 0 : i32
    %c0_i32_1 = arith.constant 0 : i32
    return %c0_i32, %c0_i32_0 : i32, i32
  }
}

module attributes {stable_mosaic.version = 14 : i64} {
  func.func @_final_body(%arg0: i32, %arg1: memref<10000x128xf32, #tpu.memory_space<vmem>>, %arg2: memref<2x10000x128xf32, #tpu.memory_space<vmem>>, %arg3: memref<128x128xf32, #tpu.memory_space<vmem>>, %arg4: memref<1x128xf32, #tpu.memory_space<vmem>>, %arg5: memref<128x128xf32, #tpu.memory_space<vmem>>, %arg6: memref<1x128xf32, #tpu.memory_space<vmem>>, %arg7: memref<128x128xf32, #tpu.memory_space<vmem>>, %arg8: memref<1x128xf32, #tpu.memory_space<vmem>>, %arg9: memref<10000x128xf32, #tpu.memory_space<vmem>>) attributes {dimension_semantics = [#tpu.dimension_semantics<arbitrary>], iteration_bounds = array<i64: 1>, scalar_prefetch = 0 : i64, scratch_operands = 0 : i64, tpu.core_type = #tpu.core_type<tc>, window_params = [{pipeline_mode = #tpu.pipeline_mode<synchronous>, transform_indices = @transform_0, window_bounds = array<i64: 10000, 128>}, {transform_indices = @transform_1, window_bounds = array<i64: 2, 10000, 128>}, {pipeline_mode = #tpu.pipeline_mode<synchronous>, transform_indices = @transform_2, window_bounds = array<i64: 128, 128>}, {pipeline_mode = #tpu.pipeline_mode<synchronous>, transform_indices = @transform_3, window_bounds = array<i64: 1, 128>}, {pipeline_mode = #tpu.pipeline_mode<synchronous>, transform_indices = @transform_4, window_bounds = array<i64: 128, 128>}, {pipeline_mode = #tpu.pipeline_mode<synchronous>, transform_indices = @transform_5, window_bounds = array<i64: 1, 128>}, {pipeline_mode = #tpu.pipeline_mode<synchronous>, transform_indices = @transform_6, window_bounds = array<i64: 128, 128>}, {pipeline_mode = #tpu.pipeline_mode<synchronous>, transform_indices = @transform_7, window_bounds = array<i64: 1, 128>}, {pipeline_mode = #tpu.pipeline_mode<synchronous>, transform_indices = @transform_8, window_bounds = array<i64: 10000, 128>}]} {
    %get3A = arith.constant 0 : index
    %get3A_0 = arith.constant 0 : index
    %get3A_1 = vector.load %arg1[%get3A, %get3A_0] : memref<10000x128xf32, #tpu.memory_space<vmem>>, vector<10000x128xf32>
    %get3A_2 = arith.constant 0 : index
    %get3A_3 = arith.constant 0 : index
    %get3A_4 = arith.constant 0 : index
    %get3A_5 = vector.load %arg2[%get3A_2, %get3A_3, %get3A_4] : memref<2x10000x128xf32, #tpu.memory_space<vmem>>, vector<1x10000x128xf32>
    %get3A_6 = vector.shape_cast %get3A_5 : vector<1x10000x128xf32> to vector<10000x128xf32>
    %add3A = arith.addf %get3A_1, %get3A_6 : vector<10000x128xf32>
    %get3A_7 = arith.constant 1 : index
    %get3A_8 = arith.constant 0 : index
    %get3A_9 = arith.constant 0 : index
    %get3A_10 = vector.load %arg2[%get3A_7, %get3A_8, %get3A_9] : memref<2x10000x128xf32, #tpu.memory_space<vmem>>, vector<1x10000x128xf32>
    %get3A_11 = vector.shape_cast %get3A_10 : vector<1x10000x128xf32> to vector<10000x128xf32>
    %add3A_12 = arith.addf %add3A, %get3A_11 : vector<10000x128xf32>
    %get3A_13 = arith.constant 0 : index
    %get3A_14 = arith.constant 0 : index
    %get3A_15 = vector.load %arg3[%get3A_13, %get3A_14] : memref<128x128xf32, #tpu.memory_space<vmem>>, vector<128x128xf32>
    %dot_general3A = arith.constant dense<0.000000e+00> : vector<10000x128xf32>
    %dot_general3A_16 = tpu.matmul %add3A_12, %get3A_15, %dot_general3A {dimension_numbers = #tpu.dot_dimension_numbers<[1], [0], [0], [1], [0, 0, 1, 1], [], []>, transpose_lhs_hint = false} : vector<10000x128xf32>, vector<128x128xf32>, vector<10000x128xf32> -> vector<10000x128xf32>
    %get3A_17 = arith.constant 0 : index
    %get3A_18 = arith.constant 0 : index
    %get3A_19 = vector.load %arg4[%get3A_17, %get3A_18] : memref<1x128xf32, #tpu.memory_space<vmem>>, vector<1x128xf32>
    %add3A_20 = vector.broadcast %get3A_19 : vector<1x128xf32> to vector<10000x128xf32>
    %add3A_21 = arith.addf %dot_general3A_16, %add3A_20 : vector<10000x128xf32>
    %max3A = arith.constant 0.000000e+00 : f32
    %max3A_22 = vector.broadcast %max3A : f32 to vector<10000x128xf32>
    %max3A_23 = arith.maximumf %add3A_21, %max3A_22 : vector<10000x128xf32>
    %get3A_24 = arith.constant 0 : index
    %get3A_25 = arith.constant 0 : index
    %get3A_26 = vector.load %arg5[%get3A_24, %get3A_25] : memref<128x128xf32, #tpu.memory_space<vmem>>, vector<128x128xf32>
    %dot_general3A_27 = arith.constant dense<0.000000e+00> : vector<10000x128xf32>
    %dot_general3A_28 = tpu.matmul %max3A_23, %get3A_26, %dot_general3A_27 {dimension_numbers = #tpu.dot_dimension_numbers<[1], [0], [0], [1], [0, 0, 1, 1], [], []>, transpose_lhs_hint = false} : vector<10000x128xf32>, vector<128x128xf32>, vector<10000x128xf32> -> vector<10000x128xf32>
    %get3A_29 = arith.constant 0 : index
    %get3A_30 = arith.constant 0 : index
    %get3A_31 = vector.load %arg6[%get3A_29, %get3A_30] : memref<1x128xf32, #tpu.memory_space<vmem>>, vector<1x128xf32>
    %add3A_32 = vector.broadcast %get3A_31 : vector<1x128xf32> to vector<10000x128xf32>
    %add3A_33 = arith.addf %dot_general3A_28, %add3A_32 : vector<10000x128xf32>
    %max3A_34 = arith.constant 0.000000e+00 : f32
    %max3A_35 = vector.broadcast %max3A_34 : f32 to vector<10000x128xf32>
    %max3A_36 = arith.maximumf %add3A_33, %max3A_35 : vector<10000x128xf32>
    %get3A_37 = arith.constant 0 : index
    %get3A_38 = arith.constant 0 : index
    %get3A_39 = vector.load %arg7[%get3A_37, %get3A_38] : memref<128x128xf32, #tpu.memory_space<vmem>>, vector<128x128xf32>
    %dot_general3A_40 = arith.constant dense<0.000000e+00> : vector<10000x128xf32>
    %dot_general3A_41 = tpu.matmul %max3A_36, %get3A_39, %dot_general3A_40 {dimension_numbers = #tpu.dot_dimension_numbers<[1], [0], [0], [1], [0, 0, 1, 1], [], []>, transpose_lhs_hint = false} : vector<10000x128xf32>, vector<128x128xf32>, vector<10000x128xf32> -> vector<10000x128xf32>
    %get3A_42 = arith.constant 0 : index
    %get3A_43 = arith.constant 0 : index
    %get3A_44 = vector.load %arg8[%get3A_42, %get3A_43] : memref<1x128xf32, #tpu.memory_space<vmem>>, vector<1x128xf32>
    %add3A_45 = vector.broadcast %get3A_44 : vector<1x128xf32> to vector<10000x128xf32>
    %add3A_46 = arith.addf %dot_general3A_41, %add3A_45 : vector<10000x128xf32>
    %swap3A = arith.constant 0 : index
    %swap3A_47 = arith.constant 0 : index
    %swap3A_48 = vector.load %arg9[%swap3A, %swap3A_47] : memref<10000x128xf32, #tpu.memory_space<vmem>>, vector<10000x128xf32>
    tpu.vector_store %arg9[%swap3A, %swap3A_47], %add3A_46 {strides = array<i32>} : memref<10000x128xf32, #tpu.memory_space<vmem>>, vector<10000x128xf32>,
    return
  }
  func.func @transform_0(%arg0: i32) -> (i32, i32) {
    %c0_i32 = arith.constant 0 : i32
    %c0_i32_0 = arith.constant 0 : i32
    %c0_i32_1 = arith.constant 0 : i32
    return %c0_i32, %c0_i32_0 : i32, i32
  }
  func.func @transform_1(%arg0: i32) -> (i32, i32, i32) {
    %c0_i32 = arith.constant 0 : i32
    %c0_i32_0 = arith.constant 0 : i32
    %c0_i32_1 = arith.constant 0 : i32
    %c0_i32_2 = arith.constant 0 : i32
    return %c0_i32, %c0_i32_0, %c0_i32_1 : i32, i32, i32
  }
  func.func @transform_2(%arg0: i32) -> (i32, i32) {
    %c0_i32 = arith.constant 0 : i32
    %c0_i32_0 = arith.constant 0 : i32
    %c0_i32_1 = arith.constant 0 : i32
    return %c0_i32, %c0_i32_0 : i32, i32
  }
  func.func @transform_3(%arg0: i32) -> (i32, i32) {
    %c0_i32 = arith.constant 0 : i32
    %c0_i32_0 = arith.constant 0 : i32
    %c0_i32_1 = arith.constant 0 : i32
    return %c0_i32, %c0_i32_0 : i32, i32
  }
  func.func @transform_4(%arg0: i32) -> (i32, i32) {
    %c0_i32 = arith.constant 0 : i32
    %c0_i32_0 = arith.constant 0 : i32
    %c0_i32_1 = arith.constant 0 : i32
    return %c0_i32, %c0_i32_0 : i32, i32
  }
  func.func @transform_5(%arg0: i32) -> (i32, i32) {
    %c0_i32 = arith.constant 0 : i32
    %c0_i32_0 = arith.constant 0 : i32
    %c0_i32_1 = arith.constant 0 : i32
    return %c0_i32, %c0_i32_0 : i32, i32
  }
  func.func @transform_6(%arg0: i32) -> (i32, i32) {
    %c0_i32 = arith.constant 0 : i32
    %c0_i32_0 = arith.constant 0 : i32
    %c0_i32_1 = arith.constant 0 : i32
    return %c0_i32, %c0_i32_0 : i32, i32
  }
  func.func @transform_7(%arg0: i32) -> (i32, i32) {
    %c0_i32 = arith.constant 0 : i32
    %c0_i32_0 = arith.constant 0 : i32
    %c0_i32_1 = arith.constant 0 : i32
    return %c0_i32, %c0_i32_0 : i32, i32
  }
  func.func @transform_8(%arg0: i32) -> (i32, i32) {
    %c0_i32 = arith.constant 0 : i32
    %c0_i32_0 = arith.constant 0 : i32
    %c0_i32_1 = arith.constant 0 : i32
    return %c0_i32, %c0_i32_0 : i32, i32
  }
}

</mosaic_0001>

<sc_bundles>
// kernel: kernel.12.cloned.1.call-start
scs
__scs_entry_jumppad:
0x0: {  	(pc) =	sbr.rel $0x88, $3  }
0x1: {  	(tag) =	ssettag $0x0;
	lr =	simm.s32 $0x1  }
0x2: {  	[smem:$0x3F8E] =	sst lr;
	_ =	strace $0xD0000000  }
0x3: {  	_ = 	snop  }
0x4: {  	_ = 	snop  }
0x5: {  	_ = 	snop  }
0x6: {  	_ = 	snop  }
0x7: {  	_ = 	snop  }
__scs_overlays_trampoline_lowered:
0x8: {  	[smem:$0x3F9D] =	sst s0  }
0x9: {  	[smem:$0x3F9E] =	sst s1  }
0xa: {  	[smem:$0x3F9F] =	sst s2  }
0xb: {  	[smem:$0x3FA0] =	sst s3  }
0xc: {  	[smem:$0x3FA1] =	sst s4  }
0xd: {  	[smem:$0x3FA2] =	sst s5  }
0xe: {  	[smem:$0x3FA3] =	sst s6  }
0xf: {  	[smem:$0x3FA4] =	sst s7  }
0x10: {  	[smem:$0x3FA5] =	sst s8  }
0x11: {  	[smem:$0x3FA6] =	sst s9;
	s0 =	simm.s32 @!p0 $0x0  }
0x12: {  	s1 =	sld [smem:$0x3F8C];
	s0 =	simm.s32 @p0 $0x1  }
0x13: {  	[smem:$0x3FA7] =	sst s0;
	s0 =	simm.s32 @!p1 $0x0  }
0x14: {  	s2 =	sld [smem:$0x3F8B];
	s0 =	simm.s32 @p1 $0x1  }
0x15: {  	[smem:$0x3FA8] =	sst s0;
	s0 =	simm.s32 @!p2 $0x0  }
0x16: {  	s3 =	sld [smem:$0x3FDB];
	s0 =	simm.s32 @p2 $0x1  }
0x17: {  	s4 =	simm.s32 $0x1BF5;
	[smem:$0x3FAA] =	sst s0  }
0x18: {  	s0 =	sld [smem:$0x3F8D];
	_ =	swait.ge [sflag:s4], $0x0  }
0x19: {  	s7 =	sld [smem:$0x3F8E]  }
0x1a: {  	s8 =	sadd.s32 $0xFFFFE003, lr  }
0x1b: {  	s9 =	sadd.s32 $0xFFFFFEF7, lr;
	s5 =	simm.s32 $0xFFFFFFFF;
	p2 =	slt.u32 s8, $0xFFFFF086  }
0x1c: {  	p1 =	slt.u32 s9, $0xF7A;
	s5 =	simm.s32 @!p2 $0x0  }
0x1d: {  	s5 =	simm.s32 @p1 $0x1;
	p0 =	seq.s32 s7, s2  }
0x1e: {  	s7 =	smul.u32 @!p0 $0xF7A, s2;
	p2 =	seq.s32 @!p0 s5, $0x0  }
0x1f: {  	s9 =	smul.u32 $0xF7A, s1;
	s8 =	simm.s32 @!p0 $0x1BF5;
	p2 =	por !p2, p0  }
0x20: {  	[sflag:s8] =	ssyncset.s32 @!p0 $0xFFFFF086;
	s6 =	sadd.s32 @!p0 s3, s7;
	s7 =	simm.s32 @!p0 $0x108  }
0x21: {  	s3 =	sadd.s32 s3, s9;
	s6 =	sadd.s32 @!p0 $0x88, s6;
	s7 =	simm.s32 @p2 $0x1082  }
0x22: {  	[simem:s7], [sflag:s8] =	dma.local @!p0 [hbm:s6], $0xF7A  }
0x23: {  	s9 =	sor.u32 $0xD0000000, s2;
	s6 =	simm.s32 $0x108;
	_ =	swait.ge @!p0 [sflag:s8], $0x0  }
0x24: {  	s3 =	sadd.s32 $0x88, s3;
	s6 =	simm.s32 @!p1 $0x1082;
	[sflag:s4] =	ssyncset.s32 $0xFFFFF086  }
0x25: {  	[simem:s6], [sflag:s4] =	dma.local [hbm:s3], $0xF7A  }
0x26: {  	[smem:$0x3F8E] =	sst s1;
	(tag) =	ssettag s2;
	_ =	strace s9  }
0x27: {  	s1 =	sld [smem:$0x3F9E]  }
0x28: {  	s2 =	sld [smem:$0x3F9F]  }
0x29: {  	s4 =	sld [smem:$0x3FA1]  }
0x2a: {  	p0 =	seq.s32 s5, $0x0;
	s5 =	sld [smem:$0x3FA2]  }
0x2b: {  	s6 =	sld [smem:$0x3FA3]  }
0x2c: {  	s7 =	sld [smem:$0x3FA4]  }
0x2d: {  	s3 =	simm.s32 $0x108;
	s8 =	sld [smem:$0x3FA5]  }
0x2e: {  	s3 =	simm.s32 @!p0 $0x1082;
	s9 =	sld [smem:$0x3FA6]  }
0x2f: {  	lr =	sadd.s32 s0, s3;
	s0 =	sld [smem:$0x3F9D]  }
0x30: {  	s3 =	sld [smem:$0x3FA0]  }
0x31: {  	[smem:$0x3FA9] =	sst s10  }
0x32: {  	s10 =	sld [smem:$0x3FA7];
	_ =	sdelay $0x3  }
0x33: {  	p0 =	seq.s32 s10, $0x1;
	s10 =	sld [smem:$0x3FA9];
	_ =	sdelay $0x3  }
0x34: {  	[smem:$0x3FA9] =	sst s10  }
0x35: {  	s10 =	sld [smem:$0x3FA8];
	_ =	sdelay $0x3  }
0x36: {  	p1 =	seq.s32 s10, $0x1;
	s10 =	sld [smem:$0x3FA9];
	_ =	sdelay $0x3  }
0x37: {  	[smem:$0x3FA9] =	sst s10  }
0x38: {  	s10 =	sld [smem:$0x3FAA]  }
0x39: {  	_ = 	snop;
	(pc) =	sbr.ind lr, $3  }
0x3a: {  	_ = 	snop  }
0x3b: {  	_ = 	snop  }
0x3c: {  	p2 =	seq.s32 s10, $0x1;
	s10 =	sld [smem:$0x3FA9]  }
0x3d: {  	_ =	shalt  }
0x3e: {  	_ =	shalt  }
0x3f: {  	_ =	shalt  }
0x40: {  	_ =	shalt  }
0x41: {  	_ =	shalt  }
0x42: {  	_ =	shalt  }
0x43: {  	_ =	shalt  }
0x44: {  	_ =	shalt  }
0x45: {  	_ =	shalt  }
0x46: {  	_ =	shalt  }
0x47: {  	_ =	shalt  }
0x48: {  	_ =	shalt  }
0x49: {  	_ =	shalt  }
0x4a: {  	_ =	shalt  }
0x4b: {  	_ =	shalt  }
0x4c: {  	_ =	shalt  }
0x4d: {  	_ =	shalt  }
0x4e: {  	_ =	shalt  }
0x4f: {  	_ =	shalt  }
0x50: {  	_ =	shalt  }
0x51: {  	_ =	shalt  }
0x52: {  	_ =	shalt  }
0x53: {  	_ =	shalt  }
0x54: {  	_ =	shalt  }
0x55: {  	_ =	shalt  }
0x56: {  	_ =	shalt  }
0x57: {  	_ =	shalt  }
0x58: {  	_ =	shalt  }
0x59: {  	_ =	shalt  }
0x5a: {  	_ =	shalt  }
0x5b: {  	_ =	shalt  }
0x5c: {  	_ =	shalt  }
0x5d: {  	_ =	shalt  }
0x5e: {  	_ =	shalt  }
0x5f: {  	_ =	shalt  }
0x60: {  	_ =	shalt  }
0x61: {  	_ =	shalt  }
0x62: {  	_ =	shalt  }
0x63: {  	_ =	shalt  }
0x64: {  	_ =	shalt  }
0x65: {  	_ =	shalt  }
0x66: {  	_ =	shalt  }
0x67: {  	_ =	shalt  }
0x68: {  	_ =	shalt  }
0x69: {  	_ =	shalt  }
0x6a: {  	_ =	shalt  }
0x6b: {  	_ =	shalt  }
0x6c: {  	_ =	shalt  }
0x6d: {  	_ =	shalt  }
0x6e: {  	_ =	shalt  }
0x6f: {  	_ =	shalt  }
0x70: {  	_ =	shalt  }
0x71: {  	_ =	shalt  }
0x72: {  	_ =	shalt  }
0x73: {  	_ =	shalt  }
0x74: {  	_ =	shalt  }
0x75: {  	_ =	shalt  }
0x76: {  	_ =	shalt  }
0x77: {  	_ =	shalt  }
0x78: {  	_ =	shalt  }
0x79: {  	_ =	shalt  }
0x7a: {  	_ =	shalt  }
0x7b: {  	_ =	shalt  }
0x7c: {  	_ =	shalt  }
0x7d: {  	_ =	shalt  }
0x7e: {  	_ =	shalt  }
0x7f: {  	_ =	shalt  }
0x80: {  	_ =	shalt  }
0x81: {  	_ =	shalt  }
0x82: {  	_ =	shalt  }
0x83: {  	_ =	shalt  }
0x84: {  	_ =	shalt  }
0x85: {  	_ =	shalt  }
0x86: {  	_ =	shalt  }
0x87: {  	_ =	shalt  }
.Lfunc_end0:
.L_simem_size_0:
called_computation.1_lowered:
.L_overlay_start_0:
0x88: {  	s2 =	sld [smem:$0x3FD9]  }
0x89: {  	s3 =	sld [smem:$0x3FFE];
	_ =	sdelay $0x1  }
0x8a: {  	s1 =	srdreg.scid  }
0x8b: {  	s0 =	sand.u32 $0x1, s1  }
0x8c: {  	s17 =	sshll.u32 s0, $0xA;
	s2 =	sadd.s32 s3, s2  }
0x8d: {  	s2 =	sadd.s32 s2, s17  }
0x8e: {  	[smem:$0x3FB5] =	sst s2  }
0x8f: {  	_ = 	snop  }
0x90: {  	s2 =	sld [smem:$0x3FD0];
	(tm) =	ssettm $0x1  }
0x91: {  	s18 =	sld [smem:$0x3FFB];
	_ =	sdelay $0x3  }
0x92: {  	_ =	strace s18  }
0x93: {  	s3 =	sld [smem:$0x3FFC];
	_ =	sdelay $0x3  }
0x94: {  	_ =	strace s3  }
0x95: {  	s3 =	sld [smem:$0x3FFD];
	_ =	sdelay $0x3  }
0x96: {  	_ =	strace s3  }
0x97: {  	_ =	strace $0x8FFFFFFF  }
0x98: {  	s19 =	sld [smem:$0x3FDB];
	_ =	sdelay $0x1  }
0x99: {  	s4 =	simm.s32 $_scs_section_size  }
0x9a: {  	s5 =	simm.s32 $_size__tile_overlayer_lowered;
	s6 =	simm.s32 $_tile_overlayer_lowered  }
0x9b: {  	s22 =	simm.s32 $0x1BFF;
	s21 =	sshll.u32 s6, $0x1;
	s3 =	sadd.s32 s4, s19  }
0x9c: {  	s7 =	simm.s32 $0x0;
	s20 =	sshll.u32 s5, $0x1;
	s5 =	sadd.s32 s21, s3  }
0x9d: {  	[timem:s7], [sflag:s22] =	dma.local [hbm:s5], s20  }
0x9e: {  	_ =	swait.ge [sflag:s22], s20  }
0x9f: {  	s4 =	ssub.s32 $0x0, s20;
	[sflag:s22] =	ssyncset.done $0x0  }
0xa0: {  	[sflag:s22] =	ssyncadd.s32 s4;
	_ =	sdelay $0x1  }
0xa1: {  	s23 =	simm.s32 $0x1B8B  }
0xa2: {  	_ =	swait.ge [sflag:s23], $0x1  }
0xa3: {  	[sflag:s23] =	ssyncset.done $0x0  }
0xa4: {  	s25 =	simm.s32 $0x1B8E;
	s24 =	sld [smem:$0x3FFE];
	[sflag:s23] =	ssyncadd.s32 $0xFFFFFFFF  }
0xa5: {  	s26 =	simm.s32 $execute0_lowered;
	[smem:$0x3FD2] =	sst s25  }
0xa6: {  	s5 =	sshll.u32 s26, $0x1;
	_ =	strace $0x80000049;
	[dreg:$0x1] =	wrdreg $0xFFFFFFFF  }
0xa7: {  	s28 =	simm.s32 $_size_execute0_lowered;
	s3 =	sadd.s32 s3, s5;
	[dreg:$0x0] =	wrdreg $0x0  }
0xa8: {  	s5 =	sshll.u32 s28, $0x1;
	[dreg:$0x2] =	wrdreg s3  }
0xa9: {  	[dreg:$0x3] =	wrdreg s5  }
0xaa: {  	[dreg:$0x4] =	wrdreg $0xC0  }
0xab: {  	_ =	task [dreg:s7], $0x5FFFF  }
0xac: {  	[dreg:$0x1] =	wrdreg $0xFFFFFFFF  }
0xad: {  	[dreg:$0x0] =	wrdreg $0x60  }
0xae: {  	[dreg:$0x2] =	wrdreg s2  }
0xaf: {  	[dreg:$0x3] =	wrdreg s24  }
0xb0: {  	[dreg:$0x4] =	wrdreg $0xA2000  }
0xb1: {  	[dreg:$0x5] =	wrdreg $0x9  }
0xb2: {  	_ =	task.clear_ibuf [dreg:s7], $0x6FFFF;
	_ =	strace $0x90000049  }
0xb3: {  	s29 =	simm.s32 $0x9;
	_ =	strace $0x8000004B  }
0xb4: {  	_ =	swait.ge [sflag:s29], $0x1  }
0xb5: {  	[sflag:s29] =	ssyncadd.s32 $0xFFFFFFFF  }
0xb6: {  	_ =	strace $0x9000004B  }
0xb7: {  	_ =	sfence  }
0xb8: {  	s30 =	sld [smem:$0x0];
	_ =	sdelay $0x2  }
0xb9: {  	s31 =	sshll.u32 s1, $0xD;
	s1 =	sshrl.u32 s1, $0x2  }
0xba: {  	s3 =	sand.u32 $0x4000, s31;
	s1 =	sadd.s32 s1, s30  }
0xbb: {  	s0 =	sor.u32 s3, s0;
	s1 =	sshll.u32 s1, $0x11  }
0xbc: {  	s0 =	sor.u32 s1, s0  }
0xbd: {  	s0 =	sadd.s32 $0x8F2B, s0  }
0xbe: {  	[sflag:s0] =	ssyncadd.remote.s32 $0x1  }
0xbf: {  	_ =	sfence.sel $0xFFFF  }
0xc0: {  	[dreg:$0x0] =	wrdreg $0xFFFFFFFF;
	(pc) =	sbr.abs _section_cstart, $3  }
0xc1: {  	[dreg:$0x1] =	wrdreg $0xFFFFFFFF  }
0xc2: {  	_ =	task.clear_ibuf [dreg:s7], $0x2FFFF;
	_ =	strace $0x9FFFFFFF  }
0xc3: {  	(tm) =	ssettm $0x7FFFFFFF  }
tec
execute0_lowered:
.L_overlay_start_1:
0x0: {  	(tag) =	ssettag $0x1  }
0x1: {  	s1 =	rddreg [dreg:$0x0]  }
0x2: {  	s0 =	rddreg [dreg:$0x1]  }
0x3: {  	s2 =	rddreg [dreg:$0x2];
	s3 =	srdreg.scid;
	s4 =	simm.s32 $0x0  }
0x4: {  	s11 =	stileid.u32;
	s29 =	simm.s32 $0x7;
	s30 =	simm.s32 $0x8  }
0x5: {  	s31 =	simm.s32 $0x0;
	s3 =	sand.u32 $0x1, s3;
	s8 =	smul.u32 $0x14000, s11  }
0x6: {  	[smem:$0x7FF] =	sst s4;
	s5 =	sadd.s32 $0x4EDC00, s0;
	s9 =	smul.u32 $0x50000, s11  }
0x7: {  	s6 =	sadd.s32 $0x4E3E00, s0;
	s7 =	smul.u32 $0x140000, s3;
	s10 =	ssub.s32 $0x2, s3  }
0x8: {  	_ =	strace $0x8000004A;
	s3 =	sshll.u32 s3, $0x4;
	s22 =	sshrl.u32 s10, $0x1  }
0x9: {  	s9 =	sshrl.u32 s9, $0x2;
	s8 =	sadd.s32 s8, s7;
	s7 =	sadd.s32 $0xA29A00, s0  }
0xa: {  	s10 =	ssub.s32 s10, s22;
	s22 =	simm.s32 $0x5200;
	s8 =	sshrl.u32 s8, $0x3  }
0xb: {  	s21 =	smax.u32 s10, $0x1;
	s0 =	sadd.s32 s8, s0;
	s8 =	sadd.s32 s9, s2  }
0xc: {  	s9 =	sor.u32 s11, s3;
	s23 =	sadd.s32 $0x2800, s8;
	s24 =	sadd.s32 $0x5000, s8  }
0xd: {  	s25 =	sadd.s32 $0x7800, s8;
	s26 =	sadd.s32 $0xA000, s8;
	[dreg:$0x4] =	wrdreg s23  }
0xe: {  	s28 =	smul.u32 $0xA, s9;
	s14 =	sadd.s32 $0xC800, s8;
	[dreg:$0x5] =	wrdreg s24  }
0xf: {  	s15 =	sadd.s32 $0xF000, s8;
	s11 =	smul.u32 $0x500, s9;
	[dreg:$0x6] =	wrdreg s25  }
0x10: {  	s16 =	sadd.s32 $0x11800, s8;
	s20 =	sadd.s32 $0x1A00, s0;
	[dreg:$0x7] =	wrdreg s26  }
0x11: {  	s23 =	simm.s32 $0x9;
	s25 =	simm.s32 $0x1;
	s26 =	simm.s32 $0x50  }
0x12: {  	v0 =	vimm.f32 $0.0e+00;
	s17 =	sadd.s32 s5, s28;
	s18 =	sadd.s32 s6, s28;
	s19 =	sadd.s32 s7, s11  }
.LBB2_1:
0x13: {  	s0 =	simm.s32 $0x0;
	s3 =	simm.s32 $0x200  }
.LBB2_2:
0x14: {  	p0 =	sne.s32 s3, $0x9E00;
	[tilespmem:s0+$0x5270] =	vst v0  }
0x15: {  	[tilespmem:s0+$0x5200] =	vst v0  }
0x16: {  	[tilespmem:s0+$0x5210] =	vst v0  }
.Ltmp0:
0x17: {  	[tilespmem:s0+$0x5220] =	vst v0;
	(pc) =	sbr.rel @p0 .LBB2_2-.Ltmp0, $4  }
0x18: {  	[tilespmem:s0+$0x5230] =	vst v0  }
0x19: {  	[tilespmem:s0+$0x5240] =	vst v0  }
0x1a: {  	[tilespmem:s0+$0x5250] =	vst v0  }
0x1b: {  	[tilespmem:s0+$0x5260] =	vst v0;
	s0 =	sshra.s32 s3, $0x2;
	s3 =	sadd.s32 $0x200, s3  }
0x1c: {  	[tilespmem:s0+$0x5270] =	vst v0  }
0x1d: {  	[tilespmem:s0+$0x5200] =	vst v0  }
0x1e: {  	[tilespmem:s0+$0x5210] =	vst v0  }
0x1f: {  	[tilespmem:s0+$0x5220] =	vst v0  }
0x20: {  	[tilespmem:s0+$0x5230] =	vst v0  }
0x21: {  	[tilespmem:s0+$0x5240] =	vst v0  }
0x22: {  	[tilespmem:s0+$0x5250] =	vst v0  }
0x23: {  	[tilespmem:s0+$0x5260] =	vst v0  }
0x24: {  	[spmem:s8] =	stream.linear.scatter [tilespmem:s22], [sflag:$0x9], $0x2800, $0x38;
	[tilespmem:$0x1E200] =	vst v63  }
0x25: {  	_ =	swait.ge [sflag:s23], $0x2800  }
0x26: {  	[sflag:s23] =	ssyncset.done $0x0  }
0x27: {  	s10 =	rddreg [dreg:$0x4];
	[sflag:s23] =	ssyncadd.s32 $0xFFFFD800  }
0x28: {  	[spmem:s10] =	stream.linear.scatter [tilespmem:s22], [sflag:$0x9], $0x2800, $0x38;
	[tilespmem:$0x1E200] =	vst v63  }
0x29: {  	_ =	swait.ge [sflag:s23], $0x2800  }
0x2a: {  	[sflag:s23] =	ssyncset.done $0x0  }
0x2b: {  	s11 =	rddreg [dreg:$0x5];
	[sflag:s23] =	ssyncadd.s32 $0xFFFFD800  }
0x2c: {  	[spmem:s11] =	stream.linear.scatter [tilespmem:s22], [sflag:$0x9], $0x2800, $0x38;
	[tilespmem:$0x1E200] =	vst v63  }
0x2d: {  	_ =	swait.ge [sflag:s23], $0x2800  }
0x2e: {  	[sflag:s23] =	ssyncset.done $0x0  }
0x2f: {  	s12 =	rddreg [dreg:$0x6];
	[sflag:s23] =	ssyncadd.s32 $0xFFFFD800  }
0x30: {  	[spmem:s12] =	stream.linear.scatter [tilespmem:s22], [sflag:$0x9], $0x2800, $0x38;
	[tilespmem:$0x1E200] =	vst v63  }
0x31: {  	_ =	swait.ge [sflag:s23], $0x2800  }
0x32: {  	[sflag:s23] =	ssyncset.done $0x0  }
0x33: {  	s13 =	rddreg [dreg:$0x7];
	[sflag:s23] =	ssyncadd.s32 $0xFFFFD800  }
0x34: {  	[spmem:s13] =	stream.linear.scatter [tilespmem:s22], [sflag:$0x9], $0x2800, $0x38;
	[tilespmem:$0x1E200] =	vst v63  }
0x35: {  	_ =	swait.ge [sflag:s23], $0x2800  }
0x36: {  	[sflag:s23] =	ssyncset.done $0x0  }
0x37: {  	[sflag:s23] =	ssyncadd.s32 $0xFFFFD800  }
0x38: {  	[spmem:s14] =	stream.linear.scatter [tilespmem:s22], [sflag:$0x9], $0x2800, $0x38;
	[tilespmem:$0x1E200] =	vst v63  }
0x39: {  	_ =	swait.ge [sflag:s23], $0x2800  }
0x3a: {  	[sflag:s23] =	ssyncset.done $0x0  }
0x3b: {  	[sflag:s23] =	ssyncadd.s32 $0xFFFFD800  }
0x3c: {  	[spmem:s15] =	stream.linear.scatter [tilespmem:s22], [sflag:$0x9], $0x2800, $0x38;
	[tilespmem:$0x1E200] =	vst v63  }
0x3d: {  	_ =	swait.ge [sflag:s23], $0x2800  }
0x3e: {  	[sflag:s23] =	ssyncset.done $0x0  }
0x3f: {  	[sflag:s23] =	ssyncadd.s32 $0xFFFFD800  }
0x40: {  	[spmem:s16] =	stream.linear.scatter [tilespmem:s22], [sflag:$0x9], $0x2800, $0x38;
	[tilespmem:$0x1E200] =	vst v63  }
0x41: {  	_ =	swait.ge [sflag:s23], $0x2800  }
0x42: {  	[sflag:s23] =	ssyncset.done $0x0  }
0x43: {  	[sflag:s23] =	ssyncadd.s32 $0xFFFFD800  }
0x44: {  	s3 =	simm.s32 $0x0;
	[bflag:$0x0] =	sbarrier.arrive $0xFFFF  }
0x45: {  	[tilespmem:s3], [sflag:$0x1] =	stream.linear.gather [hbm4b:s17+s3], $0x50, $0x38;
	[tilespmem:$0x1E200] =	vst v63  }
0x46: {  	s24 =	simm.s32 $0x100  }
0x47: {  	[tilespmem:s24], [sflag:$0x1] =	stream.linear.gather [hbm4b:s18+s3], $0x50, $0x38;
	[tilespmem:$0x1E200] =	vst v63  }
0x48: {  	_ =	swait.ge [sflag:s25], $0x50  }
0x49: {  	[sflag:s25] =	ssyncset.done $0x0  }
0x4a: {  	[sflag:s25] =	ssyncadd.s32 $0xFFFFFFB0  }
0x4b: {  	_ =	swait.ge [sflag:s25], $0x50  }
0x4c: {  	[sflag:s25] =	ssyncset.done $0x0  }
0x4d: {  	[sflag:s25] =	ssyncadd.s32 $0xFFFFFFB0  }
0x4e: {  	[tilespmem:s22], [sflag:$0x3] =	stream.indirect.gather [hbm4b:s1+s26], $0x80, s3, s26, $0xb8;
	[tilespmem:$0x1E200] =	vst v63  }
0x4f: {  	s28 =	simm.s32 $0x200;
	p0 =	por $0x0, $0x0  }
0x50: {  	[tilespmem:s28], [sflag:$0x5] =	stream.linear.gather [hbm4b:s19+s3], $0x2800, $0x38;
	[tilespmem:$0x1E200] =	vst v63  }
.LBB2_4:
0x51: {  	p1 =	seq.s32 s3, $0x0  }
.Ltmp1:
0x52: {  	_ = 	snop;
	(pc) =	sbr.rel @p1 .LBB2_7-.Ltmp1, $3  }
0x53: {  	_ =	sdelay $0x1  }
0x54: {  	s0 =	sadd.s32 $0x1, s3  }
0x55: {  	s10 =	sand.u32 $0x1, s0  }
0x56: {  	p1 =	seq.s32 s3, $0x7C  }
.Ltmp2:
0x57: {  	_ = 	snop;
	(pc) =	sbr.rel @p1 .LBB2_8-.Ltmp2, $1  }
0x58: {  	_ =	sdelay $0x3  }
0x59: {  	s11 =	sadd.s32 $0x7, s10  }
0x5a: {  	_ =	swait.ge [sflag:s11], $0x2800  }
0x5b: {  	[sflag:s11] =	ssyncset.done $0x0  }
0x5c: {  	[sflag:s11] =	ssyncadd.s32 $0xFFFFD800  }
.LBB2_7:
0x5d: {  	s11 =	sshll.u32 s0, $0x5  }
0x5e: {  	s11 =	sor.u32 s9, s11  }
0x5f: {  	s12 =	smul.u32 $0xA, s11;
	_ =	sdelay $0x1  }
0x60: {  	s13 =	sadd.s32 $0x1, s10;
	s24 =	sshll.u32 s10, $0x7;
	s28 =	sadd.s32 s5, s12  }
0x61: {  	[tilespmem:s24], [sflag:s13] =	stream.linear.gather [hbm4b:s28+s4], $0x50, $0x38;
	[tilespmem:$0x1E200] =	vst v63  }
0x62: {  	s12 =	sadd.s32 s6, s12;
	s28 =	sor.u32 $0x100, s24  }
0x63: {  	[tilespmem:s28], [sflag:s13] =	stream.linear.gather [hbm4b:s12+s4], $0x50, $0x38;
	[tilespmem:$0x1E200] =	vst v63  }
0x64: {  	_ =	swait.ge [sflag:s13], $0x50  }
0x65: {  	[sflag:s13] =	ssyncset.done $0x0  }
0x66: {  	[sflag:s13] =	ssyncadd.s32 $0xFFFFFFB0  }
0x67: {  	s12 =	smul.u32 $0x2800, s10;
	_ =	swait.ge [sflag:s13], $0x50  }
0x68: {  	s11 =	smul.u32 $0x500, s11;
	[sflag:s13] =	ssyncset.done $0x0  }
0x69: {  	s28 =	sadd.s32 $0x3, s10;
	[sflag:s13] =	ssyncadd.s32 $0xFFFFFFB0;
	s13 =	sadd.s32 $0x5200, s12  }
0x6a: {  	[tilespmem:s13], [sflag:s28] =	stream.indirect.gather [hbm4b:s1+s26], $0x80, s24, s26, $0xb8;
	[tilespmem:$0x1E200] =	vst v63  }
0x6b: {  	s11 =	sadd.s32 s7, s11;
	s12 =	sor.u32 $0x200, s12;
	s28 =	sadd.s32 $0x5, s10  }
0x6c: {  	[tilespmem:s12], [sflag:s28] =	stream.linear.gather [hbm4b:s11+s4], $0x2800, $0x38;
	[tilespmem:$0x1E200] =	vst v63  }
.LBB2_8:
0x6d: {  	s24 =	sand.u32 $0x1, s3  }
0x6e: {  	s3 =	sadd.s32 $0x3, s24  }
0x6f: {  	s10 =	simm.s32 $0x1;
	_ =	swait.ge [sflag:s3], $0x2800  }
0x70: {  	s10 =	simm.s32 @!p0 $0x0;
	[sflag:s3] =	ssyncset.done $0x0  }
0x71: {  	s11 =	sadd.s32 $0x5, s24;
	s10 =	smul.u32 $0xA000, s10;
	[sflag:s3] =	ssyncadd.s32 $0xFFFFD800  }
0x72: {  	_ =	swait.ge [sflag:s11], $0x2800  }
0x73: {  	s10 =	sshrl.u32 s10, $0x2;
	[sflag:s11] =	ssyncset.done $0x0  }
0x74: {  	s12 =	sor.u32 $0x280, s10;
	[sflag:s11] =	ssyncadd.s32 $0xFFFFD800  }
0x75: {  	s28 =	sadd.s32 $0x5280, s10;
	v1 =	vld [tilespmem:s12+$0x0]  }
0x76: {  	v2 =	vld [tilespmem:s28+$0x0]  }
0x77: {  	v3 =	vld [tilespmem:s28+$0x10];
	_ =	sdelay $0x2  }
0x78: {  	v4 =	vunpack.i.l.bf16.f32 v1  }
0x79: {  	v5 =	vld [tilespmem:s12+$0xFFFFFF80];
	v1 =	vunpack.i.u.bf16.f32 v1;
	v2 =	vadd.f32 v2, v4  }
0x7a: {  	v4 =	vld [tilespmem:s28+$0xFFFFFF80];
	v1 =	vadd.f32 v3, v1  }
0x7b: {  	v3 =	vld [tilespmem:s28+$0xFFFFFF90];
	v2 =	vmax.f32 v2, $0.0e+00  }
0x7c: {  	v1 =	vmax.f32 v1, $0.0e+00;
	[tilespmem:s28+$0x0] =	vst v2  }
0x7d: {  	[tilespmem:s28+$0x10] =	vst v1  }
0x7e: {  	v1 =	vunpack.i.l.bf16.f32 v5;
	v6 =	vld [tilespmem:s12+$0x10]  }
0x7f: {  	v5 =	vunpack.i.u.bf16.f32 v5;
	v1 =	vadd.f32 v4, v1;
	v4 =	vld [tilespmem:s28+$0x20]  }
0x80: {  	v3 =	vadd.f32 v3, v5;
	v5 =	vld [tilespmem:s28+$0x30]  }
0x81: {  	v7 =	vld [tilespmem:s28+$0xFFFFFFB0];
	v1 =	vmax.f32 v1, $0.0e+00  }
0x82: {  	v8 =	vld [tilespmem:s28+$0x60];
	[tilespmem:s28+$0xFFFFFF80] =	vst v1;
	v1 =	vmax.f32 v3, $0.0e+00  }
0x83: {  	s10 =	sadd.s32 $0x100, s12;
	v10 =	vld [tilespmem:s28+$0x50];
	[tilespmem:s28+$0xFFFFFF90] =	vst v1;
	v1 =	vunpack.i.l.bf16.f32 v6  }
0x84: {  	s13 =	sadd.s32 $0x100, s28;
	v11 =	vld [tilespmem:s10+$0x0];
	v6 =	vunpack.i.u.bf16.f32 v6;
	v1 =	vadd.f32 v4, v1  }
0x85: {  	v13 =	vld [tilespmem:s13+$0x0];
	v5 =	vadd.f32 v5, v6  }
0x86: {  	v3 =	vld [tilespmem:s12+$0xFFFFFF90];
	v1 =	vmax.f32 v1, $0.0e+00  }
0x87: {  	v2 =	vld [tilespmem:s28+$0xFFFFFFA0];
	v5 =	vmax.f32 v5, $0.0e+00;
	[tilespmem:s28+$0x20] =	vst v1  }
0x88: {  	v14 =	vld [tilespmem:s13+$0x10];
	[tilespmem:s28+$0x30] =	vst v5  }
0x89: {  	v9 =	vld [tilespmem:s12+$0x20]  }
0x8a: {  	v5 =	vld [tilespmem:s28+$0x40]  }
0x8b: {  	v15 =	vld [tilespmem:s10+$0xFFFFFF80];
	v12 =	vunpack.i.l.bf16.f32 v3;
	v3 =	vunpack.i.u.bf16.f32 v3  }
0x8c: {  	v4 =	vld [tilespmem:s28+$0xFFFFFFC0];
	v12 =	vadd.f32 v2, v12;
	v3 =	vadd.f32 v7, v3  }
0x8d: {  	v6 =	vld [tilespmem:s28+$0xFFFFFFD0]  }
0x8e: {  	v1 =	vld [tilespmem:s28+$0xFFFFFFE0];
	v12 =	vmax.f32 v12, $0.0e+00;
	v3 =	vmax.f32 v3, $0.0e+00;
	v7 =	vunpack.i.l.bf16.f32 v9  }
0x8f: {  	v2 =	vld [tilespmem:s28+$0xFFFFFFF0];
	v9 =	vunpack.i.u.bf16.f32 v9;
	[tilespmem:s28+$0xFFFFFFA0] =	vst v12;
	v12 =	vunpack.i.l.bf16.f32 v11;
	v5 =	vadd.f32 v5, v7  }
0x90: {  	[tilespmem:s28+$0xFFFFFFB0] =	vst v3;
	v3 =	vld [tilespmem:s13+$0xFFFFFF90];
	v9 =	vadd.f32 v10, v9;
	v10 =	vunpack.i.u.bf16.f32 v11;
	v11 =	vadd.f32 v13, v12  }
0x91: {  	v7 =	vld [tilespmem:s13+$0xFFFFFF80];
	v5 =	vmax.f32 v5, $0.0e+00  }
0x92: {  	v12 =	vld [tilespmem:s13+$0xFFFFFFA0];
	v10 =	vadd.f32 v14, v10;
	v11 =	vmax.f32 v11, $0.0e+00;
	[tilespmem:s28+$0x40] =	vst v5  }
0x93: {  	v13 =	vld [tilespmem:s12+$0xFFFFFFA0];
	v5 =	vmax.f32 v9, $0.0e+00;
	[tilespmem:s13+$0x0] =	vst v11  }
0x94: {  	v14 =	vld [tilespmem:s13+$0x30];
	v10 =	vmax.f32 v10, $0.0e+00;
	v11 =	vunpack.i.u.bf16.f32 v15;
	[tilespmem:s28+$0x50] =	vst v5  }
0x95: {  	v9 =	vld [tilespmem:s13+$0xFFFFFFB0];
	v5 =	vunpack.i.l.bf16.f32 v15;
	[tilespmem:s13+$0x10] =	vst v10;
	v3 =	vadd.f32 v3, v11  }
0x96: {  	v5 =	vadd.f32 v7, v5;
	v10 =	vld [tilespmem:s10+$0x10]  }
0x97: {  	v11 =	vld [tilespmem:s13+$0x20];
	v3 =	vmax.f32 v3, $0.0e+00  }
0x98: {  	v7 =	vld [tilespmem:s12+$0x30];
	v5 =	vmax.f32 v5, $0.0e+00;
	[tilespmem:s13+$0xFFFFFF90] =	vst v3  }
0x99: {  	v15 =	vld [tilespmem:s28+$0x70];
	v3 =	vunpack.i.l.bf16.f32 v13;
	[tilespmem:s13+$0xFFFFFF80] =	vst v5  }
0x9a: {  	v5 =	vunpack.i.u.bf16.f32 v13;
	v3 =	vadd.f32 v4, v3;
	v13 =	vld [tilespmem:s10+$0xFFFFFF90]  }
0x9b: {  	v4 =	vld [tilespmem:s13+$0xFFFFFFC0];
	v6 =	vadd.f32 v6, v5;
	v16 =	vunpack.i.l.bf16.f32 v10  }
0x9c: {  	v5 =	vld [tilespmem:s13+$0xFFFFFFD0];
	v3 =	vmax.f32 v3, $0.0e+00;
	v10 =	vunpack.i.u.bf16.f32 v10;
	v11 =	vadd.f32 v11, v16  }
0x9d: {  	v63 =	vunpack.i.u.bf16.f32 v7;
	v17 =	vmax.f32 v6, $0.0e+00;
	v6 =	vld [tilespmem:s13+$0xFFFFFFE0];
	[tilespmem:s28+$0xFFFFFFC0] =	vst v3;
	v10 =	vadd.f32 v14, v10  }
0x9e: {  	v14 =	vunpack.i.l.bf16.f32 v7;
	v15 =	vadd.f32 v15, v63;
	v3 =	vld [tilespmem:s13+$0x60];
	[tilespmem:s28+$0xFFFFFFD0] =	vst v17;
	v11 =	vmax.f32 v11, $0.0e+00  }
0x9f: {  	v7 =	vld [tilespmem:s13+$0xFFFFFFF0];
	v14 =	vadd.f32 v8, v14;
	v10 =	vmax.f32 v10, $0.0e+00;
	v8 =	vunpack.i.l.bf16.f32 v13;
	[tilespmem:s13+$0x20] =	vst v11  }
0xa0: {  	v11 =	vmax.f32 v15, $0.0e+00;
	v13 =	vunpack.i.u.bf16.f32 v13;
	[tilespmem:s13+$0x30] =	vst v10;
	v12 =	vadd.f32 v12, v8;
	v8 =	vld [tilespmem:s12+$0xFFFFFFB0]  }
0xa1: {  	[tilespmem:s28+$0x70] =	vst v11;
	v11 =	vadd.f32 v9, v13;
	v9 =	vld [tilespmem:s13+$0x40];
	v13 =	vmax.f32 v14, $0.0e+00  }
0xa2: {  	v10 =	vld [tilespmem:s10+$0x20];
	[tilespmem:s28+$0x60] =	vst v13;
	v14 =	vmax.f32 v12, $0.0e+00  }
0xa3: {  	s11 =	simm.s32 $0x2;
	s3 =	smov.u32 s13;
	s12 =	sadd.s32 $0x100, s10;
	v12 =	vmax.f32 v11, $0.0e+00;
	v11 =	vld [tilespmem:s13+$0x50];
	[tilespmem:s13+$0xFFFFFFA0] =	vst v14  }
.LBB2_9:
0xa4: {  	v13 =	vld [tilespmem:s12+$0x0];
	[tilespmem:s13+$0xFFFFFFB0] =	vst v12;
	s3 =	sadd.s32 $0x100, s3  }
0xa5: {  	v12 =	vld [tilespmem:s3+$0x0];
	v14 =	vunpack.i.u.bf16.f32 v8;
	v8 =	vunpack.i.l.bf16.f32 v8  }
0xa6: {  	v15 =	vld [tilespmem:s3+$0x10];
	v8 =	vadd.f32 v1, v8;
	v14 =	vadd.f32 v2, v14;
	v1 =	vmovc v6;
	v2 =	vmov v7  }
0xa7: {  	s11 =	sadd.s32 $0x2, s11;
	v6 =	vld [tilespmem:s12+$0xFFFFFF80];
	v7 =	vunpack.i.l.bf16.f32 v10  }
0xa8: {  	p1 =	slt.u32 s11, $0x4E;
	v10 =	vunpack.i.u.bf16.f32 v10;
	v16 =	vld [tilespmem:s3+$0xFFFFFF80];
	v7 =	vadd.f32 v9, v7;
	v8 =	vmax.f32 v8, $0.0e+00  }
0xa9: {  	v10 =	vadd.f32 v11, v10;
	v9 =	vld [tilespmem:s3+$0xFFFFFF90];
	v17 =	vunpack.i.l.bf16.f32 v13;
	[tilespmem:s28+$0xFFFFFFE0] =	vst v8;
	v8 =	vmax.f32 v14, $0.0e+00  }
0xaa: {  	v13 =	vunpack.i.u.bf16.f32 v13;
	v11 =	vld [tilespmem:s3+$0xFFFFFFA0];
	v12 =	vadd.f32 v12, v17;
	v7 =	vmax.f32 v7, $0.0e+00;
	[tilespmem:s28+$0xFFFFFFF0] =	vst v8;
	s28 =	smov.u32 s13;
	s13 =	smov.u32 s3  }
0xab: {  	v8 =	vld [tilespmem:s3+$0xFFFFFFB0];
	v13 =	vadd.f32 v15, v13;
	[tilespmem:s28+$0x40] =	vst v7;
	v7 =	vmax.f32 v10, $0.0e+00  }
0xac: {  	v10 =	vunpack.i.u.bf16.f32 v6;
	v6 =	vunpack.i.l.bf16.f32 v6;
	v12 =	vmax.f32 v12, $0.0e+00;
	v14 =	vld [tilespmem:s10+$0xFFFFFFA0];
	[tilespmem:s28+$0x50] =	vst v7  }
0xad: {  	v6 =	vadd.f32 v16, v6;
	[tilespmem:s3+$0x0] =	vst v12;
	v7 =	vmax.f32 v13, $0.0e+00;
	v12 =	vld [tilespmem:s10+$0x30]  }
0xae: {  	v9 =	vadd.f32 v9, v10;
	[tilespmem:s3+$0x10] =	vst v7;
	v7 =	vld [tilespmem:s28+$0x70]  }
0xaf: {  	v6 =	vmax.f32 v6, $0.0e+00;
	v10 =	vld [tilespmem:s12+$0x10]  }
0xb0: {  	[tilespmem:s3+$0xFFFFFF80] =	vst v6;
	v6 =	vmax.f32 v9, $0.0e+00;
	v9 =	vld [tilespmem:s3+$0x20]  }
0xb1: {  	[tilespmem:s3+$0xFFFFFF90] =	vst v6;
	v13 =	vld [tilespmem:s3+$0x30];
	v6 =	vunpack.i.u.bf16.f32 v14;
	v14 =	vunpack.i.l.bf16.f32 v14  }
0xb2: {  	v15 =	vld [tilespmem:s12+$0xFFFFFF90];
	v14 =	vadd.f32 v4, v14;
	v6 =	vadd.f32 v5, v6;
	v5 =	vunpack.i.u.bf16.f32 v12  }
0xb3: {  	v12 =	vunpack.i.l.bf16.f32 v12;
	v4 =	vld [tilespmem:s3+$0xFFFFFFC0];
	v7 =	vadd.f32 v7, v5  }
0xb4: {  	v5 =	vld [tilespmem:s3+$0xFFFFFFD0];
	v16 =	vunpack.i.l.bf16.f32 v10;
	v14 =	vmax.f32 v14, $0.0e+00;
	v17 =	vmax.f32 v6, $0.0e+00  }
0xb5: {  	v10 =	vunpack.i.u.bf16.f32 v10;
	v6 =	vld [tilespmem:s3+$0xFFFFFFE0];
	v9 =	vadd.f32 v9, v16;
	[tilespmem:s28+$0xFFFFFFC0] =	vst v14;
	v14 =	vmax.f32 v7, $0.0e+00  }
0xb6: {  	v12 =	vadd.f32 v3, v12;
	v7 =	vld [tilespmem:s3+$0xFFFFFFF0];
	v10 =	vadd.f32 v13, v10;
	[tilespmem:s28+$0x70] =	vst v14  }
.Ltmp3:
0xb7: {  	v13 =	vunpack.i.u.bf16.f32 v15;
	v14 =	vunpack.i.l.bf16.f32 v15;
	v9 =	vmax.f32 v9, $0.0e+00;
	v3 =	vld [tilespmem:s3+$0x60];
	[tilespmem:s28+$0xFFFFFFD0] =	vst v17;
	(pc) =	sbr.rel @p1 .LBB2_9-.Ltmp3, $4  }
0xb8: {  	v11 =	vadd.f32 v11, v14;
	v13 =	vadd.f32 v8, v13;
	[tilespmem:s3+$0x20] =	vst v9;
	v9 =	vmax.f32 v10, $0.0e+00;
	v8 =	vld [tilespmem:s10+$0xFFFFFFB0];
	s10 =	smov.u32 s12  }
0xb9: {  	v14 =	vmax.f32 v12, $0.0e+00;
	[tilespmem:s3+$0x30] =	vst v9;
	v9 =	vld [tilespmem:s3+$0x40]  }
0xba: {  	v11 =	vmax.f32 v11, $0.0e+00;
	v12 =	vmax.f32 v13, $0.0e+00;
	v10 =	vld [tilespmem:s12+$0x20];
	[tilespmem:s28+$0x60] =	vst v14  }
0xbb: {  	s12 =	sadd.s32 $0x100, s12;
	[tilespmem:s3+$0xFFFFFFA0] =	vst v11;
	v11 =	vld [tilespmem:s3+$0x50]  }
0xbc: {  	[tilespmem:s13+$0xFFFFFFB0] =	vst v12  }
0xbd: {  	v12 =	vld [tilespmem:s10+$0xFFFFFFA0];
	_ =	sdelay $0x2  }
0xbe: {  	v13 =	vunpack.i.l.bf16.f32 v10  }
0xbf: {  	v56 =	vunpack.i.u.bf16.f32 v10;
	v9 =	vadd.f32 v9, v13  }
0xc0: {  	v10 =	vadd.f32 v11, v56;
	v57 =	vunpack.i.l.bf16.f32 v12  }
0xc1: {  	v9 =	vmax.f32 v9, $0.0e+00;
	v12 =	vunpack.i.u.bf16.f32 v12;
	v4 =	vadd.f32 v4, v57  }
0xc2: {  	v58 =	vmax.f32 v10, $0.0e+00;
	[tilespmem:s13+$0x40] =	vst v9;
	v5 =	vadd.f32 v5, v12  }
0xc3: {  	[tilespmem:s13+$0x50] =	vst v58;
	v4 =	vmax.f32 v4, $0.0e+00  }
0xc4: {  	v9 =	vld [tilespmem:s10+$0x30];
	v5 =	vmax.f32 v5, $0.0e+00;
	[tilespmem:s13+$0xFFFFFFC0] =	vst v4  }
0xc5: {  	v59 =	vld [tilespmem:s13+$0x70];
	[tilespmem:s13+$0xFFFFFFD0] =	vst v5  }
0xc6: {  	v5 =	vld [tilespmem:s10+$0xFFFFFFB0]  }
0xc7: {  	v60 =	vunpack.i.l.bf16.f32 v8  }
0xc8: {  	v61 =	vunpack.i.u.bf16.f32 v8;
	v1 =	vadd.f32 v1, v60  }
0xc9: {  	v2 =	vadd.f32 v2, v61;
	v62 =	vunpack.i.u.bf16.f32 v9  }
0xca: {  	v1 =	vmax.f32 v1, $0.0e+00;
	v9 =	vunpack.i.l.bf16.f32 v9;
	v4 =	vadd.f32 v59, v62  }
0xcb: {  	[tilespmem:s28+$0xFFFFFFE0] =	vst v1;
	v1 =	vmax.f32 v2, $0.0e+00;
	v2 =	vadd.f32 v3, v9;
	v3 =	vunpack.i.l.bf16.f32 v5  }
0xcc: {  	[tilespmem:s28+$0xFFFFFFF0] =	vst v1;
	v1 =	vmax.f32 v4, $0.0e+00;
	v63 =	vunpack.i.u.bf16.f32 v5;
	v3 =	vadd.f32 v6, v3  }
0xcd: {  	s3 =	smul.u32 $0xA000, s24;
	p1 =	sne.s32 s0, $0x7D;
	[tilespmem:s13+$0x70] =	vst v1;
	v1 =	vmax.f32 v2, $0.0e+00;
	v2 =	vadd.f32 v7, v63  }
.Ltmp4:
0xce: {  	[tilespmem:s13+$0x60] =	vst v1;
	v1 =	vmax.f32 v3, $0.0e+00;
	(pc) =	sbr.rel @p1 .LBB2_4-.Ltmp4, $4  }
0xcf: {  	s3 =	sshrl.u32 s3, $0x2;
	s28 =	sshll.u32 s24, $0x7;
	[tilespmem:s13+$0xFFFFFFE0] =	vst v1;
	v1 =	vmax.f32 v2, $0.0e+00  }
0xd0: {  	s11 =	sadd.s32 $0x7, s24;
	s3 =	sadd.s32 $0x5200, s3;
	s10 =	sor.u32 $0x100, s28;
	[tilespmem:s13+$0xFFFFFFF0] =	vst v1  }
0xd1: {  	[spmem:s2] =	stream.indirect.scatter.add.f32 [tilespmem:s3], [sflag:s11], $0x80, s10, s26, $0xb8;
	[tilespmem:$0x1E200] =	vst v63  }
0xd2: {  	p0 =	por !p0, !p0;
	s3 =	smov.u32 s0  }
0xd3: {  	_ =	swait.ge [sflag:s29], $0x2800  }
0xd4: {  	[sflag:s29] =	ssyncset.done $0x0  }
0xd5: {  	[sflag:s29] =	ssyncadd.s32 $0xFFFFD800  }
0xd6: {  	s0 =	stileid.u32;
	_ =	swait.ge [sflag:s30], $0x2800  }
0xd7: {  	s3 =	sshrl.u32 s8, $0x3;
	s31 =	sadd.s32 $0x1, s31;
	[sflag:s30] =	ssyncset.done $0x0  }
0xd8: {  	s0 =	sshll.u32 s0, $0x6;
	p0 =	sne.s32 s31, s21;
	[sflag:s30] =	ssyncadd.s32 $0xFFFFD800  }
.Ltmp5:
0xd9: {  	s0 =	sor.u32 $0x1C09, s0;
	[bflag:$0x0] =	sbarrier.arrive $0xFFFF;
	(pc) =	sbr.rel @p0 .LBB2_1-.Ltmp5, $4  }
0xda: {  	[hbm:s20], [sflag:s0] =	dma.local [spmem:s3], $0x2800  }
0xdb: {  	_ =	swait.ge [sflag:s23], $0x2800  }
0xdc: {  	[sflag:s23] =	ssyncset.done $0x0  }
0xdd: {  	[sflag:s23] =	ssyncadd.s32 $0xFFFFD800  }
0xde: {  	_ =	sfence.sel $0x180000  }
0xdf: {  	[bflag:$0x0] =	sbarrier.arrive $0xFFFF  }
0xe0: {  	_ =	strace $0x9000004A  }
0xe1: {  	s0 =	stileid.u32;
	[bflag:$0x2] =	sbarrier.arrive $0xFFFF  }
0xe2: {  	p0 =	sne.s32 s0, $0x0;
	s0 =	rddreg [dreg:$0x3]  }
0xe3: {  	s0 =	sadd.s32 @!p0 $0x100000, s0  }
0xe4: {  	[sflag:s0] =	ssyncadd.tile.s32 @!p0 $0x1;
	_ =	shalt  }
.Lfunc_end2:
_tile_overlayer_lowered:
.L_overlay_start_2:
0xe5: {  	(tag) =	ssettag $0x2  }
0xe6: {  	s0 =	rddreg [dreg:$0x0];
	s2 =	stileid.u32  }
0xe7: {  	s1 =	rddreg [dreg:$0x1];
	p0 =	sne.s32 s2, $0x0  }
0xe8: {  	s3 =	rddreg [dreg:$0x2];
	[bflag:$0x3] =	sbarrier.arrive $0xFFFF;
	s2 =	simm.s32 @!p0 $0x1C09  }
0xe9: {  	[timem:s3], [sflag:s2] =	dma.local @!p0 [hbm:s0], s1  }
0xea: {  	s0 =	simm.s32 @!p0 $0x9  }
0xeb: {  	_ =	swait.ge @!p0 [sflag:s0], s1  }
0xec: {  	s1 =	ssub.s32 @!p0 $0x0, s1;
	[sflag:s0] =	ssyncset.done @!p0 $0x0  }
0xed: {  	[sflag:s0] =	ssyncadd.s32 @!p0 s1  }
0xee: {  	[bflag:$0x3] =	sbarrier.arrive $0xFFFF  }
0xef: {  	_ =	shalt  }

// kernel: kernel.9.cloned.1.call-start
scs
__scs_entry_jumppad:
0x0: {  	(pc) =	sbr.rel $0x88, $3  }
0x1: {  	(tag) =	ssettag $0x0;
	lr =	simm.s32 $0x1  }
0x2: {  	[smem:$0x3F8E] =	sst lr;
	_ =	strace $0xD0000000  }
0x3: {  	_ = 	snop  }
0x4: {  	_ = 	snop  }
0x5: {  	_ = 	snop  }
0x6: {  	_ = 	snop  }
0x7: {  	_ = 	snop  }
__scs_overlays_trampoline_lowered:
0x8: {  	[smem:$0x3F9D] =	sst s0  }
0x9: {  	[smem:$0x3F9E] =	sst s1  }
0xa: {  	[smem:$0x3F9F] =	sst s2  }
0xb: {  	[smem:$0x3FA0] =	sst s3  }
0xc: {  	[smem:$0x3FA1] =	sst s4  }
0xd: {  	[smem:$0x3FA2] =	sst s5  }
0xe: {  	[smem:$0x3FA3] =	sst s6  }
0xf: {  	[smem:$0x3FA4] =	sst s7  }
0x10: {  	[smem:$0x3FA5] =	sst s8  }
0x11: {  	[smem:$0x3FA6] =	sst s9;
	s0 =	simm.s32 @!p0 $0x0  }
0x12: {  	s1 =	sld [smem:$0x3F8C];
	s0 =	simm.s32 @p0 $0x1  }
0x13: {  	[smem:$0x3FA7] =	sst s0;
	s0 =	simm.s32 @!p1 $0x0  }
0x14: {  	s2 =	sld [smem:$0x3F8B];
	s0 =	simm.s32 @p1 $0x1  }
0x15: {  	[smem:$0x3FA8] =	sst s0;
	s0 =	simm.s32 @!p2 $0x0  }
0x16: {  	s3 =	sld [smem:$0x3FDB];
	s0 =	simm.s32 @p2 $0x1  }
0x17: {  	s4 =	simm.s32 $0x1BF5;
	[smem:$0x3FAA] =	sst s0  }
0x18: {  	s0 =	sld [smem:$0x3F8D];
	_ =	swait.ge [sflag:s4], $0x0  }
0x19: {  	s7 =	sld [smem:$0x3F8E]  }
0x1a: {  	s8 =	sadd.s32 $0xFFFFE003, lr  }
0x1b: {  	s9 =	sadd.s32 $0xFFFFFEF7, lr;
	s5 =	simm.s32 $0xFFFFFFFF;
	p2 =	slt.u32 s8, $0xFFFFF086  }
0x1c: {  	p1 =	slt.u32 s9, $0xF7A;
	s5 =	simm.s32 @!p2 $0x0  }
0x1d: {  	s5 =	simm.s32 @p1 $0x1;
	p0 =	seq.s32 s7, s2  }
0x1e: {  	s7 =	smul.u32 @!p0 $0xF7A, s2;
	p2 =	seq.s32 @!p0 s5, $0x0  }
0x1f: {  	s9 =	smul.u32 $0xF7A, s1;
	s8 =	simm.s32 @!p0 $0x1BF5;
	p2 =	por !p2, p0  }
0x20: {  	[sflag:s8] =	ssyncset.s32 @!p0 $0xFFFFF086;
	s6 =	sadd.s32 @!p0 s3, s7;
	s7 =	simm.s32 @!p0 $0x108  }
0x21: {  	s3 =	sadd.s32 s3, s9;
	s6 =	sadd.s32 @!p0 $0x88, s6;
	s7 =	simm.s32 @p2 $0x1082  }
0x22: {  	[simem:s7], [sflag:s8] =	dma.local @!p0 [hbm:s6], $0xF7A  }
0x23: {  	s9 =	sor.u32 $0xD0000000, s2;
	s6 =	simm.s32 $0x108;
	_ =	swait.ge @!p0 [sflag:s8], $0x0  }
0x24: {  	s3 =	sadd.s32 $0x88, s3;
	s6 =	simm.s32 @!p1 $0x1082;
	[sflag:s4] =	ssyncset.s32 $0xFFFFF086  }
0x25: {  	[simem:s6], [sflag:s4] =	dma.local [hbm:s3], $0xF7A  }
0x26: {  	[smem:$0x3F8E] =	sst s1;
	(tag) =	ssettag s2;
	_ =	strace s9  }
0x27: {  	s1 =	sld [smem:$0x3F9E]  }
0x28: {  	s2 =	sld [smem:$0x3F9F]  }
0x29: {  	s4 =	sld [smem:$0x3FA1]  }
0x2a: {  	p0 =	seq.s32 s5, $0x0;
	s5 =	sld [smem:$0x3FA2]  }
0x2b: {  	s6 =	sld [smem:$0x3FA3]  }
0x2c: {  	s7 =	sld [smem:$0x3FA4]  }
0x2d: {  	s3 =	simm.s32 $0x108;
	s8 =	sld [smem:$0x3FA5]  }
0x2e: {  	s3 =	simm.s32 @!p0 $0x1082;
	s9 =	sld [smem:$0x3FA6]  }
0x2f: {  	lr =	sadd.s32 s0, s3;
	s0 =	sld [smem:$0x3F9D]  }
0x30: {  	s3 =	sld [smem:$0x3FA0]  }
0x31: {  	[smem:$0x3FA9] =	sst s10  }
0x32: {  	s10 =	sld [smem:$0x3FA7];
	_ =	sdelay $0x3  }
0x33: {  	p0 =	seq.s32 s10, $0x1;
	s10 =	sld [smem:$0x3FA9];
	_ =	sdelay $0x3  }
0x34: {  	[smem:$0x3FA9] =	sst s10  }
0x35: {  	s10 =	sld [smem:$0x3FA8];
	_ =	sdelay $0x3  }
0x36: {  	p1 =	seq.s32 s10, $0x1;
	s10 =	sld [smem:$0x3FA9];
	_ =	sdelay $0x3  }
0x37: {  	[smem:$0x3FA9] =	sst s10  }
0x38: {  	s10 =	sld [smem:$0x3FAA]  }
0x39: {  	_ = 	snop;
	(pc) =	sbr.ind lr, $3  }
0x3a: {  	_ = 	snop  }
0x3b: {  	_ = 	snop  }
0x3c: {  	p2 =	seq.s32 s10, $0x1;
	s10 =	sld [smem:$0x3FA9]  }
0x3d: {  	_ =	shalt  }
0x3e: {  	_ =	shalt  }
0x3f: {  	_ =	shalt  }
0x40: {  	_ =	shalt  }
0x41: {  	_ =	shalt  }
0x42: {  	_ =	shalt  }
0x43: {  	_ =	shalt  }
0x44: {  	_ =	shalt  }
0x45: {  	_ =	shalt  }
0x46: {  	_ =	shalt  }
0x47: {  	_ =	shalt  }
0x48: {  	_ =	shalt  }
0x49: {  	_ =	shalt  }
0x4a: {  	_ =	shalt  }
0x4b: {  	_ =	shalt  }
0x4c: {  	_ =	shalt  }
0x4d: {  	_ =	shalt  }
0x4e: {  	_ =	shalt  }
0x4f: {  	_ =	shalt  }
0x50: {  	_ =	shalt  }
0x51: {  	_ =	shalt  }
0x52: {  	_ =	shalt  }
0x53: {  	_ =	shalt  }
0x54: {  	_ =	shalt  }
0x55: {  	_ =	shalt  }
0x56: {  	_ =	shalt  }
0x57: {  	_ =	shalt  }
0x58: {  	_ =	shalt  }
0x59: {  	_ =	shalt  }
0x5a: {  	_ =	shalt  }
0x5b: {  	_ =	shalt  }
0x5c: {  	_ =	shalt  }
0x5d: {  	_ =	shalt  }
0x5e: {  	_ =	shalt  }
0x5f: {  	_ =	shalt  }
0x60: {  	_ =	shalt  }
0x61: {  	_ =	shalt  }
0x62: {  	_ =	shalt  }
0x63: {  	_ =	shalt  }
0x64: {  	_ =	shalt  }
0x65: {  	_ =	shalt  }
0x66: {  	_ =	shalt  }
0x67: {  	_ =	shalt  }
0x68: {  	_ =	shalt  }
0x69: {  	_ =	shalt  }
0x6a: {  	_ =	shalt  }
0x6b: {  	_ =	shalt  }
0x6c: {  	_ =	shalt  }
0x6d: {  	_ =	shalt  }
0x6e: {  	_ =	shalt  }
0x6f: {  	_ =	shalt  }
0x70: {  	_ =	shalt  }
0x71: {  	_ =	shalt  }
0x72: {  	_ =	shalt  }
0x73: {  	_ =	shalt  }
0x74: {  	_ =	shalt  }
0x75: {  	_ =	shalt  }
0x76: {  	_ =	shalt  }
0x77: {  	_ =	shalt  }
0x78: {  	_ =	shalt  }
0x79: {  	_ =	shalt  }
0x7a: {  	_ =	shalt  }
0x7b: {  	_ =	shalt  }
0x7c: {  	_ =	shalt  }
0x7d: {  	_ =	shalt  }
0x7e: {  	_ =	shalt  }
0x7f: {  	_ =	shalt  }
0x80: {  	_ =	shalt  }
0x81: {  	_ =	shalt  }
0x82: {  	_ =	shalt  }
0x83: {  	_ =	shalt  }
0x84: {  	_ =	shalt  }
0x85: {  	_ =	shalt  }
0x86: {  	_ =	shalt  }
0x87: {  	_ =	shalt  }
.Lfunc_end0:
.L_simem_size_0:
called_computation_lowered:
.L_overlay_start_0:
0x88: {  	s2 =	sld [smem:$0x3FD9]  }
0x89: {  	s3 =	sld [smem:$0x3FFE];
	_ =	sdelay $0x1  }
0x8a: {  	s1 =	srdreg.scid  }
0x8b: {  	s0 =	sand.u32 $0x1, s1  }
0x8c: {  	s17 =	sshll.u32 s0, $0xA;
	s2 =	sadd.s32 s3, s2  }
0x8d: {  	s2 =	sadd.s32 s2, s17  }
0x8e: {  	[smem:$0x3FB5] =	sst s2  }
0x8f: {  	_ = 	snop  }
0x90: {  	s2 =	sld [smem:$0x3FD0];
	(tm) =	ssettm $0x1  }
0x91: {  	s18 =	sld [smem:$0x3FFB];
	_ =	sdelay $0x3  }
0x92: {  	_ =	strace s18  }
0x93: {  	s3 =	sld [smem:$0x3FFC];
	_ =	sdelay $0x3  }
0x94: {  	_ =	strace s3  }
0x95: {  	s3 =	sld [smem:$0x3FFD];
	_ =	sdelay $0x3  }
0x96: {  	_ =	strace s3  }
0x97: {  	_ =	strace $0x8FFFFFFF  }
0x98: {  	s19 =	sld [smem:$0x3FDB];
	_ =	sdelay $0x1  }
0x99: {  	s4 =	simm.s32 $_scs_section_size  }
0x9a: {  	s5 =	simm.s32 $_size__tile_overlayer_lowered;
	s6 =	simm.s32 $_tile_overlayer_lowered  }
0x9b: {  	s22 =	simm.s32 $0x1BFF;
	s21 =	sshll.u32 s6, $0x1;
	s3 =	sadd.s32 s4, s19  }
0x9c: {  	s7 =	simm.s32 $0x0;
	s20 =	sshll.u32 s5, $0x1;
	s5 =	sadd.s32 s21, s3  }
0x9d: {  	[timem:s7], [sflag:s22] =	dma.local [hbm:s5], s20  }
0x9e: {  	_ =	swait.ge [sflag:s22], s20  }
0x9f: {  	s4 =	ssub.s32 $0x0, s20;
	[sflag:s22] =	ssyncset.done $0x0  }
0xa0: {  	[sflag:s22] =	ssyncadd.s32 s4;
	_ =	sdelay $0x1  }
0xa1: {  	s23 =	simm.s32 $0x1B8B  }
0xa2: {  	_ =	swait.ge [sflag:s23], $0x1  }
0xa3: {  	[sflag:s23] =	ssyncset.done $0x0  }
0xa4: {  	s25 =	simm.s32 $0x1B8E;
	s24 =	sld [smem:$0x3FFE];
	[sflag:s23] =	ssyncadd.s32 $0xFFFFFFFF  }
0xa5: {  	s26 =	simm.s32 $execute0_lowered;
	[smem:$0x3FD2] =	sst s25  }
0xa6: {  	s5 =	sshll.u32 s26, $0x1;
	_ =	strace $0x80000046;
	[dreg:$0x1] =	wrdreg $0xFFFFFFFF  }
0xa7: {  	s28 =	simm.s32 $_size_execute0_lowered;
	s3 =	sadd.s32 s3, s5;
	[dreg:$0x0] =	wrdreg $0x0  }
0xa8: {  	s5 =	sshll.u32 s28, $0x1;
	[dreg:$0x2] =	wrdreg s3  }
0xa9: {  	[dreg:$0x3] =	wrdreg s5  }
0xaa: {  	[dreg:$0x4] =	wrdreg $0xC0  }
0xab: {  	_ =	task [dreg:s7], $0x5FFFF  }
0xac: {  	[dreg:$0x1] =	wrdreg $0xFFFFFFFF  }
0xad: {  	[dreg:$0x0] =	wrdreg $0x60  }
0xae: {  	[dreg:$0x2] =	wrdreg s2  }
0xaf: {  	[dreg:$0x3] =	wrdreg s24  }
0xb0: {  	[dreg:$0x4] =	wrdreg $0xA2000  }
0xb1: {  	[dreg:$0x5] =	wrdreg $0x9  }
0xb2: {  	_ =	task.clear_ibuf [dreg:s7], $0x6FFFF;
	_ =	strace $0x90000046  }
0xb3: {  	s29 =	simm.s32 $0x9;
	_ =	strace $0x80000048  }
0xb4: {  	_ =	swait.ge [sflag:s29], $0x1  }
0xb5: {  	[sflag:s29] =	ssyncadd.s32 $0xFFFFFFFF  }
0xb6: {  	_ =	strace $0x90000048  }
0xb7: {  	_ =	sfence  }
0xb8: {  	s30 =	sld [smem:$0x0];
	_ =	sdelay $0x2  }
0xb9: {  	s31 =	sshll.u32 s1, $0xD;
	s1 =	sshrl.u32 s1, $0x2  }
0xba: {  	s3 =	sand.u32 $0x4000, s31;
	s1 =	sadd.s32 s1, s30  }
0xbb: {  	s0 =	sor.u32 s3, s0;
	s1 =	sshll.u32 s1, $0x11  }
0xbc: {  	s0 =	sor.u32 s1, s0  }
0xbd: {  	s0 =	sadd.s32 $0x8F2B, s0  }
0xbe: {  	[sflag:s0] =	ssyncadd.remote.s32 $0x1  }
0xbf: {  	_ =	sfence.sel $0xFFFF  }
0xc0: {  	[dreg:$0x0] =	wrdreg $0xFFFFFFFF;
	(pc) =	sbr.abs _section_cstart, $3  }
0xc1: {  	[dreg:$0x1] =	wrdreg $0xFFFFFFFF  }
0xc2: {  	_ =	task.clear_ibuf [dreg:s7], $0x2FFFF;
	_ =	strace $0x9FFFFFFF  }
0xc3: {  	(tm) =	ssettm $0x7FFFFFFF  }
tec
execute0_lowered:
.L_overlay_start_1:
0x0: {  	(tag) =	ssettag $0x1  }
0x1: {  	s1 =	rddreg [dreg:$0x0]  }
0x2: {  	s0 =	rddreg [dreg:$0x1]  }
0x3: {  	s2 =	rddreg [dreg:$0x2];
	s3 =	srdreg.scid;
	s4 =	simm.s32 $0x0  }
0x4: {  	s11 =	stileid.u32;
	s29 =	simm.s32 $0x7;
	s30 =	simm.s32 $0x8  }
0x5: {  	s31 =	simm.s32 $0x0;
	s3 =	sand.u32 $0x1, s3;
	s8 =	smul.u32 $0x14000, s11  }
0x6: {  	[smem:$0x7FF] =	sst s4;
	s5 =	sadd.s32 $0x4EDC00, s0;
	s9 =	smul.u32 $0x50000, s11  }
0x7: {  	s6 =	sadd.s32 $0x4E3E00, s0;
	s7 =	smul.u32 $0x140000, s3;
	s10 =	ssub.s32 $0x2, s3  }
0x8: {  	_ =	strace $0x80000047;
	s3 =	sshll.u32 s3, $0x4;
	s22 =	sshrl.u32 s10, $0x1  }
0x9: {  	s9 =	sshrl.u32 s9, $0x2;
	s8 =	sadd.s32 s8, s7;
	s7 =	sadd.s32 $0x4F7A00, s0  }
0xa: {  	s10 =	ssub.s32 s10, s22;
	s22 =	simm.s32 $0x5200;
	s8 =	sshrl.u32 s8, $0x3  }
0xb: {  	s21 =	smax.u32 s10, $0x1;
	s0 =	sadd.s32 s8, s0;
	s8 =	sadd.s32 s9, s2  }
0xc: {  	s9 =	sor.u32 s11, s3;
	s23 =	sadd.s32 $0x2800, s8;
	s24 =	sadd.s32 $0x5000, s8  }
0xd: {  	s25 =	sadd.s32 $0x7800, s8;
	s26 =	sadd.s32 $0xA000, s8;
	[dreg:$0x4] =	wrdreg s23  }
0xe: {  	s28 =	smul.u32 $0xA, s9;
	s14 =	sadd.s32 $0xC800, s8;
	[dreg:$0x5] =	wrdreg s24  }
0xf: {  	s15 =	sadd.s32 $0xF000, s8;
	s11 =	smul.u32 $0x500, s9;
	[dreg:$0x6] =	wrdreg s25  }
0x10: {  	s16 =	sadd.s32 $0x11800, s8;
	s20 =	sadd.s32 $0x9D9A00, s0;
	[dreg:$0x7] =	wrdreg s26  }
0x11: {  	s23 =	simm.s32 $0x9;
	s25 =	simm.s32 $0x1;
	s26 =	simm.s32 $0x50  }
0x12: {  	v0 =	vimm.f32 $0.0e+00;
	s17 =	sadd.s32 s5, s28;
	s18 =	sadd.s32 s6, s28;
	s19 =	sadd.s32 s7, s11  }
.LBB2_1:
0x13: {  	s0 =	simm.s32 $0x0;
	s3 =	simm.s32 $0x200  }
.LBB2_2:
0x14: {  	p0 =	sne.s32 s3, $0x9E00;
	[tilespmem:s0+$0x5270] =	vst v0  }
0x15: {  	[tilespmem:s0+$0x5200] =	vst v0  }
0x16: {  	[tilespmem:s0+$0x5210] =	vst v0  }
.Ltmp0:
0x17: {  	[tilespmem:s0+$0x5220] =	vst v0;
	(pc) =	sbr.rel @p0 .LBB2_2-.Ltmp0, $4  }
0x18: {  	[tilespmem:s0+$0x5230] =	vst v0  }
0x19: {  	[tilespmem:s0+$0x5240] =	vst v0  }
0x1a: {  	[tilespmem:s0+$0x5250] =	vst v0  }
0x1b: {  	[tilespmem:s0+$0x5260] =	vst v0;
	s0 =	sshra.s32 s3, $0x2;
	s3 =	sadd.s32 $0x200, s3  }
0x1c: {  	[tilespmem:s0+$0x5270] =	vst v0  }
0x1d: {  	[tilespmem:s0+$0x5200] =	vst v0  }
0x1e: {  	[tilespmem:s0+$0x5210] =	vst v0  }
0x1f: {  	[tilespmem:s0+$0x5220] =	vst v0  }
0x20: {  	[tilespmem:s0+$0x5230] =	vst v0  }
0x21: {  	[tilespmem:s0+$0x5240] =	vst v0  }
0x22: {  	[tilespmem:s0+$0x5250] =	vst v0  }
0x23: {  	[tilespmem:s0+$0x5260] =	vst v0  }
0x24: {  	[spmem:s8] =	stream.linear.scatter [tilespmem:s22], [sflag:$0x9], $0x2800, $0x38;
	[tilespmem:$0x1E200] =	vst v63  }
0x25: {  	_ =	swait.ge [sflag:s23], $0x2800  }
0x26: {  	[sflag:s23] =	ssyncset.done $0x0  }
0x27: {  	s10 =	rddreg [dreg:$0x4];
	[sflag:s23] =	ssyncadd.s32 $0xFFFFD800  }
0x28: {  	[spmem:s10] =	stream.linear.scatter [tilespmem:s22], [sflag:$0x9], $0x2800, $0x38;
	[tilespmem:$0x1E200] =	vst v63  }
0x29: {  	_ =	swait.ge [sflag:s23], $0x2800  }
0x2a: {  	[sflag:s23] =	ssyncset.done $0x0  }
0x2b: {  	s11 =	rddreg [dreg:$0x5];
	[sflag:s23] =	ssyncadd.s32 $0xFFFFD800  }
0x2c: {  	[spmem:s11] =	stream.linear.scatter [tilespmem:s22], [sflag:$0x9], $0x2800, $0x38;
	[tilespmem:$0x1E200] =	vst v63  }
0x2d: {  	_ =	swait.ge [sflag:s23], $0x2800  }
0x2e: {  	[sflag:s23] =	ssyncset.done $0x0  }
0x2f: {  	s12 =	rddreg [dreg:$0x6];
	[sflag:s23] =	ssyncadd.s32 $0xFFFFD800  }
0x30: {  	[spmem:s12] =	stream.linear.scatter [tilespmem:s22], [sflag:$0x9], $0x2800, $0x38;
	[tilespmem:$0x1E200] =	vst v63  }
0x31: {  	_ =	swait.ge [sflag:s23], $0x2800  }
0x32: {  	[sflag:s23] =	ssyncset.done $0x0  }
0x33: {  	s13 =	rddreg [dreg:$0x7];
	[sflag:s23] =	ssyncadd.s32 $0xFFFFD800  }
0x34: {  	[spmem:s13] =	stream.linear.scatter [tilespmem:s22], [sflag:$0x9], $0x2800, $0x38;
	[tilespmem:$0x1E200] =	vst v63  }
0x35: {  	_ =	swait.ge [sflag:s23], $0x2800  }
0x36: {  	[sflag:s23] =	ssyncset.done $0x0  }
0x37: {  	[sflag:s23] =	ssyncadd.s32 $0xFFFFD800  }
0x38: {  	[spmem:s14] =	stream.linear.scatter [tilespmem:s22], [sflag:$0x9], $0x2800, $0x38;
	[tilespmem:$0x1E200] =	vst v63  }
0x39: {  	_ =	swait.ge [sflag:s23], $0x2800  }
0x3a: {  	[sflag:s23] =	ssyncset.done $0x0  }
0x3b: {  	[sflag:s23] =	ssyncadd.s32 $0xFFFFD800  }
0x3c: {  	[spmem:s15] =	stream.linear.scatter [tilespmem:s22], [sflag:$0x9], $0x2800, $0x38;
	[tilespmem:$0x1E200] =	vst v63  }
0x3d: {  	_ =	swait.ge [sflag:s23], $0x2800  }
0x3e: {  	[sflag:s23] =	ssyncset.done $0x0  }
0x3f: {  	[sflag:s23] =	ssyncadd.s32 $0xFFFFD800  }
0x40: {  	[spmem:s16] =	stream.linear.scatter [tilespmem:s22], [sflag:$0x9], $0x2800, $0x38;
	[tilespmem:$0x1E200] =	vst v63  }
0x41: {  	_ =	swait.ge [sflag:s23], $0x2800  }
0x42: {  	[sflag:s23] =	ssyncset.done $0x0  }
0x43: {  	[sflag:s23] =	ssyncadd.s32 $0xFFFFD800  }
0x44: {  	s3 =	simm.s32 $0x0;
	[bflag:$0x0] =	sbarrier.arrive $0xFFFF  }
0x45: {  	[tilespmem:s3], [sflag:$0x1] =	stream.linear.gather [hbm4b:s17+s3], $0x50, $0x38;
	[tilespmem:$0x1E200] =	vst v63  }
0x46: {  	s24 =	simm.s32 $0x100  }
0x47: {  	[tilespmem:s24], [sflag:$0x1] =	stream.linear.gather [hbm4b:s18+s3], $0x50, $0x38;
	[tilespmem:$0x1E200] =	vst v63  }
0x48: {  	_ =	swait.ge [sflag:s25], $0x50  }
0x49: {  	[sflag:s25] =	ssyncset.done $0x0  }
0x4a: {  	[sflag:s25] =	ssyncadd.s32 $0xFFFFFFB0  }
0x4b: {  	_ =	swait.ge [sflag:s25], $0x50  }
0x4c: {  	[sflag:s25] =	ssyncset.done $0x0  }
0x4d: {  	[sflag:s25] =	ssyncadd.s32 $0xFFFFFFB0  }
0x4e: {  	[tilespmem:s22], [sflag:$0x3] =	stream.indirect.gather [hbm4b:s1+s26], $0x80, s3, s26, $0xb8;
	[tilespmem:$0x1E200] =	vst v63  }
0x4f: {  	s28 =	simm.s32 $0x200;
	p0 =	por $0x0, $0x0  }
0x50: {  	[tilespmem:s28], [sflag:$0x5] =	stream.linear.gather [hbm4b:s19+s3], $0x2800, $0x38;
	[tilespmem:$0x1E200] =	vst v63  }
.LBB2_4:
0x51: {  	p1 =	seq.s32 s3, $0x0  }
.Ltmp1:
0x52: {  	_ = 	snop;
	(pc) =	sbr.rel @p1 .LBB2_7-.Ltmp1, $3  }
0x53: {  	_ =	sdelay $0x1  }
0x54: {  	s0 =	sadd.s32 $0x1, s3  }
0x55: {  	s10 =	sand.u32 $0x1, s0  }
0x56: {  	p1 =	seq.s32 s3, $0x7C  }
.Ltmp2:
0x57: {  	_ = 	snop;
	(pc) =	sbr.rel @p1 .LBB2_8-.Ltmp2, $1  }
0x58: {  	_ =	sdelay $0x3  }
0x59: {  	s11 =	sadd.s32 $0x7, s10  }
0x5a: {  	_ =	swait.ge [sflag:s11], $0x2800  }
0x5b: {  	[sflag:s11] =	ssyncset.done $0x0  }
0x5c: {  	[sflag:s11] =	ssyncadd.s32 $0xFFFFD800  }
.LBB2_7:
0x5d: {  	s11 =	sshll.u32 s0, $0x5  }
0x5e: {  	s11 =	sor.u32 s9, s11  }
0x5f: {  	s12 =	smul.u32 $0xA, s11;
	_ =	sdelay $0x1  }
0x60: {  	s13 =	sadd.s32 $0x1, s10;
	s24 =	sshll.u32 s10, $0x7;
	s28 =	sadd.s32 s5, s12  }
0x61: {  	[tilespmem:s24], [sflag:s13] =	stream.linear.gather [hbm4b:s28+s4], $0x50, $0x38;
	[tilespmem:$0x1E200] =	vst v63  }
0x62: {  	s12 =	sadd.s32 s6, s12;
	s28 =	sor.u32 $0x100, s24  }
0x63: {  	[tilespmem:s28], [sflag:s13] =	stream.linear.gather [hbm4b:s12+s4], $0x50, $0x38;
	[tilespmem:$0x1E200] =	vst v63  }
0x64: {  	_ =	swait.ge [sflag:s13], $0x50  }
0x65: {  	[sflag:s13] =	ssyncset.done $0x0  }
0x66: {  	[sflag:s13] =	ssyncadd.s32 $0xFFFFFFB0  }
0x67: {  	s12 =	smul.u32 $0x2800, s10;
	_ =	swait.ge [sflag:s13], $0x50  }
0x68: {  	s11 =	smul.u32 $0x500, s11;
	[sflag:s13] =	ssyncset.done $0x0  }
0x69: {  	s28 =	sadd.s32 $0x3, s10;
	[sflag:s13] =	ssyncadd.s32 $0xFFFFFFB0;
	s13 =	sadd.s32 $0x5200, s12  }
0x6a: {  	[tilespmem:s13], [sflag:s28] =	stream.indirect.gather [hbm4b:s1+s26], $0x80, s24, s26, $0xb8;
	[tilespmem:$0x1E200] =	vst v63  }
0x6b: {  	s11 =	sadd.s32 s7, s11;
	s12 =	sor.u32 $0x200, s12;
	s28 =	sadd.s32 $0x5, s10  }
0x6c: {  	[tilespmem:s12], [sflag:s28] =	stream.linear.gather [hbm4b:s11+s4], $0x2800, $0x38;
	[tilespmem:$0x1E200] =	vst v63  }
.LBB2_8:
0x6d: {  	s24 =	sand.u32 $0x1, s3  }
0x6e: {  	s3 =	sadd.s32 $0x3, s24  }
0x6f: {  	s10 =	simm.s32 $0x1;
	_ =	swait.ge [sflag:s3], $0x2800  }
0x70: {  	s10 =	simm.s32 @!p0 $0x0;
	[sflag:s3] =	ssyncset.done $0x0  }
0x71: {  	s11 =	sadd.s32 $0x5, s24;
	s10 =	smul.u32 $0xA000, s10;
	[sflag:s3] =	ssyncadd.s32 $0xFFFFD800  }
0x72: {  	_ =	swait.ge [sflag:s11], $0x2800  }
0x73: {  	s10 =	sshrl.u32 s10, $0x2;
	[sflag:s11] =	ssyncset.done $0x0  }
0x74: {  	s12 =	sor.u32 $0x280, s10;
	[sflag:s11] =	ssyncadd.s32 $0xFFFFD800  }
0x75: {  	s28 =	sadd.s32 $0x5280, s10;
	v1 =	vld [tilespmem:s12+$0x0]  }
0x76: {  	v2 =	vld [tilespmem:s28+$0x0]  }
0x77: {  	v3 =	vld [tilespmem:s28+$0x10];
	_ =	sdelay $0x2  }
0x78: {  	v4 =	vunpack.i.l.bf16.f32 v1  }
0x79: {  	v5 =	vld [tilespmem:s12+$0xFFFFFF80];
	v1 =	vunpack.i.u.bf16.f32 v1;
	v2 =	vadd.f32 v2, v4  }
0x7a: {  	v4 =	vld [tilespmem:s28+$0xFFFFFF80];
	v1 =	vadd.f32 v3, v1  }
0x7b: {  	v3 =	vld [tilespmem:s28+$0xFFFFFF90];
	v2 =	vmax.f32 v2, $0.0e+00  }
0x7c: {  	v1 =	vmax.f32 v1, $0.0e+00;
	[tilespmem:s28+$0x0] =	vst v2  }
0x7d: {  	[tilespmem:s28+$0x10] =	vst v1  }
0x7e: {  	v1 =	vunpack.i.l.bf16.f32 v5;
	v6 =	vld [tilespmem:s12+$0x10]  }
0x7f: {  	v5 =	vunpack.i.u.bf16.f32 v5;
	v1 =	vadd.f32 v4, v1;
	v4 =	vld [tilespmem:s28+$0x20]  }
0x80: {  	v3 =	vadd.f32 v3, v5;
	v5 =	vld [tilespmem:s28+$0x30]  }
0x81: {  	v7 =	vld [tilespmem:s28+$0xFFFFFFB0];
	v1 =	vmax.f32 v1, $0.0e+00  }
0x82: {  	v8 =	vld [tilespmem:s28+$0x60];
	[tilespmem:s28+$0xFFFFFF80] =	vst v1;
	v1 =	vmax.f32 v3, $0.0e+00  }
0x83: {  	s10 =	sadd.s32 $0x100, s12;
	v10 =	vld [tilespmem:s28+$0x50];
	[tilespmem:s28+$0xFFFFFF90] =	vst v1;
	v1 =	vunpack.i.l.bf16.f32 v6  }
0x84: {  	s13 =	sadd.s32 $0x100, s28;
	v11 =	vld [tilespmem:s10+$0x0];
	v6 =	vunpack.i.u.bf16.f32 v6;
	v1 =	vadd.f32 v4, v1  }
0x85: {  	v13 =	vld [tilespmem:s13+$0x0];
	v5 =	vadd.f32 v5, v6  }
0x86: {  	v3 =	vld [tilespmem:s12+$0xFFFFFF90];
	v1 =	vmax.f32 v1, $0.0e+00  }
0x87: {  	v2 =	vld [tilespmem:s28+$0xFFFFFFA0];
	v5 =	vmax.f32 v5, $0.0e+00;
	[tilespmem:s28+$0x20] =	vst v1  }
0x88: {  	v14 =	vld [tilespmem:s13+$0x10];
	[tilespmem:s28+$0x30] =	vst v5  }
0x89: {  	v9 =	vld [tilespmem:s12+$0x20]  }
0x8a: {  	v5 =	vld [tilespmem:s28+$0x40]  }
0x8b: {  	v15 =	vld [tilespmem:s10+$0xFFFFFF80];
	v12 =	vunpack.i.l.bf16.f32 v3;
	v3 =	vunpack.i.u.bf16.f32 v3  }
0x8c: {  	v4 =	vld [tilespmem:s28+$0xFFFFFFC0];
	v12 =	vadd.f32 v2, v12;
	v3 =	vadd.f32 v7, v3  }
0x8d: {  	v6 =	vld [tilespmem:s28+$0xFFFFFFD0]  }
0x8e: {  	v1 =	vld [tilespmem:s28+$0xFFFFFFE0];
	v12 =	vmax.f32 v12, $0.0e+00;
	v3 =	vmax.f32 v3, $0.0e+00;
	v7 =	vunpack.i.l.bf16.f32 v9  }
0x8f: {  	v2 =	vld [tilespmem:s28+$0xFFFFFFF0];
	v9 =	vunpack.i.u.bf16.f32 v9;
	[tilespmem:s28+$0xFFFFFFA0] =	vst v12;
	v12 =	vunpack.i.l.bf16.f32 v11;
	v5 =	vadd.f32 v5, v7  }
0x90: {  	[tilespmem:s28+$0xFFFFFFB0] =	vst v3;
	v3 =	vld [tilespmem:s13+$0xFFFFFF90];
	v9 =	vadd.f32 v10, v9;
	v10 =	vunpack.i.u.bf16.f32 v11;
	v11 =	vadd.f32 v13, v12  }
0x91: {  	v7 =	vld [tilespmem:s13+$0xFFFFFF80];
	v5 =	vmax.f32 v5, $0.0e+00  }
0x92: {  	v12 =	vld [tilespmem:s13+$0xFFFFFFA0];
	v10 =	vadd.f32 v14, v10;
	v11 =	vmax.f32 v11, $0.0e+00;
	[tilespmem:s28+$0x40] =	vst v5  }
0x93: {  	v13 =	vld [tilespmem:s12+$0xFFFFFFA0];
	v5 =	vmax.f32 v9, $0.0e+00;
	[tilespmem:s13+$0x0] =	vst v11  }
0x94: {  	v14 =	vld [tilespmem:s13+$0x30];
	v10 =	vmax.f32 v10, $0.0e+00;
	v11 =	vunpack.i.u.bf16.f32 v15;
	[tilespmem:s28+$0x50] =	vst v5  }
0x95: {  	v9 =	vld [tilespmem:s13+$0xFFFFFFB0];
	v5 =	vunpack.i.l.bf16.f32 v15;
	[tilespmem:s13+$0x10] =	vst v10;
	v3 =	vadd.f32 v3, v11  }
0x96: {  	v5 =	vadd.f32 v7, v5;
	v10 =	vld [tilespmem:s10+$0x10]  }
0x97: {  	v11 =	vld [tilespmem:s13+$0x20];
	v3 =	vmax.f32 v3, $0.0e+00  }
0x98: {  	v7 =	vld [tilespmem:s12+$0x30];
	v5 =	vmax.f32 v5, $0.0e+00;
	[tilespmem:s13+$0xFFFFFF90] =	vst v3  }
0x99: {  	v15 =	vld [tilespmem:s28+$0x70];
	v3 =	vunpack.i.l.bf16.f32 v13;
	[tilespmem:s13+$0xFFFFFF80] =	vst v5  }
0x9a: {  	v5 =	vunpack.i.u.bf16.f32 v13;
	v3 =	vadd.f32 v4, v3;
	v13 =	vld [tilespmem:s10+$0xFFFFFF90]  }
0x9b: {  	v4 =	vld [tilespmem:s13+$0xFFFFFFC0];
	v6 =	vadd.f32 v6, v5;
	v16 =	vunpack.i.l.bf16.f32 v10  }
0x9c: {  	v5 =	vld [tilespmem:s13+$0xFFFFFFD0];
	v3 =	vmax.f32 v3, $0.0e+00;
	v10 =	vunpack.i.u.bf16.f32 v10;
	v11 =	vadd.f32 v11, v16  }
0x9d: {  	v63 =	vunpack.i.u.bf16.f32 v7;
	v17 =	vmax.f32 v6, $0.0e+00;
	v6 =	vld [tilespmem:s13+$0xFFFFFFE0];
	[tilespmem:s28+$0xFFFFFFC0] =	vst v3;
	v10 =	vadd.f32 v14, v10  }
0x9e: {  	v14 =	vunpack.i.l.bf16.f32 v7;
	v15 =	vadd.f32 v15, v63;
	v3 =	vld [tilespmem:s13+$0x60];
	[tilespmem:s28+$0xFFFFFFD0] =	vst v17;
	v11 =	vmax.f32 v11, $0.0e+00  }
0x9f: {  	v7 =	vld [tilespmem:s13+$0xFFFFFFF0];
	v14 =	vadd.f32 v8, v14;
	v10 =	vmax.f32 v10, $0.0e+00;
	v8 =	vunpack.i.l.bf16.f32 v13;
	[tilespmem:s13+$0x20] =	vst v11  }
0xa0: {  	v11 =	vmax.f32 v15, $0.0e+00;
	v13 =	vunpack.i.u.bf16.f32 v13;
	[tilespmem:s13+$0x30] =	vst v10;
	v12 =	vadd.f32 v12, v8;
	v8 =	vld [tilespmem:s12+$0xFFFFFFB0]  }
0xa1: {  	[tilespmem:s28+$0x70] =	vst v11;
	v11 =	vadd.f32 v9, v13;
	v9 =	vld [tilespmem:s13+$0x40];
	v13 =	vmax.f32 v14, $0.0e+00  }
0xa2: {  	v10 =	vld [tilespmem:s10+$0x20];
	[tilespmem:s28+$0x60] =	vst v13;
	v14 =	vmax.f32 v12, $0.0e+00  }
0xa3: {  	s11 =	simm.s32 $0x2;
	s3 =	smov.u32 s13;
	s12 =	sadd.s32 $0x100, s10;
	v12 =	vmax.f32 v11, $0.0e+00;
	v11 =	vld [tilespmem:s13+$0x50];
	[tilespmem:s13+$0xFFFFFFA0] =	vst v14  }
.LBB2_9:
0xa4: {  	v13 =	vld [tilespmem:s12+$0x0];
	[tilespmem:s13+$0xFFFFFFB0] =	vst v12;
	s3 =	sadd.s32 $0x100, s3  }
0xa5: {  	v12 =	vld [tilespmem:s3+$0x0];
	v14 =	vunpack.i.u.bf16.f32 v8;
	v8 =	vunpack.i.l.bf16.f32 v8  }
0xa6: {  	v15 =	vld [tilespmem:s3+$0x10];
	v8 =	vadd.f32 v1, v8;
	v14 =	vadd.f32 v2, v14;
	v1 =	vmovc v6;
	v2 =	vmov v7  }
0xa7: {  	s11 =	sadd.s32 $0x2, s11;
	v6 =	vld [tilespmem:s12+$0xFFFFFF80];
	v7 =	vunpack.i.l.bf16.f32 v10  }
0xa8: {  	p1 =	slt.u32 s11, $0x4E;
	v10 =	vunpack.i.u.bf16.f32 v10;
	v16 =	vld [tilespmem:s3+$0xFFFFFF80];
	v7 =	vadd.f32 v9, v7;
	v8 =	vmax.f32 v8, $0.0e+00  }
0xa9: {  	v10 =	vadd.f32 v11, v10;
	v9 =	vld [tilespmem:s3+$0xFFFFFF90];
	v17 =	vunpack.i.l.bf16.f32 v13;
	[tilespmem:s28+$0xFFFFFFE0] =	vst v8;
	v8 =	vmax.f32 v14, $0.0e+00  }
0xaa: {  	v13 =	vunpack.i.u.bf16.f32 v13;
	v11 =	vld [tilespmem:s3+$0xFFFFFFA0];
	v12 =	vadd.f32 v12, v17;
	v7 =	vmax.f32 v7, $0.0e+00;
	[tilespmem:s28+$0xFFFFFFF0] =	vst v8;
	s28 =	smov.u32 s13;
	s13 =	smov.u32 s3  }
0xab: {  	v8 =	vld [tilespmem:s3+$0xFFFFFFB0];
	v13 =	vadd.f32 v15, v13;
	[tilespmem:s28+$0x40] =	vst v7;
	v7 =	vmax.f32 v10, $0.0e+00  }
0xac: {  	v10 =	vunpack.i.u.bf16.f32 v6;
	v6 =	vunpack.i.l.bf16.f32 v6;
	v12 =	vmax.f32 v12, $0.0e+00;
	v14 =	vld [tilespmem:s10+$0xFFFFFFA0];
	[tilespmem:s28+$0x50] =	vst v7  }
0xad: {  	v6 =	vadd.f32 v16, v6;
	[tilespmem:s3+$0x0] =	vst v12;
	v7 =	vmax.f32 v13, $0.0e+00;
	v12 =	vld [tilespmem:s10+$0x30]  }
0xae: {  	v9 =	vadd.f32 v9, v10;
	[tilespmem:s3+$0x10] =	vst v7;
	v7 =	vld [tilespmem:s28+$0x70]  }
0xaf: {  	v6 =	vmax.f32 v6, $0.0e+00;
	v10 =	vld [tilespmem:s12+$0x10]  }
0xb0: {  	[tilespmem:s3+$0xFFFFFF80] =	vst v6;
	v6 =	vmax.f32 v9, $0.0e+00;
	v9 =	vld [tilespmem:s3+$0x20]  }
0xb1: {  	[tilespmem:s3+$0xFFFFFF90] =	vst v6;
	v13 =	vld [tilespmem:s3+$0x30];
	v6 =	vunpack.i.u.bf16.f32 v14;
	v14 =	vunpack.i.l.bf16.f32 v14  }
0xb2: {  	v15 =	vld [tilespmem:s12+$0xFFFFFF90];
	v14 =	vadd.f32 v4, v14;
	v6 =	vadd.f32 v5, v6;
	v5 =	vunpack.i.u.bf16.f32 v12  }
0xb3: {  	v12 =	vunpack.i.l.bf16.f32 v12;
	v4 =	vld [tilespmem:s3+$0xFFFFFFC0];
	v7 =	vadd.f32 v7, v5  }
0xb4: {  	v5 =	vld [tilespmem:s3+$0xFFFFFFD0];
	v16 =	vunpack.i.l.bf16.f32 v10;
	v14 =	vmax.f32 v14, $0.0e+00;
	v17 =	vmax.f32 v6, $0.0e+00  }
0xb5: {  	v10 =	vunpack.i.u.bf16.f32 v10;
	v6 =	vld [tilespmem:s3+$0xFFFFFFE0];
	v9 =	vadd.f32 v9, v16;
	[tilespmem:s28+$0xFFFFFFC0] =	vst v14;
	v14 =	vmax.f32 v7, $0.0e+00  }
0xb6: {  	v12 =	vadd.f32 v3, v12;
	v7 =	vld [tilespmem:s3+$0xFFFFFFF0];
	v10 =	vadd.f32 v13, v10;
	[tilespmem:s28+$0x70] =	vst v14  }
.Ltmp3:
0xb7: {  	v13 =	vunpack.i.u.bf16.f32 v15;
	v14 =	vunpack.i.l.bf16.f32 v15;
	v9 =	vmax.f32 v9, $0.0e+00;
	v3 =	vld [tilespmem:s3+$0x60];
	[tilespmem:s28+$0xFFFFFFD0] =	vst v17;
	(pc) =	sbr.rel @p1 .LBB2_9-.Ltmp3, $4  }
0xb8: {  	v11 =	vadd.f32 v11, v14;
	v13 =	vadd.f32 v8, v13;
	[tilespmem:s3+$0x20] =	vst v9;
	v9 =	vmax.f32 v10, $0.0e+00;
	v8 =	vld [tilespmem:s10+$0xFFFFFFB0];
	s10 =	smov.u32 s12  }
0xb9: {  	v14 =	vmax.f32 v12, $0.0e+00;
	[tilespmem:s3+$0x30] =	vst v9;
	v9 =	vld [tilespmem:s3+$0x40]  }
0xba: {  	v11 =	vmax.f32 v11, $0.0e+00;
	v12 =	vmax.f32 v13, $0.0e+00;
	v10 =	vld [tilespmem:s12+$0x20];
	[tilespmem:s28+$0x60] =	vst v14  }
0xbb: {  	s12 =	sadd.s32 $0x100, s12;
	[tilespmem:s3+$0xFFFFFFA0] =	vst v11;
	v11 =	vld [tilespmem:s3+$0x50]  }
0xbc: {  	[tilespmem:s13+$0xFFFFFFB0] =	vst v12  }
0xbd: {  	v12 =	vld [tilespmem:s10+$0xFFFFFFA0];
	_ =	sdelay $0x2  }
0xbe: {  	v13 =	vunpack.i.l.bf16.f32 v10  }
0xbf: {  	v56 =	vunpack.i.u.bf16.f32 v10;
	v9 =	vadd.f32 v9, v13  }
0xc0: {  	v10 =	vadd.f32 v11, v56;
	v57 =	vunpack.i.l.bf16.f32 v12  }
0xc1: {  	v9 =	vmax.f32 v9, $0.0e+00;
	v12 =	vunpack.i.u.bf16.f32 v12;
	v4 =	vadd.f32 v4, v57  }
0xc2: {  	v58 =	vmax.f32 v10, $0.0e+00;
	[tilespmem:s13+$0x40] =	vst v9;
	v5 =	vadd.f32 v5, v12  }
0xc3: {  	[tilespmem:s13+$0x50] =	vst v58;
	v4 =	vmax.f32 v4, $0.0e+00  }
0xc4: {  	v9 =	vld [tilespmem:s10+$0x30];
	v5 =	vmax.f32 v5, $0.0e+00;
	[tilespmem:s13+$0xFFFFFFC0] =	vst v4  }
0xc5: {  	v59 =	vld [tilespmem:s13+$0x70];
	[tilespmem:s13+$0xFFFFFFD0] =	vst v5  }
0xc6: {  	v5 =	vld [tilespmem:s10+$0xFFFFFFB0]  }
0xc7: {  	v60 =	vunpack.i.l.bf16.f32 v8  }
0xc8: {  	v61 =	vunpack.i.u.bf16.f32 v8;
	v1 =	vadd.f32 v1, v60  }
0xc9: {  	v2 =	vadd.f32 v2, v61;
	v62 =	vunpack.i.u.bf16.f32 v9  }
0xca: {  	v1 =	vmax.f32 v1, $0.0e+00;
	v9 =	vunpack.i.l.bf16.f32 v9;
	v4 =	vadd.f32 v59, v62  }
0xcb: {  	[tilespmem:s28+$0xFFFFFFE0] =	vst v1;
	v1 =	vmax.f32 v2, $0.0e+00;
	v2 =	vadd.f32 v3, v9;
	v3 =	vunpack.i.l.bf16.f32 v5  }
0xcc: {  	[tilespmem:s28+$0xFFFFFFF0] =	vst v1;
	v1 =	vmax.f32 v4, $0.0e+00;
	v63 =	vunpack.i.u.bf16.f32 v5;
	v3 =	vadd.f32 v6, v3  }
0xcd: {  	s3 =	smul.u32 $0xA000, s24;
	p1 =	sne.s32 s0, $0x7D;
	[tilespmem:s13+$0x70] =	vst v1;
	v1 =	vmax.f32 v2, $0.0e+00;
	v2 =	vadd.f32 v7, v63  }
.Ltmp4:
0xce: {  	[tilespmem:s13+$0x60] =	vst v1;
	v1 =	vmax.f32 v3, $0.0e+00;
	(pc) =	sbr.rel @p1 .LBB2_4-.Ltmp4, $4  }
0xcf: {  	s3 =	sshrl.u32 s3, $0x2;
	s28 =	sshll.u32 s24, $0x7;
	[tilespmem:s13+$0xFFFFFFE0] =	vst v1;
	v1 =	vmax.f32 v2, $0.0e+00  }
0xd0: {  	s11 =	sadd.s32 $0x7, s24;
	s3 =	sadd.s32 $0x5200, s3;
	s10 =	sor.u32 $0x100, s28;
	[tilespmem:s13+$0xFFFFFFF0] =	vst v1  }
0xd1: {  	[spmem:s2] =	stream.indirect.scatter.add.f32 [tilespmem:s3], [sflag:s11], $0x80, s10, s26, $0xb8;
	[tilespmem:$0x1E200] =	vst v63  }
0xd2: {  	p0 =	por !p0, !p0;
	s3 =	smov.u32 s0  }
0xd3: {  	_ =	swait.ge [sflag:s29], $0x2800  }
0xd4: {  	[sflag:s29] =	ssyncset.done $0x0  }
0xd5: {  	[sflag:s29] =	ssyncadd.s32 $0xFFFFD800  }
0xd6: {  	s0 =	stileid.u32;
	_ =	swait.ge [sflag:s30], $0x2800  }
0xd7: {  	s3 =	sshrl.u32 s8, $0x3;
	s31 =	sadd.s32 $0x1, s31;
	[sflag:s30] =	ssyncset.done $0x0  }
0xd8: {  	s0 =	sshll.u32 s0, $0x6;
	p0 =	sne.s32 s31, s21;
	[sflag:s30] =	ssyncadd.s32 $0xFFFFD800  }
.Ltmp5:
0xd9: {  	s0 =	sor.u32 $0x1C09, s0;
	[bflag:$0x0] =	sbarrier.arrive $0xFFFF;
	(pc) =	sbr.rel @p0 .LBB2_1-.Ltmp5, $4  }
0xda: {  	[hbm:s20], [sflag:s0] =	dma.local [spmem:s3], $0x2800  }
0xdb: {  	_ =	swait.ge [sflag:s23], $0x2800  }
0xdc: {  	[sflag:s23] =	ssyncset.done $0x0  }
0xdd: {  	[sflag:s23] =	ssyncadd.s32 $0xFFFFD800  }
0xde: {  	_ =	sfence.sel $0x180000  }
0xdf: {  	[bflag:$0x0] =	sbarrier.arrive $0xFFFF  }
0xe0: {  	_ =	strace $0x90000047  }
0xe1: {  	s0 =	stileid.u32;
	[bflag:$0x2] =	sbarrier.arrive $0xFFFF  }
0xe2: {  	p0 =	sne.s32 s0, $0x0;
	s0 =	rddreg [dreg:$0x3]  }
0xe3: {  	s0 =	sadd.s32 @!p0 $0x100000, s0  }
0xe4: {  	[sflag:s0] =	ssyncadd.tile.s32 @!p0 $0x1;
	_ =	shalt  }
.Lfunc_end2:
_tile_overlayer_lowered:
.L_overlay_start_2:
0xe5: {  	(tag) =	ssettag $0x2  }
0xe6: {  	s0 =	rddreg [dreg:$0x0];
	s2 =	stileid.u32  }
0xe7: {  	s1 =	rddreg [dreg:$0x1];
	p0 =	sne.s32 s2, $0x0  }
0xe8: {  	s3 =	rddreg [dreg:$0x2];
	[bflag:$0x3] =	sbarrier.arrive $0xFFFF;
	s2 =	simm.s32 @!p0 $0x1C09  }
0xe9: {  	[timem:s3], [sflag:s2] =	dma.local @!p0 [hbm:s0], s1  }
0xea: {  	s0 =	simm.s32 @!p0 $0x9  }
0xeb: {  	_ =	swait.ge @!p0 [sflag:s0], s1  }
0xec: {  	s1 =	ssub.s32 @!p0 $0x0, s1;
	[sflag:s0] =	ssyncset.done @!p0 $0x0  }
0xed: {  	[sflag:s0] =	ssyncadd.s32 @!p0 s1  }
0xee: {  	[bflag:$0x3] =	sbarrier.arrive $0xFFFF  }
0xef: {  	_ =	shalt  }

</sc_bundles>
